<compile_context>
chip_gen: v7x
topology: tpu7x:2x2x1
jax: 0.10.2.dev20260603
libtpu: 0.0.44.dev20260713+nightly
codegen_flags: <defaults>
</compile_context>

<pallas_src>
import jax
import jax.numpy as jnp
from jax import lax
from jax.experimental import pallas as pl
from jax.experimental.pallas import tpu as pltpu
from jax.experimental.pallas import tpu_sc as plsc

BS, N, D, C = 8, 1024, 3, 128
M = 256
L = 16
NCH = N // L


def _wid():
    return lax.axis_index("s") * 2 + lax.axis_index("c")


def _fps_body(abt_ref, f0_ref, q_ref, rowbuf, dist_ref, chosen_ref, f0_v,
              sem, sem2):
    w = _wid()

    @pl.when(w < BS)
    def _():
        b = w
        lanes = lax.iota(jnp.int32, L)
        pltpu.sync_copy(f0_ref, f0_v)
        f0 = jnp.max(jnp.where(lanes == b, f0_v[...].astype(jnp.float32),
                               0.0)).astype(jnp.int32)

        big = jnp.full((L,), 1e16, jnp.float32)
        for k in range(NCH):
            dist_ref[pl.ds(k * L, L)] = big

        def outer(o, f):
            def inner(t, carry):
                f, ch = carry
                ch = jnp.where(lanes == t, f, ch)
                ft = f // 8
                fr = f - ft * 8
                cps1 = [pltpu.async_copy(
                    abt_ref.at[b, :, ft, pl.ds(0, 4), pl.ds(fr, 1), :],
                    rowbuf.at[:, pl.ds(0, 4)], sem)]
                cps2 = [pltpu.async_copy(
                    abt_ref.at[b, :, ft, pl.ds(4, 4), pl.ds(fr, 1), :],
                    rowbuf.at[:, pl.ds(4, 4)], sem2)]
                bestv = jnp.full((L,), -1.0, jnp.float32)
                besti = jnp.zeros((L,), jnp.int32)
                for cp in cps1:
                    cp.wait()
                for k in range(NCH // 2):
                    jt, jo = k // 8, (k % 8) * L
                    x = rowbuf[0, jt, 0, pl.ds(jo, L)]
                    y = rowbuf[1, jt, 0, pl.ds(jo, L)]
                    z = rowbuf[2, jt, 0, pl.ds(jo, L)]
                    dn = x * x + y * y + z * z
                    dm = jnp.minimum(dn, dist_ref[pl.ds(k * L, L)])
                    dist_ref[pl.ds(k * L, L)] = dm
                    upd = dm > bestv
                    bestv = jnp.where(upd, dm, bestv)
                    besti = jnp.where(upd, lanes + (k * L), besti)
                for cp in cps2:
                    cp.wait()
                for k in range(NCH // 2, NCH):
                    jt, jo = k // 8, (k % 8) * L
                    x = rowbuf[0, jt, 0, pl.ds(jo, L)]
                    y = rowbuf[1, jt, 0, pl.ds(jo, L)]
                    z = rowbuf[2, jt, 0, pl.ds(jo, L)]
                    dn = x * x + y * y + z * z
                    dm = jnp.minimum(dn, dist_ref[pl.ds(k * L, L)])
                    dist_ref[pl.ds(k * L, L)] = dm
                    upd = dm > bestv
                    bestv = jnp.where(upd, dm, bestv)
                    besti = jnp.where(upd, lanes + (k * L), besti)
                gm = jnp.max(bestv)
                cand = jnp.where(bestv == gm, besti.astype(jnp.float32), 1e9)
                return jnp.min(cand).astype(jnp.int32), ch

            f, ch = lax.fori_loop(0, L, inner, (f, jnp.zeros((L,), jnp.int32)))
            chosen_ref[pl.ds(pl.multiple_of(o * L, L), L)] = ch
            return f

        lax.fori_loop(0, M // L, outer, f0)
        pltpu.sync_copy(chosen_ref, q_ref.at[b])


def _gather_body(abt_ref, vals_h, mask_h, q_h, oab, ovals, omask,
                 q_v, qt_v, ql_v, rows_v, rows_v2, stag3, stag3b, vidx_v, vrow,
                 mrow, msub, sem, sem2, sem3):
    w = _wid()
    b = w // 4
    i0_base = (w % 4) * 64
    lanes = lax.iota(jnp.int32, L)

    pltpu.sync_copy(q_h.at[b], q_v)
    for k in range(M // L):
        qk = q_v[pl.ds(k * L, L)]
        qt_v[pl.ds(k * L, L)] = qk // 128
        ql_v[pl.ds(k * L, L)] = qk - (qk // 128) * 128
    jtb = lanes // 8
    jrv = lanes - jtb * 8

    for k in range(4):
        st = pl.multiple_of(i0_base + k * L, L)
        vidx_v[pl.ds(k * L, L)] = q_v[pl.ds(st, L)] + b * N
    pltpu.async_copy(vals_h.at[vidx_v], vrow, sem).wait()
    pltpu.sync_copy(vrow, ovals.at[b, pl.ds(pl.multiple_of(i0_base, 64), 64)])

    pltpu.sync_copy(mask_h.at[b], mrow)
    for k in range(4):
        st = pl.multiple_of(i0_base + k * L, L)
        msub[pl.ds(k * L, L)] = plsc.load_gather(mrow, [q_v[pl.ds(st, L)]])
    pltpu.sync_copy(msub, omask.at[b, pl.ds(pl.multiple_of(i0_base, 64), 64)])

    def issue_rows(s8, buf, s):
        qchunk = q_v[pl.ds(pl.multiple_of(i0_base + (s8 // 2) * L, L),
                           L)].astype(jnp.float32)
        cps = []
        for r in range(8):
            il = (s8 % 2) * 8 + r
            qi = jnp.max(jnp.where(lanes == il, qchunk, 0.0)).astype(jnp.int32)
            qft = qi // 8
            qfr = qi - qft * 8
            cps.append(pltpu.async_copy(
                abt_ref.at[b, :, qft, :, pl.ds(qfr, 1), :],
                buf.at[r], s))
        return cps

    bufs = (rows_v, rows_v2)
    sems = (sem, sem2)
    outcp = []
    pend = issue_rows(0, bufs[0], sems[0])
    for s8 in range(8):
        if s8 < 7:
            nxt = issue_rows(s8 + 1, bufs[(s8 + 1) % 2], sems[(s8 + 1) % 2])
        for cp in pend:
            cp.wait()
        rv = bufs[s8 % 2]
        stg = stag3 if (s8 // 2) % 2 == 0 else stag3b

        def row_body(r, _):
            il = (s8 % 2) * 8 + r
            c0v = jnp.zeros((L,), jnp.int32)
            rv_i = jnp.broadcast_to(r, (L,)).astype(jnp.int32)
            ilv = jnp.broadcast_to(il, (L,)).astype(jnp.int32)
            for jc in range(M // L):
                qt = qt_v[pl.ds(jc * L, L)]
                ql = ql_v[pl.ds(jc * L, L)]
                jtv = jtb + jc * 2
                x = plsc.load_gather(rv, [rv_i, c0v, qt, c0v, ql])
                y = plsc.load_gather(rv, [rv_i, c0v + 1, qt, c0v, ql])
                z = plsc.load_gather(rv, [rv_i, c0v + 2, qt, c0v, ql])
                plsc.store_scatter(stg, [c0v, jtv, jrv, ilv], x)
                plsc.store_scatter(stg, [c0v + 1, jtv, jrv, ilv], y)
                plsc.store_scatter(stg, [c0v + 2, jtv, jrv, ilv], z)
            return 0

        lax.fori_loop(0, 8, row_body, 0)
        if s8 % 2 == 1:
            i0 = pl.multiple_of(i0_base + (s8 // 2) * L, L)
            it = i0 // 128
            ir0 = pl.multiple_of(i0 - it * 128, L)
            if s8 >= 3:
                outcp[0].wait()
                outcp.pop()
            outcp.append(pltpu.async_copy(
                stag3 if (s8 // 2) % 2 == 0 else stag3b,
                oab.at[b, :, :, it, :, pl.ds(ir0, L)], sem3))
        if s8 < 7:
            pend = nxt
    outcp[0].wait()


def _mesh():
    return plsc.VectorSubcoreMesh(core_axis_name="c", subcore_axis_name="s",
                                  num_cores=2, num_subcores=16)


@jax.jit
def _fps_call(abt, f0):
    return pl.kernel(
        _fps_body,
        out_type=jax.ShapeDtypeStruct((BS, M), jnp.int32),
        mesh=_mesh(),
        compiler_params=pltpu.CompilerParams(needs_layout_passes=False,
                                             use_tc_tiling_on_sc=False),
        scratch_types=[
            pltpu.VMEM((D, 8, 1, 128), jnp.float32),
            pltpu.VMEM((N,), jnp.float32),
            pltpu.VMEM((M,), jnp.int32),
            pltpu.VMEM((L,), jnp.int32),
            pltpu.SemaphoreType.DMA,
            pltpu.SemaphoreType.DMA,
        ],
    )(abt, f0)


@jax.jit
def _gather_call(abt, vals_flat, mask_i32, q):
    return pl.kernel(
        _gather_body,
        out_type=(
            jax.ShapeDtypeStruct((BS, D, 32, 2, 8, 128), jnp.float32),
            jax.ShapeDtypeStruct((BS, M, C), jnp.float32),
            jax.ShapeDtypeStruct((BS, M), jnp.int32),
        ),
        mesh=_mesh(),
        compiler_params=pltpu.CompilerParams(needs_layout_passes=False,
                                             use_tc_tiling_on_sc=False),
        scratch_types=[
            pltpu.VMEM((M,), jnp.int32),
            pltpu.VMEM((M,), jnp.int32),
            pltpu.VMEM((M,), jnp.int32),
            pltpu.VMEM((8, D, 8, 1, 128), jnp.float32),
            pltpu.VMEM((8, D, 8, 1, 128), jnp.float32),
            pltpu.VMEM((D, 32, 8, L), jnp.float32),
            pltpu.VMEM((D, 32, 8, L), jnp.float32),
            pltpu.VMEM((64,), jnp.int32),
            pltpu.VMEM((64, C), jnp.float32),
            pltpu.VMEM((N,), jnp.int32),
            pltpu.VMEM((64,), jnp.int32),
            pltpu.SemaphoreType.DMA,
            pltpu.SemaphoreType.DMA,
            pltpu.SemaphoreType.DMA,
        ],
    )(abt, vals_flat, mask_i32, q)


def kernel(ab_pairs, vals, mask):
    bs, n = mask.shape
    a = jax.random.randint(jax.random.key(42), (bs,), 0, n)
    msum = mask.sum(-1).astype(jnp.int32)
    k = a.astype(jnp.int32) % msum
    cum = jnp.cumsum(mask.astype(jnp.int32), axis=1)
    farthest0 = jnp.argmax(cum == (k[:, None] + 1), axis=1).astype(jnp.int32)
    f0 = jnp.zeros((L,), jnp.int32).at[:bs].set(farthest0)

    abt = ab_pairs.reshape(bs, n // 8, 8, 8, 128, D).transpose(0, 5, 1, 3, 2, 4)
    q = _fps_call(abt, f0)
    oab6, ovals, omask = _gather_call(
        abt, vals.reshape(bs * n, C), mask.astype(jnp.int32), q)
    oab = oab6.transpose(0, 2, 4, 3, 5, 1).reshape(bs, M, M, D)
    return oab, ovals, omask.astype(bool)

# --- scband reference (transcript-rebuilt; emitter-appended) ---
"""Pipeline reference for scband-fpssubsample-9723805958816 (READ-ONLY COPY).

The authoritative reference and input builder live on the scoring server;
editing this copy changes nothing except your own understanding.
"""

import jax, jax.numpy as jnp
import numpy as np

DS_FRAC = 0.25

def fps_indices(dists, frac, mask, key):
    bs, n = dists.shape[:2]
    m = int(np.round(frac * n))
    Bidx = jnp.arange(bs)
    distances0 = jnp.ones((bs, n), dtype=dists.dtype) * 1e8
    a = jax.random.randint(key, (bs,), 0, n)
    msum = mask.sum(-1).astype(jnp.int32)
    k = a.astype(jnp.int32) % msum
    cum = jnp.cumsum(mask.astype(jnp.int32), axis=1)
    farthest0 = jnp.argmax(cum == (k[:, None] + 1), axis=1).astype(jnp.int32)
    chosen0 = jnp.zeros((bs, m), dtype=jnp.int32)

    def body(i, carry):
        chosen, distances, farthest = carry
        chosen = chosen.at[:, i].set(farthest)
        d = jnp.where(mask, dists[Bidx, farthest], -100.0 * jnp.ones_like(distances))
        distances = jnp.where(d < distances, d, distances)
        farthest = jnp.argmax(distances, axis=-1).astype(jnp.int32)
        return (chosen, distances, farthest)

    chosen, _, _ = jax.lax.fori_loop(0, m, body, (chosen0, distances0, farthest0))
    return chosen


def setup_inputs(seed: int = 0) -> dict:
    key = jax.random.key(seed)
    k1, k2 = jax.random.split(key)
    bs, n, d, c = 8, 1024, 3, 128
    ab_pairs = jax.random.normal(k1, (bs, n, n, d), dtype=jnp.float32)
    vals = jax.random.normal(k2, (bs, n, c), dtype=jnp.float32)
    mask = jnp.ones((bs, n), dtype=bool)
    return {"ab_pairs": ab_pairs, "vals": vals, "mask": mask}


def reference(ab_pairs, vals, mask):
    # group is None -> dist = norm over last dim
    dists = jnp.linalg.norm(ab_pairs, axis=-1)
    query_idx = fps_indices(dists, DS_FRAC, mask, jax.random.key(42))
    bs = ab_pairs.shape[0]
    B = jnp.arange(bs)[:, None]
    subsampled_ab_pairs = ab_pairs[B, query_idx][B, :, query_idx]
    subsampled_values = vals[B, query_idx]
    subsampled_mask = mask[B, query_idx]
    return (subsampled_ab_pairs, subsampled_values, subsampled_mask)

if __name__ == "__main__":
    import jax
    _d = setup_inputs()
    print(jax.jit(kernel)(*tuple(_d.values())))

</pallas_src>

<mosaic_0001>
#map = affine_map<(d0, d1) -> (0, 0, 0, 0, 0, 0)>
#map1 = affine_map<(d0, d1) -> (0)>
#map2 = affine_map<(d0, d1) -> (0, 0)>
module attributes {stable_mosaic.version = 14 : i64} {
  func.func @_fps_body(%arg0: i32, %arg1: i32, %arg2: memref<8x3x128x8x8x128xf32, #tpu.memory_space<hbm>>, %arg3: memref<16xi32, #tpu.memory_space<hbm>>, %arg4: memref<8x256xi32, #tpu.memory_space<hbm>>, %arg5: memref<3x8x1x128xf32, #tpu.memory_space<vmem>>, %arg6: memref<1024xf32, #tpu.memory_space<vmem>>, %arg7: memref<256xi32, #tpu.memory_space<vmem>>, %arg8: memref<16xi32, #tpu.memory_space<vmem>>, %arg9: memref<!tpu.dma_semaphore, #tpu.memory_space<semaphore_mem>>, %arg10: memref<!tpu.dma_semaphore, #tpu.memory_space<semaphore_mem>>) attributes {dimension_semantics = [#tpu.dimension_semantics<core_parallel>, #tpu.dimension_semantics<subcore_parallel>], iteration_bounds = array<i64: 2, 16>, scalar_prefetch = 0 : i64, scratch_operands = 6 : i64, tpu.core_type = #tpu.core_type<sc_vector_subcore>, window_params = [{transform_indices = #map}, {transform_indices = #map1}, {transform_indices = #map2}]} {
    %mul3A = arith.constant 2 : i32
    %mul3A_0 = arith.muli %arg1, %mul3A : i32
    %add3A = arith.addi %mul3A_0, %arg0 : i32
    %lt3A = arith.constant 8 : i32
    %lt3A_1 = arith.cmpi slt, %add3A, %lt3A : i32
    %convert_element_type3A = arith.extui %lt3A_1 : i1 to i32
    %cond3A = arith.constant 0 : i32
    %cond3A_2 = arith.cmpi ne, %convert_element_type3A, %cond3A : i32
    scf.if %cond3A_2 {
      %iota3A = tpu.iota {dimensions = array<i32: 0>} : vector<16xi32>
      "tpu.region"() ({
        %run_scoped3A = tpu.sem_alloc : memref<!tpu.dma_semaphore, #tpu.memory_space<semaphore_mem>>
        tpu.enqueue_dma source(%arg3 : memref<16xi32, #tpu.memory_space<hbm>>) target(%arg8 : memref<16xi32, #tpu.memory_space<vmem>>) target_semaphore(%run_scoped3A : memref<!tpu.dma_semaphore, #tpu.memory_space<semaphore_mem>>)
        tpu.wait_dma2 semaphore(%run_scoped3A : memref<!tpu.dma_semaphore, #tpu.memory_space<semaphore_mem>>) src(%arg3 : memref<16xi32, #tpu.memory_space<hbm>>) dst(%arg8 : memref<16xi32, #tpu.memory_space<vmem>>)
        tpu.yield
      }) : () -> ()
      %eq3A = vector.broadcast %add3A : i32 to vector<16xi32>
      %eq3A_3 = arith.cmpi eq, %iota3A, %eq3A : vector<16xi32>
      %get3A = arith.constant 0 : index
      %get3A_4 = tpu.vector_load %arg8[%get3A] {strides = array<i32>} : memref<16xi32, #tpu.memory_space<vmem>>, vector<16xi32>,
      %convert_element_type3A_5 = arith.sitofp %get3A_4 : vector<16xi32> to vector<16xf32>
      %jit3A = arith.constant 0.000000e+00 : f32
      %broadcast_in_dim3A = vector.broadcast %jit3A : f32 to vector<16xf32>
      %select_n3A = arith.select %eq3A_3, %convert_element_type3A_5, %broadcast_in_dim3A : vector<16xi1>, vector<16xf32>
      %reduce_max3A = arith.constant true
      %reduce_max3A_6 = vector.broadcast %reduce_max3A : i1 to vector<16xi1>
      %reduce_max3A_7 = tpu.scan <max>, %select_n3A masked %reduce_max3A_6 : vector<16xf32>, vector<16xi1> -> vector<16xf32>
      %reduce_max3A_8 = vector.extract %reduce_max3A_7[15] : f32 from vector<16xf32>
      %convert_element_type3A_9 = arith.fptosi %reduce_max3A_8 : f32 to i32
      %broadcast_in_dim3A_10 = arith.constant 1.000000e+16 : f32
      %broadcast_in_dim3A_11 = vector.broadcast %broadcast_in_dim3A_10 : f32 to vector<16xf32>
      %swap3A = arith.constant 0 : index
      %swap3A_12 = tpu.vector_load %arg6[%swap3A] {strides = array<i32>} : memref<1024xf32, #tpu.memory_space<vmem>>, vector<16xf32>,
      tpu.vector_store %arg6[%swap3A], %broadcast_in_dim3A_11 {strides = array<i32>} : memref<1024xf32, #tpu.memory_space<vmem>>, vector<16xf32>,
      %swap3A_13 = arith.constant 16 : index
      %swap3A_14 = tpu.vector_load %arg6[%swap3A_13] {strides = array<i32>} : memref<1024xf32, #tpu.memory_space<vmem>>, vector<16xf32>,
      tpu.vector_store %arg6[%swap3A_13], %broadcast_in_dim3A_11 {strides = array<i32>} : memref<1024xf32, #tpu.memory_space<vmem>>, vector<16xf32>,
      %swap3A_15 = arith.constant 32 : index
      %swap3A_16 = tpu.vector_load %arg6[%swap3A_15] {strides = array<i32>} : memref<1024xf32, #tpu.memory_space<vmem>>, vector<16xf32>,
      tpu.vector_store %arg6[%swap3A_15], %broadcast_in_dim3A_11 {strides = array<i32>} : memref<1024xf32, #tpu.memory_space<vmem>>, vector<16xf32>,
      %swap3A_17 = arith.constant 48 : index
      %swap3A_18 = tpu.vector_load %arg6[%swap3A_17] {strides = array<i32>} : memref<1024xf32, #tpu.memory_space<vmem>>, vector<16xf32>,
      tpu.vector_store %arg6[%swap3A_17], %broadcast_in_dim3A_11 {strides = array<i32>} : memref<1024xf32, #tpu.memory_space<vmem>>, vector<16xf32>,
      %swap3A_19 = arith.constant 64 : index
      %swap3A_20 = tpu.vector_load %arg6[%swap3A_19] {strides = array<i32>} : memref<1024xf32, #tpu.memory_space<vmem>>, vector<16xf32>,
      tpu.vector_store %arg6[%swap3A_19], %broadcast_in_dim3A_11 {strides = array<i32>} : memref<1024xf32, #tpu.memory_space<vmem>>, vector<16xf32>,
      %swap3A_21 = arith.constant 80 : index
      %swap3A_22 = tpu.vector_load %arg6[%swap3A_21] {strides = array<i32>} : memref<1024xf32, #tpu.memory_space<vmem>>, vector<16xf32>,
      tpu.vector_store %arg6[%swap3A_21], %broadcast_in_dim3A_11 {strides = array<i32>} : memref<1024xf32, #tpu.memory_space<vmem>>, vector<16xf32>,
      %swap3A_23 = arith.constant 96 : index
      %swap3A_24 = tpu.vector_load %arg6[%swap3A_23] {strides = array<i32>} : memref<1024xf32, #tpu.memory_space<vmem>>, vector<16xf32>,
      tpu.vector_store %arg6[%swap3A_23], %broadcast_in_dim3A_11 {strides = array<i32>} : memref<1024xf32, #tpu.memory_space<vmem>>, vector<16xf32>,
      %swap3A_25 = arith.constant 112 : index
      %swap3A_26 = tpu.vector_load %arg6[%swap3A_25] {strides = array<i32>} : memref<1024xf32, #tpu.memory_space<vmem>>, vector<16xf32>,
      tpu.vector_store %arg6[%swap3A_25], %broadcast_in_dim3A_11 {strides = array<i32>} : memref<1024xf32, #tpu.memory_space<vmem>>, vector<16xf32>,
      %swap3A_27 = arith.constant 128 : index
      %swap3A_28 = tpu.vector_load %arg6[%swap3A_27] {strides = array<i32>} : memref<1024xf32, #tpu.memory_space<vmem>>, vector<16xf32>,
      tpu.vector_store %arg6[%swap3A_27], %broadcast_in_dim3A_11 {strides = array<i32>} : memref<1024xf32, #tpu.memory_space<vmem>>, vector<16xf32>,
      %swap3A_29 = arith.constant 144 : index
      %swap3A_30 = tpu.vector_load %arg6[%swap3A_29] {strides = array<i32>} : memref<1024xf32, #tpu.memory_space<vmem>>, vector<16xf32>,
      tpu.vector_store %arg6[%swap3A_29], %broadcast_in_dim3A_11 {strides = array<i32>} : memref<1024xf32, #tpu.memory_space<vmem>>, vector<16xf32>,
      %swap3A_31 = arith.constant 160 : index
      %swap3A_32 = tpu.vector_load %arg6[%swap3A_31] {strides = array<i32>} : memref<1024xf32, #tpu.memory_space<vmem>>, vector<16xf32>,
      tpu.vector_store %arg6[%swap3A_31], %broadcast_in_dim3A_11 {strides = array<i32>} : memref<1024xf32, #tpu.memory_space<vmem>>, vector<16xf32>,
      %swap3A_33 = arith.constant 176 : index
      %swap3A_34 = tpu.vector_load %arg6[%swap3A_33] {strides = array<i32>} : memref<1024xf32, #tpu.memory_space<vmem>>, vector<16xf32>,
      tpu.vector_store %arg6[%swap3A_33], %broadcast_in_dim3A_11 {strides = array<i32>} : memref<1024xf32, #tpu.memory_space<vmem>>, vector<16xf32>,
      %swap3A_35 = arith.constant 192 : index
      %swap3A_36 = tpu.vector_load %arg6[%swap3A_35] {strides = array<i32>} : memref<1024xf32, #tpu.memory_space<vmem>>, vector<16xf32>,
      tpu.vector_store %arg6[%swap3A_35], %broadcast_in_dim3A_11 {strides = array<i32>} : memref<1024xf32, #tpu.memory_space<vmem>>, vector<16xf32>,
      %swap3A_37 = arith.constant 208 : index
      %swap3A_38 = tpu.vector_load %arg6[%swap3A_37] {strides = array<i32>} : memref<1024xf32, #tpu.memory_space<vmem>>, vector<16xf32>,
      tpu.vector_store %arg6[%swap3A_37], %broadcast_in_dim3A_11 {strides = array<i32>} : memref<1024xf32, #tpu.memory_space<vmem>>, vector<16xf32>,
      %swap3A_39 = arith.constant 224 : index
      %swap3A_40 = tpu.vector_load %arg6[%swap3A_39] {strides = array<i32>} : memref<1024xf32, #tpu.memory_space<vmem>>, vector<16xf32>,
      tpu.vector_store %arg6[%swap3A_39], %broadcast_in_dim3A_11 {strides = array<i32>} : memref<1024xf32, #tpu.memory_space<vmem>>, vector<16xf32>,
      %swap3A_41 = arith.constant 240 : index
      %swap3A_42 = tpu.vector_load %arg6[%swap3A_41] {strides = array<i32>} : memref<1024xf32, #tpu.memory_space<vmem>>, vector<16xf32>,
      tpu.vector_store %arg6[%swap3A_41], %broadcast_in_dim3A_11 {strides = array<i32>} : memref<1024xf32, #tpu.memory_space<vmem>>, vector<16xf32>,
      %swap3A_43 = arith.constant 256 : index
      %swap3A_44 = tpu.vector_load %arg6[%swap3A_43] {strides = array<i32>} : memref<1024xf32, #tpu.memory_space<vmem>>, vector<16xf32>,
      tpu.vector_store %arg6[%swap3A_43], %broadcast_in_dim3A_11 {strides = array<i32>} : memref<1024xf32, #tpu.memory_space<vmem>>, vector<16xf32>,
      %swap3A_45 = arith.constant 272 : index
      %swap3A_46 = tpu.vector_load %arg6[%swap3A_45] {strides = array<i32>} : memref<1024xf32, #tpu.memory_space<vmem>>, vector<16xf32>,
      tpu.vector_store %arg6[%swap3A_45], %broadcast_in_dim3A_11 {strides = array<i32>} : memref<1024xf32, #tpu.memory_space<vmem>>, vector<16xf32>,
      %swap3A_47 = arith.constant 288 : index
      %swap3A_48 = tpu.vector_load %arg6[%swap3A_47] {strides = array<i32>} : memref<1024xf32, #tpu.memory_space<vmem>>, vector<16xf32>,
      tpu.vector_store %arg6[%swap3A_47], %broadcast_in_dim3A_11 {strides = array<i32>} : memref<1024xf32, #tpu.memory_space<vmem>>, vector<16xf32>,
      %swap3A_49 = arith.constant 304 : index
      %swap3A_50 = tpu.vector_load %arg6[%swap3A_49] {strides = array<i32>} : memref<1024xf32, #tpu.memory_space<vmem>>, vector<16xf32>,
      tpu.vector_store %arg6[%swap3A_49], %broadcast_in_dim3A_11 {strides = array<i32>} : memref<1024xf32, #tpu.memory_space<vmem>>, vector<16xf32>,
      %swap3A_51 = arith.constant 320 : index
      %swap3A_52 = tpu.vector_load %arg6[%swap3A_51] {strides = array<i32>} : memref<1024xf32, #tpu.memory_space<vmem>>, vector<16xf32>,
      tpu.vector_store %arg6[%swap3A_51], %broadcast_in_dim3A_11 {strides = array<i32>} : memref<1024xf32, #tpu.memory_space<vmem>>, vector<16xf32>,
      %swap3A_53 = arith.constant 336 : index
      %swap3A_54 = tpu.vector_load %arg6[%swap3A_53] {strides = array<i32>} : memref<1024xf32, #tpu.memory_space<vmem>>, vector<16xf32>,
      tpu.vector_store %arg6[%swap3A_53], %broadcast_in_dim3A_11 {strides = array<i32>} : memref<1024xf32, #tpu.memory_space<vmem>>, vector<16xf32>,
      %swap3A_55 = arith.constant 352 : index
      %swap3A_56 = tpu.vector_load %arg6[%swap3A_55] {strides = array<i32>} : memref<1024xf32, #tpu.memory_space<vmem>>, vector<16xf32>,
      tpu.vector_store %arg6[%swap3A_55], %broadcast_in_dim3A_11 {strides = array<i32>} : memref<1024xf32, #tpu.memory_space<vmem>>, vector<16xf32>,
      %swap3A_57 = arith.constant 368 : index
      %swap3A_58 = tpu.vector_load %arg6[%swap3A_57] {strides = array<i32>} : memref<1024xf32, #tpu.memory_space<vmem>>, vector<16xf32>,
      tpu.vector_store %arg6[%swap3A_57], %broadcast_in_dim3A_11 {strides = array<i32>} : memref<1024xf32, #tpu.memory_space<vmem>>, vector<16xf32>,
      %swap3A_59 = arith.constant 384 : index
      %swap3A_60 = tpu.vector_load %arg6[%swap3A_59] {strides = array<i32>} : memref<1024xf32, #tpu.memory_space<vmem>>, vector<16xf32>,
      tpu.vector_store %arg6[%swap3A_59], %broadcast_in_dim3A_11 {strides = array<i32>} : memref<1024xf32, #tpu.memory_space<vmem>>, vector<16xf32>,
      %swap3A_61 = arith.constant 400 : index
      %swap3A_62 = tpu.vector_load %arg6[%swap3A_61] {strides = array<i32>} : memref<1024xf32, #tpu.memory_space<vmem>>, vector<16xf32>,
      tpu.vector_store %arg6[%swap3A_61], %broadcast_in_dim3A_11 {strides = array<i32>} : memref<1024xf32, #tpu.memory_space<vmem>>, vector<16xf32>,
      %swap3A_63 = arith.constant 416 : index
      %swap3A_64 = tpu.vector_load %arg6[%swap3A_63] {strides = array<i32>} : memref<1024xf32, #tpu.memory_space<vmem>>, vector<16xf32>,
      tpu.vector_store %arg6[%swap3A_63], %broadcast_in_dim3A_11 {strides = array<i32>} : memref<1024xf32, #tpu.memory_space<vmem>>, vector<16xf32>,
      %swap3A_65 = arith.constant 432 : index
      %swap3A_66 = tpu.vector_load %arg6[%swap3A_65] {strides = array<i32>} : memref<1024xf32, #tpu.memory_space<vmem>>, vector<16xf32>,
      tpu.vector_store %arg6[%swap3A_65], %broadcast_in_dim3A_11 {strides = array<i32>} : memref<1024xf32, #tpu.memory_space<vmem>>, vector<16xf32>,
      %swap3A_67 = arith.constant 448 : index
      %swap3A_68 = tpu.vector_load %arg6[%swap3A_67] {strides = array<i32>} : memref<1024xf32, #tpu.memory_space<vmem>>, vector<16xf32>,
      tpu.vector_store %arg6[%swap3A_67], %broadcast_in_dim3A_11 {strides = array<i32>} : memref<1024xf32, #tpu.memory_space<vmem>>, vector<16xf32>,
      %swap3A_69 = arith.constant 464 : index
      %swap3A_70 = tpu.vector_load %arg6[%swap3A_69] {strides = array<i32>} : memref<1024xf32, #tpu.memory_space<vmem>>, vector<16xf32>,
      tpu.vector_store %arg6[%swap3A_69], %broadcast_in_dim3A_11 {strides = array<i32>} : memref<1024xf32, #tpu.memory_space<vmem>>, vector<16xf32>,
      %swap3A_71 = arith.constant 480 : index
      %swap3A_72 = tpu.vector_load %arg6[%swap3A_71] {strides = array<i32>} : memref<1024xf32, #tpu.memory_space<vmem>>, vector<16xf32>,
      tpu.vector_store %arg6[%swap3A_71], %broadcast_in_dim3A_11 {strides = array<i32>} : memref<1024xf32, #tpu.memory_space<vmem>>, vector<16xf32>,
      %swap3A_73 = arith.constant 496 : index
      %swap3A_74 = tpu.vector_load %arg6[%swap3A_73] {strides = array<i32>} : memref<1024xf32, #tpu.memory_space<vmem>>, vector<16xf32>,
      tpu.vector_store %arg6[%swap3A_73], %broadcast_in_dim3A_11 {strides = array<i32>} : memref<1024xf32, #tpu.memory_space<vmem>>, vector<16xf32>,
      %swap3A_75 = arith.constant 512 : index
      %swap3A_76 = tpu.vector_load %arg6[%swap3A_75] {strides = array<i32>} : memref<1024xf32, #tpu.memory_space<vmem>>, vector<16xf32>,
      tpu.vector_store %arg6[%swap3A_75], %broadcast_in_dim3A_11 {strides = array<i32>} : memref<1024xf32, #tpu.memory_space<vmem>>, vector<16xf32>,
      %swap3A_77 = arith.constant 528 : index
      %swap3A_78 = tpu.vector_load %arg6[%swap3A_77] {strides = array<i32>} : memref<1024xf32, #tpu.memory_space<vmem>>, vector<16xf32>,
      tpu.vector_store %arg6[%swap3A_77], %broadcast_in_dim3A_11 {strides = array<i32>} : memref<1024xf32, #tpu.memory_space<vmem>>, vector<16xf32>,
      %swap3A_79 = arith.constant 544 : index
      %swap3A_80 = tpu.vector_load %arg6[%swap3A_79] {strides = array<i32>} : memref<1024xf32, #tpu.memory_space<vmem>>, vector<16xf32>,
      tpu.vector_store %arg6[%swap3A_79], %broadcast_in_dim3A_11 {strides = array<i32>} : memref<1024xf32, #tpu.memory_space<vmem>>, vector<16xf32>,
      %swap3A_81 = arith.constant 560 : index
      %swap3A_82 = tpu.vector_load %arg6[%swap3A_81] {strides = array<i32>} : memref<1024xf32, #tpu.memory_space<vmem>>, vector<16xf32>,
      tpu.vector_store %arg6[%swap3A_81], %broadcast_in_dim3A_11 {strides = array<i32>} : memref<1024xf32, #tpu.memory_space<vmem>>, vector<16xf32>,
      %swap3A_83 = arith.constant 576 : index
      %swap3A_84 = tpu.vector_load %arg6[%swap3A_83] {strides = array<i32>} : memref<1024xf32, #tpu.memory_space<vmem>>, vector<16xf32>,
      tpu.vector_store %arg6[%swap3A_83], %broadcast_in_dim3A_11 {strides = array<i32>} : memref<1024xf32, #tpu.memory_space<vmem>>, vector<16xf32>,
      %swap3A_85 = arith.constant 592 : index
      %swap3A_86 = tpu.vector_load %arg6[%swap3A_85] {strides = array<i32>} : memref<1024xf32, #tpu.memory_space<vmem>>, vector<16xf32>,
      tpu.vector_store %arg6[%swap3A_85], %broadcast_in_dim3A_11 {strides = array<i32>} : memref<1024xf32, #tpu.memory_space<vmem>>, vector<16xf32>,
      %swap3A_87 = arith.constant 608 : index
      %swap3A_88 = tpu.vector_load %arg6[%swap3A_87] {strides = array<i32>} : memref<1024xf32, #tpu.memory_space<vmem>>, vector<16xf32>,
      tpu.vector_store %arg6[%swap3A_87], %broadcast_in_dim3A_11 {strides = array<i32>} : memref<1024xf32, #tpu.memory_space<vmem>>, vector<16xf32>,
      %swap3A_89 = arith.constant 624 : index
      %swap3A_90 = tpu.vector_load %arg6[%swap3A_89] {strides = array<i32>} : memref<1024xf32, #tpu.memory_space<vmem>>, vector<16xf32>,
      tpu.vector_store %arg6[%swap3A_89], %broadcast_in_dim3A_11 {strides = array<i32>} : memref<1024xf32, #tpu.memory_space<vmem>>, vector<16xf32>,
      %swap3A_91 = arith.constant 640 : index
      %swap3A_92 = tpu.vector_load %arg6[%swap3A_91] {strides = array<i32>} : memref<1024xf32, #tpu.memory_space<vmem>>, vector<16xf32>,
      tpu.vector_store %arg6[%swap3A_91], %broadcast_in_dim3A_11 {strides = array<i32>} : memref<1024xf32, #tpu.memory_space<vmem>>, vector<16xf32>,
      %swap3A_93 = arith.constant 656 : index
      %swap3A_94 = tpu.vector_load %arg6[%swap3A_93] {strides = array<i32>} : memref<1024xf32, #tpu.memory_space<vmem>>, vector<16xf32>,
      tpu.vector_store %arg6[%swap3A_93], %broadcast_in_dim3A_11 {strides = array<i32>} : memref<1024xf32, #tpu.memory_space<vmem>>, vector<16xf32>,
      %swap3A_95 = arith.constant 672 : index
      %swap3A_96 = tpu.vector_load %arg6[%swap3A_95] {strides = array<i32>} : memref<1024xf32, #tpu.memory_space<vmem>>, vector<16xf32>,
      tpu.vector_store %arg6[%swap3A_95], %broadcast_in_dim3A_11 {strides = array<i32>} : memref<1024xf32, #tpu.memory_space<vmem>>, vector<16xf32>,
      %swap3A_97 = arith.constant 688 : index
      %swap3A_98 = tpu.vector_load %arg6[%swap3A_97] {strides = array<i32>} : memref<1024xf32, #tpu.memory_space<vmem>>, vector<16xf32>,
      tpu.vector_store %arg6[%swap3A_97], %broadcast_in_dim3A_11 {strides = array<i32>} : memref<1024xf32, #tpu.memory_space<vmem>>, vector<16xf32>,
      %swap3A_99 = arith.constant 704 : index
      %swap3A_100 = tpu.vector_load %arg6[%swap3A_99] {strides = array<i32>} : memref<1024xf32, #tpu.memory_space<vmem>>, vector<16xf32>,
      tpu.vector_store %arg6[%swap3A_99], %broadcast_in_dim3A_11 {strides = array<i32>} : memref<1024xf32, #tpu.memory_space<vmem>>, vector<16xf32>,
      %swap3A_101 = arith.constant 720 : index
      %swap3A_102 = tpu.vector_load %arg6[%swap3A_101] {strides = array<i32>} : memref<1024xf32, #tpu.memory_space<vmem>>, vector<16xf32>,
      tpu.vector_store %arg6[%swap3A_101], %broadcast_in_dim3A_11 {strides = array<i32>} : memref<1024xf32, #tpu.memory_space<vmem>>, vector<16xf32>,
      %swap3A_103 = arith.constant 736 : index
      %swap3A_104 = tpu.vector_load %arg6[%swap3A_103] {strides = array<i32>} : memref<1024xf32, #tpu.memory_space<vmem>>, vector<16xf32>,
      tpu.vector_store %arg6[%swap3A_103], %broadcast_in_dim3A_11 {strides = array<i32>} : memref<1024xf32, #tpu.memory_space<vmem>>, vector<16xf32>,
      %swap3A_105 = arith.constant 752 : index
      %swap3A_106 = tpu.vector_load %arg6[%swap3A_105] {strides = array<i32>} : memref<1024xf32, #tpu.memory_space<vmem>>, vector<16xf32>,
      tpu.vector_store %arg6[%swap3A_105], %broadcast_in_dim3A_11 {strides = array<i32>} : memref<1024xf32, #tpu.memory_space<vmem>>, vector<16xf32>,
      %swap3A_107 = arith.constant 768 : index
      %swap3A_108 = tpu.vector_load %arg6[%swap3A_107] {strides = array<i32>} : memref<1024xf32, #tpu.memory_space<vmem>>, vector<16xf32>,
      tpu.vector_store %arg6[%swap3A_107], %broadcast_in_dim3A_11 {strides = array<i32>} : memref<1024xf32, #tpu.memory_space<vmem>>, vector<16xf32>,
      %swap3A_109 = arith.constant 784 : index
      %swap3A_110 = tpu.vector_load %arg6[%swap3A_109] {strides = array<i32>} : memref<1024xf32, #tpu.memory_space<vmem>>, vector<16xf32>,
      tpu.vector_store %arg6[%swap3A_109], %broadcast_in_dim3A_11 {strides = array<i32>} : memref<1024xf32, #tpu.memory_space<vmem>>, vector<16xf32>,
      %swap3A_111 = arith.constant 800 : index
      %swap3A_112 = tpu.vector_load %arg6[%swap3A_111] {strides = array<i32>} : memref<1024xf32, #tpu.memory_space<vmem>>, vector<16xf32>,
      tpu.vector_store %arg6[%swap3A_111], %broadcast_in_dim3A_11 {strides = array<i32>} : memref<1024xf32, #tpu.memory_space<vmem>>, vector<16xf32>,
      %swap3A_113 = arith.constant 816 : index
      %swap3A_114 = tpu.vector_load %arg6[%swap3A_113] {strides = array<i32>} : memref<1024xf32, #tpu.memory_space<vmem>>, vector<16xf32>,
      tpu.vector_store %arg6[%swap3A_113], %broadcast_in_dim3A_11 {strides = array<i32>} : memref<1024xf32, #tpu.memory_space<vmem>>, vector<16xf32>,
      %swap3A_115 = arith.constant 832 : index
      %swap3A_116 = tpu.vector_load %arg6[%swap3A_115] {strides = array<i32>} : memref<1024xf32, #tpu.memory_space<vmem>>, vector<16xf32>,
      tpu.vector_store %arg6[%swap3A_115], %broadcast_in_dim3A_11 {strides = array<i32>} : memref<1024xf32, #tpu.memory_space<vmem>>, vector<16xf32>,
      %swap3A_117 = arith.constant 848 : index
      %swap3A_118 = tpu.vector_load %arg6[%swap3A_117] {strides = array<i32>} : memref<1024xf32, #tpu.memory_space<vmem>>, vector<16xf32>,
      tpu.vector_store %arg6[%swap3A_117], %broadcast_in_dim3A_11 {strides = array<i32>} : memref<1024xf32, #tpu.memory_space<vmem>>, vector<16xf32>,
      %swap3A_119 = arith.constant 864 : index
      %swap3A_120 = tpu.vector_load %arg6[%swap3A_119] {strides = array<i32>} : memref<1024xf32, #tpu.memory_space<vmem>>, vector<16xf32>,
      tpu.vector_store %arg6[%swap3A_119], %broadcast_in_dim3A_11 {strides = array<i32>} : memref<1024xf32, #tpu.memory_space<vmem>>, vector<16xf32>,
      %swap3A_121 = arith.constant 880 : index
      %swap3A_122 = tpu.vector_load %arg6[%swap3A_121] {strides = array<i32>} : memref<1024xf32, #tpu.memory_space<vmem>>, vector<16xf32>,
      tpu.vector_store %arg6[%swap3A_121], %broadcast_in_dim3A_11 {strides = array<i32>} : memref<1024xf32, #tpu.memory_space<vmem>>, vector<16xf32>,
      %swap3A_123 = arith.constant 896 : index
      %swap3A_124 = tpu.vector_load %arg6[%swap3A_123] {strides = array<i32>} : memref<1024xf32, #tpu.memory_space<vmem>>, vector<16xf32>,
      tpu.vector_store %arg6[%swap3A_123], %broadcast_in_dim3A_11 {strides = array<i32>} : memref<1024xf32, #tpu.memory_space<vmem>>, vector<16xf32>,
      %swap3A_125 = arith.constant 912 : index
      %swap3A_126 = tpu.vector_load %arg6[%swap3A_125] {strides = array<i32>} : memref<1024xf32, #tpu.memory_space<vmem>>, vector<16xf32>,
      tpu.vector_store %arg6[%swap3A_125], %broadcast_in_dim3A_11 {strides = array<i32>} : memref<1024xf32, #tpu.memory_space<vmem>>, vector<16xf32>,
      %swap3A_127 = arith.constant 928 : index
      %swap3A_128 = tpu.vector_load %arg6[%swap3A_127] {strides = array<i32>} : memref<1024xf32, #tpu.memory_space<vmem>>, vector<16xf32>,
      tpu.vector_store %arg6[%swap3A_127], %broadcast_in_dim3A_11 {strides = array<i32>} : memref<1024xf32, #tpu.memory_space<vmem>>, vector<16xf32>,
      %swap3A_129 = arith.constant 944 : index
      %swap3A_130 = tpu.vector_load %arg6[%swap3A_129] {strides = array<i32>} : memref<1024xf32, #tpu.memory_space<vmem>>, vector<16xf32>,
      tpu.vector_store %arg6[%swap3A_129], %broadcast_in_dim3A_11 {strides = array<i32>} : memref<1024xf32, #tpu.memory_space<vmem>>, vector<16xf32>,
      %swap3A_131 = arith.constant 960 : index
      %swap3A_132 = tpu.vector_load %arg6[%swap3A_131] {strides = array<i32>} : memref<1024xf32, #tpu.memory_space<vmem>>, vector<16xf32>,
      tpu.vector_store %arg6[%swap3A_131], %broadcast_in_dim3A_11 {strides = array<i32>} : memref<1024xf32, #tpu.memory_space<vmem>>, vector<16xf32>,
      %swap3A_133 = arith.constant 976 : index
      %swap3A_134 = tpu.vector_load %arg6[%swap3A_133] {strides = array<i32>} : memref<1024xf32, #tpu.memory_space<vmem>>, vector<16xf32>,
      tpu.vector_store %arg6[%swap3A_133], %broadcast_in_dim3A_11 {strides = array<i32>} : memref<1024xf32, #tpu.memory_space<vmem>>, vector<16xf32>,
      %swap3A_135 = arith.constant 992 : index
      %swap3A_136 = tpu.vector_load %arg6[%swap3A_135] {strides = array<i32>} : memref<1024xf32, #tpu.memory_space<vmem>>, vector<16xf32>,
      tpu.vector_store %arg6[%swap3A_135], %broadcast_in_dim3A_11 {strides = array<i32>} : memref<1024xf32, #tpu.memory_space<vmem>>, vector<16xf32>,
      %swap3A_137 = arith.constant 1008 : index
      %swap3A_138 = tpu.vector_load %arg6[%swap3A_137] {strides = array<i32>} : memref<1024xf32, #tpu.memory_space<vmem>>, vector<16xf32>,
      tpu.vector_store %arg6[%swap3A_137], %broadcast_in_dim3A_11 {strides = array<i32>} : memref<1024xf32, #tpu.memory_space<vmem>>, vector<16xf32>,
      %scan3A = arith.constant 0 : i32
      %scan3A_139 = arith.constant 16 : i32
      %scan3A_140 = arith.addi %scan3A, %scan3A_139 : i32
      %scan3A_141 = arith.constant 1 : i32
      %scan3A_142 = scf.for %scan3A_144 = %scan3A to %scan3A_140 step %scan3A_141 iter_args(%scan3A_145 = %convert_element_type3A_9) -> (i32)  : i32 {
        %broadcast_in_dim3A_146 = arith.constant 0 : i32
        %broadcast_in_dim3A_147 = vector.broadcast %broadcast_in_dim3A_146 : i32 to vector<16xi32>
        %scan3A_148 = arith.constant 0 : i32
        %scan3A_149 = arith.constant 16 : i32
        %scan3A_150 = arith.addi %scan3A_148, %scan3A_149 : i32
        %scan3A_151 = arith.constant 1 : i32
        %scan3A_152:2 = scf.for %scan3A_158 = %scan3A_148 to %scan3A_150 step %scan3A_151 iter_args(%scan3A_159 = %scan3A_145, %scan3A_160 = %broadcast_in_dim3A_147) -> (i32, vector<16xi32>)  : i32 {
          %eq3A_161 = vector.broadcast %scan3A_158 : i32 to vector<16xi32>
          %eq3A_162 = arith.cmpi eq, %iota3A, %eq3A_161 : vector<16xi32>
          %broadcast_in_dim3A_163 = vector.broadcast %scan3A_159 : i32 to vector<16xi32>
          %select_n3A_164 = arith.select %eq3A_162, %broadcast_in_dim3A_163, %scan3A_160 : vector<16xi1>, vector<16xi32>
          %jit3A_165 = arith.constant 8 : i32
          %div3A = arith.divsi %scan3A_159, %jit3A_165 : i32
          %sign3A = arith.constant 0 : i32
          %sign3A_166 = arith.cmpi sgt, %scan3A_159, %sign3A : i32
          %sign3A_167 = arith.extui %sign3A_166 : i1 to i32
          %sign3A_168 = arith.constant 0 : i32
          %sign3A_169 = arith.cmpi slt, %scan3A_159, %sign3A_168 : i32
          %sign3A_170 = arith.extui %sign3A_169 : i1 to i32
          %sign3A_171 = arith.subi %sign3A_167, %sign3A_170 : i32
          %sign3A_172 = arith.constant 0 : i32
          %sign3A_173 = arith.cmpi sgt, %jit3A_165, %sign3A_172 : i32
          %sign3A_174 = arith.extui %sign3A_173 : i1 to i32
          %sign3A_175 = arith.constant 0 : i32
          %sign3A_176 = arith.cmpi slt, %jit3A_165, %sign3A_175 : i32
          %sign3A_177 = arith.extui %sign3A_176 : i1 to i32
          %sign3A_178 = arith.subi %sign3A_174, %sign3A_177 : i32
          %ne3A = arith.cmpi ne, %sign3A_171, %sign3A_178 : i32
          %rem3A = arith.remsi %scan3A_159, %jit3A_165 : i32
          %ne3A_179 = arith.constant 0 : i32
          %ne3A_180 = arith.cmpi ne, %rem3A, %ne3A_179 : i32
          %and3A = arith.andi %ne3A, %ne3A_180 : i1
          %sub3A = arith.constant 1 : i32
          %sub3A_181 = arith.subi %div3A, %sub3A : i32
          %select_n3A_182 = arith.select %and3A, %sub3A_181, %div3A : i32
          %mul3A_183 = arith.constant 8 : i32
          %mul3A_184 = arith.muli %select_n3A_182, %mul3A_183 : i32
          %sub3A_185 = arith.subi %scan3A_159, %mul3A_184 : i32
          %dma_start3A = arith.constant 0 : i32
          %dma_start3A_186 = arith.constant 0 : i32
          %dma_start3A_187 = arith.constant 0 : i32
          %dma_start3A_188 = arith.constant 0 : i32
          %dma_start3A_189 = tpu.memref_slice %arg5[%dma_start3A, %dma_start3A_186, %dma_start3A_187, %dma_start3A_188] : memref<3x8x1x128xf32, #tpu.memory_space<vmem>> -> memref<3x4x1x128xf32, #tpu.memory_space<vmem>>
          %dma_start3A_190 = arith.constant 0 : i32
          %dma_start3A_191 = arith.constant 0 : i32
          %dma_start3A_192 = arith.constant 0 : i32
          %dma_start3A_193 = tpu.memref_slice %arg2[%add3A, %dma_start3A_190, %select_n3A_182, %dma_start3A_191, %sub3A_185, %dma_start3A_192] : memref<8x3x128x8x8x128xf32, #tpu.memory_space<hbm>> -> memref<1x3x1x4x1x128xf32, #tpu.memory_space<hbm>>
          %dma_start3A_194 = tpu.memref_squeeze %dma_start3A_193 : memref<1x3x1x4x1x128xf32, #tpu.memory_space<hbm>> -> memref<3x4x1x128xf32, #tpu.memory_space<hbm>>
          %dma_start3A_195 = arith.constant 0 : i32
          %dma_start3A_196 = arith.constant 0 : i32
          %dma_start3A_197 = arith.constant 0 : i32
          %dma_start3A_198 = arith.constant 0 : i32
          %dma_start3A_199 = tpu.memref_slice %arg5[%dma_start3A_195, %dma_start3A_196, %dma_start3A_197, %dma_start3A_198] : memref<3x8x1x128xf32, #tpu.memory_space<vmem>> -> memref<3x4x1x128xf32, #tpu.memory_space<vmem>>
          %dma_start3A_200 = arith.constant 0 : i32
          %dma_start3A_201 = arith.constant 0 : i32
          %dma_start3A_202 = arith.constant 0 : i32
          %dma_start3A_203 = tpu.memref_slice %arg2[%add3A, %dma_start3A_200, %select_n3A_182, %dma_start3A_201, %sub3A_185, %dma_start3A_202] : memref<8x3x128x8x8x128xf32, #tpu.memory_space<hbm>> -> memref<1x3x1x4x1x128xf32, #tpu.memory_space<hbm>>
          %dma_start3A_204 = tpu.memref_squeeze %dma_start3A_203 : memref<1x3x1x4x1x128xf32, #tpu.memory_space<hbm>> -> memref<3x4x1x128xf32, #tpu.memory_space<hbm>>
          tpu.enqueue_dma source(%dma_start3A_204 : memref<3x4x1x128xf32, #tpu.memory_space<hbm>>) target(%dma_start3A_199 : memref<3x4x1x128xf32, #tpu.memory_space<vmem>>) target_semaphore(%arg9 : memref<!tpu.dma_semaphore, #tpu.memory_space<semaphore_mem>>)
          %dma_start3A_205 = arith.constant 0 : i32
          %dma_start3A_206 = arith.constant 4 : i32
          %dma_start3A_207 = arith.constant 0 : i32
          %dma_start3A_208 = arith.constant 0 : i32
          %dma_start3A_209 = tpu.memref_slice %arg5[%dma_start3A_205, %dma_start3A_206, %dma_start3A_207, %dma_start3A_208] : memref<3x8x1x128xf32, #tpu.memory_space<vmem>> -> memref<3x4x1x128xf32, #tpu.memory_space<vmem>>
          %dma_start3A_210 = arith.constant 0 : i32
          %dma_start3A_211 = arith.constant 4 : i32
          %dma_start3A_212 = arith.constant 0 : i32
          %dma_start3A_213 = tpu.memref_slice %arg2[%add3A, %dma_start3A_210, %select_n3A_182, %dma_start3A_211, %sub3A_185, %dma_start3A_212] : memref<8x3x128x8x8x128xf32, #tpu.memory_space<hbm>> -> memref<1x3x1x4x1x128xf32, #tpu.memory_space<hbm>>
          %dma_start3A_214 = tpu.memref_squeeze %dma_start3A_213 : memref<1x3x1x4x1x128xf32, #tpu.memory_space<hbm>> -> memref<3x4x1x128xf32, #tpu.memory_space<hbm>>
          %dma_start3A_215 = arith.constant 0 : i32
          %dma_start3A_216 = arith.constant 4 : i32
          %dma_start3A_217 = arith.constant 0 : i32
          %dma_start3A_218 = arith.constant 0 : i32
          %dma_start3A_219 = tpu.memref_slice %arg5[%dma_start3A_215, %dma_start3A_216, %dma_start3A_217, %dma_start3A_218] : memref<3x8x1x128xf32, #tpu.memory_space<vmem>> -> memref<3x4x1x128xf32, #tpu.memory_space<vmem>>
          %dma_start3A_220 = arith.constant 0 : i32
          %dma_start3A_221 = arith.constant 4 : i32
          %dma_start3A_222 = arith.constant 0 : i32
          %dma_start3A_223 = tpu.memref_slice %arg2[%add3A, %dma_start3A_220, %select_n3A_182, %dma_start3A_221, %sub3A_185, %dma_start3A_222] : memref<8x3x128x8x8x128xf32, #tpu.memory_space<hbm>> -> memref<1x3x1x4x1x128xf32, #tpu.memory_space<hbm>>
          %dma_start3A_224 = tpu.memref_squeeze %dma_start3A_223 : memref<1x3x1x4x1x128xf32, #tpu.memory_space<hbm>> -> memref<3x4x1x128xf32, #tpu.memory_space<hbm>>
          tpu.enqueue_dma source(%dma_start3A_224 : memref<3x4x1x128xf32, #tpu.memory_space<hbm>>) target(%dma_start3A_219 : memref<3x4x1x128xf32, #tpu.memory_space<vmem>>) target_semaphore(%arg10 : memref<!tpu.dma_semaphore, #tpu.memory_space<semaphore_mem>>)
          %broadcast_in_dim3A_225 = arith.constant -1.000000e+00 : f32
          %broadcast_in_dim3A_226 = vector.broadcast %broadcast_in_dim3A_225 : f32 to vector<16xf32>
          %broadcast_in_dim3A_227 = arith.constant 0 : i32
          %broadcast_in_dim3A_228 = vector.broadcast %broadcast_in_dim3A_227 : i32 to vector<16xi32>
          %dma_wait3A = arith.constant 0 : i32
          %dma_wait3A_229 = arith.constant 0 : i32
          %dma_wait3A_230 = arith.constant 0 : i32
          %dma_wait3A_231 = arith.constant 0 : i32
          %dma_wait3A_232 = tpu.memref_slice %arg5[%dma_wait3A, %dma_wait3A_229, %dma_wait3A_230, %dma_wait3A_231] : memref<3x8x1x128xf32, #tpu.memory_space<vmem>> -> memref<3x4x1x128xf32, #tpu.memory_space<vmem>>
          %dma_wait3A_233 = arith.constant 0 : i32
          %dma_wait3A_234 = arith.constant 0 : i32
          %dma_wait3A_235 = arith.constant 0 : i32
          %dma_wait3A_236 = tpu.memref_slice %arg2[%add3A, %dma_wait3A_233, %select_n3A_182, %dma_wait3A_234, %sub3A_185, %dma_wait3A_235] : memref<8x3x128x8x8x128xf32, #tpu.memory_space<hbm>> -> memref<1x3x1x4x1x128xf32, #tpu.memory_space<hbm>>
          %dma_wait3A_237 = tpu.memref_squeeze %dma_wait3A_236 : memref<1x3x1x4x1x128xf32, #tpu.memory_space<hbm>> -> memref<3x4x1x128xf32, #tpu.memory_space<hbm>>
          %dma_wait3A_238 = arith.constant 0 : i32
          %dma_wait3A_239 = arith.constant 0 : i32
          %dma_wait3A_240 = arith.constant 0 : i32
          %dma_wait3A_241 = arith.constant 0 : i32
          %dma_wait3A_242 = tpu.memref_slice %arg5[%dma_wait3A_238, %dma_wait3A_239, %dma_wait3A_240, %dma_wait3A_241] : memref<3x8x1x128xf32, #tpu.memory_space<vmem>> -> memref<3x4x1x128xf32, #tpu.memory_space<vmem>>
          %dma_wait3A_243 = arith.constant 0 : i32
          %dma_wait3A_244 = arith.constant 0 : i32
          %dma_wait3A_245 = arith.constant 0 : i32
          %dma_wait3A_246 = tpu.memref_slice %arg2[%add3A, %dma_wait3A_243, %select_n3A_182, %dma_wait3A_244, %sub3A_185, %dma_wait3A_245] : memref<8x3x128x8x8x128xf32, #tpu.memory_space<hbm>> -> memref<1x3x1x4x1x128xf32, #tpu.memory_space<hbm>>
          %dma_wait3A_247 = tpu.memref_squeeze %dma_wait3A_246 : memref<1x3x1x4x1x128xf32, #tpu.memory_space<hbm>> -> memref<3x4x1x128xf32, #tpu.memory_space<hbm>>
          tpu.wait_dma2 semaphore(%arg9 : memref<!tpu.dma_semaphore, #tpu.memory_space<semaphore_mem>>) src(%dma_wait3A_247 : memref<3x4x1x128xf32, #tpu.memory_space<hbm>>) dst(%dma_wait3A_242 : memref<3x4x1x128xf32, #tpu.memory_space<vmem>>)
          %get3A_248 = arith.constant 0 : i32
          %get3A_249 = arith.constant 0 : i32
          %get3A_250 = arith.constant 0 : i32
          %get3A_251 = arith.index_cast %get3A_248 : i32 to index
          %get3A_252 = arith.index_cast %get3A_249 : i32 to index
          %get3A_253 = arith.index_cast %get3A_250 : i32 to index
          %get3A_254 = arith.constant 0 : index
          %get3A_255 = tpu.vector_load %arg5[%get3A_251, %get3A_252, %get3A_253, %get3A_254] {strides = array<i32>} : memref<3x8x1x128xf32, #tpu.memory_space<vmem>>, vector<16xf32>,
          %get3A_256 = arith.constant 1 : i32
          %get3A_257 = arith.constant 0 : i32
          %get3A_258 = arith.constant 0 : i32
          %get3A_259 = arith.index_cast %get3A_256 : i32 to index
          %get3A_260 = arith.index_cast %get3A_257 : i32 to index
          %get3A_261 = arith.index_cast %get3A_258 : i32 to index
          %get3A_262 = arith.constant 0 : index
          %get3A_263 = tpu.vector_load %arg5[%get3A_259, %get3A_260, %get3A_261, %get3A_262] {strides = array<i32>} : memref<3x8x1x128xf32, #tpu.memory_space<vmem>>, vector<16xf32>,
          %get3A_264 = arith.constant 2 : i32
          %get3A_265 = arith.constant 0 : i32
          %get3A_266 = arith.constant 0 : i32
          %get3A_267 = arith.index_cast %get3A_264 : i32 to index
          %get3A_268 = arith.index_cast %get3A_265 : i32 to index
          %get3A_269 = arith.index_cast %get3A_266 : i32 to index
          %get3A_270 = arith.constant 0 : index
          %get3A_271 = tpu.vector_load %arg5[%get3A_267, %get3A_268, %get3A_269, %get3A_270] {strides = array<i32>} : memref<3x8x1x128xf32, #tpu.memory_space<vmem>>, vector<16xf32>,
          %mul3A_272 = arith.mulf %get3A_255, %get3A_255 : vector<16xf32>
          %mul3A_273 = arith.mulf %get3A_263, %get3A_263 : vector<16xf32>
          %add3A_274 = arith.addf %mul3A_272, %mul3A_273 : vector<16xf32>
          %mul3A_275 = arith.mulf %get3A_271, %get3A_271 : vector<16xf32>
          %add3A_276 = arith.addf %add3A_274, %mul3A_275 : vector<16xf32>
          %get3A_277 = arith.constant 0 : index
          %get3A_278 = tpu.vector_load %arg6[%get3A_277] {strides = array<i32>} : memref<1024xf32, #tpu.memory_space<vmem>>, vector<16xf32>,
          %min3A = arith.minimumf %add3A_276, %get3A_278 : vector<16xf32>
          %swap3A_279 = arith.constant 0 : index
          %swap3A_280 = tpu.vector_load %arg6[%swap3A_279] {strides = array<i32>} : memref<1024xf32, #tpu.memory_space<vmem>>, vector<16xf32>,
          tpu.vector_store %arg6[%swap3A_279], %min3A {strides = array<i32>} : memref<1024xf32, #tpu.memory_space<vmem>>, vector<16xf32>,
          %gt3A = arith.cmpf ogt, %min3A, %broadcast_in_dim3A_226 : vector<16xf32>
          %select_n3A_281 = arith.select %gt3A, %min3A, %broadcast_in_dim3A_226 : vector<16xi1>, vector<16xf32>
          %add3A_282 = arith.constant 0 : i32
          %add3A_283 = vector.broadcast %add3A_282 : i32 to vector<16xi32>
          %add3A_284 = arith.addi %iota3A, %add3A_283 : vector<16xi32>
          %select_n3A_285 = arith.select %gt3A, %add3A_284, %broadcast_in_dim3A_228 : vector<16xi1>, vector<16xi32>
          %get3A_286 = arith.constant 0 : i32
          %get3A_287 = arith.constant 0 : i32
          %get3A_288 = arith.constant 0 : i32
          %get3A_289 = arith.index_cast %get3A_286 : i32 to index
          %get3A_290 = arith.index_cast %get3A_287 : i32 to index
          %get3A_291 = arith.index_cast %get3A_288 : i32 to index
          %get3A_292 = arith.constant 16 : index
          %get3A_293 = tpu.vector_load %arg5[%get3A_289, %get3A_290, %get3A_291, %get3A_292] {strides = array<i32>} : memref<3x8x1x128xf32, #tpu.memory_space<vmem>>, vector<16xf32>,
          %get3A_294 = arith.constant 1 : i32
          %get3A_295 = arith.constant 0 : i32
          %get3A_296 = arith.constant 0 : i32
          %get3A_297 = arith.index_cast %get3A_294 : i32 to index
          %get3A_298 = arith.index_cast %get3A_295 : i32 to index
          %get3A_299 = arith.index_cast %get3A_296 : i32 to index
          %get3A_300 = arith.constant 16 : index
          %get3A_301 = tpu.vector_load %arg5[%get3A_297, %get3A_298, %get3A_299, %get3A_300] {strides = array<i32>} : memref<3x8x1x128xf32, #tpu.memory_space<vmem>>, vector<16xf32>,
          %get3A_302 = arith.constant 2 : i32
          %get3A_303 = arith.constant 0 : i32
          %get3A_304 = arith.constant 0 : i32
          %get3A_305 = arith.index_cast %get3A_302 : i32 to index
          %get3A_306 = arith.index_cast %get3A_303 : i32 to index
          %get3A_307 = arith.index_cast %get3A_304 : i32 to index
          %get3A_308 = arith.constant 16 : index
          %get3A_309 = tpu.vector_load %arg5[%get3A_305, %get3A_306, %get3A_307, %get3A_308] {strides = array<i32>} : memref<3x8x1x128xf32, #tpu.memory_space<vmem>>, vector<16xf32>,
          %mul3A_310 = arith.mulf %get3A_293, %get3A_293 : vector<16xf32>
          %mul3A_311 = arith.mulf %get3A_301, %get3A_301 : vector<16xf32>
          %add3A_312 = arith.addf %mul3A_310, %mul3A_311 : vector<16xf32>
          %mul3A_313 = arith.mulf %get3A_309, %get3A_309 : vector<16xf32>
          %add3A_314 = arith.addf %add3A_312, %mul3A_313 : vector<16xf32>
          %get3A_315 = arith.constant 16 : index
          %get3A_316 = tpu.vector_load %arg6[%get3A_315] {strides = array<i32>} : memref<1024xf32, #tpu.memory_space<vmem>>, vector<16xf32>,
          %min3A_317 = arith.minimumf %add3A_314, %get3A_316 : vector<16xf32>
          %swap3A_318 = arith.constant 16 : index
          %swap3A_319 = tpu.vector_load %arg6[%swap3A_318] {strides = array<i32>} : memref<1024xf32, #tpu.memory_space<vmem>>, vector<16xf32>,
          tpu.vector_store %arg6[%swap3A_318], %min3A_317 {strides = array<i32>} : memref<1024xf32, #tpu.memory_space<vmem>>, vector<16xf32>,
          %gt3A_320 = arith.cmpf ogt, %min3A_317, %select_n3A_281 : vector<16xf32>
          %select_n3A_321 = arith.select %gt3A_320, %min3A_317, %select_n3A_281 : vector<16xi1>, vector<16xf32>
          %add3A_322 = arith.constant 16 : i32
          %add3A_323 = vector.broadcast %add3A_322 : i32 to vector<16xi32>
          %add3A_324 = arith.addi %iota3A, %add3A_323 : vector<16xi32>
          %select_n3A_325 = arith.select %gt3A_320, %add3A_324, %select_n3A_285 : vector<16xi1>, vector<16xi32>
          %get3A_326 = arith.constant 0 : i32
          %get3A_327 = arith.constant 0 : i32
          %get3A_328 = arith.constant 0 : i32
          %get3A_329 = arith.index_cast %get3A_326 : i32 to index
          %get3A_330 = arith.index_cast %get3A_327 : i32 to index
          %get3A_331 = arith.index_cast %get3A_328 : i32 to index
          %get3A_332 = arith.constant 32 : index
          %get3A_333 = tpu.vector_load %arg5[%get3A_329, %get3A_330, %get3A_331, %get3A_332] {strides = array<i32>} : memref<3x8x1x128xf32, #tpu.memory_space<vmem>>, vector<16xf32>,
          %get3A_334 = arith.constant 1 : i32
          %get3A_335 = arith.constant 0 : i32
          %get3A_336 = arith.constant 0 : i32
          %get3A_337 = arith.index_cast %get3A_334 : i32 to index
          %get3A_338 = arith.index_cast %get3A_335 : i32 to index
          %get3A_339 = arith.index_cast %get3A_336 : i32 to index
          %get3A_340 = arith.constant 32 : index
          %get3A_341 = tpu.vector_load %arg5[%get3A_337, %get3A_338, %get3A_339, %get3A_340] {strides = array<i32>} : memref<3x8x1x128xf32, #tpu.memory_space<vmem>>, vector<16xf32>,
          %get3A_342 = arith.constant 2 : i32
          %get3A_343 = arith.constant 0 : i32
          %get3A_344 = arith.constant 0 : i32
          %get3A_345 = arith.index_cast %get3A_342 : i32 to index
          %get3A_346 = arith.index_cast %get3A_343 : i32 to index
          %get3A_347 = arith.index_cast %get3A_344 : i32 to index
          %get3A_348 = arith.constant 32 : index
          %get3A_349 = tpu.vector_load %arg5[%get3A_345, %get3A_346, %get3A_347, %get3A_348] {strides = array<i32>} : memref<3x8x1x128xf32, #tpu.memory_space<vmem>>, vector<16xf32>,
          %mul3A_350 = arith.mulf %get3A_333, %get3A_333 : vector<16xf32>
          %mul3A_351 = arith.mulf %get3A_341, %get3A_341 : vector<16xf32>
          %add3A_352 = arith.addf %mul3A_350, %mul3A_351 : vector<16xf32>
          %mul3A_353 = arith.mulf %get3A_349, %get3A_349 : vector<16xf32>
          %add3A_354 = arith.addf %add3A_352, %mul3A_353 : vector<16xf32>
          %get3A_355 = arith.constant 32 : index
          %get3A_356 = tpu.vector_load %arg6[%get3A_355] {strides = array<i32>} : memref<1024xf32, #tpu.memory_space<vmem>>, vector<16xf32>,
          %min3A_357 = arith.minimumf %add3A_354, %get3A_356 : vector<16xf32>
          %swap3A_358 = arith.constant 32 : index
          %swap3A_359 = tpu.vector_load %arg6[%swap3A_358] {strides = array<i32>} : memref<1024xf32, #tpu.memory_space<vmem>>, vector<16xf32>,
          tpu.vector_store %arg6[%swap3A_358], %min3A_357 {strides = array<i32>} : memref<1024xf32, #tpu.memory_space<vmem>>, vector<16xf32>,
          %gt3A_360 = arith.cmpf ogt, %min3A_357, %select_n3A_321 : vector<16xf32>
          %select_n3A_361 = arith.select %gt3A_360, %min3A_357, %select_n3A_321 : vector<16xi1>, vector<16xf32>
          %add3A_362 = arith.constant 32 : i32
          %add3A_363 = vector.broadcast %add3A_362 : i32 to vector<16xi32>
          %add3A_364 = arith.addi %iota3A, %add3A_363 : vector<16xi32>
          %select_n3A_365 = arith.select %gt3A_360, %add3A_364, %select_n3A_325 : vector<16xi1>, vector<16xi32>
          %get3A_366 = arith.constant 0 : i32
          %get3A_367 = arith.constant 0 : i32
          %get3A_368 = arith.constant 0 : i32
          %get3A_369 = arith.index_cast %get3A_366 : i32 to index
          %get3A_370 = arith.index_cast %get3A_367 : i32 to index
          %get3A_371 = arith.index_cast %get3A_368 : i32 to index
          %get3A_372 = arith.constant 48 : index
          %get3A_373 = tpu.vector_load %arg5[%get3A_369, %get3A_370, %get3A_371, %get3A_372] {strides = array<i32>} : memref<3x8x1x128xf32, #tpu.memory_space<vmem>>, vector<16xf32>,
          %get3A_374 = arith.constant 1 : i32
          %get3A_375 = arith.constant 0 : i32
          %get3A_376 = arith.constant 0 : i32
          %get3A_377 = arith.index_cast %get3A_374 : i32 to index
          %get3A_378 = arith.index_cast %get3A_375 : i32 to index
          %get3A_379 = arith.index_cast %get3A_376 : i32 to index
          %get3A_380 = arith.constant 48 : index
          %get3A_381 = tpu.vector_load %arg5[%get3A_377, %get3A_378, %get3A_379, %get3A_380] {strides = array<i32>} : memref<3x8x1x128xf32, #tpu.memory_space<vmem>>, vector<16xf32>,
          %get3A_382 = arith.constant 2 : i32
          %get3A_383 = arith.constant 0 : i32
          %get3A_384 = arith.constant 0 : i32
          %get3A_385 = arith.index_cast %get3A_382 : i32 to index
          %get3A_386 = arith.index_cast %get3A_383 : i32 to index
          %get3A_387 = arith.index_cast %get3A_384 : i32 to index
          %get3A_388 = arith.constant 48 : index
          %get3A_389 = tpu.vector_load %arg5[%get3A_385, %get3A_386, %get3A_387, %get3A_388] {strides = array<i32>} : memref<3x8x1x128xf32, #tpu.memory_space<vmem>>, vector<16xf32>,
          %mul3A_390 = arith.mulf %get3A_373, %get3A_373 : vector<16xf32>
          %mul3A_391 = arith.mulf %get3A_381, %get3A_381 : vector<16xf32>
          %add3A_392 = arith.addf %mul3A_390, %mul3A_391 : vector<16xf32>
          %mul3A_393 = arith.mulf %get3A_389, %get3A_389 : vector<16xf32>
          %add3A_394 = arith.addf %add3A_392, %mul3A_393 : vector<16xf32>
          %get3A_395 = arith.constant 48 : index
          %get3A_396 = tpu.vector_load %arg6[%get3A_395] {strides = array<i32>} : memref<1024xf32, #tpu.memory_space<vmem>>, vector<16xf32>,
          %min3A_397 = arith.minimumf %add3A_394, %get3A_396 : vector<16xf32>
          %swap3A_398 = arith.constant 48 : index
          %swap3A_399 = tpu.vector_load %arg6[%swap3A_398] {strides = array<i32>} : memref<1024xf32, #tpu.memory_space<vmem>>, vector<16xf32>,
          tpu.vector_store %arg6[%swap3A_398], %min3A_397 {strides = array<i32>} : memref<1024xf32, #tpu.memory_space<vmem>>, vector<16xf32>,
          %gt3A_400 = arith.cmpf ogt, %min3A_397, %select_n3A_361 : vector<16xf32>
          %select_n3A_401 = arith.select %gt3A_400, %min3A_397, %select_n3A_361 : vector<16xi1>, vector<16xf32>
          %add3A_402 = arith.constant 48 : i32
          %add3A_403 = vector.broadcast %add3A_402 : i32 to vector<16xi32>
          %add3A_404 = arith.addi %iota3A, %add3A_403 : vector<16xi32>
          %select_n3A_405 = arith.select %gt3A_400, %add3A_404, %select_n3A_365 : vector<16xi1>, vector<16xi32>
          %get3A_406 = arith.constant 0 : i32
          %get3A_407 = arith.constant 0 : i32
          %get3A_408 = arith.constant 0 : i32
          %get3A_409 = arith.index_cast %get3A_406 : i32 to index
          %get3A_410 = arith.index_cast %get3A_407 : i32 to index
          %get3A_411 = arith.index_cast %get3A_408 : i32 to index
          %get3A_412 = arith.constant 64 : index
          %get3A_413 = tpu.vector_load %arg5[%get3A_409, %get3A_410, %get3A_411, %get3A_412] {strides = array<i32>} : memref<3x8x1x128xf32, #tpu.memory_space<vmem>>, vector<16xf32>,
          %get3A_414 = arith.constant 1 : i32
          %get3A_415 = arith.constant 0 : i32
          %get3A_416 = arith.constant 0 : i32
          %get3A_417 = arith.index_cast %get3A_414 : i32 to index
          %get3A_418 = arith.index_cast %get3A_415 : i32 to index
          %get3A_419 = arith.index_cast %get3A_416 : i32 to index
          %get3A_420 = arith.constant 64 : index
          %get3A_421 = tpu.vector_load %arg5[%get3A_417, %get3A_418, %get3A_419, %get3A_420] {strides = array<i32>} : memref<3x8x1x128xf32, #tpu.memory_space<vmem>>, vector<16xf32>,
          %get3A_422 = arith.constant 2 : i32
          %get3A_423 = arith.constant 0 : i32
          %get3A_424 = arith.constant 0 : i32
          %get3A_425 = arith.index_cast %get3A_422 : i32 to index
          %get3A_426 = arith.index_cast %get3A_423 : i32 to index
          %get3A_427 = arith.index_cast %get3A_424 : i32 to index
          %get3A_428 = arith.constant 64 : index
          %get3A_429 = tpu.vector_load %arg5[%get3A_425, %get3A_426, %get3A_427, %get3A_428] {strides = array<i32>} : memref<3x8x1x128xf32, #tpu.memory_space<vmem>>, vector<16xf32>,
          %mul3A_430 = arith.mulf %get3A_413, %get3A_413 : vector<16xf32>
          %mul3A_431 = arith.mulf %get3A_421, %get3A_421 : vector<16xf32>
          %add3A_432 = arith.addf %mul3A_430, %mul3A_431 : vector<16xf32>
          %mul3A_433 = arith.mulf %get3A_429, %get3A_429 : vector<16xf32>
          %add3A_434 = arith.addf %add3A_432, %mul3A_433 : vector<16xf32>
          %get3A_435 = arith.constant 64 : index
          %get3A_436 = tpu.vector_load %arg6[%get3A_435] {strides = array<i32>} : memref<1024xf32, #tpu.memory_space<vmem>>, vector<16xf32>,
          %min3A_437 = arith.minimumf %add3A_434, %get3A_436 : vector<16xf32>
          %swap3A_438 = arith.constant 64 : index
          %swap3A_439 = tpu.vector_load %arg6[%swap3A_438] {strides = array<i32>} : memref<1024xf32, #tpu.memory_space<vmem>>, vector<16xf32>,
          tpu.vector_store %arg6[%swap3A_438], %min3A_437 {strides = array<i32>} : memref<1024xf32, #tpu.memory_space<vmem>>, vector<16xf32>,
          %gt3A_440 = arith.cmpf ogt, %min3A_437, %select_n3A_401 : vector<16xf32>
          %select_n3A_441 = arith.select %gt3A_440, %min3A_437, %select_n3A_401 : vector<16xi1>, vector<16xf32>
          %add3A_442 = arith.constant 64 : i32
          %add3A_443 = vector.broadcast %add3A_442 : i32 to vector<16xi32>
          %add3A_444 = arith.addi %iota3A, %add3A_443 : vector<16xi32>
          %select_n3A_445 = arith.select %gt3A_440, %add3A_444, %select_n3A_405 : vector<16xi1>, vector<16xi32>
          %get3A_446 = arith.constant 0 : i32
          %get3A_447 = arith.constant 0 : i32
          %get3A_448 = arith.constant 0 : i32
          %get3A_449 = arith.index_cast %get3A_446 : i32 to index
          %get3A_450 = arith.index_cast %get3A_447 : i32 to index
          %get3A_451 = arith.index_cast %get3A_448 : i32 to index
          %get3A_452 = arith.constant 80 : index
          %get3A_453 = tpu.vector_load %arg5[%get3A_449, %get3A_450, %get3A_451, %get3A_452] {strides = array<i32>} : memref<3x8x1x128xf32, #tpu.memory_space<vmem>>, vector<16xf32>,
          %get3A_454 = arith.constant 1 : i32
          %get3A_455 = arith.constant 0 : i32
          %get3A_456 = arith.constant 0 : i32
          %get3A_457 = arith.index_cast %get3A_454 : i32 to index
          %get3A_458 = arith.index_cast %get3A_455 : i32 to index
          %get3A_459 = arith.index_cast %get3A_456 : i32 to index
          %get3A_460 = arith.constant 80 : index
          %get3A_461 = tpu.vector_load %arg5[%get3A_457, %get3A_458, %get3A_459, %get3A_460] {strides = array<i32>} : memref<3x8x1x128xf32, #tpu.memory_space<vmem>>, vector<16xf32>,
          %get3A_462 = arith.constant 2 : i32
          %get3A_463 = arith.constant 0 : i32
          %get3A_464 = arith.constant 0 : i32
          %get3A_465 = arith.index_cast %get3A_462 : i32 to index
          %get3A_466 = arith.index_cast %get3A_463 : i32 to index
          %get3A_467 = arith.index_cast %get3A_464 : i32 to index
          %get3A_468 = arith.constant 80 : index
          %get3A_469 = tpu.vector_load %arg5[%get3A_465, %get3A_466, %get3A_467, %get3A_468] {strides = array<i32>} : memref<3x8x1x128xf32, #tpu.memory_space<vmem>>, vector<16xf32>,
          %mul3A_470 = arith.mulf %get3A_453, %get3A_453 : vector<16xf32>
          %mul3A_471 = arith.mulf %get3A_461, %get3A_461 : vector<16xf32>
          %add3A_472 = arith.addf %mul3A_470, %mul3A_471 : vector<16xf32>
          %mul3A_473 = arith.mulf %get3A_469, %get3A_469 : vector<16xf32>
          %add3A_474 = arith.addf %add3A_472, %mul3A_473 : vector<16xf32>
          %get3A_475 = arith.constant 80 : index
          %get3A_476 = tpu.vector_load %arg6[%get3A_475] {strides = array<i32>} : memref<1024xf32, #tpu.memory_space<vmem>>, vector<16xf32>,
          %min3A_477 = arith.minimumf %add3A_474, %get3A_476 : vector<16xf32>
          %swap3A_478 = arith.constant 80 : index
          %swap3A_479 = tpu.vector_load %arg6[%swap3A_478] {strides = array<i32>} : memref<1024xf32, #tpu.memory_space<vmem>>, vector<16xf32>,
          tpu.vector_store %arg6[%swap3A_478], %min3A_477 {strides = array<i32>} : memref<1024xf32, #tpu.memory_space<vmem>>, vector<16xf32>,
          %gt3A_480 = arith.cmpf ogt, %min3A_477, %select_n3A_441 : vector<16xf32>
          %select_n3A_481 = arith.select %gt3A_480, %min3A_477, %select_n3A_441 : vector<16xi1>, vector<16xf32>
          %add3A_482 = arith.constant 80 : i32
          %add3A_483 = vector.broadcast %add3A_482 : i32 to vector<16xi32>
          %add3A_484 = arith.addi %iota3A, %add3A_483 : vector<16xi32>
          %select_n3A_485 = arith.select %gt3A_480, %add3A_484, %select_n3A_445 : vector<16xi1>, vector<16xi32>
          %get3A_486 = arith.constant 0 : i32
          %get3A_487 = arith.constant 0 : i32
          %get3A_488 = arith.constant 0 : i32
          %get3A_489 = arith.index_cast %get3A_486 : i32 to index
          %get3A_490 = arith.index_cast %get3A_487 : i32 to index
          %get3A_491 = arith.index_cast %get3A_488 : i32 to index
          %get3A_492 = arith.constant 96 : index
          %get3A_493 = tpu.vector_load %arg5[%get3A_489, %get3A_490, %get3A_491, %get3A_492] {strides = array<i32>} : memref<3x8x1x128xf32, #tpu.memory_space<vmem>>, vector<16xf32>,
          %get3A_494 = arith.constant 1 : i32
          %get3A_495 = arith.constant 0 : i32
          %get3A_496 = arith.constant 0 : i32
          %get3A_497 = arith.index_cast %get3A_494 : i32 to index
          %get3A_498 = arith.index_cast %get3A_495 : i32 to index
          %get3A_499 = arith.index_cast %get3A_496 : i32 to index
          %get3A_500 = arith.constant 96 : index
          %get3A_501 = tpu.vector_load %arg5[%get3A_497, %get3A_498, %get3A_499, %get3A_500] {strides = array<i32>} : memref<3x8x1x128xf32, #tpu.memory_space<vmem>>, vector<16xf32>,
          %get3A_502 = arith.constant 2 : i32
          %get3A_503 = arith.constant 0 : i32
          %get3A_504 = arith.constant 0 : i32
          %get3A_505 = arith.index_cast %get3A_502 : i32 to index
          %get3A_506 = arith.index_cast %get3A_503 : i32 to index
          %get3A_507 = arith.index_cast %get3A_504 : i32 to index
          %get3A_508 = arith.constant 96 : index
          %get3A_509 = tpu.vector_load %arg5[%get3A_505, %get3A_506, %get3A_507, %get3A_508] {strides = array<i32>} : memref<3x8x1x128xf32, #tpu.memory_space<vmem>>, vector<16xf32>,
          %mul3A_510 = arith.mulf %get3A_493, %get3A_493 : vector<16xf32>
          %mul3A_511 = arith.mulf %get3A_501, %get3A_501 : vector<16xf32>
          %add3A_512 = arith.addf %mul3A_510, %mul3A_511 : vector<16xf32>
          %mul3A_513 = arith.mulf %get3A_509, %get3A_509 : vector<16xf32>
          %add3A_514 = arith.addf %add3A_512, %mul3A_513 : vector<16xf32>
          %get3A_515 = arith.constant 96 : index
          %get3A_516 = tpu.vector_load %arg6[%get3A_515] {strides = array<i32>} : memref<1024xf32, #tpu.memory_space<vmem>>, vector<16xf32>,
          %min3A_517 = arith.minimumf %add3A_514, %get3A_516 : vector<16xf32>
          %swap3A_518 = arith.constant 96 : index
          %swap3A_519 = tpu.vector_load %arg6[%swap3A_518] {strides = array<i32>} : memref<1024xf32, #tpu.memory_space<vmem>>, vector<16xf32>,
          tpu.vector_store %arg6[%swap3A_518], %min3A_517 {strides = array<i32>} : memref<1024xf32, #tpu.memory_space<vmem>>, vector<16xf32>,
          %gt3A_520 = arith.cmpf ogt, %min3A_517, %select_n3A_481 : vector<16xf32>
          %select_n3A_521 = arith.select %gt3A_520, %min3A_517, %select_n3A_481 : vector<16xi1>, vector<16xf32>
          %add3A_522 = arith.constant 96 : i32
          %add3A_523 = vector.broadcast %add3A_522 : i32 to vector<16xi32>
          %add3A_524 = arith.addi %iota3A, %add3A_523 : vector<16xi32>
          %select_n3A_525 = arith.select %gt3A_520, %add3A_524, %select_n3A_485 : vector<16xi1>, vector<16xi32>
          %get3A_526 = arith.constant 0 : i32
          %get3A_527 = arith.constant 0 : i32
          %get3A_528 = arith.constant 0 : i32
          %get3A_529 = arith.index_cast %get3A_526 : i32 to index
          %get3A_530 = arith.index_cast %get3A_527 : i32 to index
          %get3A_531 = arith.index_cast %get3A_528 : i32 to index
          %get3A_532 = arith.constant 112 : index
          %get3A_533 = tpu.vector_load %arg5[%get3A_529, %get3A_530, %get3A_531, %get3A_532] {strides = array<i32>} : memref<3x8x1x128xf32, #tpu.memory_space<vmem>>, vector<16xf32>,
          %get3A_534 = arith.constant 1 : i32
          %get3A_535 = arith.constant 0 : i32
          %get3A_536 = arith.constant 0 : i32
          %get3A_537 = arith.index_cast %get3A_534 : i32 to index
          %get3A_538 = arith.index_cast %get3A_535 : i32 to index
          %get3A_539 = arith.index_cast %get3A_536 : i32 to index
          %get3A_540 = arith.constant 112 : index
          %get3A_541 = tpu.vector_load %arg5[%get3A_537, %get3A_538, %get3A_539, %get3A_540] {strides = array<i32>} : memref<3x8x1x128xf32, #tpu.memory_space<vmem>>, vector<16xf32>,
          %get3A_542 = arith.constant 2 : i32
          %get3A_543 = arith.constant 0 : i32
          %get3A_544 = arith.constant 0 : i32
          %get3A_545 = arith.index_cast %get3A_542 : i32 to index
          %get3A_546 = arith.index_cast %get3A_543 : i32 to index
          %get3A_547 = arith.index_cast %get3A_544 : i32 to index
          %get3A_548 = arith.constant 112 : index
          %get3A_549 = tpu.vector_load %arg5[%get3A_545, %get3A_546, %get3A_547, %get3A_548] {strides = array<i32>} : memref<3x8x1x128xf32, #tpu.memory_space<vmem>>, vector<16xf32>,
          %mul3A_550 = arith.mulf %get3A_533, %get3A_533 : vector<16xf32>
          %mul3A_551 = arith.mulf %get3A_541, %get3A_541 : vector<16xf32>
          %add3A_552 = arith.addf %mul3A_550, %mul3A_551 : vector<16xf32>
          %mul3A_553 = arith.mulf %get3A_549, %get3A_549 : vector<16xf32>
          %add3A_554 = arith.addf %add3A_552, %mul3A_553 : vector<16xf32>
          %get3A_555 = arith.constant 112 : index
          %get3A_556 = tpu.vector_load %arg6[%get3A_555] {strides = array<i32>} : memref<1024xf32, #tpu.memory_space<vmem>>, vector<16xf32>,
          %min3A_557 = arith.minimumf %add3A_554, %get3A_556 : vector<16xf32>
          %swap3A_558 = arith.constant 112 : index
          %swap3A_559 = tpu.vector_load %arg6[%swap3A_558] {strides = array<i32>} : memref<1024xf32, #tpu.memory_space<vmem>>, vector<16xf32>,
          tpu.vector_store %arg6[%swap3A_558], %min3A_557 {strides = array<i32>} : memref<1024xf32, #tpu.memory_space<vmem>>, vector<16xf32>,
          %gt3A_560 = arith.cmpf ogt, %min3A_557, %select_n3A_521 : vector<16xf32>
          %select_n3A_561 = arith.select %gt3A_560, %min3A_557, %select_n3A_521 : vector<16xi1>, vector<16xf32>
          %add3A_562 = arith.constant 112 : i32
          %add3A_563 = vector.broadcast %add3A_562 : i32 to vector<16xi32>
          %add3A_564 = arith.addi %iota3A, %add3A_563 : vector<16xi32>
          %select_n3A_565 = arith.select %gt3A_560, %add3A_564, %select_n3A_525 : vector<16xi1>, vector<16xi32>
          %get3A_566 = arith.constant 0 : i32
          %get3A_567 = arith.constant 1 : i32
          %get3A_568 = arith.constant 0 : i32
          %get3A_569 = arith.index_cast %get3A_566 : i32 to index
          %get3A_570 = arith.index_cast %get3A_567 : i32 to index
          %get3A_571 = arith.index_cast %get3A_568 : i32 to index
          %get3A_572 = arith.constant 0 : index
          %get3A_573 = tpu.vector_load %arg5[%get3A_569, %get3A_570, %get3A_571, %get3A_572] {strides = array<i32>} : memref<3x8x1x128xf32, #tpu.memory_space<vmem>>, vector<16xf32>,
          %get3A_574 = arith.constant 1 : i32
          %get3A_575 = arith.constant 1 : i32
          %get3A_576 = arith.constant 0 : i32
          %get3A_577 = arith.index_cast %get3A_574 : i32 to index
          %get3A_578 = arith.index_cast %get3A_575 : i32 to index
          %get3A_579 = arith.index_cast %get3A_576 : i32 to index
          %get3A_580 = arith.constant 0 : index
          %get3A_581 = tpu.vector_load %arg5[%get3A_577, %get3A_578, %get3A_579, %get3A_580] {strides = array<i32>} : memref<3x8x1x128xf32, #tpu.memory_space<vmem>>, vector<16xf32>,
          %get3A_582 = arith.constant 2 : i32
          %get3A_583 = arith.constant 1 : i32
          %get3A_584 = arith.constant 0 : i32
          %get3A_585 = arith.index_cast %get3A_582 : i32 to index
          %get3A_586 = arith.index_cast %get3A_583 : i32 to index
          %get3A_587 = arith.index_cast %get3A_584 : i32 to index
          %get3A_588 = arith.constant 0 : index
          %get3A_589 = tpu.vector_load %arg5[%get3A_585, %get3A_586, %get3A_587, %get3A_588] {strides = array<i32>} : memref<3x8x1x128xf32, #tpu.memory_space<vmem>>, vector<16xf32>,
          %mul3A_590 = arith.mulf %get3A_573, %get3A_573 : vector<16xf32>
          %mul3A_591 = arith.mulf %get3A_581, %get3A_581 : vector<16xf32>
          %add3A_592 = arith.addf %mul3A_590, %mul3A_591 : vector<16xf32>
          %mul3A_593 = arith.mulf %get3A_589, %get3A_589 : vector<16xf32>
          %add3A_594 = arith.addf %add3A_592, %mul3A_593 : vector<16xf32>
          %get3A_595 = arith.constant 128 : index
          %get3A_596 = tpu.vector_load %arg6[%get3A_595] {strides = array<i32>} : memref<1024xf32, #tpu.memory_space<vmem>>, vector<16xf32>,
          %min3A_597 = arith.minimumf %add3A_594, %get3A_596 : vector<16xf32>
          %swap3A_598 = arith.constant 128 : index
          %swap3A_599 = tpu.vector_load %arg6[%swap3A_598] {strides = array<i32>} : memref<1024xf32, #tpu.memory_space<vmem>>, vector<16xf32>,
          tpu.vector_store %arg6[%swap3A_598], %min3A_597 {strides = array<i32>} : memref<1024xf32, #tpu.memory_space<vmem>>, vector<16xf32>,
          %gt3A_600 = arith.cmpf ogt, %min3A_597, %select_n3A_561 : vector<16xf32>
          %select_n3A_601 = arith.select %gt3A_600, %min3A_597, %select_n3A_561 : vector<16xi1>, vector<16xf32>
          %add3A_602 = arith.constant 128 : i32
          %add3A_603 = vector.broadcast %add3A_602 : i32 to vector<16xi32>
          %add3A_604 = arith.addi %iota3A, %add3A_603 : vector<16xi32>
          %select_n3A_605 = arith.select %gt3A_600, %add3A_604, %select_n3A_565 : vector<16xi1>, vector<16xi32>
          %get3A_606 = arith.constant 0 : i32
          %get3A_607 = arith.constant 1 : i32
          %get3A_608 = arith.constant 0 : i32
          %get3A_609 = arith.index_cast %get3A_606 : i32 to index
          %get3A_610 = arith.index_cast %get3A_607 : i32 to index
          %get3A_611 = arith.index_cast %get3A_608 : i32 to index
          %get3A_612 = arith.constant 16 : index
          %get3A_613 = tpu.vector_load %arg5[%get3A_609, %get3A_610, %get3A_611, %get3A_612] {strides = array<i32>} : memref<3x8x1x128xf32, #tpu.memory_space<vmem>>, vector<16xf32>,
          %get3A_614 = arith.constant 1 : i32
          %get3A_615 = arith.constant 1 : i32
          %get3A_616 = arith.constant 0 : i32
          %get3A_617 = arith.index_cast %get3A_614 : i32 to index
          %get3A_618 = arith.index_cast %get3A_615 : i32 to index
          %get3A_619 = arith.index_cast %get3A_616 : i32 to index
          %get3A_620 = arith.constant 16 : index
          %get3A_621 = tpu.vector_load %arg5[%get3A_617, %get3A_618, %get3A_619, %get3A_620] {strides = array<i32>} : memref<3x8x1x128xf32, #tpu.memory_space<vmem>>, vector<16xf32>,
          %get3A_622 = arith.constant 2 : i32
          %get3A_623 = arith.constant 1 : i32
          %get3A_624 = arith.constant 0 : i32
          %get3A_625 = arith.index_cast %get3A_622 : i32 to index
          %get3A_626 = arith.index_cast %get3A_623 : i32 to index
          %get3A_627 = arith.index_cast %get3A_624 : i32 to index
          %get3A_628 = arith.constant 16 : index
          %get3A_629 = tpu.vector_load %arg5[%get3A_625, %get3A_626, %get3A_627, %get3A_628] {strides = array<i32>} : memref<3x8x1x128xf32, #tpu.memory_space<vmem>>, vector<16xf32>,
          %mul3A_630 = arith.mulf %get3A_613, %get3A_613 : vector<16xf32>
          %mul3A_631 = arith.mulf %get3A_621, %get3A_621 : vector<16xf32>
          %add3A_632 = arith.addf %mul3A_630, %mul3A_631 : vector<16xf32>
          %mul3A_633 = arith.mulf %get3A_629, %get3A_629 : vector<16xf32>
          %add3A_634 = arith.addf %add3A_632, %mul3A_633 : vector<16xf32>
          %get3A_635 = arith.constant 144 : index
          %get3A_636 = tpu.vector_load %arg6[%get3A_635] {strides = array<i32>} : memref<1024xf32, #tpu.memory_space<vmem>>, vector<16xf32>,
          %min3A_637 = arith.minimumf %add3A_634, %get3A_636 : vector<16xf32>
          %swap3A_638 = arith.constant 144 : index
          %swap3A_639 = tpu.vector_load %arg6[%swap3A_638] {strides = array<i32>} : memref<1024xf32, #tpu.memory_space<vmem>>, vector<16xf32>,
          tpu.vector_store %arg6[%swap3A_638], %min3A_637 {strides = array<i32>} : memref<1024xf32, #tpu.memory_space<vmem>>, vector<16xf32>,
          %gt3A_640 = arith.cmpf ogt, %min3A_637, %select_n3A_601 : vector<16xf32>
          %select_n3A_641 = arith.select %gt3A_640, %min3A_637, %select_n3A_601 : vector<16xi1>, vector<16xf32>
          %add3A_642 = arith.constant 144 : i32
          %add3A_643 = vector.broadcast %add3A_642 : i32 to vector<16xi32>
          %add3A_644 = arith.addi %iota3A, %add3A_643 : vector<16xi32>
          %select_n3A_645 = arith.select %gt3A_640, %add3A_644, %select_n3A_605 : vector<16xi1>, vector<16xi32>
          %get3A_646 = arith.constant 0 : i32
          %get3A_647 = arith.constant 1 : i32
          %get3A_648 = arith.constant 0 : i32
          %get3A_649 = arith.index_cast %get3A_646 : i32 to index
          %get3A_650 = arith.index_cast %get3A_647 : i32 to index
          %get3A_651 = arith.index_cast %get3A_648 : i32 to index
          %get3A_652 = arith.constant 32 : index
          %get3A_653 = tpu.vector_load %arg5[%get3A_649, %get3A_650, %get3A_651, %get3A_652] {strides = array<i32>} : memref<3x8x1x128xf32, #tpu.memory_space<vmem>>, vector<16xf32>,
          %get3A_654 = arith.constant 1 : i32
          %get3A_655 = arith.constant 1 : i32
          %get3A_656 = arith.constant 0 : i32
          %get3A_657 = arith.index_cast %get3A_654 : i32 to index
          %get3A_658 = arith.index_cast %get3A_655 : i32 to index
          %get3A_659 = arith.index_cast %get3A_656 : i32 to index
          %get3A_660 = arith.constant 32 : index
          %get3A_661 = tpu.vector_load %arg5[%get3A_657, %get3A_658, %get3A_659, %get3A_660] {strides = array<i32>} : memref<3x8x1x128xf32, #tpu.memory_space<vmem>>, vector<16xf32>,
          %get3A_662 = arith.constant 2 : i32
          %get3A_663 = arith.constant 1 : i32
          %get3A_664 = arith.constant 0 : i32
          %get3A_665 = arith.index_cast %get3A_662 : i32 to index
          %get3A_666 = arith.index_cast %get3A_663 : i32 to index
          %get3A_667 = arith.index_cast %get3A_664 : i32 to index
          %get3A_668 = arith.constant 32 : index
          %get3A_669 = tpu.vector_load %arg5[%get3A_665, %get3A_666, %get3A_667, %get3A_668] {strides = array<i32>} : memref<3x8x1x128xf32, #tpu.memory_space<vmem>>, vector<16xf32>,
          %mul3A_670 = arith.mulf %get3A_653, %get3A_653 : vector<16xf32>
          %mul3A_671 = arith.mulf %get3A_661, %get3A_661 : vector<16xf32>
          %add3A_672 = arith.addf %mul3A_670, %mul3A_671 : vector<16xf32>
          %mul3A_673 = arith.mulf %get3A_669, %get3A_669 : vector<16xf32>
          %add3A_674 = arith.addf %add3A_672, %mul3A_673 : vector<16xf32>
          %get3A_675 = arith.constant 160 : index
          %get3A_676 = tpu.vector_load %arg6[%get3A_675] {strides = array<i32>} : memref<1024xf32, #tpu.memory_space<vmem>>, vector<16xf32>,
          %min3A_677 = arith.minimumf %add3A_674, %get3A_676 : vector<16xf32>
          %swap3A_678 = arith.constant 160 : index
          %swap3A_679 = tpu.vector_load %arg6[%swap3A_678] {strides = array<i32>} : memref<1024xf32, #tpu.memory_space<vmem>>, vector<16xf32>,
          tpu.vector_store %arg6[%swap3A_678], %min3A_677 {strides = array<i32>} : memref<1024xf32, #tpu.memory_space<vmem>>, vector<16xf32>,
          %gt3A_680 = arith.cmpf ogt, %min3A_677, %select_n3A_641 : vector<16xf32>
          %select_n3A_681 = arith.select %gt3A_680, %min3A_677, %select_n3A_641 : vector<16xi1>, vector<16xf32>
          %add3A_682 = arith.constant 160 : i32
          %add3A_683 = vector.broadcast %add3A_682 : i32 to vector<16xi32>
          %add3A_684 = arith.addi %iota3A, %add3A_683 : vector<16xi32>
          %select_n3A_685 = arith.select %gt3A_680, %add3A_684, %select_n3A_645 : vector<16xi1>, vector<16xi32>
          %get3A_686 = arith.constant 0 : i32
          %get3A_687 = arith.constant 1 : i32
          %get3A_688 = arith.constant 0 : i32
          %get3A_689 = arith.index_cast %get3A_686 : i32 to index
          %get3A_690 = arith.index_cast %get3A_687 : i32 to index
          %get3A_691 = arith.index_cast %get3A_688 : i32 to index
          %get3A_692 = arith.constant 48 : index
          %get3A_693 = tpu.vector_load %arg5[%get3A_689, %get3A_690, %get3A_691, %get3A_692] {strides = array<i32>} : memref<3x8x1x128xf32, #tpu.memory_space<vmem>>, vector<16xf32>,
          %get3A_694 = arith.constant 1 : i32
          %get3A_695 = arith.constant 1 : i32
          %get3A_696 = arith.constant 0 : i32
          %get3A_697 = arith.index_cast %get3A_694 : i32 to index
          %get3A_698 = arith.index_cast %get3A_695 : i32 to index
          %get3A_699 = arith.index_cast %get3A_696 : i32 to index
          %get3A_700 = arith.constant 48 : index
          %get3A_701 = tpu.vector_load %arg5[%get3A_697, %get3A_698, %get3A_699, %get3A_700] {strides = array<i32>} : memref<3x8x1x128xf32, #tpu.memory_space<vmem>>, vector<16xf32>,
          %get3A_702 = arith.constant 2 : i32
          %get3A_703 = arith.constant 1 : i32
          %get3A_704 = arith.constant 0 : i32
          %get3A_705 = arith.index_cast %get3A_702 : i32 to index
          %get3A_706 = arith.index_cast %get3A_703 : i32 to index
          %get3A_707 = arith.index_cast %get3A_704 : i32 to index
          %get3A_708 = arith.constant 48 : index
          %get3A_709 = tpu.vector_load %arg5[%get3A_705, %get3A_706, %get3A_707, %get3A_708] {strides = array<i32>} : memref<3x8x1x128xf32, #tpu.memory_space<vmem>>, vector<16xf32>,
          %mul3A_710 = arith.mulf %get3A_693, %get3A_693 : vector<16xf32>
          %mul3A_711 = arith.mulf %get3A_701, %get3A_701 : vector<16xf32>
          %add3A_712 = arith.addf %mul3A_710, %mul3A_711 : vector<16xf32>
          %mul3A_713 = arith.mulf %get3A_709, %get3A_709 : vector<16xf32>
          %add3A_714 = arith.addf %add3A_712, %mul3A_713 : vector<16xf32>
          %get3A_715 = arith.constant 176 : index
          %get3A_716 = tpu.vector_load %arg6[%get3A_715] {strides = array<i32>} : memref<1024xf32, #tpu.memory_space<vmem>>, vector<16xf32>,
          %min3A_717 = arith.minimumf %add3A_714, %get3A_716 : vector<16xf32>
          %swap3A_718 = arith.constant 176 : index
          %swap3A_719 = tpu.vector_load %arg6[%swap3A_718] {strides = array<i32>} : memref<1024xf32, #tpu.memory_space<vmem>>, vector<16xf32>,
          tpu.vector_store %arg6[%swap3A_718], %min3A_717 {strides = array<i32>} : memref<1024xf32, #tpu.memory_space<vmem>>, vector<16xf32>,
          %gt3A_720 = arith.cmpf ogt, %min3A_717, %select_n3A_681 : vector<16xf32>
          %select_n3A_721 = arith.select %gt3A_720, %min3A_717, %select_n3A_681 : vector<16xi1>, vector<16xf32>
          %add3A_722 = arith.constant 176 : i32
          %add3A_723 = vector.broadcast %add3A_722 : i32 to vector<16xi32>
          %add3A_724 = arith.addi %iota3A, %add3A_723 : vector<16xi32>
          %select_n3A_725 = arith.select %gt3A_720, %add3A_724, %select_n3A_685 : vector<16xi1>, vector<16xi32>
          %get3A_726 = arith.constant 0 : i32
          %get3A_727 = arith.constant 1 : i32
          %get3A_728 = arith.constant 0 : i32
          %get3A_729 = arith.index_cast %get3A_726 : i32 to index
          %get3A_730 = arith.index_cast %get3A_727 : i32 to index
          %get3A_731 = arith.index_cast %get3A_728 : i32 to index
          %get3A_732 = arith.constant 64 : index
          %get3A_733 = tpu.vector_load %arg5[%get3A_729, %get3A_730, %get3A_731, %get3A_732] {strides = array<i32>} : memref<3x8x1x128xf32, #tpu.memory_space<vmem>>, vector<16xf32>,
          %get3A_734 = arith.constant 1 : i32
          %get3A_735 = arith.constant 1 : i32
          %get3A_736 = arith.constant 0 : i32
          %get3A_737 = arith.index_cast %get3A_734 : i32 to index
          %get3A_738 = arith.index_cast %get3A_735 : i32 to index
          %get3A_739 = arith.index_cast %get3A_736 : i32 to index
          %get3A_740 = arith.constant 64 : index
          %get3A_741 = tpu.vector_load %arg5[%get3A_737, %get3A_738, %get3A_739, %get3A_740] {strides = array<i32>} : memref<3x8x1x128xf32, #tpu.memory_space<vmem>>, vector<16xf32>,
          %get3A_742 = arith.constant 2 : i32
          %get3A_743 = arith.constant 1 : i32
          %get3A_744 = arith.constant 0 : i32
          %get3A_745 = arith.index_cast %get3A_742 : i32 to index
          %get3A_746 = arith.index_cast %get3A_743 : i32 to index
          %get3A_747 = arith.index_cast %get3A_744 : i32 to index
          %get3A_748 = arith.constant 64 : index
          %get3A_749 = tpu.vector_load %arg5[%get3A_745, %get3A_746, %get3A_747, %get3A_748] {strides = array<i32>} : memref<3x8x1x128xf32, #tpu.memory_space<vmem>>, vector<16xf32>,
          %mul3A_750 = arith.mulf %get3A_733, %get3A_733 : vector<16xf32>
          %mul3A_751 = arith.mulf %get3A_741, %get3A_741 : vector<16xf32>
          %add3A_752 = arith.addf %mul3A_750, %mul3A_751 : vector<16xf32>
          %mul3A_753 = arith.mulf %get3A_749, %get3A_749 : vector<16xf32>
          %add3A_754 = arith.addf %add3A_752, %mul3A_753 : vector<16xf32>
          %get3A_755 = arith.constant 192 : index
          %get3A_756 = tpu.vector_load %arg6[%get3A_755] {strides = array<i32>} : memref<1024xf32, #tpu.memory_space<vmem>>, vector<16xf32>,
          %min3A_757 = arith.minimumf %add3A_754, %get3A_756 : vector<16xf32>
          %swap3A_758 = arith.constant 192 : index
          %swap3A_759 = tpu.vector_load %arg6[%swap3A_758] {strides = array<i32>} : memref<1024xf32, #tpu.memory_space<vmem>>, vector<16xf32>,
          tpu.vector_store %arg6[%swap3A_758], %min3A_757 {strides = array<i32>} : memref<1024xf32, #tpu.memory_space<vmem>>, vector<16xf32>,
          %gt3A_760 = arith.cmpf ogt, %min3A_757, %select_n3A_721 : vector<16xf32>
          %select_n3A_761 = arith.select %gt3A_760, %min3A_757, %select_n3A_721 : vector<16xi1>, vector<16xf32>
          %add3A_762 = arith.constant 192 : i32
          %add3A_763 = vector.broadcast %add3A_762 : i32 to vector<16xi32>
          %add3A_764 = arith.addi %iota3A, %add3A_763 : vector<16xi32>
          %select_n3A_765 = arith.select %gt3A_760, %add3A_764, %select_n3A_725 : vector<16xi1>, vector<16xi32>
          %get3A_766 = arith.constant 0 : i32
          %get3A_767 = arith.constant 1 : i32
          %get3A_768 = arith.constant 0 : i32
          %get3A_769 = arith.index_cast %get3A_766 : i32 to index
          %get3A_770 = arith.index_cast %get3A_767 : i32 to index
          %get3A_771 = arith.index_cast %get3A_768 : i32 to index
          %get3A_772 = arith.constant 80 : index
          %get3A_773 = tpu.vector_load %arg5[%get3A_769, %get3A_770, %get3A_771, %get3A_772] {strides = array<i32>} : memref<3x8x1x128xf32, #tpu.memory_space<vmem>>, vector<16xf32>,
          %get3A_774 = arith.constant 1 : i32
          %get3A_775 = arith.constant 1 : i32
          %get3A_776 = arith.constant 0 : i32
          %get3A_777 = arith.index_cast %get3A_774 : i32 to index
          %get3A_778 = arith.index_cast %get3A_775 : i32 to index
          %get3A_779 = arith.index_cast %get3A_776 : i32 to index
          %get3A_780 = arith.constant 80 : index
          %get3A_781 = tpu.vector_load %arg5[%get3A_777, %get3A_778, %get3A_779, %get3A_780] {strides = array<i32>} : memref<3x8x1x128xf32, #tpu.memory_space<vmem>>, vector<16xf32>,
          %get3A_782 = arith.constant 2 : i32
          %get3A_783 = arith.constant 1 : i32
          %get3A_784 = arith.constant 0 : i32
          %get3A_785 = arith.index_cast %get3A_782 : i32 to index
          %get3A_786 = arith.index_cast %get3A_783 : i32 to index
          %get3A_787 = arith.index_cast %get3A_784 : i32 to index
          %get3A_788 = arith.constant 80 : index
          %get3A_789 = tpu.vector_load %arg5[%get3A_785, %get3A_786, %get3A_787, %get3A_788] {strides = array<i32>} : memref<3x8x1x128xf32, #tpu.memory_space<vmem>>, vector<16xf32>,
          %mul3A_790 = arith.mulf %get3A_773, %get3A_773 : vector<16xf32>
          %mul3A_791 = arith.mulf %get3A_781, %get3A_781 : vector<16xf32>
          %add3A_792 = arith.addf %mul3A_790, %mul3A_791 : vector<16xf32>
          %mul3A_793 = arith.mulf %get3A_789, %get3A_789 : vector<16xf32>
          %add3A_794 = arith.addf %add3A_792, %mul3A_793 : vector<16xf32>
          %get3A_795 = arith.constant 208 : index
          %get3A_796 = tpu.vector_load %arg6[%get3A_795] {strides = array<i32>} : memref<1024xf32, #tpu.memory_space<vmem>>, vector<16xf32>,
          %min3A_797 = arith.minimumf %add3A_794, %get3A_796 : vector<16xf32>
          %swap3A_798 = arith.constant 208 : index
          %swap3A_799 = tpu.vector_load %arg6[%swap3A_798] {strides = array<i32>} : memref<1024xf32, #tpu.memory_space<vmem>>, vector<16xf32>,
          tpu.vector_store %arg6[%swap3A_798], %min3A_797 {strides = array<i32>} : memref<1024xf32, #tpu.memory_space<vmem>>, vector<16xf32>,
          %gt3A_800 = arith.cmpf ogt, %min3A_797, %select_n3A_761 : vector<16xf32>
          %select_n3A_801 = arith.select %gt3A_800, %min3A_797, %select_n3A_761 : vector<16xi1>, vector<16xf32>
          %add3A_802 = arith.constant 208 : i32
          %add3A_803 = vector.broadcast %add3A_802 : i32 to vector<16xi32>
          %add3A_804 = arith.addi %iota3A, %add3A_803 : vector<16xi32>
          %select_n3A_805 = arith.select %gt3A_800, %add3A_804, %select_n3A_765 : vector<16xi1>, vector<16xi32>
          %get3A_806 = arith.constant 0 : i32
          %get3A_807 = arith.constant 1 : i32
          %get3A_808 = arith.constant 0 : i32
          %get3A_809 = arith.index_cast %get3A_806 : i32 to index
          %get3A_810 = arith.index_cast %get3A_807 : i32 to index
          %get3A_811 = arith.index_cast %get3A_808 : i32 to index
          %get3A_812 = arith.constant 96 : index
          %get3A_813 = tpu.vector_load %arg5[%get3A_809, %get3A_810, %get3A_811, %get3A_812] {strides = array<i32>} : memref<3x8x1x128xf32, #tpu.memory_space<vmem>>, vector<16xf32>,
          %get3A_814 = arith.constant 1 : i32
          %get3A_815 = arith.constant 1 : i32
          %get3A_816 = arith.constant 0 : i32
          %get3A_817 = arith.index_cast %get3A_814 : i32 to index
          %get3A_818 = arith.index_cast %get3A_815 : i32 to index
          %get3A_819 = arith.index_cast %get3A_816 : i32 to index
          %get3A_820 = arith.constant 96 : index
          %get3A_821 = tpu.vector_load %arg5[%get3A_817, %get3A_818, %get3A_819, %get3A_820] {strides = array<i32>} : memref<3x8x1x128xf32, #tpu.memory_space<vmem>>, vector<16xf32>,
          %get3A_822 = arith.constant 2 : i32
          %get3A_823 = arith.constant 1 : i32
          %get3A_824 = arith.constant 0 : i32
          %get3A_825 = arith.index_cast %get3A_822 : i32 to index
          %get3A_826 = arith.index_cast %get3A_823 : i32 to index
          %get3A_827 = arith.index_cast %get3A_824 : i32 to index
          %get3A_828 = arith.constant 96 : index
          %get3A_829 = tpu.vector_load %arg5[%get3A_825, %get3A_826, %get3A_827, %get3A_828] {strides = array<i32>} : memref<3x8x1x128xf32, #tpu.memory_space<vmem>>, vector<16xf32>,
          %mul3A_830 = arith.mulf %get3A_813, %get3A_813 : vector<16xf32>
          %mul3A_831 = arith.mulf %get3A_821, %get3A_821 : vector<16xf32>
          %add3A_832 = arith.addf %mul3A_830, %mul3A_831 : vector<16xf32>
          %mul3A_833 = arith.mulf %get3A_829, %get3A_829 : vector<16xf32>
          %add3A_834 = arith.addf %add3A_832, %mul3A_833 : vector<16xf32>
          %get3A_835 = arith.constant 224 : index
          %get3A_836 = tpu.vector_load %arg6[%get3A_835] {strides = array<i32>} : memref<1024xf32, #tpu.memory_space<vmem>>, vector<16xf32>,
          %min3A_837 = arith.minimumf %add3A_834, %get3A_836 : vector<16xf32>
          %swap3A_838 = arith.constant 224 : index
          %swap3A_839 = tpu.vector_load %arg6[%swap3A_838] {strides = array<i32>} : memref<1024xf32, #tpu.memory_space<vmem>>, vector<16xf32>,
          tpu.vector_store %arg6[%swap3A_838], %min3A_837 {strides = array<i32>} : memref<1024xf32, #tpu.memory_space<vmem>>, vector<16xf32>,
          %gt3A_840 = arith.cmpf ogt, %min3A_837, %select_n3A_801 : vector<16xf32>
          %select_n3A_841 = arith.select %gt3A_840, %min3A_837, %select_n3A_801 : vector<16xi1>, vector<16xf32>
          %add3A_842 = arith.constant 224 : i32
          %add3A_843 = vector.broadcast %add3A_842 : i32 to vector<16xi32>
          %add3A_844 = arith.addi %iota3A, %add3A_843 : vector<16xi32>
          %select_n3A_845 = arith.select %gt3A_840, %add3A_844, %select_n3A_805 : vector<16xi1>, vector<16xi32>
          %get3A_846 = arith.constant 0 : i32
          %get3A_847 = arith.constant 1 : i32
          %get3A_848 = arith.constant 0 : i32
          %get3A_849 = arith.index_cast %get3A_846 : i32 to index
          %get3A_850 = arith.index_cast %get3A_847 : i32 to index
          %get3A_851 = arith.index_cast %get3A_848 : i32 to index
          %get3A_852 = arith.constant 112 : index
          %get3A_853 = tpu.vector_load %arg5[%get3A_849, %get3A_850, %get3A_851, %get3A_852] {strides = array<i32>} : memref<3x8x1x128xf32, #tpu.memory_space<vmem>>, vector<16xf32>,
          %get3A_854 = arith.constant 1 : i32
          %get3A_855 = arith.constant 1 : i32
          %get3A_856 = arith.constant 0 : i32
          %get3A_857 = arith.index_cast %get3A_854 : i32 to index
          %get3A_858 = arith.index_cast %get3A_855 : i32 to index
          %get3A_859 = arith.index_cast %get3A_856 : i32 to index
          %get3A_860 = arith.constant 112 : index
          %get3A_861 = tpu.vector_load %arg5[%get3A_857, %get3A_858, %get3A_859, %get3A_860] {strides = array<i32>} : memref<3x8x1x128xf32, #tpu.memory_space<vmem>>, vector<16xf32>,
          %get3A_862 = arith.constant 2 : i32
          %get3A_863 = arith.constant 1 : i32
          %get3A_864 = arith.constant 0 : i32
          %get3A_865 = arith.index_cast %get3A_862 : i32 to index
          %get3A_866 = arith.index_cast %get3A_863 : i32 to index
          %get3A_867 = arith.index_cast %get3A_864 : i32 to index
          %get3A_868 = arith.constant 112 : index
          %get3A_869 = tpu.vector_load %arg5[%get3A_865, %get3A_866, %get3A_867, %get3A_868] {strides = array<i32>} : memref<3x8x1x128xf32, #tpu.memory_space<vmem>>, vector<16xf32>,
          %mul3A_870 = arith.mulf %get3A_853, %get3A_853 : vector<16xf32>
          %mul3A_871 = arith.mulf %get3A_861, %get3A_861 : vector<16xf32>
          %add3A_872 = arith.addf %mul3A_870, %mul3A_871 : vector<16xf32>
          %mul3A_873 = arith.mulf %get3A_869, %get3A_869 : vector<16xf32>
          %add3A_874 = arith.addf %add3A_872, %mul3A_873 : vector<16xf32>
          %get3A_875 = arith.constant 240 : index
          %get3A_876 = tpu.vector_load %arg6[%get3A_875] {strides = array<i32>} : memref<1024xf32, #tpu.memory_space<vmem>>, vector<16xf32>,
          %min3A_877 = arith.minimumf %add3A_874, %get3A_876 : vector<16xf32>
          %swap3A_878 = arith.constant 240 : index
          %swap3A_879 = tpu.vector_load %arg6[%swap3A_878] {strides = array<i32>} : memref<1024xf32, #tpu.memory_space<vmem>>, vector<16xf32>,
          tpu.vector_store %arg6[%swap3A_878], %min3A_877 {strides = array<i32>} : memref<1024xf32, #tpu.memory_space<vmem>>, vector<16xf32>,
          %gt3A_880 = arith.cmpf ogt, %min3A_877, %select_n3A_841 : vector<16xf32>
          %select_n3A_881 = arith.select %gt3A_880, %min3A_877, %select_n3A_841 : vector<16xi1>, vector<16xf32>
          %add3A_882 = arith.constant 240 : i32
          %add3A_883 = vector.broadcast %add3A_882 : i32 to vector<16xi32>
          %add3A_884 = arith.addi %iota3A, %add3A_883 : vector<16xi32>
          %select_n3A_885 = arith.select %gt3A_880, %add3A_884, %select_n3A_845 : vector<16xi1>, vector<16xi32>
          %get3A_886 = arith.constant 0 : i32
          %get3A_887 = arith.constant 2 : i32
          %get3A_888 = arith.constant 0 : i32
          %get3A_889 = arith.index_cast %get3A_886 : i32 to index
          %get3A_890 = arith.index_cast %get3A_887 : i32 to index
          %get3A_891 = arith.index_cast %get3A_888 : i32 to index
          %get3A_892 = arith.constant 0 : index
          %get3A_893 = tpu.vector_load %arg5[%get3A_889, %get3A_890, %get3A_891, %get3A_892] {strides = array<i32>} : memref<3x8x1x128xf32, #tpu.memory_space<vmem>>, vector<16xf32>,
          %get3A_894 = arith.constant 1 : i32
          %get3A_895 = arith.constant 2 : i32
          %get3A_896 = arith.constant 0 : i32
          %get3A_897 = arith.index_cast %get3A_894 : i32 to index
          %get3A_898 = arith.index_cast %get3A_895 : i32 to index
          %get3A_899 = arith.index_cast %get3A_896 : i32 to index
          %get3A_900 = arith.constant 0 : index
          %get3A_901 = tpu.vector_load %arg5[%get3A_897, %get3A_898, %get3A_899, %get3A_900] {strides = array<i32>} : memref<3x8x1x128xf32, #tpu.memory_space<vmem>>, vector<16xf32>,
          %get3A_902 = arith.constant 2 : i32
          %get3A_903 = arith.constant 2 : i32
          %get3A_904 = arith.constant 0 : i32
          %get3A_905 = arith.index_cast %get3A_902 : i32 to index
          %get3A_906 = arith.index_cast %get3A_903 : i32 to index
          %get3A_907 = arith.index_cast %get3A_904 : i32 to index
          %get3A_908 = arith.constant 0 : index
          %get3A_909 = tpu.vector_load %arg5[%get3A_905, %get3A_906, %get3A_907, %get3A_908] {strides = array<i32>} : memref<3x8x1x128xf32, #tpu.memory_space<vmem>>, vector<16xf32>,
          %mul3A_910 = arith.mulf %get3A_893, %get3A_893 : vector<16xf32>
          %mul3A_911 = arith.mulf %get3A_901, %get3A_901 : vector<16xf32>
          %add3A_912 = arith.addf %mul3A_910, %mul3A_911 : vector<16xf32>
          %mul3A_913 = arith.mulf %get3A_909, %get3A_909 : vector<16xf32>
          %add3A_914 = arith.addf %add3A_912, %mul3A_913 : vector<16xf32>
          %get3A_915 = arith.constant 256 : index
          %get3A_916 = tpu.vector_load %arg6[%get3A_915] {strides = array<i32>} : memref<1024xf32, #tpu.memory_space<vmem>>, vector<16xf32>,
          %min3A_917 = arith.minimumf %add3A_914, %get3A_916 : vector<16xf32>
          %swap3A_918 = arith.constant 256 : index
          %swap3A_919 = tpu.vector_load %arg6[%swap3A_918] {strides = array<i32>} : memref<1024xf32, #tpu.memory_space<vmem>>, vector<16xf32>,
          tpu.vector_store %arg6[%swap3A_918], %min3A_917 {strides = array<i32>} : memref<1024xf32, #tpu.memory_space<vmem>>, vector<16xf32>,
          %gt3A_920 = arith.cmpf ogt, %min3A_917, %select_n3A_881 : vector<16xf32>
          %select_n3A_921 = arith.select %gt3A_920, %min3A_917, %select_n3A_881 : vector<16xi1>, vector<16xf32>
          %add3A_922 = arith.constant 256 : i32
          %add3A_923 = vector.broadcast %add3A_922 : i32 to vector<16xi32>
          %add3A_924 = arith.addi %iota3A, %add3A_923 : vector<16xi32>
          %select_n3A_925 = arith.select %gt3A_920, %add3A_924, %select_n3A_885 : vector<16xi1>, vector<16xi32>
          %get3A_926 = arith.constant 0 : i32
          %get3A_927 = arith.constant 2 : i32
          %get3A_928 = arith.constant 0 : i32
          %get3A_929 = arith.index_cast %get3A_926 : i32 to index
          %get3A_930 = arith.index_cast %get3A_927 : i32 to index
          %get3A_931 = arith.index_cast %get3A_928 : i32 to index
          %get3A_932 = arith.constant 16 : index
          %get3A_933 = tpu.vector_load %arg5[%get3A_929, %get3A_930, %get3A_931, %get3A_932] {strides = array<i32>} : memref<3x8x1x128xf32, #tpu.memory_space<vmem>>, vector<16xf32>,
          %get3A_934 = arith.constant 1 : i32
          %get3A_935 = arith.constant 2 : i32
          %get3A_936 = arith.constant 0 : i32
          %get3A_937 = arith.index_cast %get3A_934 : i32 to index
          %get3A_938 = arith.index_cast %get3A_935 : i32 to index
          %get3A_939 = arith.index_cast %get3A_936 : i32 to index
          %get3A_940 = arith.constant 16 : index
          %get3A_941 = tpu.vector_load %arg5[%get3A_937, %get3A_938, %get3A_939, %get3A_940] {strides = array<i32>} : memref<3x8x1x128xf32, #tpu.memory_space<vmem>>, vector<16xf32>,
          %get3A_942 = arith.constant 2 : i32
          %get3A_943 = arith.constant 2 : i32
          %get3A_944 = arith.constant 0 : i32
          %get3A_945 = arith.index_cast %get3A_942 : i32 to index
          %get3A_946 = arith.index_cast %get3A_943 : i32 to index
          %get3A_947 = arith.index_cast %get3A_944 : i32 to index
          %get3A_948 = arith.constant 16 : index
          %get3A_949 = tpu.vector_load %arg5[%get3A_945, %get3A_946, %get3A_947, %get3A_948] {strides = array<i32>} : memref<3x8x1x128xf32, #tpu.memory_space<vmem>>, vector<16xf32>,
          %mul3A_950 = arith.mulf %get3A_933, %get3A_933 : vector<16xf32>
          %mul3A_951 = arith.mulf %get3A_941, %get3A_941 : vector<16xf32>
          %add3A_952 = arith.addf %mul3A_950, %mul3A_951 : vector<16xf32>
          %mul3A_953 = arith.mulf %get3A_949, %get3A_949 : vector<16xf32>
          %add3A_954 = arith.addf %add3A_952, %mul3A_953 : vector<16xf32>
          %get3A_955 = arith.constant 272 : index
          %get3A_956 = tpu.vector_load %arg6[%get3A_955] {strides = array<i32>} : memref<1024xf32, #tpu.memory_space<vmem>>, vector<16xf32>,
          %min3A_957 = arith.minimumf %add3A_954, %get3A_956 : vector<16xf32>
          %swap3A_958 = arith.constant 272 : index
          %swap3A_959 = tpu.vector_load %arg6[%swap3A_958] {strides = array<i32>} : memref<1024xf32, #tpu.memory_space<vmem>>, vector<16xf32>,
          tpu.vector_store %arg6[%swap3A_958], %min3A_957 {strides = array<i32>} : memref<1024xf32, #tpu.memory_space<vmem>>, vector<16xf32>,
          %gt3A_960 = arith.cmpf ogt, %min3A_957, %select_n3A_921 : vector<16xf32>
          %select_n3A_961 = arith.select %gt3A_960, %min3A_957, %select_n3A_921 : vector<16xi1>, vector<16xf32>
          %add3A_962 = arith.constant 272 : i32
          %add3A_963 = vector.broadcast %add3A_962 : i32 to vector<16xi32>
          %add3A_964 = arith.addi %iota3A, %add3A_963 : vector<16xi32>
          %select_n3A_965 = arith.select %gt3A_960, %add3A_964, %select_n3A_925 : vector<16xi1>, vector<16xi32>
          %get3A_966 = arith.constant 0 : i32
          %get3A_967 = arith.constant 2 : i32
          %get3A_968 = arith.constant 0 : i32
          %get3A_969 = arith.index_cast %get3A_966 : i32 to index
          %get3A_970 = arith.index_cast %get3A_967 : i32 to index
          %get3A_971 = arith.index_cast %get3A_968 : i32 to index
          %get3A_972 = arith.constant 32 : index
          %get3A_973 = tpu.vector_load %arg5[%get3A_969, %get3A_970, %get3A_971, %get3A_972] {strides = array<i32>} : memref<3x8x1x128xf32, #tpu.memory_space<vmem>>, vector<16xf32>,
          %get3A_974 = arith.constant 1 : i32
          %get3A_975 = arith.constant 2 : i32
          %get3A_976 = arith.constant 0 : i32
          %get3A_977 = arith.index_cast %get3A_974 : i32 to index
          %get3A_978 = arith.index_cast %get3A_975 : i32 to index
          %get3A_979 = arith.index_cast %get3A_976 : i32 to index
          %get3A_980 = arith.constant 32 : index
          %get3A_981 = tpu.vector_load %arg5[%get3A_977, %get3A_978, %get3A_979, %get3A_980] {strides = array<i32>} : memref<3x8x1x128xf32, #tpu.memory_space<vmem>>, vector<16xf32>,
          %get3A_982 = arith.constant 2 : i32
          %get3A_983 = arith.constant 2 : i32
          %get3A_984 = arith.constant 0 : i32
          %get3A_985 = arith.index_cast %get3A_982 : i32 to index
          %get3A_986 = arith.index_cast %get3A_983 : i32 to index
          %get3A_987 = arith.index_cast %get3A_984 : i32 to index
          %get3A_988 = arith.constant 32 : index
          %get3A_989 = tpu.vector_load %arg5[%get3A_985, %get3A_986, %get3A_987, %get3A_988] {strides = array<i32>} : memref<3x8x1x128xf32, #tpu.memory_space<vmem>>, vector<16xf32>,
          %mul3A_990 = arith.mulf %get3A_973, %get3A_973 : vector<16xf32>
          %mul3A_991 = arith.mulf %get3A_981, %get3A_981 : vector<16xf32>
          %add3A_992 = arith.addf %mul3A_990, %mul3A_991 : vector<16xf32>
          %mul3A_993 = arith.mulf %get3A_989, %get3A_989 : vector<16xf32>
          %add3A_994 = arith.addf %add3A_992, %mul3A_993 : vector<16xf32>
          %get3A_995 = arith.constant 288 : index
          %get3A_996 = tpu.vector_load %arg6[%get3A_995] {strides = array<i32>} : memref<1024xf32, #tpu.memory_space<vmem>>, vector<16xf32>,
          %min3A_997 = arith.minimumf %add3A_994, %get3A_996 : vector<16xf32>
          %swap3A_998 = arith.constant 288 : index
          %swap3A_999 = tpu.vector_load %arg6[%swap3A_998] {strides = array<i32>} : memref<1024xf32, #tpu.memory_space<vmem>>, vector<16xf32>,
          tpu.vector_store %arg6[%swap3A_998], %min3A_997 {strides = array<i32>} : memref<1024xf32, #tpu.memory_space<vmem>>, vector<16xf32>,
          %gt3A_1000 = arith.cmpf ogt, %min3A_997, %select_n3A_961 : vector<16xf32>
          %select_n3A_1001 = arith.select %gt3A_1000, %min3A_997, %select_n3A_961 : vector<16xi1>, vector<16xf32>
          %add3A_1002 = arith.constant 288 : i32
          %add3A_1003 = vector.broadcast %add3A_1002 : i32 to vector<16xi32>
          %add3A_1004 = arith.addi %iota3A, %add3A_1003 : vector<16xi32>
          %select_n3A_1005 = arith.select %gt3A_1000, %add3A_1004, %select_n3A_965 : vector<16xi1>, vector<16xi32>
          %get3A_1006 = arith.constant 0 : i32
          %get3A_1007 = arith.constant 2 : i32
          %get3A_1008 = arith.constant 0 : i32
          %get3A_1009 = arith.index_cast %get3A_1006 : i32 to index
          %get3A_1010 = arith.index_cast %get3A_1007 : i32 to index
          %get3A_1011 = arith.index_cast %get3A_1008 : i32 to index
          %get3A_1012 = arith.constant 48 : index
          %get3A_1013 = tpu.vector_load %arg5[%get3A_1009, %get3A_1010, %get3A_1011, %get3A_1012] {strides = array<i32>} : memref<3x8x1x128xf32, #tpu.memory_space<vmem>>, vector<16xf32>,
          %get3A_1014 = arith.constant 1 : i32
          %get3A_1015 = arith.constant 2 : i32
          %get3A_1016 = arith.constant 0 : i32
          %get3A_1017 = arith.index_cast %get3A_1014 : i32 to index
          %get3A_1018 = arith.index_cast %get3A_1015 : i32 to index
          %get3A_1019 = arith.index_cast %get3A_1016 : i32 to index
          %get3A_1020 = arith.constant 48 : index
          %get3A_1021 = tpu.vector_load %arg5[%get3A_1017, %get3A_1018, %get3A_1019, %get3A_1020] {strides = array<i32>} : memref<3x8x1x128xf32, #tpu.memory_space<vmem>>, vector<16xf32>,
          %get3A_1022 = arith.constant 2 : i32
          %get3A_1023 = arith.constant 2 : i32
          %get3A_1024 = arith.constant 0 : i32
          %get3A_1025 = arith.index_cast %get3A_1022 : i32 to index
          %get3A_1026 = arith.index_cast %get3A_1023 : i32 to index
          %get3A_1027 = arith.index_cast %get3A_1024 : i32 to index
          %get3A_1028 = arith.constant 48 : index
          %get3A_1029 = tpu.vector_load %arg5[%get3A_1025, %get3A_1026, %get3A_1027, %get3A_1028] {strides = array<i32>} : memref<3x8x1x128xf32, #tpu.memory_space<vmem>>, vector<16xf32>,
          %mul3A_1030 = arith.mulf %get3A_1013, %get3A_1013 : vector<16xf32>
          %mul3A_1031 = arith.mulf %get3A_1021, %get3A_1021 : vector<16xf32>
          %add3A_1032 = arith.addf %mul3A_1030, %mul3A_1031 : vector<16xf32>
          %mul3A_1033 = arith.mulf %get3A_1029, %get3A_1029 : vector<16xf32>
          %add3A_1034 = arith.addf %add3A_1032, %mul3A_1033 : vector<16xf32>
          %get3A_1035 = arith.constant 304 : index
          %get3A_1036 = tpu.vector_load %arg6[%get3A_1035] {strides = array<i32>} : memref<1024xf32, #tpu.memory_space<vmem>>, vector<16xf32>,
          %min3A_1037 = arith.minimumf %add3A_1034, %get3A_1036 : vector<16xf32>
          %swap3A_1038 = arith.constant 304 : index
          %swap3A_1039 = tpu.vector_load %arg6[%swap3A_1038] {strides = array<i32>} : memref<1024xf32, #tpu.memory_space<vmem>>, vector<16xf32>,
          tpu.vector_store %arg6[%swap3A_1038], %min3A_1037 {strides = array<i32>} : memref<1024xf32, #tpu.memory_space<vmem>>, vector<16xf32>,
          %gt3A_1040 = arith.cmpf ogt, %min3A_1037, %select_n3A_1001 : vector<16xf32>
          %select_n3A_1041 = arith.select %gt3A_1040, %min3A_1037, %select_n3A_1001 : vector<16xi1>, vector<16xf32>
          %add3A_1042 = arith.constant 304 : i32
          %add3A_1043 = vector.broadcast %add3A_1042 : i32 to vector<16xi32>
          %add3A_1044 = arith.addi %iota3A, %add3A_1043 : vector<16xi32>
          %select_n3A_1045 = arith.select %gt3A_1040, %add3A_1044, %select_n3A_1005 : vector<16xi1>, vector<16xi32>
          %get3A_1046 = arith.constant 0 : i32
          %get3A_1047 = arith.constant 2 : i32
          %get3A_1048 = arith.constant 0 : i32
          %get3A_1049 = arith.index_cast %get3A_1046 : i32 to index
          %get3A_1050 = arith.index_cast %get3A_1047 : i32 to index
          %get3A_1051 = arith.index_cast %get3A_1048 : i32 to index
          %get3A_1052 = arith.constant 64 : index
          %get3A_1053 = tpu.vector_load %arg5[%get3A_1049, %get3A_1050, %get3A_1051, %get3A_1052] {strides = array<i32>} : memref<3x8x1x128xf32, #tpu.memory_space<vmem>>, vector<16xf32>,
          %get3A_1054 = arith.constant 1 : i32
          %get3A_1055 = arith.constant 2 : i32
          %get3A_1056 = arith.constant 0 : i32
          %get3A_1057 = arith.index_cast %get3A_1054 : i32 to index
          %get3A_1058 = arith.index_cast %get3A_1055 : i32 to index
          %get3A_1059 = arith.index_cast %get3A_1056 : i32 to index
          %get3A_1060 = arith.constant 64 : index
          %get3A_1061 = tpu.vector_load %arg5[%get3A_1057, %get3A_1058, %get3A_1059, %get3A_1060] {strides = array<i32>} : memref<3x8x1x128xf32, #tpu.memory_space<vmem>>, vector<16xf32>,
          %get3A_1062 = arith.constant 2 : i32
          %get3A_1063 = arith.constant 2 : i32
          %get3A_1064 = arith.constant 0 : i32
          %get3A_1065 = arith.index_cast %get3A_1062 : i32 to index
          %get3A_1066 = arith.index_cast %get3A_1063 : i32 to index
          %get3A_1067 = arith.index_cast %get3A_1064 : i32 to index
          %get3A_1068 = arith.constant 64 : index
          %get3A_1069 = tpu.vector_load %arg5[%get3A_1065, %get3A_1066, %get3A_1067, %get3A_1068] {strides = array<i32>} : memref<3x8x1x128xf32, #tpu.memory_space<vmem>>, vector<16xf32>,
          %mul3A_1070 = arith.mulf %get3A_1053, %get3A_1053 : vector<16xf32>
          %mul3A_1071 = arith.mulf %get3A_1061, %get3A_1061 : vector<16xf32>
          %add3A_1072 = arith.addf %mul3A_1070, %mul3A_1071 : vector<16xf32>
          %mul3A_1073 = arith.mulf %get3A_1069, %get3A_1069 : vector<16xf32>
          %add3A_1074 = arith.addf %add3A_1072, %mul3A_1073 : vector<16xf32>
          %get3A_1075 = arith.constant 320 : index
          %get3A_1076 = tpu.vector_load %arg6[%get3A_1075] {strides = array<i32>} : memref<1024xf32, #tpu.memory_space<vmem>>, vector<16xf32>,
          %min3A_1077 = arith.minimumf %add3A_1074, %get3A_1076 : vector<16xf32>
          %swap3A_1078 = arith.constant 320 : index
          %swap3A_1079 = tpu.vector_load %arg6[%swap3A_1078] {strides = array<i32>} : memref<1024xf32, #tpu.memory_space<vmem>>, vector<16xf32>,
          tpu.vector_store %arg6[%swap3A_1078], %min3A_1077 {strides = array<i32>} : memref<1024xf32, #tpu.memory_space<vmem>>, vector<16xf32>,
          %gt3A_1080 = arith.cmpf ogt, %min3A_1077, %select_n3A_1041 : vector<16xf32>
          %select_n3A_1081 = arith.select %gt3A_1080, %min3A_1077, %select_n3A_1041 : vector<16xi1>, vector<16xf32>
          %add3A_1082 = arith.constant 320 : i32
          %add3A_1083 = vector.broadcast %add3A_1082 : i32 to vector<16xi32>
          %add3A_1084 = arith.addi %iota3A, %add3A_1083 : vector<16xi32>
          %select_n3A_1085 = arith.select %gt3A_1080, %add3A_1084, %select_n3A_1045 : vector<16xi1>, vector<16xi32>
          %get3A_1086 = arith.constant 0 : i32
          %get3A_1087 = arith.constant 2 : i32
          %get3A_1088 = arith.constant 0 : i32
          %get3A_1089 = arith.index_cast %get3A_1086 : i32 to index
          %get3A_1090 = arith.index_cast %get3A_1087 : i32 to index
          %get3A_1091 = arith.index_cast %get3A_1088 : i32 to index
          %get3A_1092 = arith.constant 80 : index
          %get3A_1093 = tpu.vector_load %arg5[%get3A_1089, %get3A_1090, %get3A_1091, %get3A_1092] {strides = array<i32>} : memref<3x8x1x128xf32, #tpu.memory_space<vmem>>, vector<16xf32>,
          %get3A_1094 = arith.constant 1 : i32
          %get3A_1095 = arith.constant 2 : i32
          %get3A_1096 = arith.constant 0 : i32
          %get3A_1097 = arith.index_cast %get3A_1094 : i32 to index
          %get3A_1098 = arith.index_cast %get3A_1095 : i32 to index
          %get3A_1099 = arith.index_cast %get3A_1096 : i32 to index
          %get3A_1100 = arith.constant 80 : index
          %get3A_1101 = tpu.vector_load %arg5[%get3A_1097, %get3A_1098, %get3A_1099, %get3A_1100] {strides = array<i32>} : memref<3x8x1x128xf32, #tpu.memory_space<vmem>>, vector<16xf32>,
          %get3A_1102 = arith.constant 2 : i32
          %get3A_1103 = arith.constant 2 : i32
          %get3A_1104 = arith.constant 0 : i32
          %get3A_1105 = arith.index_cast %get3A_1102 : i32 to index
          %get3A_1106 = arith.index_cast %get3A_1103 : i32 to index
          %get3A_1107 = arith.index_cast %get3A_1104 : i32 to index
          %get3A_1108 = arith.constant 80 : index
          %get3A_1109 = tpu.vector_load %arg5[%get3A_1105, %get3A_1106, %get3A_1107, %get3A_1108] {strides = array<i32>} : memref<3x8x1x128xf32, #tpu.memory_space<vmem>>, vector<16xf32>,
          %mul3A_1110 = arith.mulf %get3A_1093, %get3A_1093 : vector<16xf32>
          %mul3A_1111 = arith.mulf %get3A_1101, %get3A_1101 : vector<16xf32>
          %add3A_1112 = arith.addf %mul3A_1110, %mul3A_1111 : vector<16xf32>
          %mul3A_1113 = arith.mulf %get3A_1109, %get3A_1109 : vector<16xf32>
          %add3A_1114 = arith.addf %add3A_1112, %mul3A_1113 : vector<16xf32>
          %get3A_1115 = arith.constant 336 : index
          %get3A_1116 = tpu.vector_load %arg6[%get3A_1115] {strides = array<i32>} : memref<1024xf32, #tpu.memory_space<vmem>>, vector<16xf32>,
          %min3A_1117 = arith.minimumf %add3A_1114, %get3A_1116 : vector<16xf32>
          %swap3A_1118 = arith.constant 336 : index
          %swap3A_1119 = tpu.vector_load %arg6[%swap3A_1118] {strides = array<i32>} : memref<1024xf32, #tpu.memory_space<vmem>>, vector<16xf32>,
          tpu.vector_store %arg6[%swap3A_1118], %min3A_1117 {strides = array<i32>} : memref<1024xf32, #tpu.memory_space<vmem>>, vector<16xf32>,
          %gt3A_1120 = arith.cmpf ogt, %min3A_1117, %select_n3A_1081 : vector<16xf32>
          %select_n3A_1121 = arith.select %gt3A_1120, %min3A_1117, %select_n3A_1081 : vector<16xi1>, vector<16xf32>
          %add3A_1122 = arith.constant 336 : i32
          %add3A_1123 = vector.broadcast %add3A_1122 : i32 to vector<16xi32>
          %add3A_1124 = arith.addi %iota3A, %add3A_1123 : vector<16xi32>
          %select_n3A_1125 = arith.select %gt3A_1120, %add3A_1124, %select_n3A_1085 : vector<16xi1>, vector<16xi32>
          %get3A_1126 = arith.constant 0 : i32
          %get3A_1127 = arith.constant 2 : i32
          %get3A_1128 = arith.constant 0 : i32
          %get3A_1129 = arith.index_cast %get3A_1126 : i32 to index
          %get3A_1130 = arith.index_cast %get3A_1127 : i32 to index
          %get3A_1131 = arith.index_cast %get3A_1128 : i32 to index
          %get3A_1132 = arith.constant 96 : index
          %get3A_1133 = tpu.vector_load %arg5[%get3A_1129, %get3A_1130, %get3A_1131, %get3A_1132] {strides = array<i32>} : memref<3x8x1x128xf32, #tpu.memory_space<vmem>>, vector<16xf32>,
          %get3A_1134 = arith.constant 1 : i32
          %get3A_1135 = arith.constant 2 : i32
          %get3A_1136 = arith.constant 0 : i32
          %get3A_1137 = arith.index_cast %get3A_1134 : i32 to index
          %get3A_1138 = arith.index_cast %get3A_1135 : i32 to index
          %get3A_1139 = arith.index_cast %get3A_1136 : i32 to index
          %get3A_1140 = arith.constant 96 : index
          %get3A_1141 = tpu.vector_load %arg5[%get3A_1137, %get3A_1138, %get3A_1139, %get3A_1140] {strides = array<i32>} : memref<3x8x1x128xf32, #tpu.memory_space<vmem>>, vector<16xf32>,
          %get3A_1142 = arith.constant 2 : i32
          %get3A_1143 = arith.constant 2 : i32
          %get3A_1144 = arith.constant 0 : i32
          %get3A_1145 = arith.index_cast %get3A_1142 : i32 to index
          %get3A_1146 = arith.index_cast %get3A_1143 : i32 to index
          %get3A_1147 = arith.index_cast %get3A_1144 : i32 to index
          %get3A_1148 = arith.constant 96 : index
          %get3A_1149 = tpu.vector_load %arg5[%get3A_1145, %get3A_1146, %get3A_1147, %get3A_1148] {strides = array<i32>} : memref<3x8x1x128xf32, #tpu.memory_space<vmem>>, vector<16xf32>,
          %mul3A_1150 = arith.mulf %get3A_1133, %get3A_1133 : vector<16xf32>
          %mul3A_1151 = arith.mulf %get3A_1141, %get3A_1141 : vector<16xf32>
          %add3A_1152 = arith.addf %mul3A_1150, %mul3A_1151 : vector<16xf32>
          %mul3A_1153 = arith.mulf %get3A_1149, %get3A_1149 : vector<16xf32>
          %add3A_1154 = arith.addf %add3A_1152, %mul3A_1153 : vector<16xf32>
          %get3A_1155 = arith.constant 352 : index
          %get3A_1156 = tpu.vector_load %arg6[%get3A_1155] {strides = array<i32>} : memref<1024xf32, #tpu.memory_space<vmem>>, vector<16xf32>,
          %min3A_1157 = arith.minimumf %add3A_1154, %get3A_1156 : vector<16xf32>
          %swap3A_1158 = arith.constant 352 : index
          %swap3A_1159 = tpu.vector_load %arg6[%swap3A_1158] {strides = array<i32>} : memref<1024xf32, #tpu.memory_space<vmem>>, vector<16xf32>,
          tpu.vector_store %arg6[%swap3A_1158], %min3A_1157 {strides = array<i32>} : memref<1024xf32, #tpu.memory_space<vmem>>, vector<16xf32>,
          %gt3A_1160 = arith.cmpf ogt, %min3A_1157, %select_n3A_1121 : vector<16xf32>
          %select_n3A_1161 = arith.select %gt3A_1160, %min3A_1157, %select_n3A_1121 : vector<16xi1>, vector<16xf32>
          %add3A_1162 = arith.constant 352 : i32
          %add3A_1163 = vector.broadcast %add3A_1162 : i32 to vector<16xi32>
          %add3A_1164 = arith.addi %iota3A, %add3A_1163 : vector<16xi32>
          %select_n3A_1165 = arith.select %gt3A_1160, %add3A_1164, %select_n3A_1125 : vector<16xi1>, vector<16xi32>
          %get3A_1166 = arith.constant 0 : i32
          %get3A_1167 = arith.constant 2 : i32
          %get3A_1168 = arith.constant 0 : i32
          %get3A_1169 = arith.index_cast %get3A_1166 : i32 to index
          %get3A_1170 = arith.index_cast %get3A_1167 : i32 to index
          %get3A_1171 = arith.index_cast %get3A_1168 : i32 to index
          %get3A_1172 = arith.constant 112 : index
          %get3A_1173 = tpu.vector_load %arg5[%get3A_1169, %get3A_1170, %get3A_1171, %get3A_1172] {strides = array<i32>} : memref<3x8x1x128xf32, #tpu.memory_space<vmem>>, vector<16xf32>,
          %get3A_1174 = arith.constant 1 : i32
          %get3A_1175 = arith.constant 2 : i32
          %get3A_1176 = arith.constant 0 : i32
          %get3A_1177 = arith.index_cast %get3A_1174 : i32 to index
          %get3A_1178 = arith.index_cast %get3A_1175 : i32 to index
          %get3A_1179 = arith.index_cast %get3A_1176 : i32 to index
          %get3A_1180 = arith.constant 112 : index
          %get3A_1181 = tpu.vector_load %arg5[%get3A_1177, %get3A_1178, %get3A_1179, %get3A_1180] {strides = array<i32>} : memref<3x8x1x128xf32, #tpu.memory_space<vmem>>, vector<16xf32>,
          %get3A_1182 = arith.constant 2 : i32
          %get3A_1183 = arith.constant 2 : i32
          %get3A_1184 = arith.constant 0 : i32
          %get3A_1185 = arith.index_cast %get3A_1182 : i32 to index
          %get3A_1186 = arith.index_cast %get3A_1183 : i32 to index
          %get3A_1187 = arith.index_cast %get3A_1184 : i32 to index
          %get3A_1188 = arith.constant 112 : index
          %get3A_1189 = tpu.vector_load %arg5[%get3A_1185, %get3A_1186, %get3A_1187, %get3A_1188] {strides = array<i32>} : memref<3x8x1x128xf32, #tpu.memory_space<vmem>>, vector<16xf32>,
          %mul3A_1190 = arith.mulf %get3A_1173, %get3A_1173 : vector<16xf32>
          %mul3A_1191 = arith.mulf %get3A_1181, %get3A_1181 : vector<16xf32>
          %add3A_1192 = arith.addf %mul3A_1190, %mul3A_1191 : vector<16xf32>
          %mul3A_1193 = arith.mulf %get3A_1189, %get3A_1189 : vector<16xf32>
          %add3A_1194 = arith.addf %add3A_1192, %mul3A_1193 : vector<16xf32>
          %get3A_1195 = arith.constant 368 : index
          %get3A_1196 = tpu.vector_load %arg6[%get3A_1195] {strides = array<i32>} : memref<1024xf32, #tpu.memory_space<vmem>>, vector<16xf32>,
          %min3A_1197 = arith.minimumf %add3A_1194, %get3A_1196 : vector<16xf32>
          %swap3A_1198 = arith.constant 368 : index
          %swap3A_1199 = tpu.vector_load %arg6[%swap3A_1198] {strides = array<i32>} : memref<1024xf32, #tpu.memory_space<vmem>>, vector<16xf32>,
          tpu.vector_store %arg6[%swap3A_1198], %min3A_1197 {strides = array<i32>} : memref<1024xf32, #tpu.memory_space<vmem>>, vector<16xf32>,
          %gt3A_1200 = arith.cmpf ogt, %min3A_1197, %select_n3A_1161 : vector<16xf32>
          %select_n3A_1201 = arith.select %gt3A_1200, %min3A_1197, %select_n3A_1161 : vector<16xi1>, vector<16xf32>
          %add3A_1202 = arith.constant 368 : i32
          %add3A_1203 = vector.broadcast %add3A_1202 : i32 to vector<16xi32>
          %add3A_1204 = arith.addi %iota3A, %add3A_1203 : vector<16xi32>
          %select_n3A_1205 = arith.select %gt3A_1200, %add3A_1204, %select_n3A_1165 : vector<16xi1>, vector<16xi32>
          %get3A_1206 = arith.constant 0 : i32
          %get3A_1207 = arith.constant 3 : i32
          %get3A_1208 = arith.constant 0 : i32
          %get3A_1209 = arith.index_cast %get3A_1206 : i32 to index
          %get3A_1210 = arith.index_cast %get3A_1207 : i32 to index
          %get3A_1211 = arith.index_cast %get3A_1208 : i32 to index
          %get3A_1212 = arith.constant 0 : index
          %get3A_1213 = tpu.vector_load %arg5[%get3A_1209, %get3A_1210, %get3A_1211, %get3A_1212] {strides = array<i32>} : memref<3x8x1x128xf32, #tpu.memory_space<vmem>>, vector<16xf32>,
          %get3A_1214 = arith.constant 1 : i32
          %get3A_1215 = arith.constant 3 : i32
          %get3A_1216 = arith.constant 0 : i32
          %get3A_1217 = arith.index_cast %get3A_1214 : i32 to index
          %get3A_1218 = arith.index_cast %get3A_1215 : i32 to index
          %get3A_1219 = arith.index_cast %get3A_1216 : i32 to index
          %get3A_1220 = arith.constant 0 : index
          %get3A_1221 = tpu.vector_load %arg5[%get3A_1217, %get3A_1218, %get3A_1219, %get3A_1220] {strides = array<i32>} : memref<3x8x1x128xf32, #tpu.memory_space<vmem>>, vector<16xf32>,
          %get3A_1222 = arith.constant 2 : i32
          %get3A_1223 = arith.constant 3 : i32
          %get3A_1224 = arith.constant 0 : i32
          %get3A_1225 = arith.index_cast %get3A_1222 : i32 to index
          %get3A_1226 = arith.index_cast %get3A_1223 : i32 to index
          %get3A_1227 = arith.index_cast %get3A_1224 : i32 to index
          %get3A_1228 = arith.constant 0 : index
          %get3A_1229 = tpu.vector_load %arg5[%get3A_1225, %get3A_1226, %get3A_1227, %get3A_1228] {strides = array<i32>} : memref<3x8x1x128xf32, #tpu.memory_space<vmem>>, vector<16xf32>,
          %mul3A_1230 = arith.mulf %get3A_1213, %get3A_1213 : vector<16xf32>
          %mul3A_1231 = arith.mulf %get3A_1221, %get3A_1221 : vector<16xf32>
          %add3A_1232 = arith.addf %mul3A_1230, %mul3A_1231 : vector<16xf32>
          %mul3A_1233 = arith.mulf %get3A_1229, %get3A_1229 : vector<16xf32>
          %add3A_1234 = arith.addf %add3A_1232, %mul3A_1233 : vector<16xf32>
          %get3A_1235 = arith.constant 384 : index
          %get3A_1236 = tpu.vector_load %arg6[%get3A_1235] {strides = array<i32>} : memref<1024xf32, #tpu.memory_space<vmem>>, vector<16xf32>,
          %min3A_1237 = arith.minimumf %add3A_1234, %get3A_1236 : vector<16xf32>
          %swap3A_1238 = arith.constant 384 : index
          %swap3A_1239 = tpu.vector_load %arg6[%swap3A_1238] {strides = array<i32>} : memref<1024xf32, #tpu.memory_space<vmem>>, vector<16xf32>,
          tpu.vector_store %arg6[%swap3A_1238], %min3A_1237 {strides = array<i32>} : memref<1024xf32, #tpu.memory_space<vmem>>, vector<16xf32>,
          %gt3A_1240 = arith.cmpf ogt, %min3A_1237, %select_n3A_1201 : vector<16xf32>
          %select_n3A_1241 = arith.select %gt3A_1240, %min3A_1237, %select_n3A_1201 : vector<16xi1>, vector<16xf32>
          %add3A_1242 = arith.constant 384 : i32
          %add3A_1243 = vector.broadcast %add3A_1242 : i32 to vector<16xi32>
          %add3A_1244 = arith.addi %iota3A, %add3A_1243 : vector<16xi32>
          %select_n3A_1245 = arith.select %gt3A_1240, %add3A_1244, %select_n3A_1205 : vector<16xi1>, vector<16xi32>
          %get3A_1246 = arith.constant 0 : i32
          %get3A_1247 = arith.constant 3 : i32
          %get3A_1248 = arith.constant 0 : i32
          %get3A_1249 = arith.index_cast %get3A_1246 : i32 to index
          %get3A_1250 = arith.index_cast %get3A_1247 : i32 to index
          %get3A_1251 = arith.index_cast %get3A_1248 : i32 to index
          %get3A_1252 = arith.constant 16 : index
          %get3A_1253 = tpu.vector_load %arg5[%get3A_1249, %get3A_1250, %get3A_1251, %get3A_1252] {strides = array<i32>} : memref<3x8x1x128xf32, #tpu.memory_space<vmem>>, vector<16xf32>,
          %get3A_1254 = arith.constant 1 : i32
          %get3A_1255 = arith.constant 3 : i32
          %get3A_1256 = arith.constant 0 : i32
          %get3A_1257 = arith.index_cast %get3A_1254 : i32 to index
          %get3A_1258 = arith.index_cast %get3A_1255 : i32 to index
          %get3A_1259 = arith.index_cast %get3A_1256 : i32 to index
          %get3A_1260 = arith.constant 16 : index
          %get3A_1261 = tpu.vector_load %arg5[%get3A_1257, %get3A_1258, %get3A_1259, %get3A_1260] {strides = array<i32>} : memref<3x8x1x128xf32, #tpu.memory_space<vmem>>, vector<16xf32>,
          %get3A_1262 = arith.constant 2 : i32
          %get3A_1263 = arith.constant 3 : i32
          %get3A_1264 = arith.constant 0 : i32
          %get3A_1265 = arith.index_cast %get3A_1262 : i32 to index
          %get3A_1266 = arith.index_cast %get3A_1263 : i32 to index
          %get3A_1267 = arith.index_cast %get3A_1264 : i32 to index
          %get3A_1268 = arith.constant 16 : index
          %get3A_1269 = tpu.vector_load %arg5[%get3A_1265, %get3A_1266, %get3A_1267, %get3A_1268] {strides = array<i32>} : memref<3x8x1x128xf32, #tpu.memory_space<vmem>>, vector<16xf32>,
          %mul3A_1270 = arith.mulf %get3A_1253, %get3A_1253 : vector<16xf32>
          %mul3A_1271 = arith.mulf %get3A_1261, %get3A_1261 : vector<16xf32>
          %add3A_1272 = arith.addf %mul3A_1270, %mul3A_1271 : vector<16xf32>
          %mul3A_1273 = arith.mulf %get3A_1269, %get3A_1269 : vector<16xf32>
          %add3A_1274 = arith.addf %add3A_1272, %mul3A_1273 : vector<16xf32>
          %get3A_1275 = arith.constant 400 : index
          %get3A_1276 = tpu.vector_load %arg6[%get3A_1275] {strides = array<i32>} : memref<1024xf32, #tpu.memory_space<vmem>>, vector<16xf32>,
          %min3A_1277 = arith.minimumf %add3A_1274, %get3A_1276 : vector<16xf32>
          %swap3A_1278 = arith.constant 400 : index
          %swap3A_1279 = tpu.vector_load %arg6[%swap3A_1278] {strides = array<i32>} : memref<1024xf32, #tpu.memory_space<vmem>>, vector<16xf32>,
          tpu.vector_store %arg6[%swap3A_1278], %min3A_1277 {strides = array<i32>} : memref<1024xf32, #tpu.memory_space<vmem>>, vector<16xf32>,
          %gt3A_1280 = arith.cmpf ogt, %min3A_1277, %select_n3A_1241 : vector<16xf32>
          %select_n3A_1281 = arith.select %gt3A_1280, %min3A_1277, %select_n3A_1241 : vector<16xi1>, vector<16xf32>
          %add3A_1282 = arith.constant 400 : i32
          %add3A_1283 = vector.broadcast %add3A_1282 : i32 to vector<16xi32>
          %add3A_1284 = arith.addi %iota3A, %add3A_1283 : vector<16xi32>
          %select_n3A_1285 = arith.select %gt3A_1280, %add3A_1284, %select_n3A_1245 : vector<16xi1>, vector<16xi32>
          %get3A_1286 = arith.constant 0 : i32
          %get3A_1287 = arith.constant 3 : i32
          %get3A_1288 = arith.constant 0 : i32
          %get3A_1289 = arith.index_cast %get3A_1286 : i32 to index
          %get3A_1290 = arith.index_cast %get3A_1287 : i32 to index
          %get3A_1291 = arith.index_cast %get3A_1288 : i32 to index
          %get3A_1292 = arith.constant 32 : index
          %get3A_1293 = tpu.vector_load %arg5[%get3A_1289, %get3A_1290, %get3A_1291, %get3A_1292] {strides = array<i32>} : memref<3x8x1x128xf32, #tpu.memory_space<vmem>>, vector<16xf32>,
          %get3A_1294 = arith.constant 1 : i32
          %get3A_1295 = arith.constant 3 : i32
          %get3A_1296 = arith.constant 0 : i32
          %get3A_1297 = arith.index_cast %get3A_1294 : i32 to index
          %get3A_1298 = arith.index_cast %get3A_1295 : i32 to index
          %get3A_1299 = arith.index_cast %get3A_1296 : i32 to index
          %get3A_1300 = arith.constant 32 : index
          %get3A_1301 = tpu.vector_load %arg5[%get3A_1297, %get3A_1298, %get3A_1299, %get3A_1300] {strides = array<i32>} : memref<3x8x1x128xf32, #tpu.memory_space<vmem>>, vector<16xf32>,
          %get3A_1302 = arith.constant 2 : i32
          %get3A_1303 = arith.constant 3 : i32
          %get3A_1304 = arith.constant 0 : i32
          %get3A_1305 = arith.index_cast %get3A_1302 : i32 to index
          %get3A_1306 = arith.index_cast %get3A_1303 : i32 to index
          %get3A_1307 = arith.index_cast %get3A_1304 : i32 to index
          %get3A_1308 = arith.constant 32 : index
          %get3A_1309 = tpu.vector_load %arg5[%get3A_1305, %get3A_1306, %get3A_1307, %get3A_1308] {strides = array<i32>} : memref<3x8x1x128xf32, #tpu.memory_space<vmem>>, vector<16xf32>,
          %mul3A_1310 = arith.mulf %get3A_1293, %get3A_1293 : vector<16xf32>
          %mul3A_1311 = arith.mulf %get3A_1301, %get3A_1301 : vector<16xf32>
          %add3A_1312 = arith.addf %mul3A_1310, %mul3A_1311 : vector<16xf32>
          %mul3A_1313 = arith.mulf %get3A_1309, %get3A_1309 : vector<16xf32>
          %add3A_1314 = arith.addf %add3A_1312, %mul3A_1313 : vector<16xf32>
          %get3A_1315 = arith.constant 416 : index
          %get3A_1316 = tpu.vector_load %arg6[%get3A_1315] {strides = array<i32>} : memref<1024xf32, #tpu.memory_space<vmem>>, vector<16xf32>,
          %min3A_1317 = arith.minimumf %add3A_1314, %get3A_1316 : vector<16xf32>
          %swap3A_1318 = arith.constant 416 : index
          %swap3A_1319 = tpu.vector_load %arg6[%swap3A_1318] {strides = array<i32>} : memref<1024xf32, #tpu.memory_space<vmem>>, vector<16xf32>,
          tpu.vector_store %arg6[%swap3A_1318], %min3A_1317 {strides = array<i32>} : memref<1024xf32, #tpu.memory_space<vmem>>, vector<16xf32>,
          %gt3A_1320 = arith.cmpf ogt, %min3A_1317, %select_n3A_1281 : vector<16xf32>
          %select_n3A_1321 = arith.select %gt3A_1320, %min3A_1317, %select_n3A_1281 : vector<16xi1>, vector<16xf32>
          %add3A_1322 = arith.constant 416 : i32
          %add3A_1323 = vector.broadcast %add3A_1322 : i32 to vector<16xi32>
          %add3A_1324 = arith.addi %iota3A, %add3A_1323 : vector<16xi32>
          %select_n3A_1325 = arith.select %gt3A_1320, %add3A_1324, %select_n3A_1285 : vector<16xi1>, vector<16xi32>
          %get3A_1326 = arith.constant 0 : i32
          %get3A_1327 = arith.constant 3 : i32
          %get3A_1328 = arith.constant 0 : i32
          %get3A_1329 = arith.index_cast %get3A_1326 : i32 to index
          %get3A_1330 = arith.index_cast %get3A_1327 : i32 to index
          %get3A_1331 = arith.index_cast %get3A_1328 : i32 to index
          %get3A_1332 = arith.constant 48 : index
          %get3A_1333 = tpu.vector_load %arg5[%get3A_1329, %get3A_1330, %get3A_1331, %get3A_1332] {strides = array<i32>} : memref<3x8x1x128xf32, #tpu.memory_space<vmem>>, vector<16xf32>,
          %get3A_1334 = arith.constant 1 : i32
          %get3A_1335 = arith.constant 3 : i32
          %get3A_1336 = arith.constant 0 : i32
          %get3A_1337 = arith.index_cast %get3A_1334 : i32 to index
          %get3A_1338 = arith.index_cast %get3A_1335 : i32 to index
          %get3A_1339 = arith.index_cast %get3A_1336 : i32 to index
          %get3A_1340 = arith.constant 48 : index
          %get3A_1341 = tpu.vector_load %arg5[%get3A_1337, %get3A_1338, %get3A_1339, %get3A_1340] {strides = array<i32>} : memref<3x8x1x128xf32, #tpu.memory_space<vmem>>, vector<16xf32>,
          %get3A_1342 = arith.constant 2 : i32
          %get3A_1343 = arith.constant 3 : i32
          %get3A_1344 = arith.constant 0 : i32
          %get3A_1345 = arith.index_cast %get3A_1342 : i32 to index
          %get3A_1346 = arith.index_cast %get3A_1343 : i32 to index
          %get3A_1347 = arith.index_cast %get3A_1344 : i32 to index
          %get3A_1348 = arith.constant 48 : index
          %get3A_1349 = tpu.vector_load %arg5[%get3A_1345, %get3A_1346, %get3A_1347, %get3A_1348] {strides = array<i32>} : memref<3x8x1x128xf32, #tpu.memory_space<vmem>>, vector<16xf32>,
          %mul3A_1350 = arith.mulf %get3A_1333, %get3A_1333 : vector<16xf32>
          %mul3A_1351 = arith.mulf %get3A_1341, %get3A_1341 : vector<16xf32>
          %add3A_1352 = arith.addf %mul3A_1350, %mul3A_1351 : vector<16xf32>
          %mul3A_1353 = arith.mulf %get3A_1349, %get3A_1349 : vector<16xf32>
          %add3A_1354 = arith.addf %add3A_1352, %mul3A_1353 : vector<16xf32>
          %get3A_1355 = arith.constant 432 : index
          %get3A_1356 = tpu.vector_load %arg6[%get3A_1355] {strides = array<i32>} : memref<1024xf32, #tpu.memory_space<vmem>>, vector<16xf32>,
          %min3A_1357 = arith.minimumf %add3A_1354, %get3A_1356 : vector<16xf32>
          %swap3A_1358 = arith.constant 432 : index
          %swap3A_1359 = tpu.vector_load %arg6[%swap3A_1358] {strides = array<i32>} : memref<1024xf32, #tpu.memory_space<vmem>>, vector<16xf32>,
          tpu.vector_store %arg6[%swap3A_1358], %min3A_1357 {strides = array<i32>} : memref<1024xf32, #tpu.memory_space<vmem>>, vector<16xf32>,
          %gt3A_1360 = arith.cmpf ogt, %min3A_1357, %select_n3A_1321 : vector<16xf32>
          %select_n3A_1361 = arith.select %gt3A_1360, %min3A_1357, %select_n3A_1321 : vector<16xi1>, vector<16xf32>
          %add3A_1362 = arith.constant 432 : i32
          %add3A_1363 = vector.broadcast %add3A_1362 : i32 to vector<16xi32>
          %add3A_1364 = arith.addi %iota3A, %add3A_1363 : vector<16xi32>
          %select_n3A_1365 = arith.select %gt3A_1360, %add3A_1364, %select_n3A_1325 : vector<16xi1>, vector<16xi32>
          %get3A_1366 = arith.constant 0 : i32
          %get3A_1367 = arith.constant 3 : i32
          %get3A_1368 = arith.constant 0 : i32
          %get3A_1369 = arith.index_cast %get3A_1366 : i32 to index
          %get3A_1370 = arith.index_cast %get3A_1367 : i32 to index
          %get3A_1371 = arith.index_cast %get3A_1368 : i32 to index
          %get3A_1372 = arith.constant 64 : index
          %get3A_1373 = tpu.vector_load %arg5[%get3A_1369, %get3A_1370, %get3A_1371, %get3A_1372] {strides = array<i32>} : memref<3x8x1x128xf32, #tpu.memory_space<vmem>>, vector<16xf32>,
          %get3A_1374 = arith.constant 1 : i32
          %get3A_1375 = arith.constant 3 : i32
          %get3A_1376 = arith.constant 0 : i32
          %get3A_1377 = arith.index_cast %get3A_1374 : i32 to index
          %get3A_1378 = arith.index_cast %get3A_1375 : i32 to index
          %get3A_1379 = arith.index_cast %get3A_1376 : i32 to index
          %get3A_1380 = arith.constant 64 : index
          %get3A_1381 = tpu.vector_load %arg5[%get3A_1377, %get3A_1378, %get3A_1379, %get3A_1380] {strides = array<i32>} : memref<3x8x1x128xf32, #tpu.memory_space<vmem>>, vector<16xf32>,
          %get3A_1382 = arith.constant 2 : i32
          %get3A_1383 = arith.constant 3 : i32
          %get3A_1384 = arith.constant 0 : i32
          %get3A_1385 = arith.index_cast %get3A_1382 : i32 to index
          %get3A_1386 = arith.index_cast %get3A_1383 : i32 to index
          %get3A_1387 = arith.index_cast %get3A_1384 : i32 to index
          %get3A_1388 = arith.constant 64 : index
          %get3A_1389 = tpu.vector_load %arg5[%get3A_1385, %get3A_1386, %get3A_1387, %get3A_1388] {strides = array<i32>} : memref<3x8x1x128xf32, #tpu.memory_space<vmem>>, vector<16xf32>,
          %mul3A_1390 = arith.mulf %get3A_1373, %get3A_1373 : vector<16xf32>
          %mul3A_1391 = arith.mulf %get3A_1381, %get3A_1381 : vector<16xf32>
          %add3A_1392 = arith.addf %mul3A_1390, %mul3A_1391 : vector<16xf32>
          %mul3A_1393 = arith.mulf %get3A_1389, %get3A_1389 : vector<16xf32>
          %add3A_1394 = arith.addf %add3A_1392, %mul3A_1393 : vector<16xf32>
          %get3A_1395 = arith.constant 448 : index
          %get3A_1396 = tpu.vector_load %arg6[%get3A_1395] {strides = array<i32>} : memref<1024xf32, #tpu.memory_space<vmem>>, vector<16xf32>,
          %min3A_1397 = arith.minimumf %add3A_1394, %get3A_1396 : vector<16xf32>
          %swap3A_1398 = arith.constant 448 : index
          %swap3A_1399 = tpu.vector_load %arg6[%swap3A_1398] {strides = array<i32>} : memref<1024xf32, #tpu.memory_space<vmem>>, vector<16xf32>,
          tpu.vector_store %arg6[%swap3A_1398], %min3A_1397 {strides = array<i32>} : memref<1024xf32, #tpu.memory_space<vmem>>, vector<16xf32>,
          %gt3A_1400 = arith.cmpf ogt, %min3A_1397, %select_n3A_1361 : vector<16xf32>
          %select_n3A_1401 = arith.select %gt3A_1400, %min3A_1397, %select_n3A_1361 : vector<16xi1>, vector<16xf32>
          %add3A_1402 = arith.constant 448 : i32
          %add3A_1403 = vector.broadcast %add3A_1402 : i32 to vector<16xi32>
          %add3A_1404 = arith.addi %iota3A, %add3A_1403 : vector<16xi32>
          %select_n3A_1405 = arith.select %gt3A_1400, %add3A_1404, %select_n3A_1365 : vector<16xi1>, vector<16xi32>
          %get3A_1406 = arith.constant 0 : i32
          %get3A_1407 = arith.constant 3 : i32
          %get3A_1408 = arith.constant 0 : i32
          %get3A_1409 = arith.index_cast %get3A_1406 : i32 to index
          %get3A_1410 = arith.index_cast %get3A_1407 : i32 to index
          %get3A_1411 = arith.index_cast %get3A_1408 : i32 to index
          %get3A_1412 = arith.constant 80 : index
          %get3A_1413 = tpu.vector_load %arg5[%get3A_1409, %get3A_1410, %get3A_1411, %get3A_1412] {strides = array<i32>} : memref<3x8x1x128xf32, #tpu.memory_space<vmem>>, vector<16xf32>,
          %get3A_1414 = arith.constant 1 : i32
          %get3A_1415 = arith.constant 3 : i32
          %get3A_1416 = arith.constant 0 : i32
          %get3A_1417 = arith.index_cast %get3A_1414 : i32 to index
          %get3A_1418 = arith.index_cast %get3A_1415 : i32 to index
          %get3A_1419 = arith.index_cast %get3A_1416 : i32 to index
          %get3A_1420 = arith.constant 80 : index
          %get3A_1421 = tpu.vector_load %arg5[%get3A_1417, %get3A_1418, %get3A_1419, %get3A_1420] {strides = array<i32>} : memref<3x8x1x128xf32, #tpu.memory_space<vmem>>, vector<16xf32>,
          %get3A_1422 = arith.constant 2 : i32
          %get3A_1423 = arith.constant 3 : i32
          %get3A_1424 = arith.constant 0 : i32
          %get3A_1425 = arith.index_cast %get3A_1422 : i32 to index
          %get3A_1426 = arith.index_cast %get3A_1423 : i32 to index
          %get3A_1427 = arith.index_cast %get3A_1424 : i32 to index
          %get3A_1428 = arith.constant 80 : index
          %get3A_1429 = tpu.vector_load %arg5[%get3A_1425, %get3A_1426, %get3A_1427, %get3A_1428] {strides = array<i32>} : memref<3x8x1x128xf32, #tpu.memory_space<vmem>>, vector<16xf32>,
          %mul3A_1430 = arith.mulf %get3A_1413, %get3A_1413 : vector<16xf32>
          %mul3A_1431 = arith.mulf %get3A_1421, %get3A_1421 : vector<16xf32>
          %add3A_1432 = arith.addf %mul3A_1430, %mul3A_1431 : vector<16xf32>
          %mul3A_1433 = arith.mulf %get3A_1429, %get3A_1429 : vector<16xf32>
          %add3A_1434 = arith.addf %add3A_1432, %mul3A_1433 : vector<16xf32>
          %get3A_1435 = arith.constant 464 : index
          %get3A_1436 = tpu.vector_load %arg6[%get3A_1435] {strides = array<i32>} : memref<1024xf32, #tpu.memory_space<vmem>>, vector<16xf32>,
          %min3A_1437 = arith.minimumf %add3A_1434, %get3A_1436 : vector<16xf32>
          %swap3A_1438 = arith.constant 464 : index
          %swap3A_1439 = tpu.vector_load %arg6[%swap3A_1438] {strides = array<i32>} : memref<1024xf32, #tpu.memory_space<vmem>>, vector<16xf32>,
          tpu.vector_store %arg6[%swap3A_1438], %min3A_1437 {strides = array<i32>} : memref<1024xf32, #tpu.memory_space<vmem>>, vector<16xf32>,
          %gt3A_1440 = arith.cmpf ogt, %min3A_1437, %select_n3A_1401 : vector<16xf32>
          %select_n3A_1441 = arith.select %gt3A_1440, %min3A_1437, %select_n3A_1401 : vector<16xi1>, vector<16xf32>
          %add3A_1442 = arith.constant 464 : i32
          %add3A_1443 = vector.broadcast %add3A_1442 : i32 to vector<16xi32>
          %add3A_1444 = arith.addi %iota3A, %add3A_1443 : vector<16xi32>
          %select_n3A_1445 = arith.select %gt3A_1440, %add3A_1444, %select_n3A_1405 : vector<16xi1>, vector<16xi32>
          %get3A_1446 = arith.constant 0 : i32
          %get3A_1447 = arith.constant 3 : i32
          %get3A_1448 = arith.constant 0 : i32
          %get3A_1449 = arith.index_cast %get3A_1446 : i32 to index
          %get3A_1450 = arith.index_cast %get3A_1447 : i32 to index
          %get3A_1451 = arith.index_cast %get3A_1448 : i32 to index
          %get3A_1452 = arith.constant 96 : index
          %get3A_1453 = tpu.vector_load %arg5[%get3A_1449, %get3A_1450, %get3A_1451, %get3A_1452] {strides = array<i32>} : memref<3x8x1x128xf32, #tpu.memory_space<vmem>>, vector<16xf32>,
          %get3A_1454 = arith.constant 1 : i32
          %get3A_1455 = arith.constant 3 : i32
          %get3A_1456 = arith.constant 0 : i32
          %get3A_1457 = arith.index_cast %get3A_1454 : i32 to index
          %get3A_1458 = arith.index_cast %get3A_1455 : i32 to index
          %get3A_1459 = arith.index_cast %get3A_1456 : i32 to index
          %get3A_1460 = arith.constant 96 : index
          %get3A_1461 = tpu.vector_load %arg5[%get3A_1457, %get3A_1458, %get3A_1459, %get3A_1460] {strides = array<i32>} : memref<3x8x1x128xf32, #tpu.memory_space<vmem>>, vector<16xf32>,
          %get3A_1462 = arith.constant 2 : i32
          %get3A_1463 = arith.constant 3 : i32
          %get3A_1464 = arith.constant 0 : i32
          %get3A_1465 = arith.index_cast %get3A_1462 : i32 to index
          %get3A_1466 = arith.index_cast %get3A_1463 : i32 to index
          %get3A_1467 = arith.index_cast %get3A_1464 : i32 to index
          %get3A_1468 = arith.constant 96 : index
          %get3A_1469 = tpu.vector_load %arg5[%get3A_1465, %get3A_1466, %get3A_1467, %get3A_1468] {strides = array<i32>} : memref<3x8x1x128xf32, #tpu.memory_space<vmem>>, vector<16xf32>,
          %mul3A_1470 = arith.mulf %get3A_1453, %get3A_1453 : vector<16xf32>
          %mul3A_1471 = arith.mulf %get3A_1461, %get3A_1461 : vector<16xf32>
          %add3A_1472 = arith.addf %mul3A_1470, %mul3A_1471 : vector<16xf32>
          %mul3A_1473 = arith.mulf %get3A_1469, %get3A_1469 : vector<16xf32>
          %add3A_1474 = arith.addf %add3A_1472, %mul3A_1473 : vector<16xf32>
          %get3A_1475 = arith.constant 480 : index
          %get3A_1476 = tpu.vector_load %arg6[%get3A_1475] {strides = array<i32>} : memref<1024xf32, #tpu.memory_space<vmem>>, vector<16xf32>,
          %min3A_1477 = arith.minimumf %add3A_1474, %get3A_1476 : vector<16xf32>
          %swap3A_1478 = arith.constant 480 : index
          %swap3A_1479 = tpu.vector_load %arg6[%swap3A_1478] {strides = array<i32>} : memref<1024xf32, #tpu.memory_space<vmem>>, vector<16xf32>,
          tpu.vector_store %arg6[%swap3A_1478], %min3A_1477 {strides = array<i32>} : memref<1024xf32, #tpu.memory_space<vmem>>, vector<16xf32>,
          %gt3A_1480 = arith.cmpf ogt, %min3A_1477, %select_n3A_1441 : vector<16xf32>
          %select_n3A_1481 = arith.select %gt3A_1480, %min3A_1477, %select_n3A_1441 : vector<16xi1>, vector<16xf32>
          %add3A_1482 = arith.constant 480 : i32
          %add3A_1483 = vector.broadcast %add3A_1482 : i32 to vector<16xi32>
          %add3A_1484 = arith.addi %iota3A, %add3A_1483 : vector<16xi32>
          %select_n3A_1485 = arith.select %gt3A_1480, %add3A_1484, %select_n3A_1445 : vector<16xi1>, vector<16xi32>
          %get3A_1486 = arith.constant 0 : i32
          %get3A_1487 = arith.constant 3 : i32
          %get3A_1488 = arith.constant 0 : i32
          %get3A_1489 = arith.index_cast %get3A_1486 : i32 to index
          %get3A_1490 = arith.index_cast %get3A_1487 : i32 to index
          %get3A_1491 = arith.index_cast %get3A_1488 : i32 to index
          %get3A_1492 = arith.constant 112 : index
          %get3A_1493 = tpu.vector_load %arg5[%get3A_1489, %get3A_1490, %get3A_1491, %get3A_1492] {strides = array<i32>} : memref<3x8x1x128xf32, #tpu.memory_space<vmem>>, vector<16xf32>,
          %get3A_1494 = arith.constant 1 : i32
          %get3A_1495 = arith.constant 3 : i32
          %get3A_1496 = arith.constant 0 : i32
          %get3A_1497 = arith.index_cast %get3A_1494 : i32 to index
          %get3A_1498 = arith.index_cast %get3A_1495 : i32 to index
          %get3A_1499 = arith.index_cast %get3A_1496 : i32 to index
          %get3A_1500 = arith.constant 112 : index
          %get3A_1501 = tpu.vector_load %arg5[%get3A_1497, %get3A_1498, %get3A_1499, %get3A_1500] {strides = array<i32>} : memref<3x8x1x128xf32, #tpu.memory_space<vmem>>, vector<16xf32>,
          %get3A_1502 = arith.constant 2 : i32
          %get3A_1503 = arith.constant 3 : i32
          %get3A_1504 = arith.constant 0 : i32
          %get3A_1505 = arith.index_cast %get3A_1502 : i32 to index
          %get3A_1506 = arith.index_cast %get3A_1503 : i32 to index
          %get3A_1507 = arith.index_cast %get3A_1504 : i32 to index
          %get3A_1508 = arith.constant 112 : index
          %get3A_1509 = tpu.vector_load %arg5[%get3A_1505, %get3A_1506, %get3A_1507, %get3A_1508] {strides = array<i32>} : memref<3x8x1x128xf32, #tpu.memory_space<vmem>>, vector<16xf32>,
          %mul3A_1510 = arith.mulf %get3A_1493, %get3A_1493 : vector<16xf32>
          %mul3A_1511 = arith.mulf %get3A_1501, %get3A_1501 : vector<16xf32>
          %add3A_1512 = arith.addf %mul3A_1510, %mul3A_1511 : vector<16xf32>
          %mul3A_1513 = arith.mulf %get3A_1509, %get3A_1509 : vector<16xf32>
          %add3A_1514 = arith.addf %add3A_1512, %mul3A_1513 : vector<16xf32>
          %get3A_1515 = arith.constant 496 : index
          %get3A_1516 = tpu.vector_load %arg6[%get3A_1515] {strides = array<i32>} : memref<1024xf32, #tpu.memory_space<vmem>>, vector<16xf32>,
          %min3A_1517 = arith.minimumf %add3A_1514, %get3A_1516 : vector<16xf32>
          %swap3A_1518 = arith.constant 496 : index
          %swap3A_1519 = tpu.vector_load %arg6[%swap3A_1518] {strides = array<i32>} : memref<1024xf32, #tpu.memory_space<vmem>>, vector<16xf32>,
          tpu.vector_store %arg6[%swap3A_1518], %min3A_1517 {strides = array<i32>} : memref<1024xf32, #tpu.memory_space<vmem>>, vector<16xf32>,
          %gt3A_1520 = arith.cmpf ogt, %min3A_1517, %select_n3A_1481 : vector<16xf32>
          %select_n3A_1521 = arith.select %gt3A_1520, %min3A_1517, %select_n3A_1481 : vector<16xi1>, vector<16xf32>
          %add3A_1522 = arith.constant 496 : i32
          %add3A_1523 = vector.broadcast %add3A_1522 : i32 to vector<16xi32>
          %add3A_1524 = arith.addi %iota3A, %add3A_1523 : vector<16xi32>
          %select_n3A_1525 = arith.select %gt3A_1520, %add3A_1524, %select_n3A_1485 : vector<16xi1>, vector<16xi32>
          %dma_wait3A_1526 = arith.constant 0 : i32
          %dma_wait3A_1527 = arith.constant 4 : i32
          %dma_wait3A_1528 = arith.constant 0 : i32
          %dma_wait3A_1529 = arith.constant 0 : i32
          %dma_wait3A_1530 = tpu.memref_slice %arg5[%dma_wait3A_1526, %dma_wait3A_1527, %dma_wait3A_1528, %dma_wait3A_1529] : memref<3x8x1x128xf32, #tpu.memory_space<vmem>> -> memref<3x4x1x128xf32, #tpu.memory_space<vmem>>
          %dma_wait3A_1531 = arith.constant 0 : i32
          %dma_wait3A_1532 = arith.constant 4 : i32
          %dma_wait3A_1533 = arith.constant 0 : i32
          %dma_wait3A_1534 = tpu.memref_slice %arg2[%add3A, %dma_wait3A_1531, %select_n3A_182, %dma_wait3A_1532, %sub3A_185, %dma_wait3A_1533] : memref<8x3x128x8x8x128xf32, #tpu.memory_space<hbm>> -> memref<1x3x1x4x1x128xf32, #tpu.memory_space<hbm>>
          %dma_wait3A_1535 = tpu.memref_squeeze %dma_wait3A_1534 : memref<1x3x1x4x1x128xf32, #tpu.memory_space<hbm>> -> memref<3x4x1x128xf32, #tpu.memory_space<hbm>>
          %dma_wait3A_1536 = arith.constant 0 : i32
          %dma_wait3A_1537 = arith.constant 4 : i32
          %dma_wait3A_1538 = arith.constant 0 : i32
          %dma_wait3A_1539 = arith.constant 0 : i32
          %dma_wait3A_1540 = tpu.memref_slice %arg5[%dma_wait3A_1536, %dma_wait3A_1537, %dma_wait3A_1538, %dma_wait3A_1539] : memref<3x8x1x128xf32, #tpu.memory_space<vmem>> -> memref<3x4x1x128xf32, #tpu.memory_space<vmem>>
          %dma_wait3A_1541 = arith.constant 0 : i32
          %dma_wait3A_1542 = arith.constant 4 : i32
          %dma_wait3A_1543 = arith.constant 0 : i32
          %dma_wait3A_1544 = tpu.memref_slice %arg2[%add3A, %dma_wait3A_1541, %select_n3A_182, %dma_wait3A_1542, %sub3A_185, %dma_wait3A_1543] : memref<8x3x128x8x8x128xf32, #tpu.memory_space<hbm>> -> memref<1x3x1x4x1x128xf32, #tpu.memory_space<hbm>>
          %dma_wait3A_1545 = tpu.memref_squeeze %dma_wait3A_1544 : memref<1x3x1x4x1x128xf32, #tpu.memory_space<hbm>> -> memref<3x4x1x128xf32, #tpu.memory_space<hbm>>
          tpu.wait_dma2 semaphore(%arg10 : memref<!tpu.dma_semaphore, #tpu.memory_space<semaphore_mem>>) src(%dma_wait3A_1545 : memref<3x4x1x128xf32, #tpu.memory_space<hbm>>) dst(%dma_wait3A_1540 : memref<3x4x1x128xf32, #tpu.memory_space<vmem>>)
          %get3A_1546 = arith.constant 0 : i32
          %get3A_1547 = arith.constant 4 : i32
          %get3A_1548 = arith.constant 0 : i32
          %get3A_1549 = arith.index_cast %get3A_1546 : i32 to index
          %get3A_1550 = arith.index_cast %get3A_1547 : i32 to index
          %get3A_1551 = arith.index_cast %get3A_1548 : i32 to index
          %get3A_1552 = arith.constant 0 : index
          %get3A_1553 = tpu.vector_load %arg5[%get3A_1549, %get3A_1550, %get3A_1551, %get3A_1552] {strides = array<i32>} : memref<3x8x1x128xf32, #tpu.memory_space<vmem>>, vector<16xf32>,
          %get3A_1554 = arith.constant 1 : i32
          %get3A_1555 = arith.constant 4 : i32
          %get3A_1556 = arith.constant 0 : i32
          %get3A_1557 = arith.index_cast %get3A_1554 : i32 to index
          %get3A_1558 = arith.index_cast %get3A_1555 : i32 to index
          %get3A_1559 = arith.index_cast %get3A_1556 : i32 to index
          %get3A_1560 = arith.constant 0 : index
          %get3A_1561 = tpu.vector_load %arg5[%get3A_1557, %get3A_1558, %get3A_1559, %get3A_1560] {strides = array<i32>} : memref<3x8x1x128xf32, #tpu.memory_space<vmem>>, vector<16xf32>,
          %get3A_1562 = arith.constant 2 : i32
          %get3A_1563 = arith.constant 4 : i32
          %get3A_1564 = arith.constant 0 : i32
          %get3A_1565 = arith.index_cast %get3A_1562 : i32 to index
          %get3A_1566 = arith.index_cast %get3A_1563 : i32 to index
          %get3A_1567 = arith.index_cast %get3A_1564 : i32 to index
          %get3A_1568 = arith.constant 0 : index
          %get3A_1569 = tpu.vector_load %arg5[%get3A_1565, %get3A_1566, %get3A_1567, %get3A_1568] {strides = array<i32>} : memref<3x8x1x128xf32, #tpu.memory_space<vmem>>, vector<16xf32>,
          %mul3A_1570 = arith.mulf %get3A_1553, %get3A_1553 : vector<16xf32>
          %mul3A_1571 = arith.mulf %get3A_1561, %get3A_1561 : vector<16xf32>
          %add3A_1572 = arith.addf %mul3A_1570, %mul3A_1571 : vector<16xf32>
          %mul3A_1573 = arith.mulf %get3A_1569, %get3A_1569 : vector<16xf32>
          %add3A_1574 = arith.addf %add3A_1572, %mul3A_1573 : vector<16xf32>
          %get3A_1575 = arith.constant 512 : index
          %get3A_1576 = tpu.vector_load %arg6[%get3A_1575] {strides = array<i32>} : memref<1024xf32, #tpu.memory_space<vmem>>, vector<16xf32>,
          %min3A_1577 = arith.minimumf %add3A_1574, %get3A_1576 : vector<16xf32>
          %swap3A_1578 = arith.constant 512 : index
          %swap3A_1579 = tpu.vector_load %arg6[%swap3A_1578] {strides = array<i32>} : memref<1024xf32, #tpu.memory_space<vmem>>, vector<16xf32>,
          tpu.vector_store %arg6[%swap3A_1578], %min3A_1577 {strides = array<i32>} : memref<1024xf32, #tpu.memory_space<vmem>>, vector<16xf32>,
          %gt3A_1580 = arith.cmpf ogt, %min3A_1577, %select_n3A_1521 : vector<16xf32>
          %select_n3A_1581 = arith.select %gt3A_1580, %min3A_1577, %select_n3A_1521 : vector<16xi1>, vector<16xf32>
          %add3A_1582 = arith.constant 512 : i32
          %add3A_1583 = vector.broadcast %add3A_1582 : i32 to vector<16xi32>
          %add3A_1584 = arith.addi %iota3A, %add3A_1583 : vector<16xi32>
          %select_n3A_1585 = arith.select %gt3A_1580, %add3A_1584, %select_n3A_1525 : vector<16xi1>, vector<16xi32>
          %get3A_1586 = arith.constant 0 : i32
          %get3A_1587 = arith.constant 4 : i32
          %get3A_1588 = arith.constant 0 : i32
          %get3A_1589 = arith.index_cast %get3A_1586 : i32 to index
          %get3A_1590 = arith.index_cast %get3A_1587 : i32 to index
          %get3A_1591 = arith.index_cast %get3A_1588 : i32 to index
          %get3A_1592 = arith.constant 16 : index
          %get3A_1593 = tpu.vector_load %arg5[%get3A_1589, %get3A_1590, %get3A_1591, %get3A_1592] {strides = array<i32>} : memref<3x8x1x128xf32, #tpu.memory_space<vmem>>, vector<16xf32>,
          %get3A_1594 = arith.constant 1 : i32
          %get3A_1595 = arith.constant 4 : i32
          %get3A_1596 = arith.constant 0 : i32
          %get3A_1597 = arith.index_cast %get3A_1594 : i32 to index
          %get3A_1598 = arith.index_cast %get3A_1595 : i32 to index
          %get3A_1599 = arith.index_cast %get3A_1596 : i32 to index
          %get3A_1600 = arith.constant 16 : index
          %get3A_1601 = tpu.vector_load %arg5[%get3A_1597, %get3A_1598, %get3A_1599, %get3A_1600] {strides = array<i32>} : memref<3x8x1x128xf32, #tpu.memory_space<vmem>>, vector<16xf32>,
          %get3A_1602 = arith.constant 2 : i32
          %get3A_1603 = arith.constant 4 : i32
          %get3A_1604 = arith.constant 0 : i32
          %get3A_1605 = arith.index_cast %get3A_1602 : i32 to index
          %get3A_1606 = arith.index_cast %get3A_1603 : i32 to index
          %get3A_1607 = arith.index_cast %get3A_1604 : i32 to index
          %get3A_1608 = arith.constant 16 : index
          %get3A_1609 = tpu.vector_load %arg5[%get3A_1605, %get3A_1606, %get3A_1607, %get3A_1608] {strides = array<i32>} : memref<3x8x1x128xf32, #tpu.memory_space<vmem>>, vector<16xf32>,
          %mul3A_1610 = arith.mulf %get3A_1593, %get3A_1593 : vector<16xf32>
          %mul3A_1611 = arith.mulf %get3A_1601, %get3A_1601 : vector<16xf32>
          %add3A_1612 = arith.addf %mul3A_1610, %mul3A_1611 : vector<16xf32>
          %mul3A_1613 = arith.mulf %get3A_1609, %get3A_1609 : vector<16xf32>
          %add3A_1614 = arith.addf %add3A_1612, %mul3A_1613 : vector<16xf32>
          %get3A_1615 = arith.constant 528 : index
          %get3A_1616 = tpu.vector_load %arg6[%get3A_1615] {strides = array<i32>} : memref<1024xf32, #tpu.memory_space<vmem>>, vector<16xf32>,
          %min3A_1617 = arith.minimumf %add3A_1614, %get3A_1616 : vector<16xf32>
          %swap3A_1618 = arith.constant 528 : index
          %swap3A_1619 = tpu.vector_load %arg6[%swap3A_1618] {strides = array<i32>} : memref<1024xf32, #tpu.memory_space<vmem>>, vector<16xf32>,
          tpu.vector_store %arg6[%swap3A_1618], %min3A_1617 {strides = array<i32>} : memref<1024xf32, #tpu.memory_space<vmem>>, vector<16xf32>,
          %gt3A_1620 = arith.cmpf ogt, %min3A_1617, %select_n3A_1581 : vector<16xf32>
          %select_n3A_1621 = arith.select %gt3A_1620, %min3A_1617, %select_n3A_1581 : vector<16xi1>, vector<16xf32>
          %add3A_1622 = arith.constant 528 : i32
          %add3A_1623 = vector.broadcast %add3A_1622 : i32 to vector<16xi32>
          %add3A_1624 = arith.addi %iota3A, %add3A_1623 : vector<16xi32>
          %select_n3A_1625 = arith.select %gt3A_1620, %add3A_1624, %select_n3A_1585 : vector<16xi1>, vector<16xi32>
          %get3A_1626 = arith.constant 0 : i32
          %get3A_1627 = arith.constant 4 : i32
          %get3A_1628 = arith.constant 0 : i32
          %get3A_1629 = arith.index_cast %get3A_1626 : i32 to index
          %get3A_1630 = arith.index_cast %get3A_1627 : i32 to index
          %get3A_1631 = arith.index_cast %get3A_1628 : i32 to index
          %get3A_1632 = arith.constant 32 : index
          %get3A_1633 = tpu.vector_load %arg5[%get3A_1629, %get3A_1630, %get3A_1631, %get3A_1632] {strides = array<i32>} : memref<3x8x1x128xf32, #tpu.memory_space<vmem>>, vector<16xf32>,
          %get3A_1634 = arith.constant 1 : i32
          %get3A_1635 = arith.constant 4 : i32
          %get3A_1636 = arith.constant 0 : i32
          %get3A_1637 = arith.index_cast %get3A_1634 : i32 to index
          %get3A_1638 = arith.index_cast %get3A_1635 : i32 to index
          %get3A_1639 = arith.index_cast %get3A_1636 : i32 to index
          %get3A_1640 = arith.constant 32 : index
          %get3A_1641 = tpu.vector_load %arg5[%get3A_1637, %get3A_1638, %get3A_1639, %get3A_1640] {strides = array<i32>} : memref<3x8x1x128xf32, #tpu.memory_space<vmem>>, vector<16xf32>,
          %get3A_1642 = arith.constant 2 : i32
          %get3A_1643 = arith.constant 4 : i32
          %get3A_1644 = arith.constant 0 : i32
          %get3A_1645 = arith.index_cast %get3A_1642 : i32 to index
          %get3A_1646 = arith.index_cast %get3A_1643 : i32 to index
          %get3A_1647 = arith.index_cast %get3A_1644 : i32 to index
          %get3A_1648 = arith.constant 32 : index
          %get3A_1649 = tpu.vector_load %arg5[%get3A_1645, %get3A_1646, %get3A_1647, %get3A_1648] {strides = array<i32>} : memref<3x8x1x128xf32, #tpu.memory_space<vmem>>, vector<16xf32>,
          %mul3A_1650 = arith.mulf %get3A_1633, %get3A_1633 : vector<16xf32>
          %mul3A_1651 = arith.mulf %get3A_1641, %get3A_1641 : vector<16xf32>
          %add3A_1652 = arith.addf %mul3A_1650, %mul3A_1651 : vector<16xf32>
          %mul3A_1653 = arith.mulf %get3A_1649, %get3A_1649 : vector<16xf32>
          %add3A_1654 = arith.addf %add3A_1652, %mul3A_1653 : vector<16xf32>
          %get3A_1655 = arith.constant 544 : index
          %get3A_1656 = tpu.vector_load %arg6[%get3A_1655] {strides = array<i32>} : memref<1024xf32, #tpu.memory_space<vmem>>, vector<16xf32>,
          %min3A_1657 = arith.minimumf %add3A_1654, %get3A_1656 : vector<16xf32>
          %swap3A_1658 = arith.constant 544 : index
          %swap3A_1659 = tpu.vector_load %arg6[%swap3A_1658] {strides = array<i32>} : memref<1024xf32, #tpu.memory_space<vmem>>, vector<16xf32>,
          tpu.vector_store %arg6[%swap3A_1658], %min3A_1657 {strides = array<i32>} : memref<1024xf32, #tpu.memory_space<vmem>>, vector<16xf32>,
          %gt3A_1660 = arith.cmpf ogt, %min3A_1657, %select_n3A_1621 : vector<16xf32>
          %select_n3A_1661 = arith.select %gt3A_1660, %min3A_1657, %select_n3A_1621 : vector<16xi1>, vector<16xf32>
          %add3A_1662 = arith.constant 544 : i32
          %add3A_1663 = vector.broadcast %add3A_1662 : i32 to vector<16xi32>
          %add3A_1664 = arith.addi %iota3A, %add3A_1663 : vector<16xi32>
          %select_n3A_1665 = arith.select %gt3A_1660, %add3A_1664, %select_n3A_1625 : vector<16xi1>, vector<16xi32>
          %get3A_1666 = arith.constant 0 : i32
          %get3A_1667 = arith.constant 4 : i32
          %get3A_1668 = arith.constant 0 : i32
          %get3A_1669 = arith.index_cast %get3A_1666 : i32 to index
          %get3A_1670 = arith.index_cast %get3A_1667 : i32 to index
          %get3A_1671 = arith.index_cast %get3A_1668 : i32 to index
          %get3A_1672 = arith.constant 48 : index
          %get3A_1673 = tpu.vector_load %arg5[%get3A_1669, %get3A_1670, %get3A_1671, %get3A_1672] {strides = array<i32>} : memref<3x8x1x128xf32, #tpu.memory_space<vmem>>, vector<16xf32>,
          %get3A_1674 = arith.constant 1 : i32
          %get3A_1675 = arith.constant 4 : i32
          %get3A_1676 = arith.constant 0 : i32
          %get3A_1677 = arith.index_cast %get3A_1674 : i32 to index
          %get3A_1678 = arith.index_cast %get3A_1675 : i32 to index
          %get3A_1679 = arith.index_cast %get3A_1676 : i32 to index
          %get3A_1680 = arith.constant 48 : index
          %get3A_1681 = tpu.vector_load %arg5[%get3A_1677, %get3A_1678, %get3A_1679, %get3A_1680] {strides = array<i32>} : memref<3x8x1x128xf32, #tpu.memory_space<vmem>>, vector<16xf32>,
          %get3A_1682 = arith.constant 2 : i32
          %get3A_1683 = arith.constant 4 : i32
          %get3A_1684 = arith.constant 0 : i32
          %get3A_1685 = arith.index_cast %get3A_1682 : i32 to index
          %get3A_1686 = arith.index_cast %get3A_1683 : i32 to index
          %get3A_1687 = arith.index_cast %get3A_1684 : i32 to index
          %get3A_1688 = arith.constant 48 : index
          %get3A_1689 = tpu.vector_load %arg5[%get3A_1685, %get3A_1686, %get3A_1687, %get3A_1688] {strides = array<i32>} : memref<3x8x1x128xf32, #tpu.memory_space<vmem>>, vector<16xf32>,
          %mul3A_1690 = arith.mulf %get3A_1673, %get3A_1673 : vector<16xf32>
          %mul3A_1691 = arith.mulf %get3A_1681, %get3A_1681 : vector<16xf32>
          %add3A_1692 = arith.addf %mul3A_1690, %mul3A_1691 : vector<16xf32>
          %mul3A_1693 = arith.mulf %get3A_1689, %get3A_1689 : vector<16xf32>
          %add3A_1694 = arith.addf %add3A_1692, %mul3A_1693 : vector<16xf32>
          %get3A_1695 = arith.constant 560 : index
          %get3A_1696 = tpu.vector_load %arg6[%get3A_1695] {strides = array<i32>} : memref<1024xf32, #tpu.memory_space<vmem>>, vector<16xf32>,
          %min3A_1697 = arith.minimumf %add3A_1694, %get3A_1696 : vector<16xf32>
          %swap3A_1698 = arith.constant 560 : index
          %swap3A_1699 = tpu.vector_load %arg6[%swap3A_1698] {strides = array<i32>} : memref<1024xf32, #tpu.memory_space<vmem>>, vector<16xf32>,
          tpu.vector_store %arg6[%swap3A_1698], %min3A_1697 {strides = array<i32>} : memref<1024xf32, #tpu.memory_space<vmem>>, vector<16xf32>,
          %gt3A_1700 = arith.cmpf ogt, %min3A_1697, %select_n3A_1661 : vector<16xf32>
          %select_n3A_1701 = arith.select %gt3A_1700, %min3A_1697, %select_n3A_1661 : vector<16xi1>, vector<16xf32>
          %add3A_1702 = arith.constant 560 : i32
          %add3A_1703 = vector.broadcast %add3A_1702 : i32 to vector<16xi32>
          %add3A_1704 = arith.addi %iota3A, %add3A_1703 : vector<16xi32>
          %select_n3A_1705 = arith.select %gt3A_1700, %add3A_1704, %select_n3A_1665 : vector<16xi1>, vector<16xi32>
          %get3A_1706 = arith.constant 0 : i32
          %get3A_1707 = arith.constant 4 : i32
          %get3A_1708 = arith.constant 0 : i32
          %get3A_1709 = arith.index_cast %get3A_1706 : i32 to index
          %get3A_1710 = arith.index_cast %get3A_1707 : i32 to index
          %get3A_1711 = arith.index_cast %get3A_1708 : i32 to index
          %get3A_1712 = arith.constant 64 : index
          %get3A_1713 = tpu.vector_load %arg5[%get3A_1709, %get3A_1710, %get3A_1711, %get3A_1712] {strides = array<i32>} : memref<3x8x1x128xf32, #tpu.memory_space<vmem>>, vector<16xf32>,
          %get3A_1714 = arith.constant 1 : i32
          %get3A_1715 = arith.constant 4 : i32
          %get3A_1716 = arith.constant 0 : i32
          %get3A_1717 = arith.index_cast %get3A_1714 : i32 to index
          %get3A_1718 = arith.index_cast %get3A_1715 : i32 to index
          %get3A_1719 = arith.index_cast %get3A_1716 : i32 to index
          %get3A_1720 = arith.constant 64 : index
          %get3A_1721 = tpu.vector_load %arg5[%get3A_1717, %get3A_1718, %get3A_1719, %get3A_1720] {strides = array<i32>} : memref<3x8x1x128xf32, #tpu.memory_space<vmem>>, vector<16xf32>,
          %get3A_1722 = arith.constant 2 : i32
          %get3A_1723 = arith.constant 4 : i32
          %get3A_1724 = arith.constant 0 : i32
          %get3A_1725 = arith.index_cast %get3A_1722 : i32 to index
          %get3A_1726 = arith.index_cast %get3A_1723 : i32 to index
          %get3A_1727 = arith.index_cast %get3A_1724 : i32 to index
          %get3A_1728 = arith.constant 64 : index
          %get3A_1729 = tpu.vector_load %arg5[%get3A_1725, %get3A_1726, %get3A_1727, %get3A_1728] {strides = array<i32>} : memref<3x8x1x128xf32, #tpu.memory_space<vmem>>, vector<16xf32>,
          %mul3A_1730 = arith.mulf %get3A_1713, %get3A_1713 : vector<16xf32>
          %mul3A_1731 = arith.mulf %get3A_1721, %get3A_1721 : vector<16xf32>
          %add3A_1732 = arith.addf %mul3A_1730, %mul3A_1731 : vector<16xf32>
          %mul3A_1733 = arith.mulf %get3A_1729, %get3A_1729 : vector<16xf32>
          %add3A_1734 = arith.addf %add3A_1732, %mul3A_1733 : vector<16xf32>
          %get3A_1735 = arith.constant 576 : index
          %get3A_1736 = tpu.vector_load %arg6[%get3A_1735] {strides = array<i32>} : memref<1024xf32, #tpu.memory_space<vmem>>, vector<16xf32>,
          %min3A_1737 = arith.minimumf %add3A_1734, %get3A_1736 : vector<16xf32>
          %swap3A_1738 = arith.constant 576 : index
          %swap3A_1739 = tpu.vector_load %arg6[%swap3A_1738] {strides = array<i32>} : memref<1024xf32, #tpu.memory_space<vmem>>, vector<16xf32>,
          tpu.vector_store %arg6[%swap3A_1738], %min3A_1737 {strides = array<i32>} : memref<1024xf32, #tpu.memory_space<vmem>>, vector<16xf32>,
          %gt3A_1740 = arith.cmpf ogt, %min3A_1737, %select_n3A_1701 : vector<16xf32>
          %select_n3A_1741 = arith.select %gt3A_1740, %min3A_1737, %select_n3A_1701 : vector<16xi1>, vector<16xf32>
          %add3A_1742 = arith.constant 576 : i32
          %add3A_1743 = vector.broadcast %add3A_1742 : i32 to vector<16xi32>
          %add3A_1744 = arith.addi %iota3A, %add3A_1743 : vector<16xi32>
          %select_n3A_1745 = arith.select %gt3A_1740, %add3A_1744, %select_n3A_1705 : vector<16xi1>, vector<16xi32>
          %get3A_1746 = arith.constant 0 : i32
          %get3A_1747 = arith.constant 4 : i32
          %get3A_1748 = arith.constant 0 : i32
          %get3A_1749 = arith.index_cast %get3A_1746 : i32 to index
          %get3A_1750 = arith.index_cast %get3A_1747 : i32 to index
          %get3A_1751 = arith.index_cast %get3A_1748 : i32 to index
          %get3A_1752 = arith.constant 80 : index
          %get3A_1753 = tpu.vector_load %arg5[%get3A_1749, %get3A_1750, %get3A_1751, %get3A_1752] {strides = array<i32>} : memref<3x8x1x128xf32, #tpu.memory_space<vmem>>, vector<16xf32>,
          %get3A_1754 = arith.constant 1 : i32
          %get3A_1755 = arith.constant 4 : i32
          %get3A_1756 = arith.constant 0 : i32
          %get3A_1757 = arith.index_cast %get3A_1754 : i32 to index
          %get3A_1758 = arith.index_cast %get3A_1755 : i32 to index
          %get3A_1759 = arith.index_cast %get3A_1756 : i32 to index
          %get3A_1760 = arith.constant 80 : index
          %get3A_1761 = tpu.vector_load %arg5[%get3A_1757, %get3A_1758, %get3A_1759, %get3A_1760] {strides = array<i32>} : memref<3x8x1x128xf32, #tpu.memory_space<vmem>>, vector<16xf32>,
          %get3A_1762 = arith.constant 2 : i32
          %get3A_1763 = arith.constant 4 : i32
          %get3A_1764 = arith.constant 0 : i32
          %get3A_1765 = arith.index_cast %get3A_1762 : i32 to index
          %get3A_1766 = arith.index_cast %get3A_1763 : i32 to index
          %get3A_1767 = arith.index_cast %get3A_1764 : i32 to index
          %get3A_1768 = arith.constant 80 : index
          %get3A_1769 = tpu.vector_load %arg5[%get3A_1765, %get3A_1766, %get3A_1767, %get3A_1768] {strides = array<i32>} : memref<3x8x1x128xf32, #tpu.memory_space<vmem>>, vector<16xf32>,
          %mul3A_1770 = arith.mulf %get3A_1753, %get3A_1753 : vector<16xf32>
          %mul3A_1771 = arith.mulf %get3A_1761, %get3A_1761 : vector<16xf32>
          %add3A_1772 = arith.addf %mul3A_1770, %mul3A_1771 : vector<16xf32>
          %mul3A_1773 = arith.mulf %get3A_1769, %get3A_1769 : vector<16xf32>
          %add3A_1774 = arith.addf %add3A_1772, %mul3A_1773 : vector<16xf32>
          %get3A_1775 = arith.constant 592 : index
          %get3A_1776 = tpu.vector_load %arg6[%get3A_1775] {strides = array<i32>} : memref<1024xf32, #tpu.memory_space<vmem>>, vector<16xf32>,
          %min3A_1777 = arith.minimumf %add3A_1774, %get3A_1776 : vector<16xf32>
          %swap3A_1778 = arith.constant 592 : index
          %swap3A_1779 = tpu.vector_load %arg6[%swap3A_1778] {strides = array<i32>} : memref<1024xf32, #tpu.memory_space<vmem>>, vector<16xf32>,
          tpu.vector_store %arg6[%swap3A_1778], %min3A_1777 {strides = array<i32>} : memref<1024xf32, #tpu.memory_space<vmem>>, vector<16xf32>,
          %gt3A_1780 = arith.cmpf ogt, %min3A_1777, %select_n3A_1741 : vector<16xf32>
          %select_n3A_1781 = arith.select %gt3A_1780, %min3A_1777, %select_n3A_1741 : vector<16xi1>, vector<16xf32>
          %add3A_1782 = arith.constant 592 : i32
          %add3A_1783 = vector.broadcast %add3A_1782 : i32 to vector<16xi32>
          %add3A_1784 = arith.addi %iota3A, %add3A_1783 : vector<16xi32>
          %select_n3A_1785 = arith.select %gt3A_1780, %add3A_1784, %select_n3A_1745 : vector<16xi1>, vector<16xi32>
          %get3A_1786 = arith.constant 0 : i32
          %get3A_1787 = arith.constant 4 : i32
          %get3A_1788 = arith.constant 0 : i32
          %get3A_1789 = arith.index_cast %get3A_1786 : i32 to index
          %get3A_1790 = arith.index_cast %get3A_1787 : i32 to index
          %get3A_1791 = arith.index_cast %get3A_1788 : i32 to index
          %get3A_1792 = arith.constant 96 : index
          %get3A_1793 = tpu.vector_load %arg5[%get3A_1789, %get3A_1790, %get3A_1791, %get3A_1792] {strides = array<i32>} : memref<3x8x1x128xf32, #tpu.memory_space<vmem>>, vector<16xf32>,
          %get3A_1794 = arith.constant 1 : i32
          %get3A_1795 = arith.constant 4 : i32
          %get3A_1796 = arith.constant 0 : i32
          %get3A_1797 = arith.index_cast %get3A_1794 : i32 to index
          %get3A_1798 = arith.index_cast %get3A_1795 : i32 to index
          %get3A_1799 = arith.index_cast %get3A_1796 : i32 to index
          %get3A_1800 = arith.constant 96 : index
          %get3A_1801 = tpu.vector_load %arg5[%get3A_1797, %get3A_1798, %get3A_1799, %get3A_1800] {strides = array<i32>} : memref<3x8x1x128xf32, #tpu.memory_space<vmem>>, vector<16xf32>,
          %get3A_1802 = arith.constant 2 : i32
          %get3A_1803 = arith.constant 4 : i32
          %get3A_1804 = arith.constant 0 : i32
          %get3A_1805 = arith.index_cast %get3A_1802 : i32 to index
          %get3A_1806 = arith.index_cast %get3A_1803 : i32 to index
          %get3A_1807 = arith.index_cast %get3A_1804 : i32 to index
          %get3A_1808 = arith.constant 96 : index
          %get3A_1809 = tpu.vector_load %arg5[%get3A_1805, %get3A_1806, %get3A_1807, %get3A_1808] {strides = array<i32>} : memref<3x8x1x128xf32, #tpu.memory_space<vmem>>, vector<16xf32>,
          %mul3A_1810 = arith.mulf %get3A_1793, %get3A_1793 : vector<16xf32>
          %mul3A_1811 = arith.mulf %get3A_1801, %get3A_1801 : vector<16xf32>
          %add3A_1812 = arith.addf %mul3A_1810, %mul3A_1811 : vector<16xf32>
          %mul3A_1813 = arith.mulf %get3A_1809, %get3A_1809 : vector<16xf32>
          %add3A_1814 = arith.addf %add3A_1812, %mul3A_1813 : vector<16xf32>
          %get3A_1815 = arith.constant 608 : index
          %get3A_1816 = tpu.vector_load %arg6[%get3A_1815] {strides = array<i32>} : memref<1024xf32, #tpu.memory_space<vmem>>, vector<16xf32>,
          %min3A_1817 = arith.minimumf %add3A_1814, %get3A_1816 : vector<16xf32>
          %swap3A_1818 = arith.constant 608 : index
          %swap3A_1819 = tpu.vector_load %arg6[%swap3A_1818] {strides = array<i32>} : memref<1024xf32, #tpu.memory_space<vmem>>, vector<16xf32>,
          tpu.vector_store %arg6[%swap3A_1818], %min3A_1817 {strides = array<i32>} : memref<1024xf32, #tpu.memory_space<vmem>>, vector<16xf32>,
          %gt3A_1820 = arith.cmpf ogt, %min3A_1817, %select_n3A_1781 : vector<16xf32>
          %select_n3A_1821 = arith.select %gt3A_1820, %min3A_1817, %select_n3A_1781 : vector<16xi1>, vector<16xf32>
          %add3A_1822 = arith.constant 608 : i32
          %add3A_1823 = vector.broadcast %add3A_1822 : i32 to vector<16xi32>
          %add3A_1824 = arith.addi %iota3A, %add3A_1823 : vector<16xi32>
          %select_n3A_1825 = arith.select %gt3A_1820, %add3A_1824, %select_n3A_1785 : vector<16xi1>, vector<16xi32>
          %get3A_1826 = arith.constant 0 : i32
          %get3A_1827 = arith.constant 4 : i32
          %get3A_1828 = arith.constant 0 : i32
          %get3A_1829 = arith.index_cast %get3A_1826 : i32 to index
          %get3A_1830 = arith.index_cast %get3A_1827 : i32 to index
          %get3A_1831 = arith.index_cast %get3A_1828 : i32 to index
          %get3A_1832 = arith.constant 112 : index
          %get3A_1833 = tpu.vector_load %arg5[%get3A_1829, %get3A_1830, %get3A_1831, %get3A_1832] {strides = array<i32>} : memref<3x8x1x128xf32, #tpu.memory_space<vmem>>, vector<16xf32>,
          %get3A_1834 = arith.constant 1 : i32
          %get3A_1835 = arith.constant 4 : i32
          %get3A_1836 = arith.constant 0 : i32
          %get3A_1837 = arith.index_cast %get3A_1834 : i32 to index
          %get3A_1838 = arith.index_cast %get3A_1835 : i32 to index
          %get3A_1839 = arith.index_cast %get3A_1836 : i32 to index
          %get3A_1840 = arith.constant 112 : index
          %get3A_1841 = tpu.vector_load %arg5[%get3A_1837, %get3A_1838, %get3A_1839, %get3A_1840] {strides = array<i32>} : memref<3x8x1x128xf32, #tpu.memory_space<vmem>>, vector<16xf32>,
          %get3A_1842 = arith.constant 2 : i32
          %get3A_1843 = arith.constant 4 : i32
          %get3A_1844 = arith.constant 0 : i32
          %get3A_1845 = arith.index_cast %get3A_1842 : i32 to index
          %get3A_1846 = arith.index_cast %get3A_1843 : i32 to index
          %get3A_1847 = arith.index_cast %get3A_1844 : i32 to index
          %get3A_1848 = arith.constant 112 : index
          %get3A_1849 = tpu.vector_load %arg5[%get3A_1845, %get3A_1846, %get3A_1847, %get3A_1848] {strides = array<i32>} : memref<3x8x1x128xf32, #tpu.memory_space<vmem>>, vector<16xf32>,
          %mul3A_1850 = arith.mulf %get3A_1833, %get3A_1833 : vector<16xf32>
          %mul3A_1851 = arith.mulf %get3A_1841, %get3A_1841 : vector<16xf32>
          %add3A_1852 = arith.addf %mul3A_1850, %mul3A_1851 : vector<16xf32>
          %mul3A_1853 = arith.mulf %get3A_1849, %get3A_1849 : vector<16xf32>
          %add3A_1854 = arith.addf %add3A_1852, %mul3A_1853 : vector<16xf32>
          %get3A_1855 = arith.constant 624 : index
          %get3A_1856 = tpu.vector_load %arg6[%get3A_1855] {strides = array<i32>} : memref<1024xf32, #tpu.memory_space<vmem>>, vector<16xf32>,
          %min3A_1857 = arith.minimumf %add3A_1854, %get3A_1856 : vector<16xf32>
          %swap3A_1858 = arith.constant 624 : index
          %swap3A_1859 = tpu.vector_load %arg6[%swap3A_1858] {strides = array<i32>} : memref<1024xf32, #tpu.memory_space<vmem>>, vector<16xf32>,
          tpu.vector_store %arg6[%swap3A_1858], %min3A_1857 {strides = array<i32>} : memref<1024xf32, #tpu.memory_space<vmem>>, vector<16xf32>,
          %gt3A_1860 = arith.cmpf ogt, %min3A_1857, %select_n3A_1821 : vector<16xf32>
          %select_n3A_1861 = arith.select %gt3A_1860, %min3A_1857, %select_n3A_1821 : vector<16xi1>, vector<16xf32>
          %add3A_1862 = arith.constant 624 : i32
          %add3A_1863 = vector.broadcast %add3A_1862 : i32 to vector<16xi32>
          %add3A_1864 = arith.addi %iota3A, %add3A_1863 : vector<16xi32>
          %select_n3A_1865 = arith.select %gt3A_1860, %add3A_1864, %select_n3A_1825 : vector<16xi1>, vector<16xi32>
          %get3A_1866 = arith.constant 0 : i32
          %get3A_1867 = arith.constant 5 : i32
          %get3A_1868 = arith.constant 0 : i32
          %get3A_1869 = arith.index_cast %get3A_1866 : i32 to index
          %get3A_1870 = arith.index_cast %get3A_1867 : i32 to index
          %get3A_1871 = arith.index_cast %get3A_1868 : i32 to index
          %get3A_1872 = arith.constant 0 : index
          %get3A_1873 = tpu.vector_load %arg5[%get3A_1869, %get3A_1870, %get3A_1871, %get3A_1872] {strides = array<i32>} : memref<3x8x1x128xf32, #tpu.memory_space<vmem>>, vector<16xf32>,
          %get3A_1874 = arith.constant 1 : i32
          %get3A_1875 = arith.constant 5 : i32
          %get3A_1876 = arith.constant 0 : i32
          %get3A_1877 = arith.index_cast %get3A_1874 : i32 to index
          %get3A_1878 = arith.index_cast %get3A_1875 : i32 to index
          %get3A_1879 = arith.index_cast %get3A_1876 : i32 to index
          %get3A_1880 = arith.constant 0 : index
          %get3A_1881 = tpu.vector_load %arg5[%get3A_1877, %get3A_1878, %get3A_1879, %get3A_1880] {strides = array<i32>} : memref<3x8x1x128xf32, #tpu.memory_space<vmem>>, vector<16xf32>,
          %get3A_1882 = arith.constant 2 : i32
          %get3A_1883 = arith.constant 5 : i32
          %get3A_1884 = arith.constant 0 : i32
          %get3A_1885 = arith.index_cast %get3A_1882 : i32 to index
          %get3A_1886 = arith.index_cast %get3A_1883 : i32 to index
          %get3A_1887 = arith.index_cast %get3A_1884 : i32 to index
          %get3A_1888 = arith.constant 0 : index
          %get3A_1889 = tpu.vector_load %arg5[%get3A_1885, %get3A_1886, %get3A_1887, %get3A_1888] {strides = array<i32>} : memref<3x8x1x128xf32, #tpu.memory_space<vmem>>, vector<16xf32>,
          %mul3A_1890 = arith.mulf %get3A_1873, %get3A_1873 : vector<16xf32>
          %mul3A_1891 = arith.mulf %get3A_1881, %get3A_1881 : vector<16xf32>
          %add3A_1892 = arith.addf %mul3A_1890, %mul3A_1891 : vector<16xf32>
          %mul3A_1893 = arith.mulf %get3A_1889, %get3A_1889 : vector<16xf32>
          %add3A_1894 = arith.addf %add3A_1892, %mul3A_1893 : vector<16xf32>
          %get3A_1895 = arith.constant 640 : index
          %get3A_1896 = tpu.vector_load %arg6[%get3A_1895] {strides = array<i32>} : memref<1024xf32, #tpu.memory_space<vmem>>, vector<16xf32>,
          %min3A_1897 = arith.minimumf %add3A_1894, %get3A_1896 : vector<16xf32>
          %swap3A_1898 = arith.constant 640 : index
          %swap3A_1899 = tpu.vector_load %arg6[%swap3A_1898] {strides = array<i32>} : memref<1024xf32, #tpu.memory_space<vmem>>, vector<16xf32>,
          tpu.vector_store %arg6[%swap3A_1898], %min3A_1897 {strides = array<i32>} : memref<1024xf32, #tpu.memory_space<vmem>>, vector<16xf32>,
          %gt3A_1900 = arith.cmpf ogt, %min3A_1897, %select_n3A_1861 : vector<16xf32>
          %select_n3A_1901 = arith.select %gt3A_1900, %min3A_1897, %select_n3A_1861 : vector<16xi1>, vector<16xf32>
          %add3A_1902 = arith.constant 640 : i32
          %add3A_1903 = vector.broadcast %add3A_1902 : i32 to vector<16xi32>
          %add3A_1904 = arith.addi %iota3A, %add3A_1903 : vector<16xi32>
          %select_n3A_1905 = arith.select %gt3A_1900, %add3A_1904, %select_n3A_1865 : vector<16xi1>, vector<16xi32>
          %get3A_1906 = arith.constant 0 : i32
          %get3A_1907 = arith.constant 5 : i32
          %get3A_1908 = arith.constant 0 : i32
          %get3A_1909 = arith.index_cast %get3A_1906 : i32 to index
          %get3A_1910 = arith.index_cast %get3A_1907 : i32 to index
          %get3A_1911 = arith.index_cast %get3A_1908 : i32 to index
          %get3A_1912 = arith.constant 16 : index
          %get3A_1913 = tpu.vector_load %arg5[%get3A_1909, %get3A_1910, %get3A_1911, %get3A_1912] {strides = array<i32>} : memref<3x8x1x128xf32, #tpu.memory_space<vmem>>, vector<16xf32>,
          %get3A_1914 = arith.constant 1 : i32
          %get3A_1915 = arith.constant 5 : i32
          %get3A_1916 = arith.constant 0 : i32
          %get3A_1917 = arith.index_cast %get3A_1914 : i32 to index
          %get3A_1918 = arith.index_cast %get3A_1915 : i32 to index
          %get3A_1919 = arith.index_cast %get3A_1916 : i32 to index
          %get3A_1920 = arith.constant 16 : index
          %get3A_1921 = tpu.vector_load %arg5[%get3A_1917, %get3A_1918, %get3A_1919, %get3A_1920] {strides = array<i32>} : memref<3x8x1x128xf32, #tpu.memory_space<vmem>>, vector<16xf32>,
          %get3A_1922 = arith.constant 2 : i32
          %get3A_1923 = arith.constant 5 : i32
          %get3A_1924 = arith.constant 0 : i32
          %get3A_1925 = arith.index_cast %get3A_1922 : i32 to index
          %get3A_1926 = arith.index_cast %get3A_1923 : i32 to index
          %get3A_1927 = arith.index_cast %get3A_1924 : i32 to index
          %get3A_1928 = arith.constant 16 : index
          %get3A_1929 = tpu.vector_load %arg5[%get3A_1925, %get3A_1926, %get3A_1927, %get3A_1928] {strides = array<i32>} : memref<3x8x1x128xf32, #tpu.memory_space<vmem>>, vector<16xf32>,
          %mul3A_1930 = arith.mulf %get3A_1913, %get3A_1913 : vector<16xf32>
          %mul3A_1931 = arith.mulf %get3A_1921, %get3A_1921 : vector<16xf32>
          %add3A_1932 = arith.addf %mul3A_1930, %mul3A_1931 : vector<16xf32>
          %mul3A_1933 = arith.mulf %get3A_1929, %get3A_1929 : vector<16xf32>
          %add3A_1934 = arith.addf %add3A_1932, %mul3A_1933 : vector<16xf32>
          %get3A_1935 = arith.constant 656 : index
          %get3A_1936 = tpu.vector_load %arg6[%get3A_1935] {strides = array<i32>} : memref<1024xf32, #tpu.memory_space<vmem>>, vector<16xf32>,
          %min3A_1937 = arith.minimumf %add3A_1934, %get3A_1936 : vector<16xf32>
          %swap3A_1938 = arith.constant 656 : index
          %swap3A_1939 = tpu.vector_load %arg6[%swap3A_1938] {strides = array<i32>} : memref<1024xf32, #tpu.memory_space<vmem>>, vector<16xf32>,
          tpu.vector_store %arg6[%swap3A_1938], %min3A_1937 {strides = array<i32>} : memref<1024xf32, #tpu.memory_space<vmem>>, vector<16xf32>,
          %gt3A_1940 = arith.cmpf ogt, %min3A_1937, %select_n3A_1901 : vector<16xf32>
          %select_n3A_1941 = arith.select %gt3A_1940, %min3A_1937, %select_n3A_1901 : vector<16xi1>, vector<16xf32>
          %add3A_1942 = arith.constant 656 : i32
          %add3A_1943 = vector.broadcast %add3A_1942 : i32 to vector<16xi32>
          %add3A_1944 = arith.addi %iota3A, %add3A_1943 : vector<16xi32>
          %select_n3A_1945 = arith.select %gt3A_1940, %add3A_1944, %select_n3A_1905 : vector<16xi1>, vector<16xi32>
          %get3A_1946 = arith.constant 0 : i32
          %get3A_1947 = arith.constant 5 : i32
          %get3A_1948 = arith.constant 0 : i32
          %get3A_1949 = arith.index_cast %get3A_1946 : i32 to index
          %get3A_1950 = arith.index_cast %get3A_1947 : i32 to index
          %get3A_1951 = arith.index_cast %get3A_1948 : i32 to index
          %get3A_1952 = arith.constant 32 : index
          %get3A_1953 = tpu.vector_load %arg5[%get3A_1949, %get3A_1950, %get3A_1951, %get3A_1952] {strides = array<i32>} : memref<3x8x1x128xf32, #tpu.memory_space<vmem>>, vector<16xf32>,
          %get3A_1954 = arith.constant 1 : i32
          %get3A_1955 = arith.constant 5 : i32
          %get3A_1956 = arith.constant 0 : i32
          %get3A_1957 = arith.index_cast %get3A_1954 : i32 to index
          %get3A_1958 = arith.index_cast %get3A_1955 : i32 to index
          %get3A_1959 = arith.index_cast %get3A_1956 : i32 to index
          %get3A_1960 = arith.constant 32 : index
          %get3A_1961 = tpu.vector_load %arg5[%get3A_1957, %get3A_1958, %get3A_1959, %get3A_1960] {strides = array<i32>} : memref<3x8x1x128xf32, #tpu.memory_space<vmem>>, vector<16xf32>,
          %get3A_1962 = arith.constant 2 : i32
          %get3A_1963 = arith.constant 5 : i32
          %get3A_1964 = arith.constant 0 : i32
          %get3A_1965 = arith.index_cast %get3A_1962 : i32 to index
          %get3A_1966 = arith.index_cast %get3A_1963 : i32 to index
          %get3A_1967 = arith.index_cast %get3A_1964 : i32 to index
          %get3A_1968 = arith.constant 32 : index
          %get3A_1969 = tpu.vector_load %arg5[%get3A_1965, %get3A_1966, %get3A_1967, %get3A_1968] {strides = array<i32>} : memref<3x8x1x128xf32, #tpu.memory_space<vmem>>, vector<16xf32>,
          %mul3A_1970 = arith.mulf %get3A_1953, %get3A_1953 : vector<16xf32>
          %mul3A_1971 = arith.mulf %get3A_1961, %get3A_1961 : vector<16xf32>
          %add3A_1972 = arith.addf %mul3A_1970, %mul3A_1971 : vector<16xf32>
          %mul3A_1973 = arith.mulf %get3A_1969, %get3A_1969 : vector<16xf32>
          %add3A_1974 = arith.addf %add3A_1972, %mul3A_1973 : vector<16xf32>
          %get3A_1975 = arith.constant 672 : index
          %get3A_1976 = tpu.vector_load %arg6[%get3A_1975] {strides = array<i32>} : memref<1024xf32, #tpu.memory_space<vmem>>, vector<16xf32>,
          %min3A_1977 = arith.minimumf %add3A_1974, %get3A_1976 : vector<16xf32>
          %swap3A_1978 = arith.constant 672 : index
          %swap3A_1979 = tpu.vector_load %arg6[%swap3A_1978] {strides = array<i32>} : memref<1024xf32, #tpu.memory_space<vmem>>, vector<16xf32>,
          tpu.vector_store %arg6[%swap3A_1978], %min3A_1977 {strides = array<i32>} : memref<1024xf32, #tpu.memory_space<vmem>>, vector<16xf32>,
          %gt3A_1980 = arith.cmpf ogt, %min3A_1977, %select_n3A_1941 : vector<16xf32>
          %select_n3A_1981 = arith.select %gt3A_1980, %min3A_1977, %select_n3A_1941 : vector<16xi1>, vector<16xf32>
          %add3A_1982 = arith.constant 672 : i32
          %add3A_1983 = vector.broadcast %add3A_1982 : i32 to vector<16xi32>
          %add3A_1984 = arith.addi %iota3A, %add3A_1983 : vector<16xi32>
          %select_n3A_1985 = arith.select %gt3A_1980, %add3A_1984, %select_n3A_1945 : vector<16xi1>, vector<16xi32>
          %get3A_1986 = arith.constant 0 : i32
          %get3A_1987 = arith.constant 5 : i32
          %get3A_1988 = arith.constant 0 : i32
          %get3A_1989 = arith.index_cast %get3A_1986 : i32 to index
          %get3A_1990 = arith.index_cast %get3A_1987 : i32 to index
          %get3A_1991 = arith.index_cast %get3A_1988 : i32 to index
          %get3A_1992 = arith.constant 48 : index
          %get3A_1993 = tpu.vector_load %arg5[%get3A_1989, %get3A_1990, %get3A_1991, %get3A_1992] {strides = array<i32>} : memref<3x8x1x128xf32, #tpu.memory_space<vmem>>, vector<16xf32>,
          %get3A_1994 = arith.constant 1 : i32
          %get3A_1995 = arith.constant 5 : i32
          %get3A_1996 = arith.constant 0 : i32
          %get3A_1997 = arith.index_cast %get3A_1994 : i32 to index
          %get3A_1998 = arith.index_cast %get3A_1995 : i32 to index
          %get3A_1999 = arith.index_cast %get3A_1996 : i32 to index
          %get3A_2000 = arith.constant 48 : index
          %get3A_2001 = tpu.vector_load %arg5[%get3A_1997, %get3A_1998, %get3A_1999, %get3A_2000] {strides = array<i32>} : memref<3x8x1x128xf32, #tpu.memory_space<vmem>>, vector<16xf32>,
          %get3A_2002 = arith.constant 2 : i32
          %get3A_2003 = arith.constant 5 : i32
          %get3A_2004 = arith.constant 0 : i32
          %get3A_2005 = arith.index_cast %get3A_2002 : i32 to index
          %get3A_2006 = arith.index_cast %get3A_2003 : i32 to index
          %get3A_2007 = arith.index_cast %get3A_2004 : i32 to index
          %get3A_2008 = arith.constant 48 : index
          %get3A_2009 = tpu.vector_load %arg5[%get3A_2005, %get3A_2006, %get3A_2007, %get3A_2008] {strides = array<i32>} : memref<3x8x1x128xf32, #tpu.memory_space<vmem>>, vector<16xf32>,
          %mul3A_2010 = arith.mulf %get3A_1993, %get3A_1993 : vector<16xf32>
          %mul3A_2011 = arith.mulf %get3A_2001, %get3A_2001 : vector<16xf32>
          %add3A_2012 = arith.addf %mul3A_2010, %mul3A_2011 : vector<16xf32>
          %mul3A_2013 = arith.mulf %get3A_2009, %get3A_2009 : vector<16xf32>
          %add3A_2014 = arith.addf %add3A_2012, %mul3A_2013 : vector<16xf32>
          %get3A_2015 = arith.constant 688 : index
          %get3A_2016 = tpu.vector_load %arg6[%get3A_2015] {strides = array<i32>} : memref<1024xf32, #tpu.memory_space<vmem>>, vector<16xf32>,
          %min3A_2017 = arith.minimumf %add3A_2014, %get3A_2016 : vector<16xf32>
          %swap3A_2018 = arith.constant 688 : index
          %swap3A_2019 = tpu.vector_load %arg6[%swap3A_2018] {strides = array<i32>} : memref<1024xf32, #tpu.memory_space<vmem>>, vector<16xf32>,
          tpu.vector_store %arg6[%swap3A_2018], %min3A_2017 {strides = array<i32>} : memref<1024xf32, #tpu.memory_space<vmem>>, vector<16xf32>,
          %gt3A_2020 = arith.cmpf ogt, %min3A_2017, %select_n3A_1981 : vector<16xf32>
          %select_n3A_2021 = arith.select %gt3A_2020, %min3A_2017, %select_n3A_1981 : vector<16xi1>, vector<16xf32>
          %add3A_2022 = arith.constant 688 : i32
          %add3A_2023 = vector.broadcast %add3A_2022 : i32 to vector<16xi32>
          %add3A_2024 = arith.addi %iota3A, %add3A_2023 : vector<16xi32>
          %select_n3A_2025 = arith.select %gt3A_2020, %add3A_2024, %select_n3A_1985 : vector<16xi1>, vector<16xi32>
          %get3A_2026 = arith.constant 0 : i32
          %get3A_2027 = arith.constant 5 : i32
          %get3A_2028 = arith.constant 0 : i32
          %get3A_2029 = arith.index_cast %get3A_2026 : i32 to index
          %get3A_2030 = arith.index_cast %get3A_2027 : i32 to index
          %get3A_2031 = arith.index_cast %get3A_2028 : i32 to index
          %get3A_2032 = arith.constant 64 : index
          %get3A_2033 = tpu.vector_load %arg5[%get3A_2029, %get3A_2030, %get3A_2031, %get3A_2032] {strides = array<i32>} : memref<3x8x1x128xf32, #tpu.memory_space<vmem>>, vector<16xf32>,
          %get3A_2034 = arith.constant 1 : i32
          %get3A_2035 = arith.constant 5 : i32
          %get3A_2036 = arith.constant 0 : i32
          %get3A_2037 = arith.index_cast %get3A_2034 : i32 to index
          %get3A_2038 = arith.index_cast %get3A_2035 : i32 to index
          %get3A_2039 = arith.index_cast %get3A_2036 : i32 to index
          %get3A_2040 = arith.constant 64 : index
          %get3A_2041 = tpu.vector_load %arg5[%get3A_2037, %get3A_2038, %get3A_2039, %get3A_2040] {strides = array<i32>} : memref<3x8x1x128xf32, #tpu.memory_space<vmem>>, vector<16xf32>,
          %get3A_2042 = arith.constant 2 : i32
          %get3A_2043 = arith.constant 5 : i32
          %get3A_2044 = arith.constant 0 : i32
          %get3A_2045 = arith.index_cast %get3A_2042 : i32 to index
          %get3A_2046 = arith.index_cast %get3A_2043 : i32 to index
          %get3A_2047 = arith.index_cast %get3A_2044 : i32 to index
          %get3A_2048 = arith.constant 64 : index
          %get3A_2049 = tpu.vector_load %arg5[%get3A_2045, %get3A_2046, %get3A_2047, %get3A_2048] {strides = array<i32>} : memref<3x8x1x128xf32, #tpu.memory_space<vmem>>, vector<16xf32>,
          %mul3A_2050 = arith.mulf %get3A_2033, %get3A_2033 : vector<16xf32>
          %mul3A_2051 = arith.mulf %get3A_2041, %get3A_2041 : vector<16xf32>
          %add3A_2052 = arith.addf %mul3A_2050, %mul3A_2051 : vector<16xf32>
          %mul3A_2053 = arith.mulf %get3A_2049, %get3A_2049 : vector<16xf32>
          %add3A_2054 = arith.addf %add3A_2052, %mul3A_2053 : vector<16xf32>
          %get3A_2055 = arith.constant 704 : index
          %get3A_2056 = tpu.vector_load %arg6[%get3A_2055] {strides = array<i32>} : memref<1024xf32, #tpu.memory_space<vmem>>, vector<16xf32>,
          %min3A_2057 = arith.minimumf %add3A_2054, %get3A_2056 : vector<16xf32>
          %swap3A_2058 = arith.constant 704 : index
          %swap3A_2059 = tpu.vector_load %arg6[%swap3A_2058] {strides = array<i32>} : memref<1024xf32, #tpu.memory_space<vmem>>, vector<16xf32>,
          tpu.vector_store %arg6[%swap3A_2058], %min3A_2057 {strides = array<i32>} : memref<1024xf32, #tpu.memory_space<vmem>>, vector<16xf32>,
          %gt3A_2060 = arith.cmpf ogt, %min3A_2057, %select_n3A_2021 : vector<16xf32>
          %select_n3A_2061 = arith.select %gt3A_2060, %min3A_2057, %select_n3A_2021 : vector<16xi1>, vector<16xf32>
          %add3A_2062 = arith.constant 704 : i32
          %add3A_2063 = vector.broadcast %add3A_2062 : i32 to vector<16xi32>
          %add3A_2064 = arith.addi %iota3A, %add3A_2063 : vector<16xi32>
          %select_n3A_2065 = arith.select %gt3A_2060, %add3A_2064, %select_n3A_2025 : vector<16xi1>, vector<16xi32>
          %get3A_2066 = arith.constant 0 : i32
          %get3A_2067 = arith.constant 5 : i32
          %get3A_2068 = arith.constant 0 : i32
          %get3A_2069 = arith.index_cast %get3A_2066 : i32 to index
          %get3A_2070 = arith.index_cast %get3A_2067 : i32 to index
          %get3A_2071 = arith.index_cast %get3A_2068 : i32 to index
          %get3A_2072 = arith.constant 80 : index
          %get3A_2073 = tpu.vector_load %arg5[%get3A_2069, %get3A_2070, %get3A_2071, %get3A_2072] {strides = array<i32>} : memref<3x8x1x128xf32, #tpu.memory_space<vmem>>, vector<16xf32>,
          %get3A_2074 = arith.constant 1 : i32
          %get3A_2075 = arith.constant 5 : i32
          %get3A_2076 = arith.constant 0 : i32
          %get3A_2077 = arith.index_cast %get3A_2074 : i32 to index
          %get3A_2078 = arith.index_cast %get3A_2075 : i32 to index
          %get3A_2079 = arith.index_cast %get3A_2076 : i32 to index
          %get3A_2080 = arith.constant 80 : index
          %get3A_2081 = tpu.vector_load %arg5[%get3A_2077, %get3A_2078, %get3A_2079, %get3A_2080] {strides = array<i32>} : memref<3x8x1x128xf32, #tpu.memory_space<vmem>>, vector<16xf32>,
          %get3A_2082 = arith.constant 2 : i32
          %get3A_2083 = arith.constant 5 : i32
          %get3A_2084 = arith.constant 0 : i32
          %get3A_2085 = arith.index_cast %get3A_2082 : i32 to index
          %get3A_2086 = arith.index_cast %get3A_2083 : i32 to index
          %get3A_2087 = arith.index_cast %get3A_2084 : i32 to index
          %get3A_2088 = arith.constant 80 : index
          %get3A_2089 = tpu.vector_load %arg5[%get3A_2085, %get3A_2086, %get3A_2087, %get3A_2088] {strides = array<i32>} : memref<3x8x1x128xf32, #tpu.memory_space<vmem>>, vector<16xf32>,
          %mul3A_2090 = arith.mulf %get3A_2073, %get3A_2073 : vector<16xf32>
          %mul3A_2091 = arith.mulf %get3A_2081, %get3A_2081 : vector<16xf32>
          %add3A_2092 = arith.addf %mul3A_2090, %mul3A_2091 : vector<16xf32>
          %mul3A_2093 = arith.mulf %get3A_2089, %get3A_2089 : vector<16xf32>
          %add3A_2094 = arith.addf %add3A_2092, %mul3A_2093 : vector<16xf32>
          %get3A_2095 = arith.constant 720 : index
          %get3A_2096 = tpu.vector_load %arg6[%get3A_2095] {strides = array<i32>} : memref<1024xf32, #tpu.memory_space<vmem>>, vector<16xf32>,
          %min3A_2097 = arith.minimumf %add3A_2094, %get3A_2096 : vector<16xf32>
          %swap3A_2098 = arith.constant 720 : index
          %swap3A_2099 = tpu.vector_load %arg6[%swap3A_2098] {strides = array<i32>} : memref<1024xf32, #tpu.memory_space<vmem>>, vector<16xf32>,
          tpu.vector_store %arg6[%swap3A_2098], %min3A_2097 {strides = array<i32>} : memref<1024xf32, #tpu.memory_space<vmem>>, vector<16xf32>,
          %gt3A_2100 = arith.cmpf ogt, %min3A_2097, %select_n3A_2061 : vector<16xf32>
          %select_n3A_2101 = arith.select %gt3A_2100, %min3A_2097, %select_n3A_2061 : vector<16xi1>, vector<16xf32>
          %add3A_2102 = arith.constant 720 : i32
          %add3A_2103 = vector.broadcast %add3A_2102 : i32 to vector<16xi32>
          %add3A_2104 = arith.addi %iota3A, %add3A_2103 : vector<16xi32>
          %select_n3A_2105 = arith.select %gt3A_2100, %add3A_2104, %select_n3A_2065 : vector<16xi1>, vector<16xi32>
          %get3A_2106 = arith.constant 0 : i32
          %get3A_2107 = arith.constant 5 : i32
          %get3A_2108 = arith.constant 0 : i32
          %get3A_2109 = arith.index_cast %get3A_2106 : i32 to index
          %get3A_2110 = arith.index_cast %get3A_2107 : i32 to index
          %get3A_2111 = arith.index_cast %get3A_2108 : i32 to index
          %get3A_2112 = arith.constant 96 : index
          %get3A_2113 = tpu.vector_load %arg5[%get3A_2109, %get3A_2110, %get3A_2111, %get3A_2112] {strides = array<i32>} : memref<3x8x1x128xf32, #tpu.memory_space<vmem>>, vector<16xf32>,
          %get3A_2114 = arith.constant 1 : i32
          %get3A_2115 = arith.constant 5 : i32
          %get3A_2116 = arith.constant 0 : i32
          %get3A_2117 = arith.index_cast %get3A_2114 : i32 to index
          %get3A_2118 = arith.index_cast %get3A_2115 : i32 to index
          %get3A_2119 = arith.index_cast %get3A_2116 : i32 to index
          %get3A_2120 = arith.constant 96 : index
          %get3A_2121 = tpu.vector_load %arg5[%get3A_2117, %get3A_2118, %get3A_2119, %get3A_2120] {strides = array<i32>} : memref<3x8x1x128xf32, #tpu.memory_space<vmem>>, vector<16xf32>,
          %get3A_2122 = arith.constant 2 : i32
          %get3A_2123 = arith.constant 5 : i32
          %get3A_2124 = arith.constant 0 : i32
          %get3A_2125 = arith.index_cast %get3A_2122 : i32 to index
          %get3A_2126 = arith.index_cast %get3A_2123 : i32 to index
          %get3A_2127 = arith.index_cast %get3A_2124 : i32 to index
          %get3A_2128 = arith.constant 96 : index
          %get3A_2129 = tpu.vector_load %arg5[%get3A_2125, %get3A_2126, %get3A_2127, %get3A_2128] {strides = array<i32>} : memref<3x8x1x128xf32, #tpu.memory_space<vmem>>, vector<16xf32>,
          %mul3A_2130 = arith.mulf %get3A_2113, %get3A_2113 : vector<16xf32>
          %mul3A_2131 = arith.mulf %get3A_2121, %get3A_2121 : vector<16xf32>
          %add3A_2132 = arith.addf %mul3A_2130, %mul3A_2131 : vector<16xf32>
          %mul3A_2133 = arith.mulf %get3A_2129, %get3A_2129 : vector<16xf32>
          %add3A_2134 = arith.addf %add3A_2132, %mul3A_2133 : vector<16xf32>
          %get3A_2135 = arith.constant 736 : index
          %get3A_2136 = tpu.vector_load %arg6[%get3A_2135] {strides = array<i32>} : memref<1024xf32, #tpu.memory_space<vmem>>, vector<16xf32>,
          %min3A_2137 = arith.minimumf %add3A_2134, %get3A_2136 : vector<16xf32>
          %swap3A_2138 = arith.constant 736 : index
          %swap3A_2139 = tpu.vector_load %arg6[%swap3A_2138] {strides = array<i32>} : memref<1024xf32, #tpu.memory_space<vmem>>, vector<16xf32>,
          tpu.vector_store %arg6[%swap3A_2138], %min3A_2137 {strides = array<i32>} : memref<1024xf32, #tpu.memory_space<vmem>>, vector<16xf32>,
          %gt3A_2140 = arith.cmpf ogt, %min3A_2137, %select_n3A_2101 : vector<16xf32>
          %select_n3A_2141 = arith.select %gt3A_2140, %min3A_2137, %select_n3A_2101 : vector<16xi1>, vector<16xf32>
          %add3A_2142 = arith.constant 736 : i32
          %add3A_2143 = vector.broadcast %add3A_2142 : i32 to vector<16xi32>
          %add3A_2144 = arith.addi %iota3A, %add3A_2143 : vector<16xi32>
          %select_n3A_2145 = arith.select %gt3A_2140, %add3A_2144, %select_n3A_2105 : vector<16xi1>, vector<16xi32>
          %get3A_2146 = arith.constant 0 : i32
          %get3A_2147 = arith.constant 5 : i32
          %get3A_2148 = arith.constant 0 : i32
          %get3A_2149 = arith.index_cast %get3A_2146 : i32 to index
          %get3A_2150 = arith.index_cast %get3A_2147 : i32 to index
          %get3A_2151 = arith.index_cast %get3A_2148 : i32 to index
          %get3A_2152 = arith.constant 112 : index
          %get3A_2153 = tpu.vector_load %arg5[%get3A_2149, %get3A_2150, %get3A_2151, %get3A_2152] {strides = array<i32>} : memref<3x8x1x128xf32, #tpu.memory_space<vmem>>, vector<16xf32>,
          %get3A_2154 = arith.constant 1 : i32
          %get3A_2155 = arith.constant 5 : i32
          %get3A_2156 = arith.constant 0 : i32
          %get3A_2157 = arith.index_cast %get3A_2154 : i32 to index
          %get3A_2158 = arith.index_cast %get3A_2155 : i32 to index
          %get3A_2159 = arith.index_cast %get3A_2156 : i32 to index
          %get3A_2160 = arith.constant 112 : index
          %get3A_2161 = tpu.vector_load %arg5[%get3A_2157, %get3A_2158, %get3A_2159, %get3A_2160] {strides = array<i32>} : memref<3x8x1x128xf32, #tpu.memory_space<vmem>>, vector<16xf32>,
          %get3A_2162 = arith.constant 2 : i32
          %get3A_2163 = arith.constant 5 : i32
          %get3A_2164 = arith.constant 0 : i32
          %get3A_2165 = arith.index_cast %get3A_2162 : i32 to index
          %get3A_2166 = arith.index_cast %get3A_2163 : i32 to index
          %get3A_2167 = arith.index_cast %get3A_2164 : i32 to index
          %get3A_2168 = arith.constant 112 : index
          %get3A_2169 = tpu.vector_load %arg5[%get3A_2165, %get3A_2166, %get3A_2167, %get3A_2168] {strides = array<i32>} : memref<3x8x1x128xf32, #tpu.memory_space<vmem>>, vector<16xf32>,
          %mul3A_2170 = arith.mulf %get3A_2153, %get3A_2153 : vector<16xf32>
          %mul3A_2171 = arith.mulf %get3A_2161, %get3A_2161 : vector<16xf32>
          %add3A_2172 = arith.addf %mul3A_2170, %mul3A_2171 : vector<16xf32>
          %mul3A_2173 = arith.mulf %get3A_2169, %get3A_2169 : vector<16xf32>
          %add3A_2174 = arith.addf %add3A_2172, %mul3A_2173 : vector<16xf32>
          %get3A_2175 = arith.constant 752 : index
          %get3A_2176 = tpu.vector_load %arg6[%get3A_2175] {strides = array<i32>} : memref<1024xf32, #tpu.memory_space<vmem>>, vector<16xf32>,
          %min3A_2177 = arith.minimumf %add3A_2174, %get3A_2176 : vector<16xf32>
          %swap3A_2178 = arith.constant 752 : index
          %swap3A_2179 = tpu.vector_load %arg6[%swap3A_2178] {strides = array<i32>} : memref<1024xf32, #tpu.memory_space<vmem>>, vector<16xf32>,
          tpu.vector_store %arg6[%swap3A_2178], %min3A_2177 {strides = array<i32>} : memref<1024xf32, #tpu.memory_space<vmem>>, vector<16xf32>,
          %gt3A_2180 = arith.cmpf ogt, %min3A_2177, %select_n3A_2141 : vector<16xf32>
          %select_n3A_2181 = arith.select %gt3A_2180, %min3A_2177, %select_n3A_2141 : vector<16xi1>, vector<16xf32>
          %add3A_2182 = arith.constant 752 : i32
          %add3A_2183 = vector.broadcast %add3A_2182 : i32 to vector<16xi32>
          %add3A_2184 = arith.addi %iota3A, %add3A_2183 : vector<16xi32>
          %select_n3A_2185 = arith.select %gt3A_2180, %add3A_2184, %select_n3A_2145 : vector<16xi1>, vector<16xi32>
          %get3A_2186 = arith.constant 0 : i32
          %get3A_2187 = arith.constant 6 : i32
          %get3A_2188 = arith.constant 0 : i32
          %get3A_2189 = arith.index_cast %get3A_2186 : i32 to index
          %get3A_2190 = arith.index_cast %get3A_2187 : i32 to index
          %get3A_2191 = arith.index_cast %get3A_2188 : i32 to index
          %get3A_2192 = arith.constant 0 : index
          %get3A_2193 = tpu.vector_load %arg5[%get3A_2189, %get3A_2190, %get3A_2191, %get3A_2192] {strides = array<i32>} : memref<3x8x1x128xf32, #tpu.memory_space<vmem>>, vector<16xf32>,
          %get3A_2194 = arith.constant 1 : i32
          %get3A_2195 = arith.constant 6 : i32
          %get3A_2196 = arith.constant 0 : i32
          %get3A_2197 = arith.index_cast %get3A_2194 : i32 to index
          %get3A_2198 = arith.index_cast %get3A_2195 : i32 to index
          %get3A_2199 = arith.index_cast %get3A_2196 : i32 to index
          %get3A_2200 = arith.constant 0 : index
          %get3A_2201 = tpu.vector_load %arg5[%get3A_2197, %get3A_2198, %get3A_2199, %get3A_2200] {strides = array<i32>} : memref<3x8x1x128xf32, #tpu.memory_space<vmem>>, vector<16xf32>,
          %get3A_2202 = arith.constant 2 : i32
          %get3A_2203 = arith.constant 6 : i32
          %get3A_2204 = arith.constant 0 : i32
          %get3A_2205 = arith.index_cast %get3A_2202 : i32 to index
          %get3A_2206 = arith.index_cast %get3A_2203 : i32 to index
          %get3A_2207 = arith.index_cast %get3A_2204 : i32 to index
          %get3A_2208 = arith.constant 0 : index
          %get3A_2209 = tpu.vector_load %arg5[%get3A_2205, %get3A_2206, %get3A_2207, %get3A_2208] {strides = array<i32>} : memref<3x8x1x128xf32, #tpu.memory_space<vmem>>, vector<16xf32>,
          %mul3A_2210 = arith.mulf %get3A_2193, %get3A_2193 : vector<16xf32>
          %mul3A_2211 = arith.mulf %get3A_2201, %get3A_2201 : vector<16xf32>
          %add3A_2212 = arith.addf %mul3A_2210, %mul3A_2211 : vector<16xf32>
          %mul3A_2213 = arith.mulf %get3A_2209, %get3A_2209 : vector<16xf32>
          %add3A_2214 = arith.addf %add3A_2212, %mul3A_2213 : vector<16xf32>
          %get3A_2215 = arith.constant 768 : index
          %get3A_2216 = tpu.vector_load %arg6[%get3A_2215] {strides = array<i32>} : memref<1024xf32, #tpu.memory_space<vmem>>, vector<16xf32>,
          %min3A_2217 = arith.minimumf %add3A_2214, %get3A_2216 : vector<16xf32>
          %swap3A_2218 = arith.constant 768 : index
          %swap3A_2219 = tpu.vector_load %arg6[%swap3A_2218] {strides = array<i32>} : memref<1024xf32, #tpu.memory_space<vmem>>, vector<16xf32>,
          tpu.vector_store %arg6[%swap3A_2218], %min3A_2217 {strides = array<i32>} : memref<1024xf32, #tpu.memory_space<vmem>>, vector<16xf32>,
          %gt3A_2220 = arith.cmpf ogt, %min3A_2217, %select_n3A_2181 : vector<16xf32>
          %select_n3A_2221 = arith.select %gt3A_2220, %min3A_2217, %select_n3A_2181 : vector<16xi1>, vector<16xf32>
          %add3A_2222 = arith.constant 768 : i32
          %add3A_2223 = vector.broadcast %add3A_2222 : i32 to vector<16xi32>
          %add3A_2224 = arith.addi %iota3A, %add3A_2223 : vector<16xi32>
          %select_n3A_2225 = arith.select %gt3A_2220, %add3A_2224, %select_n3A_2185 : vector<16xi1>, vector<16xi32>
          %get3A_2226 = arith.constant 0 : i32
          %get3A_2227 = arith.constant 6 : i32
          %get3A_2228 = arith.constant 0 : i32
          %get3A_2229 = arith.index_cast %get3A_2226 : i32 to index
          %get3A_2230 = arith.index_cast %get3A_2227 : i32 to index
          %get3A_2231 = arith.index_cast %get3A_2228 : i32 to index
          %get3A_2232 = arith.constant 16 : index
          %get3A_2233 = tpu.vector_load %arg5[%get3A_2229, %get3A_2230, %get3A_2231, %get3A_2232] {strides = array<i32>} : memref<3x8x1x128xf32, #tpu.memory_space<vmem>>, vector<16xf32>,
          %get3A_2234 = arith.constant 1 : i32
          %get3A_2235 = arith.constant 6 : i32
          %get3A_2236 = arith.constant 0 : i32
          %get3A_2237 = arith.index_cast %get3A_2234 : i32 to index
          %get3A_2238 = arith.index_cast %get3A_2235 : i32 to index
          %get3A_2239 = arith.index_cast %get3A_2236 : i32 to index
          %get3A_2240 = arith.constant 16 : index
          %get3A_2241 = tpu.vector_load %arg5[%get3A_2237, %get3A_2238, %get3A_2239, %get3A_2240] {strides = array<i32>} : memref<3x8x1x128xf32, #tpu.memory_space<vmem>>, vector<16xf32>,
          %get3A_2242 = arith.constant 2 : i32
          %get3A_2243 = arith.constant 6 : i32
          %get3A_2244 = arith.constant 0 : i32
          %get3A_2245 = arith.index_cast %get3A_2242 : i32 to index
          %get3A_2246 = arith.index_cast %get3A_2243 : i32 to index
          %get3A_2247 = arith.index_cast %get3A_2244 : i32 to index
          %get3A_2248 = arith.constant 16 : index
          %get3A_2249 = tpu.vector_load %arg5[%get3A_2245, %get3A_2246, %get3A_2247, %get3A_2248] {strides = array<i32>} : memref<3x8x1x128xf32, #tpu.memory_space<vmem>>, vector<16xf32>,
          %mul3A_2250 = arith.mulf %get3A_2233, %get3A_2233 : vector<16xf32>
          %mul3A_2251 = arith.mulf %get3A_2241, %get3A_2241 : vector<16xf32>
          %add3A_2252 = arith.addf %mul3A_2250, %mul3A_2251 : vector<16xf32>
          %mul3A_2253 = arith.mulf %get3A_2249, %get3A_2249 : vector<16xf32>
          %add3A_2254 = arith.addf %add3A_2252, %mul3A_2253 : vector<16xf32>
          %get3A_2255 = arith.constant 784 : index
          %get3A_2256 = tpu.vector_load %arg6[%get3A_2255] {strides = array<i32>} : memref<1024xf32, #tpu.memory_space<vmem>>, vector<16xf32>,
          %min3A_2257 = arith.minimumf %add3A_2254, %get3A_2256 : vector<16xf32>
          %swap3A_2258 = arith.constant 784 : index
          %swap3A_2259 = tpu.vector_load %arg6[%swap3A_2258] {strides = array<i32>} : memref<1024xf32, #tpu.memory_space<vmem>>, vector<16xf32>,
          tpu.vector_store %arg6[%swap3A_2258], %min3A_2257 {strides = array<i32>} : memref<1024xf32, #tpu.memory_space<vmem>>, vector<16xf32>,
          %gt3A_2260 = arith.cmpf ogt, %min3A_2257, %select_n3A_2221 : vector<16xf32>
          %select_n3A_2261 = arith.select %gt3A_2260, %min3A_2257, %select_n3A_2221 : vector<16xi1>, vector<16xf32>
          %add3A_2262 = arith.constant 784 : i32
          %add3A_2263 = vector.broadcast %add3A_2262 : i32 to vector<16xi32>
          %add3A_2264 = arith.addi %iota3A, %add3A_2263 : vector<16xi32>
          %select_n3A_2265 = arith.select %gt3A_2260, %add3A_2264, %select_n3A_2225 : vector<16xi1>, vector<16xi32>
          %get3A_2266 = arith.constant 0 : i32
          %get3A_2267 = arith.constant 6 : i32
          %get3A_2268 = arith.constant 0 : i32
          %get3A_2269 = arith.index_cast %get3A_2266 : i32 to index
          %get3A_2270 = arith.index_cast %get3A_2267 : i32 to index
          %get3A_2271 = arith.index_cast %get3A_2268 : i32 to index
          %get3A_2272 = arith.constant 32 : index
          %get3A_2273 = tpu.vector_load %arg5[%get3A_2269, %get3A_2270, %get3A_2271, %get3A_2272] {strides = array<i32>} : memref<3x8x1x128xf32, #tpu.memory_space<vmem>>, vector<16xf32>,
          %get3A_2274 = arith.constant 1 : i32
          %get3A_2275 = arith.constant 6 : i32
          %get3A_2276 = arith.constant 0 : i32
          %get3A_2277 = arith.index_cast %get3A_2274 : i32 to index
          %get3A_2278 = arith.index_cast %get3A_2275 : i32 to index
          %get3A_2279 = arith.index_cast %get3A_2276 : i32 to index
          %get3A_2280 = arith.constant 32 : index
          %get3A_2281 = tpu.vector_load %arg5[%get3A_2277, %get3A_2278, %get3A_2279, %get3A_2280] {strides = array<i32>} : memref<3x8x1x128xf32, #tpu.memory_space<vmem>>, vector<16xf32>,
          %get3A_2282 = arith.constant 2 : i32
          %get3A_2283 = arith.constant 6 : i32
          %get3A_2284 = arith.constant 0 : i32
          %get3A_2285 = arith.index_cast %get3A_2282 : i32 to index
          %get3A_2286 = arith.index_cast %get3A_2283 : i32 to index
          %get3A_2287 = arith.index_cast %get3A_2284 : i32 to index
          %get3A_2288 = arith.constant 32 : index
          %get3A_2289 = tpu.vector_load %arg5[%get3A_2285, %get3A_2286, %get3A_2287, %get3A_2288] {strides = array<i32>} : memref<3x8x1x128xf32, #tpu.memory_space<vmem>>, vector<16xf32>,
          %mul3A_2290 = arith.mulf %get3A_2273, %get3A_2273 : vector<16xf32>
          %mul3A_2291 = arith.mulf %get3A_2281, %get3A_2281 : vector<16xf32>
          %add3A_2292 = arith.addf %mul3A_2290, %mul3A_2291 : vector<16xf32>
          %mul3A_2293 = arith.mulf %get3A_2289, %get3A_2289 : vector<16xf32>
          %add3A_2294 = arith.addf %add3A_2292, %mul3A_2293 : vector<16xf32>
          %get3A_2295 = arith.constant 800 : index
          %get3A_2296 = tpu.vector_load %arg6[%get3A_2295] {strides = array<i32>} : memref<1024xf32, #tpu.memory_space<vmem>>, vector<16xf32>,
          %min3A_2297 = arith.minimumf %add3A_2294, %get3A_2296 : vector<16xf32>
          %swap3A_2298 = arith.constant 800 : index
          %swap3A_2299 = tpu.vector_load %arg6[%swap3A_2298] {strides = array<i32>} : memref<1024xf32, #tpu.memory_space<vmem>>, vector<16xf32>,
          tpu.vector_store %arg6[%swap3A_2298], %min3A_2297 {strides = array<i32>} : memref<1024xf32, #tpu.memory_space<vmem>>, vector<16xf32>,
          %gt3A_2300 = arith.cmpf ogt, %min3A_2297, %select_n3A_2261 : vector<16xf32>
          %select_n3A_2301 = arith.select %gt3A_2300, %min3A_2297, %select_n3A_2261 : vector<16xi1>, vector<16xf32>
          %add3A_2302 = arith.constant 800 : i32
          %add3A_2303 = vector.broadcast %add3A_2302 : i32 to vector<16xi32>
          %add3A_2304 = arith.addi %iota3A, %add3A_2303 : vector<16xi32>
          %select_n3A_2305 = arith.select %gt3A_2300, %add3A_2304, %select_n3A_2265 : vector<16xi1>, vector<16xi32>
          %get3A_2306 = arith.constant 0 : i32
          %get3A_2307 = arith.constant 6 : i32
          %get3A_2308 = arith.constant 0 : i32
          %get3A_2309 = arith.index_cast %get3A_2306 : i32 to index
          %get3A_2310 = arith.index_cast %get3A_2307 : i32 to index
          %get3A_2311 = arith.index_cast %get3A_2308 : i32 to index
          %get3A_2312 = arith.constant 48 : index
          %get3A_2313 = tpu.vector_load %arg5[%get3A_2309, %get3A_2310, %get3A_2311, %get3A_2312] {strides = array<i32>} : memref<3x8x1x128xf32, #tpu.memory_space<vmem>>, vector<16xf32>,
          %get3A_2314 = arith.constant 1 : i32
          %get3A_2315 = arith.constant 6 : i32
          %get3A_2316 = arith.constant 0 : i32
          %get3A_2317 = arith.index_cast %get3A_2314 : i32 to index
          %get3A_2318 = arith.index_cast %get3A_2315 : i32 to index
          %get3A_2319 = arith.index_cast %get3A_2316 : i32 to index
          %get3A_2320 = arith.constant 48 : index
          %get3A_2321 = tpu.vector_load %arg5[%get3A_2317, %get3A_2318, %get3A_2319, %get3A_2320] {strides = array<i32>} : memref<3x8x1x128xf32, #tpu.memory_space<vmem>>, vector<16xf32>,
          %get3A_2322 = arith.constant 2 : i32
          %get3A_2323 = arith.constant 6 : i32
          %get3A_2324 = arith.constant 0 : i32
          %get3A_2325 = arith.index_cast %get3A_2322 : i32 to index
          %get3A_2326 = arith.index_cast %get3A_2323 : i32 to index
          %get3A_2327 = arith.index_cast %get3A_2324 : i32 to index
          %get3A_2328 = arith.constant 48 : index
          %get3A_2329 = tpu.vector_load %arg5[%get3A_2325, %get3A_2326, %get3A_2327, %get3A_2328] {strides = array<i32>} : memref<3x8x1x128xf32, #tpu.memory_space<vmem>>, vector<16xf32>,
          %mul3A_2330 = arith.mulf %get3A_2313, %get3A_2313 : vector<16xf32>
          %mul3A_2331 = arith.mulf %get3A_2321, %get3A_2321 : vector<16xf32>
          %add3A_2332 = arith.addf %mul3A_2330, %mul3A_2331 : vector<16xf32>
          %mul3A_2333 = arith.mulf %get3A_2329, %get3A_2329 : vector<16xf32>
          %add3A_2334 = arith.addf %add3A_2332, %mul3A_2333 : vector<16xf32>
          %get3A_2335 = arith.constant 816 : index
          %get3A_2336 = tpu.vector_load %arg6[%get3A_2335] {strides = array<i32>} : memref<1024xf32, #tpu.memory_space<vmem>>, vector<16xf32>,
          %min3A_2337 = arith.minimumf %add3A_2334, %get3A_2336 : vector<16xf32>
          %swap3A_2338 = arith.constant 816 : index
          %swap3A_2339 = tpu.vector_load %arg6[%swap3A_2338] {strides = array<i32>} : memref<1024xf32, #tpu.memory_space<vmem>>, vector<16xf32>,
          tpu.vector_store %arg6[%swap3A_2338], %min3A_2337 {strides = array<i32>} : memref<1024xf32, #tpu.memory_space<vmem>>, vector<16xf32>,
          %gt3A_2340 = arith.cmpf ogt, %min3A_2337, %select_n3A_2301 : vector<16xf32>
          %select_n3A_2341 = arith.select %gt3A_2340, %min3A_2337, %select_n3A_2301 : vector<16xi1>, vector<16xf32>
          %add3A_2342 = arith.constant 816 : i32
          %add3A_2343 = vector.broadcast %add3A_2342 : i32 to vector<16xi32>
          %add3A_2344 = arith.addi %iota3A, %add3A_2343 : vector<16xi32>
          %select_n3A_2345 = arith.select %gt3A_2340, %add3A_2344, %select_n3A_2305 : vector<16xi1>, vector<16xi32>
          %get3A_2346 = arith.constant 0 : i32
          %get3A_2347 = arith.constant 6 : i32
          %get3A_2348 = arith.constant 0 : i32
          %get3A_2349 = arith.index_cast %get3A_2346 : i32 to index
          %get3A_2350 = arith.index_cast %get3A_2347 : i32 to index
          %get3A_2351 = arith.index_cast %get3A_2348 : i32 to index
          %get3A_2352 = arith.constant 64 : index
          %get3A_2353 = tpu.vector_load %arg5[%get3A_2349, %get3A_2350, %get3A_2351, %get3A_2352] {strides = array<i32>} : memref<3x8x1x128xf32, #tpu.memory_space<vmem>>, vector<16xf32>,
          %get3A_2354 = arith.constant 1 : i32
          %get3A_2355 = arith.constant 6 : i32
          %get3A_2356 = arith.constant 0 : i32
          %get3A_2357 = arith.index_cast %get3A_2354 : i32 to index
          %get3A_2358 = arith.index_cast %get3A_2355 : i32 to index
          %get3A_2359 = arith.index_cast %get3A_2356 : i32 to index
          %get3A_2360 = arith.constant 64 : index
          %get3A_2361 = tpu.vector_load %arg5[%get3A_2357, %get3A_2358, %get3A_2359, %get3A_2360] {strides = array<i32>} : memref<3x8x1x128xf32, #tpu.memory_space<vmem>>, vector<16xf32>,
          %get3A_2362 = arith.constant 2 : i32
          %get3A_2363 = arith.constant 6 : i32
          %get3A_2364 = arith.constant 0 : i32
          %get3A_2365 = arith.index_cast %get3A_2362 : i32 to index
          %get3A_2366 = arith.index_cast %get3A_2363 : i32 to index
          %get3A_2367 = arith.index_cast %get3A_2364 : i32 to index
          %get3A_2368 = arith.constant 64 : index
          %get3A_2369 = tpu.vector_load %arg5[%get3A_2365, %get3A_2366, %get3A_2367, %get3A_2368] {strides = array<i32>} : memref<3x8x1x128xf32, #tpu.memory_space<vmem>>, vector<16xf32>,
          %mul3A_2370 = arith.mulf %get3A_2353, %get3A_2353 : vector<16xf32>
          %mul3A_2371 = arith.mulf %get3A_2361, %get3A_2361 : vector<16xf32>
          %add3A_2372 = arith.addf %mul3A_2370, %mul3A_2371 : vector<16xf32>
          %mul3A_2373 = arith.mulf %get3A_2369, %get3A_2369 : vector<16xf32>
          %add3A_2374 = arith.addf %add3A_2372, %mul3A_2373 : vector<16xf32>
          %get3A_2375 = arith.constant 832 : index
          %get3A_2376 = tpu.vector_load %arg6[%get3A_2375] {strides = array<i32>} : memref<1024xf32, #tpu.memory_space<vmem>>, vector<16xf32>,
          %min3A_2377 = arith.minimumf %add3A_2374, %get3A_2376 : vector<16xf32>
          %swap3A_2378 = arith.constant 832 : index
          %swap3A_2379 = tpu.vector_load %arg6[%swap3A_2378] {strides = array<i32>} : memref<1024xf32, #tpu.memory_space<vmem>>, vector<16xf32>,
          tpu.vector_store %arg6[%swap3A_2378], %min3A_2377 {strides = array<i32>} : memref<1024xf32, #tpu.memory_space<vmem>>, vector<16xf32>,
          %gt3A_2380 = arith.cmpf ogt, %min3A_2377, %select_n3A_2341 : vector<16xf32>
          %select_n3A_2381 = arith.select %gt3A_2380, %min3A_2377, %select_n3A_2341 : vector<16xi1>, vector<16xf32>
          %add3A_2382 = arith.constant 832 : i32
          %add3A_2383 = vector.broadcast %add3A_2382 : i32 to vector<16xi32>
          %add3A_2384 = arith.addi %iota3A, %add3A_2383 : vector<16xi32>
          %select_n3A_2385 = arith.select %gt3A_2380, %add3A_2384, %select_n3A_2345 : vector<16xi1>, vector<16xi32>
          %get3A_2386 = arith.constant 0 : i32
          %get3A_2387 = arith.constant 6 : i32
          %get3A_2388 = arith.constant 0 : i32
          %get3A_2389 = arith.index_cast %get3A_2386 : i32 to index
          %get3A_2390 = arith.index_cast %get3A_2387 : i32 to index
          %get3A_2391 = arith.index_cast %get3A_2388 : i32 to index
          %get3A_2392 = arith.constant 80 : index
          %get3A_2393 = tpu.vector_load %arg5[%get3A_2389, %get3A_2390, %get3A_2391, %get3A_2392] {strides = array<i32>} : memref<3x8x1x128xf32, #tpu.memory_space<vmem>>, vector<16xf32>,
          %get3A_2394 = arith.constant 1 : i32
          %get3A_2395 = arith.constant 6 : i32
          %get3A_2396 = arith.constant 0 : i32
          %get3A_2397 = arith.index_cast %get3A_2394 : i32 to index
          %get3A_2398 = arith.index_cast %get3A_2395 : i32 to index
          %get3A_2399 = arith.index_cast %get3A_2396 : i32 to index
          %get3A_2400 = arith.constant 80 : index
          %get3A_2401 = tpu.vector_load %arg5[%get3A_2397, %get3A_2398, %get3A_2399, %get3A_2400] {strides = array<i32>} : memref<3x8x1x128xf32, #tpu.memory_space<vmem>>, vector<16xf32>,
          %get3A_2402 = arith.constant 2 : i32
          %get3A_2403 = arith.constant 6 : i32
          %get3A_2404 = arith.constant 0 : i32
          %get3A_2405 = arith.index_cast %get3A_2402 : i32 to index
          %get3A_2406 = arith.index_cast %get3A_2403 : i32 to index
          %get3A_2407 = arith.index_cast %get3A_2404 : i32 to index
          %get3A_2408 = arith.constant 80 : index
          %get3A_2409 = tpu.vector_load %arg5[%get3A_2405, %get3A_2406, %get3A_2407, %get3A_2408] {strides = array<i32>} : memref<3x8x1x128xf32, #tpu.memory_space<vmem>>, vector<16xf32>,
          %mul3A_2410 = arith.mulf %get3A_2393, %get3A_2393 : vector<16xf32>
          %mul3A_2411 = arith.mulf %get3A_2401, %get3A_2401 : vector<16xf32>
          %add3A_2412 = arith.addf %mul3A_2410, %mul3A_2411 : vector<16xf32>
          %mul3A_2413 = arith.mulf %get3A_2409, %get3A_2409 : vector<16xf32>
          %add3A_2414 = arith.addf %add3A_2412, %mul3A_2413 : vector<16xf32>
          %get3A_2415 = arith.constant 848 : index
          %get3A_2416 = tpu.vector_load %arg6[%get3A_2415] {strides = array<i32>} : memref<1024xf32, #tpu.memory_space<vmem>>, vector<16xf32>,
          %min3A_2417 = arith.minimumf %add3A_2414, %get3A_2416 : vector<16xf32>
          %swap3A_2418 = arith.constant 848 : index
          %swap3A_2419 = tpu.vector_load %arg6[%swap3A_2418] {strides = array<i32>} : memref<1024xf32, #tpu.memory_space<vmem>>, vector<16xf32>,
          tpu.vector_store %arg6[%swap3A_2418], %min3A_2417 {strides = array<i32>} : memref<1024xf32, #tpu.memory_space<vmem>>, vector<16xf32>,
          %gt3A_2420 = arith.cmpf ogt, %min3A_2417, %select_n3A_2381 : vector<16xf32>
          %select_n3A_2421 = arith.select %gt3A_2420, %min3A_2417, %select_n3A_2381 : vector<16xi1>, vector<16xf32>
          %add3A_2422 = arith.constant 848 : i32
          %add3A_2423 = vector.broadcast %add3A_2422 : i32 to vector<16xi32>
          %add3A_2424 = arith.addi %iota3A, %add3A_2423 : vector<16xi32>
          %select_n3A_2425 = arith.select %gt3A_2420, %add3A_2424, %select_n3A_2385 : vector<16xi1>, vector<16xi32>
          %get3A_2426 = arith.constant 0 : i32
          %get3A_2427 = arith.constant 6 : i32
          %get3A_2428 = arith.constant 0 : i32
          %get3A_2429 = arith.index_cast %get3A_2426 : i32 to index
          %get3A_2430 = arith.index_cast %get3A_2427 : i32 to index
          %get3A_2431 = arith.index_cast %get3A_2428 : i32 to index
          %get3A_2432 = arith.constant 96 : index
          %get3A_2433 = tpu.vector_load %arg5[%get3A_2429, %get3A_2430, %get3A_2431, %get3A_2432] {strides = array<i32>} : memref<3x8x1x128xf32, #tpu.memory_space<vmem>>, vector<16xf32>,
          %get3A_2434 = arith.constant 1 : i32
          %get3A_2435 = arith.constant 6 : i32
          %get3A_2436 = arith.constant 0 : i32
          %get3A_2437 = arith.index_cast %get3A_2434 : i32 to index
          %get3A_2438 = arith.index_cast %get3A_2435 : i32 to index
          %get3A_2439 = arith.index_cast %get3A_2436 : i32 to index
          %get3A_2440 = arith.constant 96 : index
          %get3A_2441 = tpu.vector_load %arg5[%get3A_2437, %get3A_2438, %get3A_2439, %get3A_2440] {strides = array<i32>} : memref<3x8x1x128xf32, #tpu.memory_space<vmem>>, vector<16xf32>,
          %get3A_2442 = arith.constant 2 : i32
          %get3A_2443 = arith.constant 6 : i32
          %get3A_2444 = arith.constant 0 : i32
          %get3A_2445 = arith.index_cast %get3A_2442 : i32 to index
          %get3A_2446 = arith.index_cast %get3A_2443 : i32 to index
          %get3A_2447 = arith.index_cast %get3A_2444 : i32 to index
          %get3A_2448 = arith.constant 96 : index
          %get3A_2449 = tpu.vector_load %arg5[%get3A_2445, %get3A_2446, %get3A_2447, %get3A_2448] {strides = array<i32>} : memref<3x8x1x128xf32, #tpu.memory_space<vmem>>, vector<16xf32>,
          %mul3A_2450 = arith.mulf %get3A_2433, %get3A_2433 : vector<16xf32>
          %mul3A_2451 = arith.mulf %get3A_2441, %get3A_2441 : vector<16xf32>
          %add3A_2452 = arith.addf %mul3A_2450, %mul3A_2451 : vector<16xf32>
          %mul3A_2453 = arith.mulf %get3A_2449, %get3A_2449 : vector<16xf32>
          %add3A_2454 = arith.addf %add3A_2452, %mul3A_2453 : vector<16xf32>
          %get3A_2455 = arith.constant 864 : index
          %get3A_2456 = tpu.vector_load %arg6[%get3A_2455] {strides = array<i32>} : memref<1024xf32, #tpu.memory_space<vmem>>, vector<16xf32>,
          %min3A_2457 = arith.minimumf %add3A_2454, %get3A_2456 : vector<16xf32>
          %swap3A_2458 = arith.constant 864 : index
          %swap3A_2459 = tpu.vector_load %arg6[%swap3A_2458] {strides = array<i32>} : memref<1024xf32, #tpu.memory_space<vmem>>, vector<16xf32>,
          tpu.vector_store %arg6[%swap3A_2458], %min3A_2457 {strides = array<i32>} : memref<1024xf32, #tpu.memory_space<vmem>>, vector<16xf32>,
          %gt3A_2460 = arith.cmpf ogt, %min3A_2457, %select_n3A_2421 : vector<16xf32>
          %select_n3A_2461 = arith.select %gt3A_2460, %min3A_2457, %select_n3A_2421 : vector<16xi1>, vector<16xf32>
          %add3A_2462 = arith.constant 864 : i32
          %add3A_2463 = vector.broadcast %add3A_2462 : i32 to vector<16xi32>
          %add3A_2464 = arith.addi %iota3A, %add3A_2463 : vector<16xi32>
          %select_n3A_2465 = arith.select %gt3A_2460, %add3A_2464, %select_n3A_2425 : vector<16xi1>, vector<16xi32>
          %get3A_2466 = arith.constant 0 : i32
          %get3A_2467 = arith.constant 6 : i32
          %get3A_2468 = arith.constant 0 : i32
          %get3A_2469 = arith.index_cast %get3A_2466 : i32 to index
          %get3A_2470 = arith.index_cast %get3A_2467 : i32 to index
          %get3A_2471 = arith.index_cast %get3A_2468 : i32 to index
          %get3A_2472 = arith.constant 112 : index
          %get3A_2473 = tpu.vector_load %arg5[%get3A_2469, %get3A_2470, %get3A_2471, %get3A_2472] {strides = array<i32>} : memref<3x8x1x128xf32, #tpu.memory_space<vmem>>, vector<16xf32>,
          %get3A_2474 = arith.constant 1 : i32
          %get3A_2475 = arith.constant 6 : i32
          %get3A_2476 = arith.constant 0 : i32
          %get3A_2477 = arith.index_cast %get3A_2474 : i32 to index
          %get3A_2478 = arith.index_cast %get3A_2475 : i32 to index
          %get3A_2479 = arith.index_cast %get3A_2476 : i32 to index
          %get3A_2480 = arith.constant 112 : index
          %get3A_2481 = tpu.vector_load %arg5[%get3A_2477, %get3A_2478, %get3A_2479, %get3A_2480] {strides = array<i32>} : memref<3x8x1x128xf32, #tpu.memory_space<vmem>>, vector<16xf32>,
          %get3A_2482 = arith.constant 2 : i32
          %get3A_2483 = arith.constant 6 : i32
          %get3A_2484 = arith.constant 0 : i32
          %get3A_2485 = arith.index_cast %get3A_2482 : i32 to index
          %get3A_2486 = arith.index_cast %get3A_2483 : i32 to index
          %get3A_2487 = arith.index_cast %get3A_2484 : i32 to index
          %get3A_2488 = arith.constant 112 : index
          %get3A_2489 = tpu.vector_load %arg5[%get3A_2485, %get3A_2486, %get3A_2487, %get3A_2488] {strides = array<i32>} : memref<3x8x1x128xf32, #tpu.memory_space<vmem>>, vector<16xf32>,
          %mul3A_2490 = arith.mulf %get3A_2473, %get3A_2473 : vector<16xf32>
          %mul3A_2491 = arith.mulf %get3A_2481, %get3A_2481 : vector<16xf32>
          %add3A_2492 = arith.addf %mul3A_2490, %mul3A_2491 : vector<16xf32>
          %mul3A_2493 = arith.mulf %get3A_2489, %get3A_2489 : vector<16xf32>
          %add3A_2494 = arith.addf %add3A_2492, %mul3A_2493 : vector<16xf32>
          %get3A_2495 = arith.constant 880 : index
          %get3A_2496 = tpu.vector_load %arg6[%get3A_2495] {strides = array<i32>} : memref<1024xf32, #tpu.memory_space<vmem>>, vector<16xf32>,
          %min3A_2497 = arith.minimumf %add3A_2494, %get3A_2496 : vector<16xf32>
          %swap3A_2498 = arith.constant 880 : index
          %swap3A_2499 = tpu.vector_load %arg6[%swap3A_2498] {strides = array<i32>} : memref<1024xf32, #tpu.memory_space<vmem>>, vector<16xf32>,
          tpu.vector_store %arg6[%swap3A_2498], %min3A_2497 {strides = array<i32>} : memref<1024xf32, #tpu.memory_space<vmem>>, vector<16xf32>,
          %gt3A_2500 = arith.cmpf ogt, %min3A_2497, %select_n3A_2461 : vector<16xf32>
          %select_n3A_2501 = arith.select %gt3A_2500, %min3A_2497, %select_n3A_2461 : vector<16xi1>, vector<16xf32>
          %add3A_2502 = arith.constant 880 : i32
          %add3A_2503 = vector.broadcast %add3A_2502 : i32 to vector<16xi32>
          %add3A_2504 = arith.addi %iota3A, %add3A_2503 : vector<16xi32>
          %select_n3A_2505 = arith.select %gt3A_2500, %add3A_2504, %select_n3A_2465 : vector<16xi1>, vector<16xi32>
          %get3A_2506 = arith.constant 0 : i32
          %get3A_2507 = arith.constant 7 : i32
          %get3A_2508 = arith.constant 0 : i32
          %get3A_2509 = arith.index_cast %get3A_2506 : i32 to index
          %get3A_2510 = arith.index_cast %get3A_2507 : i32 to index
          %get3A_2511 = arith.index_cast %get3A_2508 : i32 to index
          %get3A_2512 = arith.constant 0 : index
          %get3A_2513 = tpu.vector_load %arg5[%get3A_2509, %get3A_2510, %get3A_2511, %get3A_2512] {strides = array<i32>} : memref<3x8x1x128xf32, #tpu.memory_space<vmem>>, vector<16xf32>,
          %get3A_2514 = arith.constant 1 : i32
          %get3A_2515 = arith.constant 7 : i32
          %get3A_2516 = arith.constant 0 : i32
          %get3A_2517 = arith.index_cast %get3A_2514 : i32 to index
          %get3A_2518 = arith.index_cast %get3A_2515 : i32 to index
          %get3A_2519 = arith.index_cast %get3A_2516 : i32 to index
          %get3A_2520 = arith.constant 0 : index
          %get3A_2521 = tpu.vector_load %arg5[%get3A_2517, %get3A_2518, %get3A_2519, %get3A_2520] {strides = array<i32>} : memref<3x8x1x128xf32, #tpu.memory_space<vmem>>, vector<16xf32>,
          %get3A_2522 = arith.constant 2 : i32
          %get3A_2523 = arith.constant 7 : i32
          %get3A_2524 = arith.constant 0 : i32
          %get3A_2525 = arith.index_cast %get3A_2522 : i32 to index
          %get3A_2526 = arith.index_cast %get3A_2523 : i32 to index
          %get3A_2527 = arith.index_cast %get3A_2524 : i32 to index
          %get3A_2528 = arith.constant 0 : index
          %get3A_2529 = tpu.vector_load %arg5[%get3A_2525, %get3A_2526, %get3A_2527, %get3A_2528] {strides = array<i32>} : memref<3x8x1x128xf32, #tpu.memory_space<vmem>>, vector<16xf32>,
          %mul3A_2530 = arith.mulf %get3A_2513, %get3A_2513 : vector<16xf32>
          %mul3A_2531 = arith.mulf %get3A_2521, %get3A_2521 : vector<16xf32>
          %add3A_2532 = arith.addf %mul3A_2530, %mul3A_2531 : vector<16xf32>
          %mul3A_2533 = arith.mulf %get3A_2529, %get3A_2529 : vector<16xf32>
          %add3A_2534 = arith.addf %add3A_2532, %mul3A_2533 : vector<16xf32>
          %get3A_2535 = arith.constant 896 : index
          %get3A_2536 = tpu.vector_load %arg6[%get3A_2535] {strides = array<i32>} : memref<1024xf32, #tpu.memory_space<vmem>>, vector<16xf32>,
          %min3A_2537 = arith.minimumf %add3A_2534, %get3A_2536 : vector<16xf32>
          %swap3A_2538 = arith.constant 896 : index
          %swap3A_2539 = tpu.vector_load %arg6[%swap3A_2538] {strides = array<i32>} : memref<1024xf32, #tpu.memory_space<vmem>>, vector<16xf32>,
          tpu.vector_store %arg6[%swap3A_2538], %min3A_2537 {strides = array<i32>} : memref<1024xf32, #tpu.memory_space<vmem>>, vector<16xf32>,
          %gt3A_2540 = arith.cmpf ogt, %min3A_2537, %select_n3A_2501 : vector<16xf32>
          %select_n3A_2541 = arith.select %gt3A_2540, %min3A_2537, %select_n3A_2501 : vector<16xi1>, vector<16xf32>
          %add3A_2542 = arith.constant 896 : i32
          %add3A_2543 = vector.broadcast %add3A_2542 : i32 to vector<16xi32>
          %add3A_2544 = arith.addi %iota3A, %add3A_2543 : vector<16xi32>
          %select_n3A_2545 = arith.select %gt3A_2540, %add3A_2544, %select_n3A_2505 : vector<16xi1>, vector<16xi32>
          %get3A_2546 = arith.constant 0 : i32
          %get3A_2547 = arith.constant 7 : i32
          %get3A_2548 = arith.constant 0 : i32
          %get3A_2549 = arith.index_cast %get3A_2546 : i32 to index
          %get3A_2550 = arith.index_cast %get3A_2547 : i32 to index
          %get3A_2551 = arith.index_cast %get3A_2548 : i32 to index
          %get3A_2552 = arith.constant 16 : index
          %get3A_2553 = tpu.vector_load %arg5[%get3A_2549, %get3A_2550, %get3A_2551, %get3A_2552] {strides = array<i32>} : memref<3x8x1x128xf32, #tpu.memory_space<vmem>>, vector<16xf32>,
          %get3A_2554 = arith.constant 1 : i32
          %get3A_2555 = arith.constant 7 : i32
          %get3A_2556 = arith.constant 0 : i32
          %get3A_2557 = arith.index_cast %get3A_2554 : i32 to index
          %get3A_2558 = arith.index_cast %get3A_2555 : i32 to index
          %get3A_2559 = arith.index_cast %get3A_2556 : i32 to index
          %get3A_2560 = arith.constant 16 : index
          %get3A_2561 = tpu.vector_load %arg5[%get3A_2557, %get3A_2558, %get3A_2559, %get3A_2560] {strides = array<i32>} : memref<3x8x1x128xf32, #tpu.memory_space<vmem>>, vector<16xf32>,
          %get3A_2562 = arith.constant 2 : i32
          %get3A_2563 = arith.constant 7 : i32
          %get3A_2564 = arith.constant 0 : i32
          %get3A_2565 = arith.index_cast %get3A_2562 : i32 to index
          %get3A_2566 = arith.index_cast %get3A_2563 : i32 to index
          %get3A_2567 = arith.index_cast %get3A_2564 : i32 to index
          %get3A_2568 = arith.constant 16 : index
          %get3A_2569 = tpu.vector_load %arg5[%get3A_2565, %get3A_2566, %get3A_2567, %get3A_2568] {strides = array<i32>} : memref<3x8x1x128xf32, #tpu.memory_space<vmem>>, vector<16xf32>,
          %mul3A_2570 = arith.mulf %get3A_2553, %get3A_2553 : vector<16xf32>
          %mul3A_2571 = arith.mulf %get3A_2561, %get3A_2561 : vector<16xf32>
          %add3A_2572 = arith.addf %mul3A_2570, %mul3A_2571 : vector<16xf32>
          %mul3A_2573 = arith.mulf %get3A_2569, %get3A_2569 : vector<16xf32>
          %add3A_2574 = arith.addf %add3A_2572, %mul3A_2573 : vector<16xf32>
          %get3A_2575 = arith.constant 912 : index
          %get3A_2576 = tpu.vector_load %arg6[%get3A_2575] {strides = array<i32>} : memref<1024xf32, #tpu.memory_space<vmem>>, vector<16xf32>,
          %min3A_2577 = arith.minimumf %add3A_2574, %get3A_2576 : vector<16xf32>
          %swap3A_2578 = arith.constant 912 : index
          %swap3A_2579 = tpu.vector_load %arg6[%swap3A_2578] {strides = array<i32>} : memref<1024xf32, #tpu.memory_space<vmem>>, vector<16xf32>,
          tpu.vector_store %arg6[%swap3A_2578], %min3A_2577 {strides = array<i32>} : memref<1024xf32, #tpu.memory_space<vmem>>, vector<16xf32>,
          %gt3A_2580 = arith.cmpf ogt, %min3A_2577, %select_n3A_2541 : vector<16xf32>
          %select_n3A_2581 = arith.select %gt3A_2580, %min3A_2577, %select_n3A_2541 : vector<16xi1>, vector<16xf32>
          %add3A_2582 = arith.constant 912 : i32
          %add3A_2583 = vector.broadcast %add3A_2582 : i32 to vector<16xi32>
          %add3A_2584 = arith.addi %iota3A, %add3A_2583 : vector<16xi32>
          %select_n3A_2585 = arith.select %gt3A_2580, %add3A_2584, %select_n3A_2545 : vector<16xi1>, vector<16xi32>
          %get3A_2586 = arith.constant 0 : i32
          %get3A_2587 = arith.constant 7 : i32
          %get3A_2588 = arith.constant 0 : i32
          %get3A_2589 = arith.index_cast %get3A_2586 : i32 to index
          %get3A_2590 = arith.index_cast %get3A_2587 : i32 to index
          %get3A_2591 = arith.index_cast %get3A_2588 : i32 to index
          %get3A_2592 = arith.constant 32 : index
          %get3A_2593 = tpu.vector_load %arg5[%get3A_2589, %get3A_2590, %get3A_2591, %get3A_2592] {strides = array<i32>} : memref<3x8x1x128xf32, #tpu.memory_space<vmem>>, vector<16xf32>,
          %get3A_2594 = arith.constant 1 : i32
          %get3A_2595 = arith.constant 7 : i32
          %get3A_2596 = arith.constant 0 : i32
          %get3A_2597 = arith.index_cast %get3A_2594 : i32 to index
          %get3A_2598 = arith.index_cast %get3A_2595 : i32 to index
          %get3A_2599 = arith.index_cast %get3A_2596 : i32 to index
          %get3A_2600 = arith.constant 32 : index
          %get3A_2601 = tpu.vector_load %arg5[%get3A_2597, %get3A_2598, %get3A_2599, %get3A_2600] {strides = array<i32>} : memref<3x8x1x128xf32, #tpu.memory_space<vmem>>, vector<16xf32>,
          %get3A_2602 = arith.constant 2 : i32
          %get3A_2603 = arith.constant 7 : i32
          %get3A_2604 = arith.constant 0 : i32
          %get3A_2605 = arith.index_cast %get3A_2602 : i32 to index
          %get3A_2606 = arith.index_cast %get3A_2603 : i32 to index
          %get3A_2607 = arith.index_cast %get3A_2604 : i32 to index
          %get3A_2608 = arith.constant 32 : index
          %get3A_2609 = tpu.vector_load %arg5[%get3A_2605, %get3A_2606, %get3A_2607, %get3A_2608] {strides = array<i32>} : memref<3x8x1x128xf32, #tpu.memory_space<vmem>>, vector<16xf32>,
          %mul3A_2610 = arith.mulf %get3A_2593, %get3A_2593 : vector<16xf32>
          %mul3A_2611 = arith.mulf %get3A_2601, %get3A_2601 : vector<16xf32>
          %add3A_2612 = arith.addf %mul3A_2610, %mul3A_2611 : vector<16xf32>
          %mul3A_2613 = arith.mulf %get3A_2609, %get3A_2609 : vector<16xf32>
          %add3A_2614 = arith.addf %add3A_2612, %mul3A_2613 : vector<16xf32>
          %get3A_2615 = arith.constant 928 : index
          %get3A_2616 = tpu.vector_load %arg6[%get3A_2615] {strides = array<i32>} : memref<1024xf32, #tpu.memory_space<vmem>>, vector<16xf32>,
          %min3A_2617 = arith.minimumf %add3A_2614, %get3A_2616 : vector<16xf32>
          %swap3A_2618 = arith.constant 928 : index
          %swap3A_2619 = tpu.vector_load %arg6[%swap3A_2618] {strides = array<i32>} : memref<1024xf32, #tpu.memory_space<vmem>>, vector<16xf32>,
          tpu.vector_store %arg6[%swap3A_2618], %min3A_2617 {strides = array<i32>} : memref<1024xf32, #tpu.memory_space<vmem>>, vector<16xf32>,
          %gt3A_2620 = arith.cmpf ogt, %min3A_2617, %select_n3A_2581 : vector<16xf32>
          %select_n3A_2621 = arith.select %gt3A_2620, %min3A_2617, %select_n3A_2581 : vector<16xi1>, vector<16xf32>
          %add3A_2622 = arith.constant 928 : i32
          %add3A_2623 = vector.broadcast %add3A_2622 : i32 to vector<16xi32>
          %add3A_2624 = arith.addi %iota3A, %add3A_2623 : vector<16xi32>
          %select_n3A_2625 = arith.select %gt3A_2620, %add3A_2624, %select_n3A_2585 : vector<16xi1>, vector<16xi32>
          %get3A_2626 = arith.constant 0 : i32
          %get3A_2627 = arith.constant 7 : i32
          %get3A_2628 = arith.constant 0 : i32
          %get3A_2629 = arith.index_cast %get3A_2626 : i32 to index
          %get3A_2630 = arith.index_cast %get3A_2627 : i32 to index
          %get3A_2631 = arith.index_cast %get3A_2628 : i32 to index
          %get3A_2632 = arith.constant 48 : index
          %get3A_2633 = tpu.vector_load %arg5[%get3A_2629, %get3A_2630, %get3A_2631, %get3A_2632] {strides = array<i32>} : memref<3x8x1x128xf32, #tpu.memory_space<vmem>>, vector<16xf32>,
          %get3A_2634 = arith.constant 1 : i32
          %get3A_2635 = arith.constant 7 : i32
          %get3A_2636 = arith.constant 0 : i32
          %get3A_2637 = arith.index_cast %get3A_2634 : i32 to index
          %get3A_2638 = arith.index_cast %get3A_2635 : i32 to index
          %get3A_2639 = arith.index_cast %get3A_2636 : i32 to index
          %get3A_2640 = arith.constant 48 : index
          %get3A_2641 = tpu.vector_load %arg5[%get3A_2637, %get3A_2638, %get3A_2639, %get3A_2640] {strides = array<i32>} : memref<3x8x1x128xf32, #tpu.memory_space<vmem>>, vector<16xf32>,
          %get3A_2642 = arith.constant 2 : i32
          %get3A_2643 = arith.constant 7 : i32
          %get3A_2644 = arith.constant 0 : i32
          %get3A_2645 = arith.index_cast %get3A_2642 : i32 to index
          %get3A_2646 = arith.index_cast %get3A_2643 : i32 to index
          %get3A_2647 = arith.index_cast %get3A_2644 : i32 to index
          %get3A_2648 = arith.constant 48 : index
          %get3A_2649 = tpu.vector_load %arg5[%get3A_2645, %get3A_2646, %get3A_2647, %get3A_2648] {strides = array<i32>} : memref<3x8x1x128xf32, #tpu.memory_space<vmem>>, vector<16xf32>,
          %mul3A_2650 = arith.mulf %get3A_2633, %get3A_2633 : vector<16xf32>
          %mul3A_2651 = arith.mulf %get3A_2641, %get3A_2641 : vector<16xf32>
          %add3A_2652 = arith.addf %mul3A_2650, %mul3A_2651 : vector<16xf32>
          %mul3A_2653 = arith.mulf %get3A_2649, %get3A_2649 : vector<16xf32>
          %add3A_2654 = arith.addf %add3A_2652, %mul3A_2653 : vector<16xf32>
          %get3A_2655 = arith.constant 944 : index
          %get3A_2656 = tpu.vector_load %arg6[%get3A_2655] {strides = array<i32>} : memref<1024xf32, #tpu.memory_space<vmem>>, vector<16xf32>,
          %min3A_2657 = arith.minimumf %add3A_2654, %get3A_2656 : vector<16xf32>
          %swap3A_2658 = arith.constant 944 : index
          %swap3A_2659 = tpu.vector_load %arg6[%swap3A_2658] {strides = array<i32>} : memref<1024xf32, #tpu.memory_space<vmem>>, vector<16xf32>,
          tpu.vector_store %arg6[%swap3A_2658], %min3A_2657 {strides = array<i32>} : memref<1024xf32, #tpu.memory_space<vmem>>, vector<16xf32>,
          %gt3A_2660 = arith.cmpf ogt, %min3A_2657, %select_n3A_2621 : vector<16xf32>
          %select_n3A_2661 = arith.select %gt3A_2660, %min3A_2657, %select_n3A_2621 : vector<16xi1>, vector<16xf32>
          %add3A_2662 = arith.constant 944 : i32
          %add3A_2663 = vector.broadcast %add3A_2662 : i32 to vector<16xi32>
          %add3A_2664 = arith.addi %iota3A, %add3A_2663 : vector<16xi32>
          %select_n3A_2665 = arith.select %gt3A_2660, %add3A_2664, %select_n3A_2625 : vector<16xi1>, vector<16xi32>
          %get3A_2666 = arith.constant 0 : i32
          %get3A_2667 = arith.constant 7 : i32
          %get3A_2668 = arith.constant 0 : i32
          %get3A_2669 = arith.index_cast %get3A_2666 : i32 to index
          %get3A_2670 = arith.index_cast %get3A_2667 : i32 to index
          %get3A_2671 = arith.index_cast %get3A_2668 : i32 to index
          %get3A_2672 = arith.constant 64 : index
          %get3A_2673 = tpu.vector_load %arg5[%get3A_2669, %get3A_2670, %get3A_2671, %get3A_2672] {strides = array<i32>} : memref<3x8x1x128xf32, #tpu.memory_space<vmem>>, vector<16xf32>,
          %get3A_2674 = arith.constant 1 : i32
          %get3A_2675 = arith.constant 7 : i32
          %get3A_2676 = arith.constant 0 : i32
          %get3A_2677 = arith.index_cast %get3A_2674 : i32 to index
          %get3A_2678 = arith.index_cast %get3A_2675 : i32 to index
          %get3A_2679 = arith.index_cast %get3A_2676 : i32 to index
          %get3A_2680 = arith.constant 64 : index
          %get3A_2681 = tpu.vector_load %arg5[%get3A_2677, %get3A_2678, %get3A_2679, %get3A_2680] {strides = array<i32>} : memref<3x8x1x128xf32, #tpu.memory_space<vmem>>, vector<16xf32>,
          %get3A_2682 = arith.constant 2 : i32
          %get3A_2683 = arith.constant 7 : i32
          %get3A_2684 = arith.constant 0 : i32
          %get3A_2685 = arith.index_cast %get3A_2682 : i32 to index
          %get3A_2686 = arith.index_cast %get3A_2683 : i32 to index
          %get3A_2687 = arith.index_cast %get3A_2684 : i32 to index
          %get3A_2688 = arith.constant 64 : index
          %get3A_2689 = tpu.vector_load %arg5[%get3A_2685, %get3A_2686, %get3A_2687, %get3A_2688] {strides = array<i32>} : memref<3x8x1x128xf32, #tpu.memory_space<vmem>>, vector<16xf32>,
          %mul3A_2690 = arith.mulf %get3A_2673, %get3A_2673 : vector<16xf32>
          %mul3A_2691 = arith.mulf %get3A_2681, %get3A_2681 : vector<16xf32>
          %add3A_2692 = arith.addf %mul3A_2690, %mul3A_2691 : vector<16xf32>
          %mul3A_2693 = arith.mulf %get3A_2689, %get3A_2689 : vector<16xf32>
          %add3A_2694 = arith.addf %add3A_2692, %mul3A_2693 : vector<16xf32>
          %get3A_2695 = arith.constant 960 : index
          %get3A_2696 = tpu.vector_load %arg6[%get3A_2695] {strides = array<i32>} : memref<1024xf32, #tpu.memory_space<vmem>>, vector<16xf32>,
          %min3A_2697 = arith.minimumf %add3A_2694, %get3A_2696 : vector<16xf32>
          %swap3A_2698 = arith.constant 960 : index
          %swap3A_2699 = tpu.vector_load %arg6[%swap3A_2698] {strides = array<i32>} : memref<1024xf32, #tpu.memory_space<vmem>>, vector<16xf32>,
          tpu.vector_store %arg6[%swap3A_2698], %min3A_2697 {strides = array<i32>} : memref<1024xf32, #tpu.memory_space<vmem>>, vector<16xf32>,
          %gt3A_2700 = arith.cmpf ogt, %min3A_2697, %select_n3A_2661 : vector<16xf32>
          %select_n3A_2701 = arith.select %gt3A_2700, %min3A_2697, %select_n3A_2661 : vector<16xi1>, vector<16xf32>
          %add3A_2702 = arith.constant 960 : i32
          %add3A_2703 = vector.broadcast %add3A_2702 : i32 to vector<16xi32>
          %add3A_2704 = arith.addi %iota3A, %add3A_2703 : vector<16xi32>
          %select_n3A_2705 = arith.select %gt3A_2700, %add3A_2704, %select_n3A_2665 : vector<16xi1>, vector<16xi32>
          %get3A_2706 = arith.constant 0 : i32
          %get3A_2707 = arith.constant 7 : i32
          %get3A_2708 = arith.constant 0 : i32
          %get3A_2709 = arith.index_cast %get3A_2706 : i32 to index
          %get3A_2710 = arith.index_cast %get3A_2707 : i32 to index
          %get3A_2711 = arith.index_cast %get3A_2708 : i32 to index
          %get3A_2712 = arith.constant 80 : index
          %get3A_2713 = tpu.vector_load %arg5[%get3A_2709, %get3A_2710, %get3A_2711, %get3A_2712] {strides = array<i32>} : memref<3x8x1x128xf32, #tpu.memory_space<vmem>>, vector<16xf32>,
          %get3A_2714 = arith.constant 1 : i32
          %get3A_2715 = arith.constant 7 : i32
          %get3A_2716 = arith.constant 0 : i32
          %get3A_2717 = arith.index_cast %get3A_2714 : i32 to index
          %get3A_2718 = arith.index_cast %get3A_2715 : i32 to index
          %get3A_2719 = arith.index_cast %get3A_2716 : i32 to index
          %get3A_2720 = arith.constant 80 : index
          %get3A_2721 = tpu.vector_load %arg5[%get3A_2717, %get3A_2718, %get3A_2719, %get3A_2720] {strides = array<i32>} : memref<3x8x1x128xf32, #tpu.memory_space<vmem>>, vector<16xf32>,
          %get3A_2722 = arith.constant 2 : i32
          %get3A_2723 = arith.constant 7 : i32
          %get3A_2724 = arith.constant 0 : i32
          %get3A_2725 = arith.index_cast %get3A_2722 : i32 to index
          %get3A_2726 = arith.index_cast %get3A_2723 : i32 to index
          %get3A_2727 = arith.index_cast %get3A_2724 : i32 to index
          %get3A_2728 = arith.constant 80 : index
          %get3A_2729 = tpu.vector_load %arg5[%get3A_2725, %get3A_2726, %get3A_2727, %get3A_2728] {strides = array<i32>} : memref<3x8x1x128xf32, #tpu.memory_space<vmem>>, vector<16xf32>,
          %mul3A_2730 = arith.mulf %get3A_2713, %get3A_2713 : vector<16xf32>
          %mul3A_2731 = arith.mulf %get3A_2721, %get3A_2721 : vector<16xf32>
          %add3A_2732 = arith.addf %mul3A_2730, %mul3A_2731 : vector<16xf32>
          %mul3A_2733 = arith.mulf %get3A_2729, %get3A_2729 : vector<16xf32>
          %add3A_2734 = arith.addf %add3A_2732, %mul3A_2733 : vector<16xf32>
          %get3A_2735 = arith.constant 976 : index
          %get3A_2736 = tpu.vector_load %arg6[%get3A_2735] {strides = array<i32>} : memref<1024xf32, #tpu.memory_space<vmem>>, vector<16xf32>,
          %min3A_2737 = arith.minimumf %add3A_2734, %get3A_2736 : vector<16xf32>
          %swap3A_2738 = arith.constant 976 : index
          %swap3A_2739 = tpu.vector_load %arg6[%swap3A_2738] {strides = array<i32>} : memref<1024xf32, #tpu.memory_space<vmem>>, vector<16xf32>,
          tpu.vector_store %arg6[%swap3A_2738], %min3A_2737 {strides = array<i32>} : memref<1024xf32, #tpu.memory_space<vmem>>, vector<16xf32>,
          %gt3A_2740 = arith.cmpf ogt, %min3A_2737, %select_n3A_2701 : vector<16xf32>
          %select_n3A_2741 = arith.select %gt3A_2740, %min3A_2737, %select_n3A_2701 : vector<16xi1>, vector<16xf32>
          %add3A_2742 = arith.constant 976 : i32
          %add3A_2743 = vector.broadcast %add3A_2742 : i32 to vector<16xi32>
          %add3A_2744 = arith.addi %iota3A, %add3A_2743 : vector<16xi32>
          %select_n3A_2745 = arith.select %gt3A_2740, %add3A_2744, %select_n3A_2705 : vector<16xi1>, vector<16xi32>
          %get3A_2746 = arith.constant 0 : i32
          %get3A_2747 = arith.constant 7 : i32
          %get3A_2748 = arith.constant 0 : i32
          %get3A_2749 = arith.index_cast %get3A_2746 : i32 to index
          %get3A_2750 = arith.index_cast %get3A_2747 : i32 to index
          %get3A_2751 = arith.index_cast %get3A_2748 : i32 to index
          %get3A_2752 = arith.constant 96 : index
          %get3A_2753 = tpu.vector_load %arg5[%get3A_2749, %get3A_2750, %get3A_2751, %get3A_2752] {strides = array<i32>} : memref<3x8x1x128xf32, #tpu.memory_space<vmem>>, vector<16xf32>,
          %get3A_2754 = arith.constant 1 : i32
          %get3A_2755 = arith.constant 7 : i32
          %get3A_2756 = arith.constant 0 : i32
          %get3A_2757 = arith.index_cast %get3A_2754 : i32 to index
          %get3A_2758 = arith.index_cast %get3A_2755 : i32 to index
          %get3A_2759 = arith.index_cast %get3A_2756 : i32 to index
          %get3A_2760 = arith.constant 96 : index
          %get3A_2761 = tpu.vector_load %arg5[%get3A_2757, %get3A_2758, %get3A_2759, %get3A_2760] {strides = array<i32>} : memref<3x8x1x128xf32, #tpu.memory_space<vmem>>, vector<16xf32>,
          %get3A_2762 = arith.constant 2 : i32
          %get3A_2763 = arith.constant 7 : i32
          %get3A_2764 = arith.constant 0 : i32
          %get3A_2765 = arith.index_cast %get3A_2762 : i32 to index
          %get3A_2766 = arith.index_cast %get3A_2763 : i32 to index
          %get3A_2767 = arith.index_cast %get3A_2764 : i32 to index
          %get3A_2768 = arith.constant 96 : index
          %get3A_2769 = tpu.vector_load %arg5[%get3A_2765, %get3A_2766, %get3A_2767, %get3A_2768] {strides = array<i32>} : memref<3x8x1x128xf32, #tpu.memory_space<vmem>>, vector<16xf32>,
          %mul3A_2770 = arith.mulf %get3A_2753, %get3A_2753 : vector<16xf32>
          %mul3A_2771 = arith.mulf %get3A_2761, %get3A_2761 : vector<16xf32>
          %add3A_2772 = arith.addf %mul3A_2770, %mul3A_2771 : vector<16xf32>
          %mul3A_2773 = arith.mulf %get3A_2769, %get3A_2769 : vector<16xf32>
          %add3A_2774 = arith.addf %add3A_2772, %mul3A_2773 : vector<16xf32>
          %get3A_2775 = arith.constant 992 : index
          %get3A_2776 = tpu.vector_load %arg6[%get3A_2775] {strides = array<i32>} : memref<1024xf32, #tpu.memory_space<vmem>>, vector<16xf32>,
          %min3A_2777 = arith.minimumf %add3A_2774, %get3A_2776 : vector<16xf32>
          %swap3A_2778 = arith.constant 992 : index
          %swap3A_2779 = tpu.vector_load %arg6[%swap3A_2778] {strides = array<i32>} : memref<1024xf32, #tpu.memory_space<vmem>>, vector<16xf32>,
          tpu.vector_store %arg6[%swap3A_2778], %min3A_2777 {strides = array<i32>} : memref<1024xf32, #tpu.memory_space<vmem>>, vector<16xf32>,
          %gt3A_2780 = arith.cmpf ogt, %min3A_2777, %select_n3A_2741 : vector<16xf32>
          %select_n3A_2781 = arith.select %gt3A_2780, %min3A_2777, %select_n3A_2741 : vector<16xi1>, vector<16xf32>
          %add3A_2782 = arith.constant 992 : i32
          %add3A_2783 = vector.broadcast %add3A_2782 : i32 to vector<16xi32>
          %add3A_2784 = arith.addi %iota3A, %add3A_2783 : vector<16xi32>
          %select_n3A_2785 = arith.select %gt3A_2780, %add3A_2784, %select_n3A_2745 : vector<16xi1>, vector<16xi32>
          %get3A_2786 = arith.constant 0 : i32
          %get3A_2787 = arith.constant 7 : i32
          %get3A_2788 = arith.constant 0 : i32
          %get3A_2789 = arith.index_cast %get3A_2786 : i32 to index
          %get3A_2790 = arith.index_cast %get3A_2787 : i32 to index
          %get3A_2791 = arith.index_cast %get3A_2788 : i32 to index
          %get3A_2792 = arith.constant 112 : index
          %get3A_2793 = tpu.vector_load %arg5[%get3A_2789, %get3A_2790, %get3A_2791, %get3A_2792] {strides = array<i32>} : memref<3x8x1x128xf32, #tpu.memory_space<vmem>>, vector<16xf32>,
          %get3A_2794 = arith.constant 1 : i32
          %get3A_2795 = arith.constant 7 : i32
          %get3A_2796 = arith.constant 0 : i32
          %get3A_2797 = arith.index_cast %get3A_2794 : i32 to index
          %get3A_2798 = arith.index_cast %get3A_2795 : i32 to index
          %get3A_2799 = arith.index_cast %get3A_2796 : i32 to index
          %get3A_2800 = arith.constant 112 : index
          %get3A_2801 = tpu.vector_load %arg5[%get3A_2797, %get3A_2798, %get3A_2799, %get3A_2800] {strides = array<i32>} : memref<3x8x1x128xf32, #tpu.memory_space<vmem>>, vector<16xf32>,
          %get3A_2802 = arith.constant 2 : i32
          %get3A_2803 = arith.constant 7 : i32
          %get3A_2804 = arith.constant 0 : i32
          %get3A_2805 = arith.index_cast %get3A_2802 : i32 to index
          %get3A_2806 = arith.index_cast %get3A_2803 : i32 to index
          %get3A_2807 = arith.index_cast %get3A_2804 : i32 to index
          %get3A_2808 = arith.constant 112 : index
          %get3A_2809 = tpu.vector_load %arg5[%get3A_2805, %get3A_2806, %get3A_2807, %get3A_2808] {strides = array<i32>} : memref<3x8x1x128xf32, #tpu.memory_space<vmem>>, vector<16xf32>,
          %mul3A_2810 = arith.mulf %get3A_2793, %get3A_2793 : vector<16xf32>
          %mul3A_2811 = arith.mulf %get3A_2801, %get3A_2801 : vector<16xf32>
          %add3A_2812 = arith.addf %mul3A_2810, %mul3A_2811 : vector<16xf32>
          %mul3A_2813 = arith.mulf %get3A_2809, %get3A_2809 : vector<16xf32>
          %add3A_2814 = arith.addf %add3A_2812, %mul3A_2813 : vector<16xf32>
          %get3A_2815 = arith.constant 1008 : index
          %get3A_2816 = tpu.vector_load %arg6[%get3A_2815] {strides = array<i32>} : memref<1024xf32, #tpu.memory_space<vmem>>, vector<16xf32>,
          %min3A_2817 = arith.minimumf %add3A_2814, %get3A_2816 : vector<16xf32>
          %swap3A_2818 = arith.constant 1008 : index
          %swap3A_2819 = tpu.vector_load %arg6[%swap3A_2818] {strides = array<i32>} : memref<1024xf32, #tpu.memory_space<vmem>>, vector<16xf32>,
          tpu.vector_store %arg6[%swap3A_2818], %min3A_2817 {strides = array<i32>} : memref<1024xf32, #tpu.memory_space<vmem>>, vector<16xf32>,
          %gt3A_2820 = arith.cmpf ogt, %min3A_2817, %select_n3A_2781 : vector<16xf32>
          %select_n3A_2821 = arith.select %gt3A_2820, %min3A_2817, %select_n3A_2781 : vector<16xi1>, vector<16xf32>
          %add3A_2822 = arith.constant 1008 : i32
          %add3A_2823 = vector.broadcast %add3A_2822 : i32 to vector<16xi32>
          %add3A_2824 = arith.addi %iota3A, %add3A_2823 : vector<16xi32>
          %select_n3A_2825 = arith.select %gt3A_2820, %add3A_2824, %select_n3A_2785 : vector<16xi1>, vector<16xi32>
          %reduce_max3A_2826 = arith.constant true
          %reduce_max3A_2827 = vector.broadcast %reduce_max3A_2826 : i1 to vector<16xi1>
          %reduce_max3A_2828 = tpu.scan <max>, %select_n3A_2821 masked %reduce_max3A_2827 : vector<16xf32>, vector<16xi1> -> vector<16xf32>
          %reduce_max3A_2829 = vector.extract %reduce_max3A_2828[15] : f32 from vector<16xf32>
          %eq3A_2830 = vector.broadcast %reduce_max3A_2829 : f32 to vector<16xf32>
          %eq3A_2831 = arith.cmpf oeq, %select_n3A_2821, %eq3A_2830 : vector<16xf32>
          %convert_element_type3A_2832 = arith.sitofp %select_n3A_2825 : vector<16xi32> to vector<16xf32>
          %jit3A_2833 = arith.constant 1.000000e+09 : f32
          %broadcast_in_dim3A_2834 = vector.broadcast %jit3A_2833 : f32 to vector<16xf32>
          %select_n3A_2835 = arith.select %eq3A_2831, %convert_element_type3A_2832, %broadcast_in_dim3A_2834 : vector<16xi1>, vector<16xf32>
          %reduce_min3A = arith.constant true
          %reduce_min3A_2836 = vector.broadcast %reduce_min3A : i1 to vector<16xi1>
          %reduce_min3A_2837 = tpu.scan <min>, %select_n3A_2835 masked %reduce_min3A_2836 : vector<16xf32>, vector<16xi1> -> vector<16xf32>
          %reduce_min3A_2838 = vector.extract %reduce_min3A_2837[15] : f32 from vector<16xf32>
          %convert_element_type3A_2839 = arith.fptosi %reduce_min3A_2838 : f32 to i32
          scf.yield %convert_element_type3A_2839, %select_n3A_164 : i32, vector<16xi32>
        }
        %scan3A_153 = arith.constant 16 : i32
        %mul3A_154 = arith.constant 16 : i32
        %mul3A_155 = arith.muli %scan3A_144, %mul3A_154 : i32
        %multiple_of3A = tpu.assume_multiple %mul3A_155, 16 : i32
        %swap3A_156 = arith.index_cast %multiple_of3A : i32 to index
        %swap3A_157 = tpu.vector_load %arg7[%swap3A_156] {strides = array<i32>} : memref<256xi32, #tpu.memory_space<vmem>>, vector<16xi32>,
        tpu.vector_store %arg7[%swap3A_156], %scan3A_152#1 {strides = array<i32>} : memref<256xi32, #tpu.memory_space<vmem>>, vector<16xi32>,
        scf.yield %scan3A_152#0 : i32
      }
      %scan3A_143 = arith.constant 16 : i32
      "tpu.region"() ({
        %run_scoped3A = tpu.sem_alloc : memref<!tpu.dma_semaphore, #tpu.memory_space<semaphore_mem>>
        %dma_start3A = arith.constant 0 : i32
        %dma_start3A_144 = tpu.memref_slice %arg4[%add3A, %dma_start3A] : memref<8x256xi32, #tpu.memory_space<hbm>> -> memref<1x256xi32, #tpu.memory_space<hbm>>
        %dma_start3A_145 = tpu.memref_squeeze %dma_start3A_144 : memref<1x256xi32, #tpu.memory_space<hbm>> -> memref<256xi32, #tpu.memory_space<hbm>>
        %dma_start3A_146 = arith.constant 0 : i32
        %dma_start3A_147 = tpu.memref_slice %arg4[%add3A, %dma_start3A_146] : memref<8x256xi32, #tpu.memory_space<hbm>> -> memref<1x256xi32, #tpu.memory_space<hbm>>
        %dma_start3A_148 = tpu.memref_squeeze %dma_start3A_147 : memref<1x256xi32, #tpu.memory_space<hbm>> -> memref<256xi32, #tpu.memory_space<hbm>>
        tpu.enqueue_dma source(%arg7 : memref<256xi32, #tpu.memory_space<vmem>>) target(%dma_start3A_148 : memref<256xi32, #tpu.memory_space<hbm>>) target_semaphore(%run_scoped3A : memref<!tpu.dma_semaphore, #tpu.memory_space<semaphore_mem>>)
        %dma_wait3A = arith.constant 0 : i32
        %dma_wait3A_149 = tpu.memref_slice %arg4[%add3A, %dma_wait3A] : memref<8x256xi32, #tpu.memory_space<hbm>> -> memref<1x256xi32, #tpu.memory_space<hbm>>
        %dma_wait3A_150 = tpu.memref_squeeze %dma_wait3A_149 : memref<1x256xi32, #tpu.memory_space<hbm>> -> memref<256xi32, #tpu.memory_space<hbm>>
        %dma_wait3A_151 = arith.constant 0 : i32
        %dma_wait3A_152 = tpu.memref_slice %arg4[%add3A, %dma_wait3A_151] : memref<8x256xi32, #tpu.memory_space<hbm>> -> memref<1x256xi32, #tpu.memory_space<hbm>>
        %dma_wait3A_153 = tpu.memref_squeeze %dma_wait3A_152 : memref<1x256xi32, #tpu.memory_space<hbm>> -> memref<256xi32, #tpu.memory_space<hbm>>
        tpu.wait_dma2 semaphore(%run_scoped3A : memref<!tpu.dma_semaphore, #tpu.memory_space<semaphore_mem>>) src(%arg7 : memref<256xi32, #tpu.memory_space<vmem>>) dst(%dma_wait3A_153 : memref<256xi32, #tpu.memory_space<hbm>>)
        tpu.yield
      }) : () -> ()
    } else {
    }
    return
  }
}

</mosaic_0001>

<sc_bundles>
// kernel: _fps_call.3.cloned.1.call-start
scs
__scs_entry_jumppad:
0x0: {  	(pc) =	sbr.rel $0x88, $3  }
0x1: {  	(tag) =	ssettag $0x0;
	lr =	simm.s32 $0x1  }
0x2: {  	[smem:$0x3F9F] =	sst lr;
	_ =	strace $0xD0000000  }
0x3: {  	_ = 	snop  }
0x4: {  	_ = 	snop  }
0x5: {  	_ = 	snop  }
0x6: {  	_ = 	snop  }
0x7: {  	_ = 	snop  }
__scs_overlays_trampoline_lowered:
0x8: {  	[smem:$0x3FAE] =	sst s0  }
0x9: {  	[smem:$0x3FAF] =	sst s1  }
0xa: {  	[smem:$0x3FB0] =	sst s2  }
0xb: {  	[smem:$0x3FB1] =	sst s3  }
0xc: {  	[smem:$0x3FB2] =	sst s4  }
0xd: {  	[smem:$0x3FB3] =	sst s5  }
0xe: {  	[smem:$0x3FB4] =	sst s6  }
0xf: {  	[smem:$0x3FB5] =	sst s7  }
0x10: {  	[smem:$0x3FB6] =	sst s8  }
0x11: {  	[smem:$0x3FB7] =	sst s9;
	s0 =	simm.s32 @!p0 $0x0  }
0x12: {  	s1 =	sld [smem:$0x3F9D];
	s0 =	simm.s32 @p0 $0x1  }
0x13: {  	[smem:$0x3FB8] =	sst s0;
	s0 =	simm.s32 @!p1 $0x0  }
0x14: {  	s2 =	sld [smem:$0x3F9C];
	s0 =	simm.s32 @p1 $0x1  }
0x15: {  	[smem:$0x3FB9] =	sst s0;
	s0 =	simm.s32 @!p2 $0x0  }
0x16: {  	s3 =	sld [smem:$0x3FDB];
	s0 =	simm.s32 @p2 $0x1  }
0x17: {  	s4 =	simm.s32 $0x1BF5;
	[smem:$0x3FBB] =	sst s0  }
0x18: {  	s0 =	sld [smem:$0x3F9E];
	_ =	swait.ge [sflag:s4], $0x0  }
0x19: {  	s7 =	sld [smem:$0x3F9F]  }
0x1a: {  	s8 =	sadd.s32 $0xFFFFE003, lr  }
0x1b: {  	s9 =	sadd.s32 $0xFFFFFEF7, lr;
	s5 =	simm.s32 $0xFFFFFFFF;
	p2 =	slt.u32 s8, $0xFFFFF086  }
0x1c: {  	p1 =	slt.u32 s9, $0xF7A;
	s5 =	simm.s32 @!p2 $0x0  }
0x1d: {  	s5 =	simm.s32 @p1 $0x1;
	p0 =	seq.s32 s7, s2  }
0x1e: {  	s7 =	smul.u32 @!p0 $0xF7A, s2;
	p2 =	seq.s32 @!p0 s5, $0x0  }
0x1f: {  	s9 =	smul.u32 $0xF7A, s1;
	s8 =	simm.s32 @!p0 $0x1BF5;
	p2 =	por !p2, p0  }
0x20: {  	[sflag:s8] =	ssyncset.s32 @!p0 $0xFFFFF086;
	s6 =	sadd.s32 @!p0 s3, s7;
	s7 =	simm.s32 @!p0 $0x108  }
0x21: {  	s3 =	sadd.s32 s3, s9;
	s6 =	sadd.s32 @!p0 $0x88, s6;
	s7 =	simm.s32 @p2 $0x1082  }
0x22: {  	[simem:s7], [sflag:s8] =	dma.local @!p0 [hbm:s6], $0xF7A  }
0x23: {  	s9 =	sor.u32 $0xD0000000, s2;
	s6 =	simm.s32 $0x108;
	_ =	swait.ge @!p0 [sflag:s8], $0x0  }
0x24: {  	s3 =	sadd.s32 $0x88, s3;
	s6 =	simm.s32 @!p1 $0x1082;
	[sflag:s4] =	ssyncset.s32 $0xFFFFF086  }
0x25: {  	[simem:s6], [sflag:s4] =	dma.local [hbm:s3], $0xF7A  }
0x26: {  	[smem:$0x3F9F] =	sst s1;
	(tag) =	ssettag s2;
	_ =	strace s9  }
0x27: {  	s1 =	sld [smem:$0x3FAF]  }
0x28: {  	s2 =	sld [smem:$0x3FB0]  }
0x29: {  	s4 =	sld [smem:$0x3FB2]  }
0x2a: {  	p0 =	seq.s32 s5, $0x0;
	s5 =	sld [smem:$0x3FB3]  }
0x2b: {  	s6 =	sld [smem:$0x3FB4]  }
0x2c: {  	s7 =	sld [smem:$0x3FB5]  }
0x2d: {  	s3 =	simm.s32 $0x108;
	s8 =	sld [smem:$0x3FB6]  }
0x2e: {  	s3 =	simm.s32 @!p0 $0x1082;
	s9 =	sld [smem:$0x3FB7]  }
0x2f: {  	lr =	sadd.s32 s0, s3;
	s0 =	sld [smem:$0x3FAE]  }
0x30: {  	s3 =	sld [smem:$0x3FB1]  }
0x31: {  	[smem:$0x3FBA] =	sst s10  }
0x32: {  	s10 =	sld [smem:$0x3FB8];
	_ =	sdelay $0x3  }
0x33: {  	p0 =	seq.s32 s10, $0x1;
	s10 =	sld [smem:$0x3FBA];
	_ =	sdelay $0x3  }
0x34: {  	[smem:$0x3FBA] =	sst s10  }
0x35: {  	s10 =	sld [smem:$0x3FB9];
	_ =	sdelay $0x3  }
0x36: {  	p1 =	seq.s32 s10, $0x1;
	s10 =	sld [smem:$0x3FBA];
	_ =	sdelay $0x3  }
0x37: {  	[smem:$0x3FBA] =	sst s10  }
0x38: {  	s10 =	sld [smem:$0x3FBB]  }
0x39: {  	_ = 	snop;
	(pc) =	sbr.ind lr, $3  }
0x3a: {  	_ = 	snop  }
0x3b: {  	_ = 	snop  }
0x3c: {  	p2 =	seq.s32 s10, $0x1;
	s10 =	sld [smem:$0x3FBA]  }
0x3d: {  	_ =	shalt  }
0x3e: {  	_ =	shalt  }
0x3f: {  	_ =	shalt  }
0x40: {  	_ =	shalt  }
0x41: {  	_ =	shalt  }
0x42: {  	_ =	shalt  }
0x43: {  	_ =	shalt  }
0x44: {  	_ =	shalt  }
0x45: {  	_ =	shalt  }
0x46: {  	_ =	shalt  }
0x47: {  	_ =	shalt  }
0x48: {  	_ =	shalt  }
0x49: {  	_ =	shalt  }
0x4a: {  	_ =	shalt  }
0x4b: {  	_ =	shalt  }
0x4c: {  	_ =	shalt  }
0x4d: {  	_ =	shalt  }
0x4e: {  	_ =	shalt  }
0x4f: {  	_ =	shalt  }
0x50: {  	_ =	shalt  }
0x51: {  	_ =	shalt  }
0x52: {  	_ =	shalt  }
0x53: {  	_ =	shalt  }
0x54: {  	_ =	shalt  }
0x55: {  	_ =	shalt  }
0x56: {  	_ =	shalt  }
0x57: {  	_ =	shalt  }
0x58: {  	_ =	shalt  }
0x59: {  	_ =	shalt  }
0x5a: {  	_ =	shalt  }
0x5b: {  	_ =	shalt  }
0x5c: {  	_ =	shalt  }
0x5d: {  	_ =	shalt  }
0x5e: {  	_ =	shalt  }
0x5f: {  	_ =	shalt  }
0x60: {  	_ =	shalt  }
0x61: {  	_ =	shalt  }
0x62: {  	_ =	shalt  }
0x63: {  	_ =	shalt  }
0x64: {  	_ =	shalt  }
0x65: {  	_ =	shalt  }
0x66: {  	_ =	shalt  }
0x67: {  	_ =	shalt  }
0x68: {  	_ =	shalt  }
0x69: {  	_ =	shalt  }
0x6a: {  	_ =	shalt  }
0x6b: {  	_ =	shalt  }
0x6c: {  	_ =	shalt  }
0x6d: {  	_ =	shalt  }
0x6e: {  	_ =	shalt  }
0x6f: {  	_ =	shalt  }
0x70: {  	_ =	shalt  }
0x71: {  	_ =	shalt  }
0x72: {  	_ =	shalt  }
0x73: {  	_ =	shalt  }
0x74: {  	_ =	shalt  }
0x75: {  	_ =	shalt  }
0x76: {  	_ =	shalt  }
0x77: {  	_ =	shalt  }
0x78: {  	_ =	shalt  }
0x79: {  	_ =	shalt  }
0x7a: {  	_ =	shalt  }
0x7b: {  	_ =	shalt  }
0x7c: {  	_ =	shalt  }
0x7d: {  	_ =	shalt  }
0x7e: {  	_ =	shalt  }
0x7f: {  	_ =	shalt  }
0x80: {  	_ =	shalt  }
0x81: {  	_ =	shalt  }
0x82: {  	_ =	shalt  }
0x83: {  	_ =	shalt  }
0x84: {  	_ =	shalt  }
0x85: {  	_ =	shalt  }
0x86: {  	_ =	shalt  }
0x87: {  	_ =	shalt  }
.Lfunc_end0:
.L_simem_size_0:
called_computation_lowered:
.L_overlay_start_0:
0x88: {  	s2 =	sld [smem:$0x3FD9]  }
0x89: {  	s3 =	sld [smem:$0x3FFE];
	_ =	sdelay $0x1  }
0x8a: {  	s1 =	srdreg.scid  }
0x8b: {  	s0 =	sand.u32 $0x1, s1  }
0x8c: {  	s17 =	sshll.u32 s0, $0xA;
	s2 =	sadd.s32 s3, s2  }
0x8d: {  	s2 =	sadd.s32 s2, s17  }
0x8e: {  	[smem:$0x3FC6] =	sst s2  }
0x8f: {  	_ = 	snop  }
0x90: {  	s2 =	sld [smem:$0x3FC9]  }
0x91: {  	s18 =	sld [smem:$0x3FC8];
	(tm) =	ssettm $0x1  }
0x92: {  	s4 =	sld [smem:$0x3FFB];
	_ =	sdelay $0x3  }
0x93: {  	_ =	strace s4  }
0x94: {  	s4 =	sld [smem:$0x3FFC];
	_ =	sdelay $0x3  }
0x95: {  	_ =	strace s4  }
0x96: {  	s4 =	sld [smem:$0x3FFD];
	_ =	sdelay $0x3  }
0x97: {  	_ =	strace s4  }
0x98: {  	_ =	strace $0x8FFFFFFF  }
0x99: {  	s19 =	sld [smem:$0x3FDB];
	_ =	sdelay $0x1  }
0x9a: {  	s5 =	simm.s32 $_scs_section_size  }
0x9b: {  	s6 =	simm.s32 $_size__tile_overlayer_lowered;
	s7 =	simm.s32 $_tile_overlayer_lowered  }
0x9c: {  	s22 =	simm.s32 $0x1BFF;
	s21 =	sshll.u32 s7, $0x1;
	s4 =	sadd.s32 s5, s19  }
0x9d: {  	s8 =	simm.s32 $0x0;
	s20 =	sshll.u32 s6, $0x1;
	s6 =	sadd.s32 s21, s4  }
0x9e: {  	[timem:s8], [sflag:s22] =	dma.local [hbm:s6], s20  }
0x9f: {  	_ =	swait.ge [sflag:s22], s20  }
0xa0: {  	s5 =	ssub.s32 $0x0, s20;
	[sflag:s22] =	ssyncset.done $0x0  }
0xa1: {  	[sflag:s22] =	ssyncadd.s32 s5;
	_ =	sdelay $0x1  }
0xa2: {  	s23 =	simm.s32 $0x1B8B  }
0xa3: {  	_ =	swait.ge [sflag:s23], $0x1  }
0xa4: {  	[sflag:s23] =	ssyncset.done $0x0  }
0xa5: {  	s25 =	simm.s32 $0x1B8E;
	s24 =	sld [smem:$0x3FFE];
	[sflag:s23] =	ssyncadd.s32 $0xFFFFFFFF  }
0xa6: {  	s26 =	simm.s32 $execute0_lowered;
	[smem:$0x3FD2] =	sst s25  }
0xa7: {  	s6 =	sshll.u32 s26, $0x1;
	_ =	strace $0x80000046;
	[dreg:$0x1] =	wrdreg $0xFFFFFFFF  }
0xa8: {  	s28 =	simm.s32 $_size_execute0_lowered;
	s4 =	sadd.s32 s4, s6;
	[dreg:$0x0] =	wrdreg $0x0  }
0xa9: {  	s6 =	sshll.u32 s28, $0x1;
	[dreg:$0x2] =	wrdreg s4  }
0xaa: {  	[dreg:$0x3] =	wrdreg s6  }
0xab: {  	[dreg:$0x4] =	wrdreg $0xC0  }
0xac: {  	_ =	task [dreg:s8], $0x5FFFF  }
0xad: {  	[dreg:$0x1] =	wrdreg $0xFFFFFFFF  }
0xae: {  	[dreg:$0x0] =	wrdreg $0x60  }
0xaf: {  	[dreg:$0x2] =	wrdreg s2  }
0xb0: {  	[dreg:$0x3] =	wrdreg s18  }
0xb1: {  	[dreg:$0x4] =	wrdreg s24  }
0xb2: {  	[dreg:$0x5] =	wrdreg $0x9  }
0xb3: {  	_ =	task.clear_ibuf [dreg:s8], $0x6FFFF;
	_ =	strace $0x90000046  }
0xb4: {  	s29 =	simm.s32 $0x9;
	_ =	strace $0x80000048  }
0xb5: {  	_ =	swait.ge [sflag:s29], $0x1  }
0xb6: {  	[sflag:s29] =	ssyncadd.s32 $0xFFFFFFFF  }
0xb7: {  	_ =	strace $0x90000048  }
0xb8: {  	_ =	sfence  }
0xb9: {  	s30 =	sld [smem:$0x0];
	_ =	sdelay $0x2  }
0xba: {  	s31 =	sshll.u32 s1, $0xD;
	s1 =	sshrl.u32 s1, $0x2  }
0xbb: {  	s3 =	sand.u32 $0x4000, s31;
	s1 =	sadd.s32 s1, s30  }
0xbc: {  	s0 =	sor.u32 s3, s0;
	s1 =	sshll.u32 s1, $0x11  }
0xbd: {  	s0 =	sor.u32 s1, s0  }
0xbe: {  	s0 =	sadd.s32 $0x8F2B, s0  }
0xbf: {  	[sflag:s0] =	ssyncadd.remote.s32 $0x1  }
0xc0: {  	_ =	sfence.sel $0xFFFF  }
0xc1: {  	[dreg:$0x0] =	wrdreg $0xFFFFFFFF;
	(pc) =	sbr.abs _section_cstart, $3  }
0xc2: {  	[dreg:$0x1] =	wrdreg $0xFFFFFFFF  }
0xc3: {  	_ =	task.clear_ibuf [dreg:s8], $0x2FFFF;
	_ =	strace $0x9FFFFFFF  }
0xc4: {  	(tm) =	ssettm $0x7FFFFFFF  }
0xc5: {  	_ =	shalt  }
tec
execute0_lowered:
.L_overlay_start_1:
0x0: {  	(tag) =	ssettag $0x1  }
0x1: {  	s2 =	stileid.u32  }
0x2: {  	p0 =	sgt.u32 s2, $0x3  }
.Ltmp0:
0x3: {  	s1 =	rddreg [dreg:$0x0];
	(pc) =	sbr.rel @p0 .LBB2_7-.Ltmp0, $4  }
0x4: {  	s3 =	rddreg [dreg:$0x1]  }
0x5: {  	s5 =	rddreg [dreg:$0x2];
	s4 =	simm.s32 $0x0  }
0x6: {  	[smem:$0x7FF] =	sst s4  }
0x7: {  	s0 =	rddreg [dreg:$0x3];
	_ =	strace $0x80000047  }
0x8: {  	v0 =	vimm.f32 $1.500000000e+01  }
0x9: {  	vm15 =	vcmask $0x300;
	vm14 =	vcmask $0x704;
	vm13 =	vcmask $0xB08  }
0xa: {  	vm12 =	vcmask $0xF0C;
	vm11 =	vcmask $0x1310;
	vm10 =	vcmask $0x1714  }
0xb: {  	vm9 =	vcmask $0x1B18;
	vm8 =	vcmask $0x1F1C;
	vm7 =	vcmask $0x2320  }
0xc: {  	vm6 =	vcmask $0x2724;
	vm5 =	vcmask $0x2B28;
	vm4 =	vcmask $0x2F2C  }
0xd: {  	vm3 =	vcmask $0x3330;
	vm1 =	vcmask $0x3734;
	v2 =	vlaneseq.u32  }
0xe: {  	vm2 =	vcmask $0x3B38;
	v59 =	vimm.s32 $0x0;
	v60 =	vimm.f32 $3.100000000e+01  }
0xf: {  	v61 =	vimm.f32 $4.700000000e+01;
	v62 =	vimm.f32 $6.300000000e+01;
	v5 =	vimm.f32 $7.900000000e+01  }
0x10: {  	v6 =	vimm.f32 $9.500000000e+01;
	v7 =	vimm.f32 $1.110000000e+02;
	v10 =	vimm.f32 $1.270000000e+02  }
0x11: {  	v11 =	vimm.f32 $1.430000000e+02;
	v12 =	vimm.f32 $1.590000000e+02;
	v15 =	vimm.f32 $1.750000000e+02  }
0x12: {  	v16 =	vimm.f32 $1.910000000e+02;
	v17 =	vimm.f32 $2.070000000e+02;
	v20 =	vimm.f32 $2.230000000e+02  }
0x13: {  	v21 =	vimm.f32 $2.390000000e+02;
	v22 =	vimm.f32 $2.550000000e+02;
	v25 =	vimm.f32 $2.710000000e+02  }
0x14: {  	v26 =	vimm.f32 $2.870000000e+02;
	v27 =	vimm.f32 $3.030000000e+02;
	v30 =	vimm.f32 $3.190000000e+02  }
0x15: {  	s6 =	srdreg.scid;
	v31 =	vimm.f32 $3.350000000e+02;
	v32 =	vimm.f32 $3.510000000e+02;
	v36 =	vimm.f32 $3.670000000e+02  }
0x16: {  	s31 =	sshll.u32 s2, $0x1;
	v37 =	vimm.f32 $3.830000000e+02;
	v38 =	vimm.f32 $3.990000000e+02;
	v0 =	vsel vm15, $0x0, v0;
	s7 =	sand.u32 $0x1, s6  }
0x17: {  	v42 =	vimm.f32 $4.150000000e+02;
	v43 =	vimm.f32 $4.310000000e+02;
	v0 =	vsel vm14, $0x3F800000, v0;
	s6 =	sor.u32 s7, s31  }
0x18: {  	v44 =	vimm.f32 $4.470000000e+02;
	v0 =	vsel vm13, $0x40000000, v0;
	v1 =	vmov s6  }
0x19: {  	v0 =	vsel vm12, $0x40400000, v0;
	vm0 =	veq.s32 v1, v2;
	v2 =	vsel vm15, $0x42400000, v62  }
0x1a: {  	v0 =	vsel vm11, $0x40800000, v0;
	v1 =	vsel vm0, $0xFFFFFFFF, v59;
	v2 =	vsel vm14, $0x42440000, v2  }
0x1b: {  	v0 =	vsel vm10, $0x40A00000, v0;
	[tilespmem:$0x1FC70] =	vst v1;
	v1 =	vsel vm15, $0x42000000, v61;
	v2 =	vsel vm13, $0x42480000, v2  }
0x1c: {  	v0 =	vsel vm9, $0x40C00000, v0;
	v1 =	vsel vm14, $0x42040000, v1;
	v2 =	vsel vm12, $0x424C0000, v2  }
0x1d: {  	v0 =	vsel vm8, $0x40E00000, v0;
	v1 =	vsel vm13, $0x42080000, v1;
	v2 =	vsel vm11, $0x42500000, v2  }
0x1e: {  	v0 =	vsel vm7, $0x41000000, v0;
	v1 =	vsel vm12, $0x420C0000, v1;
	v2 =	vsel vm10, $0x42540000, v2  }
0x1f: {  	v0 =	vsel vm6, $0x41100000, v0;
	v1 =	vsel vm11, $0x42100000, v1;
	v2 =	vsel vm9, $0x42580000, v2  }
0x20: {  	v0 =	vsel vm5, $0x41200000, v0;
	v1 =	vsel vm10, $0x42140000, v1;
	v2 =	vsel vm8, $0x425C0000, v2  }
0x21: {  	v0 =	vsel vm4, $0x41300000, v0;
	v1 =	vsel vm9, $0x42180000, v1;
	v2 =	vsel vm7, $0x42600000, v2  }
0x22: {  	v0 =	vsel vm3, $0x41400000, v0;
	v1 =	vsel vm8, $0x421C0000, v1;
	v2 =	vsel vm6, $0x42640000, v2  }
0x23: {  	v0 =	vsel vm1, $0x41500000, v0;
	v1 =	vsel vm7, $0x42200000, v1;
	v2 =	vsel vm5, $0x42680000, v2  }
0x24: {  	v45 =	vsel vm2, $0x41600000, v0;
	v0 =	vsel vm15, $0x41800000, v60;
	v1 =	vsel vm6, $0x42240000, v1  }
0x25: {  	v2 =	vsel vm4, $0x426C0000, v2;
	v0 =	vsel vm14, $0x41880000, v0;
	v1 =	vsel vm5, $0x42280000, v1  }
0x26: {  	v2 =	vsel vm3, $0x42700000, v2;
	v0 =	vsel vm13, $0x41900000, v0;
	v1 =	vsel vm4, $0x422C0000, v1  }
0x27: {  	v4 =	vsel vm1, $0x42740000, v2;
	v2 =	vsel vm15, $0x42C00000, v7;
	v7 =	vimm.f32 $4.950000000e+02  }
0x28: {  	v0 =	vsel vm12, $0x41980000, v0;
	v1 =	vsel vm3, $0x42300000, v1;
	v48 =	vsel vm2, $0x42780000, v4  }
0x29: {  	v2 =	vsel vm14, $0x42C20000, v2;
	v0 =	vsel vm11, $0x41A00000, v0;
	v63 =	vsel vm1, $0x42340000, v1  }
0x2a: {  	v1 =	vsel vm15, $0x42A00000, v6;
	v2 =	vsel vm13, $0x42C40000, v2;
	v6 =	vimm.f32 $4.790000000e+02  }
0x2b: {  	v0 =	vsel vm10, $0x41A80000, v0;
	v47 =	vsel vm2, $0x42380000, v63;
	v1 =	vsel vm14, $0x42A20000, v1  }
0x2c: {  	v2 =	vsel vm12, $0x42C60000, v2;
	v0 =	vsel vm9, $0x41B00000, v0;
	v1 =	vsel vm13, $0x42A40000, v1  }
0x2d: {  	v2 =	vsel vm11, $0x42C80000, v2;
	v0 =	vsel vm8, $0x41B80000, v0;
	v1 =	vsel vm12, $0x42A60000, v1  }
0x2e: {  	v2 =	vsel vm10, $0x42CA0000, v2;
	v0 =	vsel vm7, $0x41C00000, v0;
	v1 =	vsel vm11, $0x42A80000, v1  }
0x2f: {  	v2 =	vsel vm9, $0x42CC0000, v2;
	v0 =	vsel vm6, $0x41C80000, v0;
	v1 =	vsel vm10, $0x42AA0000, v1  }
0x30: {  	v2 =	vsel vm8, $0x42CE0000, v2;
	v0 =	vsel vm5, $0x41D00000, v0;
	v1 =	vsel vm9, $0x42AC0000, v1  }
0x31: {  	v2 =	vsel vm7, $0x42D00000, v2;
	v0 =	vsel vm4, $0x41D80000, v0;
	v1 =	vsel vm8, $0x42AE0000, v1  }
0x32: {  	v2 =	vsel vm6, $0x42D20000, v2;
	v0 =	vsel vm3, $0x41E00000, v0;
	v1 =	vsel vm7, $0x42B00000, v1  }
0x33: {  	v2 =	vsel vm5, $0x42D40000, v2;
	v0 =	vsel vm1, $0x41E80000, v0;
	v1 =	vsel vm6, $0x42B20000, v1  }
0x34: {  	v2 =	vsel vm4, $0x42D60000, v2;
	v46 =	vsel vm2, $0x41F00000, v0;
	v0 =	vsel vm15, $0x42800000, v5  }
0x35: {  	v1 =	vsel vm5, $0x42B40000, v1;
	v2 =	vsel vm3, $0x42D80000, v2;
	v5 =	vimm.f32 $4.630000000e+02  }
0x36: {  	v0 =	vsel vm14, $0x42820000, v0;
	v1 =	vsel vm4, $0x42B60000, v1;
	v9 =	vsel vm1, $0x42DA0000, v2  }
0x37: {  	v2 =	vsel vm15, $0x43100000, v12;
	v12 =	vimm.f32 $5.270000000e+02;
	v0 =	vsel vm13, $0x42840000, v0  }
0x38: {  	v1 =	vsel vm3, $0x42B80000, v1;
	v51 =	vsel vm2, $0x42DC0000, v9;
	v2 =	vsel vm14, $0x43110000, v2  }
0x39: {  	v0 =	vsel vm12, $0x42860000, v0;
	v8 =	vsel vm1, $0x42BA0000, v1;
	v1 =	vsel vm15, $0x43000000, v11  }
0x3a: {  	v2 =	vsel vm13, $0x43120000, v2;
	v11 =	vimm.f32 $5.110000000e+02;
	v0 =	vsel vm11, $0x42880000, v0  }
0x3b: {  	v50 =	vsel vm2, $0x42BC0000, v8;
	v1 =	vsel vm14, $0x43010000, v1;
	v2 =	vsel vm12, $0x43130000, v2  }
0x3c: {  	v0 =	vsel vm10, $0x428A0000, v0;
	v1 =	vsel vm13, $0x43020000, v1;
	v2 =	vsel vm11, $0x43140000, v2  }
0x3d: {  	v0 =	vsel vm9, $0x428C0000, v0;
	v1 =	vsel vm12, $0x43030000, v1;
	v2 =	vsel vm10, $0x43150000, v2  }
0x3e: {  	v0 =	vsel vm8, $0x428E0000, v0;
	v1 =	vsel vm11, $0x43040000, v1;
	v2 =	vsel vm9, $0x43160000, v2  }
0x3f: {  	v0 =	vsel vm7, $0x42900000, v0;
	v1 =	vsel vm10, $0x43050000, v1;
	v2 =	vsel vm8, $0x43170000, v2  }
0x40: {  	v0 =	vsel vm6, $0x42920000, v0;
	v1 =	vsel vm9, $0x43060000, v1;
	v2 =	vsel vm7, $0x43180000, v2  }
0x41: {  	v0 =	vsel vm5, $0x42940000, v0;
	v1 =	vsel vm8, $0x43070000, v1;
	v2 =	vsel vm6, $0x43190000, v2  }
0x42: {  	v0 =	vsel vm4, $0x42960000, v0;
	v1 =	vsel vm7, $0x43080000, v1;
	v2 =	vsel vm5, $0x431A0000, v2  }
0x43: {  	v0 =	vsel vm3, $0x42980000, v0;
	v1 =	vsel vm6, $0x43090000, v1;
	v2 =	vsel vm4, $0x431B0000, v2  }
0x44: {  	v0 =	vsel vm1, $0x429A0000, v0;
	v1 =	vsel vm5, $0x430A0000, v1;
	v2 =	vsel vm3, $0x431C0000, v2  }
0x45: {  	v49 =	vsel vm2, $0x429C0000, v0;
	v0 =	vsel vm15, $0x42E00000, v10;
	v1 =	vsel vm4, $0x430B0000, v1  }
0x46: {  	v14 =	vsel vm1, $0x431D0000, v2;
	v2 =	vsel vm15, $0x43400000, v17;
	v17 =	vimm.f32 $5.590000000e+02  }
0x47: {  	v0 =	vsel vm14, $0x42E20000, v0;
	v1 =	vsel vm3, $0x430C0000, v1;
	v60 =	vsel vm2, $0x431E0000, v14  }
0x48: {  	v2 =	vsel vm14, $0x43410000, v2;
	v0 =	vsel vm13, $0x42E40000, v0;
	v13 =	vsel vm1, $0x430D0000, v1  }
0x49: {  	v1 =	vsel vm15, $0x43300000, v16;
	v2 =	vsel vm13, $0x43420000, v2;
	v0 =	vsel vm12, $0x42E60000, v0  }
0x4a: {  	v1 =	vsel vm14, $0x43310000, v1;
	v2 =	vsel vm12, $0x43430000, v2;
	v0 =	vsel vm11, $0x42E80000, v0  }
0x4b: {  	v1 =	vsel vm13, $0x43320000, v1;
	v2 =	vsel vm11, $0x43440000, v2;
	v0 =	vsel vm10, $0x42EA0000, v0  }
0x4c: {  	v1 =	vsel vm12, $0x43330000, v1;
	v2 =	vsel vm10, $0x43450000, v2;
	v0 =	vsel vm9, $0x42EC0000, v0  }
0x4d: {  	v1 =	vsel vm11, $0x43340000, v1;
	v2 =	vsel vm9, $0x43460000, v2;
	v0 =	vsel vm8, $0x42EE0000, v0  }
0x4e: {  	v1 =	vsel vm10, $0x43350000, v1;
	v2 =	vsel vm8, $0x43470000, v2;
	v0 =	vsel vm7, $0x42F00000, v0  }
0x4f: {  	v1 =	vsel vm9, $0x43360000, v1;
	v2 =	vsel vm7, $0x43480000, v2;
	v0 =	vsel vm6, $0x42F20000, v0  }
0x50: {  	v1 =	vsel vm8, $0x43370000, v1;
	v2 =	vsel vm6, $0x43490000, v2;
	v0 =	vsel vm5, $0x42F40000, v0  }
0x51: {  	v1 =	vsel vm7, $0x43380000, v1;
	v2 =	vsel vm5, $0x434A0000, v2;
	v0 =	vsel vm4, $0x42F60000, v0  }
0x52: {  	v1 =	vsel vm6, $0x43390000, v1;
	v2 =	vsel vm4, $0x434B0000, v2;
	v0 =	vsel vm3, $0x42F80000, v0  }
0x53: {  	v1 =	vsel vm5, $0x433A0000, v1;
	v2 =	vsel vm3, $0x434C0000, v2;
	v0 =	vsel vm1, $0x42FA0000, v0  }
0x54: {  	v1 =	vsel vm4, $0x433B0000, v1;
	v19 =	vsel vm1, $0x434D0000, v2;
	v2 =	vsel vm15, $0x43700000, v22  }
0x55: {  	v52 =	vsel vm2, $0x42FC0000, v0;
	v0 =	vsel vm2, $0x430E0000, v13;
	v1 =	vsel vm3, $0x433C0000, v1  }
0x56: {  	v57 =	vsel vm2, $0x434E0000, v19;
	v2 =	vsel vm14, $0x43710000, v2;
	[tilespmem:$0x1FC80] =	vst v0;
	v0 =	vsel vm15, $0x43200000, v15  }
0x57: {  	v13 =	vimm.f32 $5.430000000e+02;
	v19 =	vimm.f32 $5.910000000e+02;
	v0 =	vsel vm14, $0x43210000, v0  }
0x58: {  	v18 =	vsel vm1, $0x433D0000, v1;
	v1 =	vsel vm15, $0x43600000, v21;
	v0 =	vsel vm13, $0x43220000, v0  }
0x59: {  	v2 =	vsel vm13, $0x43720000, v2;
	v56 =	vsel vm2, $0x433E0000, v18;
	v0 =	vsel vm12, $0x43230000, v0  }
0x5a: {  	v1 =	vsel vm14, $0x43610000, v1;
	v2 =	vsel vm12, $0x43730000, v2;
	v0 =	vsel vm11, $0x43240000, v0  }
0x5b: {  	v18 =	vimm.f32 $5.750000000e+02;
	v1 =	vsel vm13, $0x43620000, v1;
	v0 =	vsel vm10, $0x43250000, v0  }
0x5c: {  	v2 =	vsel vm11, $0x43740000, v2;
	v1 =	vsel vm12, $0x43630000, v1;
	v0 =	vsel vm9, $0x43260000, v0  }
0x5d: {  	v2 =	vsel vm10, $0x43750000, v2;
	v1 =	vsel vm11, $0x43640000, v1;
	v0 =	vsel vm8, $0x43270000, v0  }
0x5e: {  	v2 =	vsel vm9, $0x43760000, v2;
	v1 =	vsel vm10, $0x43650000, v1;
	v0 =	vsel vm7, $0x43280000, v0  }
0x5f: {  	v2 =	vsel vm8, $0x43770000, v2;
	v1 =	vsel vm9, $0x43660000, v1;
	v0 =	vsel vm6, $0x43290000, v0  }
0x60: {  	v2 =	vsel vm7, $0x43780000, v2;
	v1 =	vsel vm8, $0x43670000, v1;
	v0 =	vsel vm5, $0x432A0000, v0  }
0x61: {  	v2 =	vsel vm6, $0x43790000, v2;
	v1 =	vsel vm7, $0x43680000, v1;
	v0 =	vsel vm4, $0x432B0000, v0  }
0x62: {  	v2 =	vsel vm5, $0x437A0000, v2;
	v1 =	vsel vm6, $0x43690000, v1;
	v0 =	vsel vm3, $0x432C0000, v0  }
0x63: {  	v2 =	vsel vm4, $0x437B0000, v2;
	v1 =	vsel vm5, $0x436A0000, v1;
	v0 =	vsel vm1, $0x432D0000, v0  }
0x64: {  	v2 =	vsel vm3, $0x437C0000, v2;
	v55 =	vsel vm2, $0x432E0000, v0;
	v0 =	vsel vm15, $0x43500000, v20  }
0x65: {  	v1 =	vsel vm4, $0x436B0000, v1;
	v24 =	vsel vm1, $0x437D0000, v2;
	v0 =	vsel vm14, $0x43510000, v0  }
0x66: {  	v2 =	vsel vm15, $0x43900000, v27;
	v1 =	vsel vm3, $0x436C0000, v1;
	v0 =	vsel vm13, $0x43520000, v0  }
0x67: {  	v54 =	vsel vm2, $0x437E0000, v24;
	v2 =	vsel vm14, $0x43908000, v2;
	v0 =	vsel vm12, $0x43530000, v0  }
0x68: {  	v24 =	vimm.f32 $6.230000000e+02;
	v23 =	vsel vm1, $0x436D0000, v1;
	v0 =	vsel vm11, $0x43540000, v0  }
0x69: {  	v1 =	vsel vm15, $0x43880000, v26;
	v2 =	vsel vm13, $0x43910000, v2;
	v0 =	vsel vm10, $0x43550000, v0  }
0x6a: {  	v59 =	vsel vm2, $0x436E0000, v23;
	v1 =	vsel vm14, $0x43888000, v1;
	v0 =	vsel vm9, $0x43560000, v0  }
0x6b: {  	v2 =	vsel vm12, $0x43918000, v2;
	v23 =	vimm.f32 $6.070000000e+02;
	v0 =	vsel vm8, $0x43570000, v0  }
0x6c: {  	v1 =	vsel vm13, $0x43890000, v1;
	v2 =	vsel vm11, $0x43920000, v2;
	v0 =	vsel vm7, $0x43580000, v0  }
0x6d: {  	v1 =	vsel vm12, $0x43898000, v1;
	v2 =	vsel vm10, $0x43928000, v2;
	v0 =	vsel vm6, $0x43590000, v0  }
0x6e: {  	v1 =	vsel vm11, $0x438A0000, v1;
	v2 =	vsel vm9, $0x43930000, v2;
	v0 =	vsel vm5, $0x435A0000, v0  }
0x6f: {  	v1 =	vsel vm10, $0x438A8000, v1;
	v2 =	vsel vm8, $0x43938000, v2;
	v0 =	vsel vm4, $0x435B0000, v0  }
0x70: {  	v1 =	vsel vm9, $0x438B0000, v1;
	v2 =	vsel vm7, $0x43940000, v2;
	v0 =	vsel vm3, $0x435C0000, v0  }
0x71: {  	v1 =	vsel vm8, $0x438B8000, v1;
	v2 =	vsel vm6, $0x43948000, v2;
	v0 =	vsel vm1, $0x435D0000, v0  }
0x72: {  	v1 =	vsel vm7, $0x438C0000, v1;
	v58 =	vsel vm2, $0x435E0000, v0;
	v0 =	vsel vm15, $0x43800000, v25  }
0x73: {  	v2 =	vsel vm5, $0x43950000, v2;
	v1 =	vsel vm6, $0x438C8000, v1;
	v0 =	vsel vm14, $0x43808000, v0  }
0x74: {  	v2 =	vsel vm4, $0x43958000, v2;
	v1 =	vsel vm5, $0x438D0000, v1;
	v0 =	vsel vm13, $0x43810000, v0  }
0x75: {  	v2 =	vsel vm3, $0x43960000, v2;
	v1 =	vsel vm4, $0x438D8000, v1;
	v0 =	vsel vm12, $0x43818000, v0  }
0x76: {  	v29 =	vsel vm1, $0x43968000, v2;
	v2 =	vsel vm15, $0x43A80000, v32;
	v0 =	vsel vm11, $0x43820000, v0  }
0x77: {  	v1 =	vsel vm3, $0x438E0000, v1;
	v63 =	vsel vm2, $0x43970000, v29;
	v0 =	vsel vm10, $0x43828000, v0  }
0x78: {  	v2 =	vsel vm14, $0x43A88000, v2;
	v29 =	vimm.f32 $6.710000000e+02;
	v0 =	vsel vm9, $0x43830000, v0  }
0x79: {  	v28 =	vsel vm1, $0x438E8000, v1;
	v1 =	vsel vm15, $0x43A00000, v31;
	v0 =	vsel vm8, $0x43838000, v0  }
0x7a: {  	v2 =	vsel vm13, $0x43A90000, v2;
	v62 =	vsel vm2, $0x438F0000, v28;
	v0 =	vsel vm7, $0x43840000, v0  }
0x7b: {  	v1 =	vsel vm14, $0x43A08000, v1;
	v2 =	vsel vm12, $0x43A98000, v2;
	v0 =	vsel vm6, $0x43848000, v0  }
0x7c: {  	v28 =	vimm.f32 $6.550000000e+02;
	v1 =	vsel vm13, $0x43A10000, v1;
	v0 =	vsel vm5, $0x43850000, v0  }
0x7d: {  	v2 =	vsel vm11, $0x43AA0000, v2;
	v25 =	vimm.f32 $6.390000000e+02;
	v0 =	vsel vm4, $0x43858000, v0  }
0x7e: {  	v1 =	vsel vm12, $0x43A18000, v1;
	v2 =	vsel vm10, $0x43AA8000, v2;
	v0 =	vsel vm3, $0x43860000, v0  }
0x7f: {  	v1 =	vsel vm11, $0x43A20000, v1;
	v2 =	vsel vm9, $0x43AB0000, v2;
	v0 =	vsel vm1, $0x43868000, v0  }
0x80: {  	v1 =	vsel vm10, $0x43A28000, v1;
	v61 =	vsel vm2, $0x43870000, v0;
	v0 =	vsel vm15, $0x43980000, v30  }
0x81: {  	v2 =	vsel vm8, $0x43AB8000, v2;
	v1 =	vsel vm9, $0x43A30000, v1;
	v0 =	vsel vm14, $0x43988000, v0  }
0x82: {  	v2 =	vsel vm7, $0x43AC0000, v2;
	v1 =	vsel vm8, $0x43A38000, v1;
	v0 =	vsel vm13, $0x43990000, v0  }
0x83: {  	v2 =	vsel vm6, $0x43AC8000, v2;
	v1 =	vsel vm7, $0x43A40000, v1;
	v0 =	vsel vm12, $0x43998000, v0  }
0x84: {  	v2 =	vsel vm5, $0x43AD0000, v2;
	v1 =	vsel vm6, $0x43A48000, v1;
	v0 =	vsel vm11, $0x439A0000, v0  }
0x85: {  	v2 =	vsel vm4, $0x43AD8000, v2;
	v1 =	vsel vm5, $0x43A50000, v1;
	v0 =	vsel vm10, $0x439A8000, v0  }
0x86: {  	v2 =	vsel vm3, $0x43AE0000, v2;
	v1 =	vsel vm4, $0x43A58000, v1;
	v0 =	vsel vm9, $0x439B0000, v0  }
0x87: {  	v34 =	vsel vm1, $0x43AE8000, v2;
	v2 =	vsel vm15, $0x43C00000, v38;
	v0 =	vsel vm8, $0x439B8000, v0  }
0x88: {  	v1 =	vsel vm3, $0x43A60000, v1;
	v35 =	vsel vm2, $0x43AF0000, v34;
	v0 =	vsel vm7, $0x439C0000, v0  }
0x89: {  	v2 =	vsel vm14, $0x43C08000, v2;
	v34 =	vimm.f32 $7.030000000e+02;
	v0 =	vsel vm6, $0x439C8000, v0  }
0x8a: {  	v33 =	vsel vm1, $0x43A68000, v1;
	v1 =	vsel vm15, $0x43B80000, v37;
	v0 =	vsel vm5, $0x439D0000, v0  }
0x8b: {  	[tilespmem:$0x1FCB0] =	vst v35;
	v2 =	vsel vm13, $0x43C10000, v2;
	v35 =	vimm.f32 $7.190000000e+02;
	v0 =	vsel vm4, $0x439D8000, v0  }
0x8c: {  	v1 =	vsel vm14, $0x43B88000, v1;
	v2 =	vsel vm12, $0x43C18000, v2;
	v0 =	vsel vm3, $0x439E0000, v0  }
0x8d: {  	v1 =	vsel vm13, $0x43B90000, v1;
	v2 =	vsel vm11, $0x43C20000, v2;
	v0 =	vsel vm1, $0x439E8000, v0  }
0x8e: {  	v1 =	vsel vm12, $0x43B98000, v1;
	v2 =	vsel vm10, $0x43C28000, v2;
	v0 =	vsel vm2, $0x439F0000, v0  }
0x8f: {  	v30 =	vimm.f32 $6.870000000e+02;
	v1 =	vsel vm11, $0x43BA0000, v1;
	[tilespmem:$0x1FC90] =	vst v0;
	v0 =	vsel vm2, $0x43A70000, v33  }
0x90: {  	v2 =	vsel vm9, $0x43C30000, v2;
	v1 =	vsel vm10, $0x43BA8000, v1;
	[tilespmem:$0x1FCA0] =	vst v0;
	v0 =	vsel vm15, $0x43B00000, v36  }
0x91: {  	v2 =	vsel vm8, $0x43C38000, v2;
	v1 =	vsel vm9, $0x43BB0000, v1;
	v0 =	vsel vm14, $0x43B08000, v0  }
0x92: {  	v2 =	vsel vm7, $0x43C40000, v2;
	v1 =	vsel vm8, $0x43BB8000, v1;
	v0 =	vsel vm13, $0x43B10000, v0  }
0x93: {  	v2 =	vsel vm6, $0x43C48000, v2;
	v1 =	vsel vm7, $0x43BC0000, v1;
	v0 =	vsel vm12, $0x43B18000, v0  }
0x94: {  	v2 =	vsel vm5, $0x43C50000, v2;
	v1 =	vsel vm6, $0x43BC8000, v1;
	v0 =	vsel vm11, $0x43B20000, v0  }
0x95: {  	v2 =	vsel vm4, $0x43C58000, v2;
	v1 =	vsel vm5, $0x43BD0000, v1;
	v0 =	vsel vm10, $0x43B28000, v0  }
0x96: {  	v2 =	vsel vm3, $0x43C60000, v2;
	v1 =	vsel vm4, $0x43BD8000, v1;
	v0 =	vsel vm9, $0x43B30000, v0  }
0x97: {  	v40 =	vsel vm1, $0x43C68000, v2;
	v2 =	vsel vm15, $0x43D80000, v44;
	v0 =	vsel vm8, $0x43B38000, v0  }
0x98: {  	v1 =	vsel vm3, $0x43BE0000, v1;
	v41 =	vsel vm2, $0x43C70000, v40;
	v0 =	vsel vm7, $0x43B40000, v0  }
0x99: {  	v2 =	vsel vm14, $0x43D88000, v2;
	v40 =	vimm.f32 $7.510000000e+02;
	v0 =	vsel vm6, $0x43B48000, v0  }
0x9a: {  	v39 =	vsel vm1, $0x43BE8000, v1;
	v1 =	vsel vm15, $0x43D00000, v43;
	v0 =	vsel vm5, $0x43B50000, v0  }
0x9b: {  	v2 =	vsel vm13, $0x43D90000, v2;
	v1 =	vsel vm14, $0x43D08000, v1;
	v0 =	vsel vm4, $0x43B58000, v0  }
0x9c: {  	v2 =	vsel vm12, $0x43D98000, v2;
	v1 =	vsel vm13, $0x43D10000, v1;
	v0 =	vsel vm3, $0x43B60000, v0  }
0x9d: {  	v2 =	vsel vm11, $0x43DA0000, v2;
	v1 =	vsel vm12, $0x43D18000, v1;
	v0 =	vsel vm1, $0x43B68000, v0  }
0x9e: {  	v2 =	vsel vm10, $0x43DA8000, v2;
	v1 =	vsel vm11, $0x43D20000, v1;
	v0 =	vsel vm2, $0x43B70000, v0  }
0x9f: {  	v2 =	vsel vm9, $0x43DB0000, v2;
	v1 =	vsel vm10, $0x43D28000, v1;
	[tilespmem:$0x1FCC0] =	vst v0;
	v0 =	vsel vm2, $0x43BF0000, v39  }
0xa0: {  	v2 =	vsel vm8, $0x43DB8000, v2;
	v1 =	vsel vm9, $0x43D30000, v1;
	[tilespmem:$0x1FCD0] =	vst v0;
	v0 =	vsel vm15, $0x43C80000, v42  }
0xa1: {  	v2 =	vsel vm7, $0x43DC0000, v2;
	v36 =	vimm.f32 $7.350000000e+02;
	v0 =	vsel vm14, $0x43C88000, v0  }
0xa2: {  	v1 =	vsel vm8, $0x43D38000, v1;
	v2 =	vsel vm6, $0x43DC8000, v2;
	v0 =	vsel vm13, $0x43C90000, v0  }
0xa3: {  	v1 =	vsel vm7, $0x43D40000, v1;
	v2 =	vsel vm5, $0x43DD0000, v2;
	v0 =	vsel vm12, $0x43C98000, v0  }
0xa4: {  	v1 =	vsel vm6, $0x43D48000, v1;
	v2 =	vsel vm4, $0x43DD8000, v2;
	v0 =	vsel vm11, $0x43CA0000, v0  }
0xa5: {  	v1 =	vsel vm5, $0x43D50000, v1;
	v2 =	vsel vm3, $0x43DE0000, v2;
	v0 =	vsel vm10, $0x43CA8000, v0  }
0xa6: {  	v1 =	vsel vm4, $0x43D58000, v1;
	v4 =	vsel vm1, $0x43DE8000, v2;
	v0 =	vsel vm9, $0x43CB0000, v0  }
0xa7: {  	v2 =	vsel vm15, $0x43F00000, v7;
	v7 =	vimm.f32 $7.990000000e+02;
	v0 =	vsel vm8, $0x43CB8000, v0  }
0xa8: {  	v1 =	vsel vm3, $0x43D60000, v1;
	v43 =	vsel vm2, $0x43DF0000, v4;
	v0 =	vsel vm7, $0x43CC0000, v0  }
0xa9: {  	v2 =	vsel vm14, $0x43F08000, v2;
	v4 =	vimm.f32 $7.830000000e+02;
	v0 =	vsel vm6, $0x43CC8000, v0  }
0xaa: {  	v53 =	vsel vm1, $0x43D68000, v1;
	v1 =	vsel vm15, $0x43E80000, v6;
	v0 =	vsel vm5, $0x43CD0000, v0  }
0xab: {  	v2 =	vsel vm13, $0x43F10000, v2;
	v1 =	vsel vm14, $0x43E88000, v1;
	v0 =	vsel vm4, $0x43CD8000, v0  }
0xac: {  	v2 =	vsel vm12, $0x43F18000, v2;
	v1 =	vsel vm13, $0x43E90000, v1;
	v0 =	vsel vm3, $0x43CE0000, v0  }
0xad: {  	v2 =	vsel vm11, $0x43F20000, v2;
	v1 =	vsel vm12, $0x43E98000, v1;
	v0 =	vsel vm1, $0x43CE8000, v0  }
0xae: {  	v2 =	vsel vm10, $0x43F28000, v2;
	v1 =	vsel vm11, $0x43EA0000, v1;
	v0 =	vsel vm2, $0x43CF0000, v0  }
0xaf: {  	v2 =	vsel vm9, $0x43F30000, v2;
	v1 =	vsel vm10, $0x43EA8000, v1;
	[tilespmem:$0x1FCF0] =	vst v0;
	v0 =	vsel vm2, $0x43D70000, v53  }
0xb0: {  	v2 =	vsel vm8, $0x43F38000, v2;
	v1 =	vsel vm9, $0x43EB0000, v1;
	[tilespmem:$0x1FD00] =	vst v0;
	v0 =	vsel vm15, $0x43E00000, v5  }
0xb1: {  	v2 =	vsel vm7, $0x43F40000, v2;
	v1 =	vsel vm8, $0x43EB8000, v1;
	v0 =	vsel vm14, $0x43E08000, v0  }
0xb2: {  	v2 =	vsel vm6, $0x43F48000, v2;
	v1 =	vsel vm7, $0x43EC0000, v1;
	v0 =	vsel vm13, $0x43E10000, v0  }
0xb3: {  	v2 =	vsel vm5, $0x43F50000, v2;
	v1 =	vsel vm6, $0x43EC8000, v1;
	v0 =	vsel vm12, $0x43E18000, v0  }
0xb4: {  	v2 =	vsel vm4, $0x43F58000, v2;
	v1 =	vsel vm5, $0x43ED0000, v1;
	v0 =	vsel vm11, $0x43E20000, v0  }
0xb5: {  	v2 =	vsel vm3, $0x43F60000, v2;
	v1 =	vsel vm4, $0x43ED8000, v1;
	v0 =	vsel vm10, $0x43E28000, v0  }
0xb6: {  	v9 =	vsel vm1, $0x43F68000, v2;
	v2 =	vsel vm15, $0x44040000, v13;
	v0 =	vsel vm9, $0x43E30000, v0  }
0xb7: {  	v13 =	vimm.f32 $8.630000000e+02;
	v1 =	vsel vm3, $0x43EE0000, v1;
	v0 =	vsel vm8, $0x43E38000, v0  }
0xb8: {  	v10 =	vsel vm2, $0x43F70000, v9;
	v2 =	vsel vm14, $0x44044000, v2;
	v0 =	vsel vm7, $0x43E40000, v0  }
0xb9: {  	v9 =	vimm.f32 $8.310000000e+02;
	v8 =	vsel vm1, $0x43EE8000, v1;
	v0 =	vsel vm6, $0x43E48000, v0  }
0xba: {  	v1 =	vsel vm15, $0x44000000, v12;
	v2 =	vsel vm13, $0x44048000, v2;
	v0 =	vsel vm5, $0x43E50000, v0  }
0xbb: {  	v12 =	vimm.f32 $8.470000000e+02;
	v44 =	vsel vm2, $0x43EF0000, v8;
	v0 =	vsel vm4, $0x43E58000, v0  }
0xbc: {  	v1 =	vsel vm14, $0x44004000, v1;
	v2 =	vsel vm12, $0x4404C000, v2;
	v0 =	vsel vm3, $0x43E60000, v0  }
0xbd: {  	v8 =	vimm.f32 $8.150000000e+02;
	v1 =	vsel vm13, $0x44008000, v1;
	v0 =	vsel vm1, $0x43E68000, v0  }
0xbe: {  	v2 =	vsel vm11, $0x44050000, v2;
	v1 =	vsel vm12, $0x4400C000, v1;
	v0 =	vsel vm2, $0x43E70000, v0  }
0xbf: {  	v2 =	vsel vm10, $0x44054000, v2;
	v1 =	vsel vm11, $0x44010000, v1;
	[tilespmem:$0x1FD10] =	vst v0;
	v0 =	vsel vm15, $0x43F80000, v11  }
0xc0: {  	v2 =	vsel vm9, $0x44058000, v2;
	v1 =	vsel vm10, $0x44014000, v1;
	v0 =	vsel vm14, $0x43F88000, v0  }
0xc1: {  	v2 =	vsel vm8, $0x4405C000, v2;
	v1 =	vsel vm9, $0x44018000, v1;
	v0 =	vsel vm13, $0x43F90000, v0  }
0xc2: {  	v2 =	vsel vm7, $0x44060000, v2;
	v1 =	vsel vm8, $0x4401C000, v1;
	v0 =	vsel vm12, $0x43F98000, v0  }
0xc3: {  	v2 =	vsel vm6, $0x44064000, v2;
	v1 =	vsel vm7, $0x44020000, v1;
	v0 =	vsel vm11, $0x43FA0000, v0  }
0xc4: {  	v2 =	vsel vm5, $0x44068000, v2;
	v1 =	vsel vm6, $0x44024000, v1;
	v0 =	vsel vm10, $0x43FA8000, v0  }
0xc5: {  	v2 =	vsel vm4, $0x4406C000, v2;
	v1 =	vsel vm5, $0x44028000, v1;
	v0 =	vsel vm9, $0x43FB0000, v0  }
0xc6: {  	v2 =	vsel vm3, $0x44070000, v2;
	v1 =	vsel vm4, $0x4402C000, v1;
	v0 =	vsel vm8, $0x43FB8000, v0  }
0xc7: {  	v15 =	vsel vm1, $0x44074000, v2;
	v2 =	vsel vm15, $0x44100000, v19;
	v0 =	vsel vm7, $0x43FC0000, v0  }
0xc8: {  	v53 =	vimm.f32 $7.670000000e+02;
	v19 =	vimm.f32 $9.110000000e+02;
	v0 =	vsel vm6, $0x43FC8000, v0  }
0xc9: {  	v1 =	vsel vm3, $0x44030000, v1;
	v16 =	vsel vm2, $0x44078000, v15;
	v0 =	vsel vm5, $0x43FD0000, v0  }
0xca: {  	v2 =	vsel vm14, $0x44104000, v2;
	v14 =	vsel vm1, $0x44034000, v1;
	v0 =	vsel vm4, $0x43FD8000, v0  }
0xcb: {  	v1 =	vsel vm15, $0x440C0000, v18;
	v2 =	vsel vm13, $0x44108000, v2;
	v0 =	vsel vm3, $0x43FE0000, v0  }
0xcc: {  	v18 =	vimm.f32 $8.950000000e+02;
	v1 =	vsel vm14, $0x440C4000, v1;
	v0 =	vsel vm1, $0x43FE8000, v0  }
0xcd: {  	v2 =	vsel vm12, $0x4410C000, v2;
	v1 =	vsel vm13, $0x440C8000, v1;
	v0 =	vsel vm2, $0x43FF0000, v0  }
0xce: {  	v2 =	vsel vm11, $0x44110000, v2;
	v1 =	vsel vm12, $0x440CC000, v1;
	[tilespmem:$0x1FD30] =	vst v0;
	v0 =	vsel vm2, $0x44038000, v14  }
0xcf: {  	v2 =	vsel vm10, $0x44114000, v2;
	v1 =	vsel vm11, $0x440D0000, v1;
	[tilespmem:$0x1FD40] =	vst v0;
	v0 =	vsel vm15, $0x44080000, v17  }
0xd0: {  	v2 =	vsel vm9, $0x44118000, v2;
	v1 =	vsel vm10, $0x440D4000, v1;
	v0 =	vsel vm14, $0x44084000, v0  }
0xd1: {  	v2 =	vsel vm8, $0x4411C000, v2;
	v1 =	vsel vm9, $0x440D8000, v1;
	v0 =	vsel vm13, $0x44088000, v0  }
0xd2: {  	v2 =	vsel vm7, $0x44120000, v2;
	v1 =	vsel vm8, $0x440DC000, v1;
	v0 =	vsel vm12, $0x4408C000, v0  }
0xd3: {  	v2 =	vsel vm6, $0x44124000, v2;
	v1 =	vsel vm7, $0x440E0000, v1;
	v0 =	vsel vm11, $0x44090000, v0  }
0xd4: {  	v2 =	vsel vm5, $0x44128000, v2;
	v1 =	vsel vm6, $0x440E4000, v1;
	v0 =	vsel vm10, $0x44094000, v0  }
0xd5: {  	v2 =	vsel vm4, $0x4412C000, v2;
	v1 =	vsel vm5, $0x440E8000, v1;
	v0 =	vsel vm9, $0x44098000, v0  }
0xd6: {  	v2 =	vsel vm3, $0x44130000, v2;
	v1 =	vsel vm4, $0x440EC000, v1;
	v0 =	vsel vm8, $0x4409C000, v0  }
0xd7: {  	v21 =	vsel vm1, $0x44134000, v2;
	v2 =	vsel vm15, $0x441C0000, v25;
	v0 =	vsel vm7, $0x440A0000, v0  }
0xd8: {  	v25 =	vimm.f32 $9.590000000e+02;
	v1 =	vsel vm3, $0x440F0000, v1;
	v0 =	vsel vm6, $0x440A4000, v0  }
0xd9: {  	v22 =	vsel vm2, $0x44138000, v21;
	v2 =	vsel vm14, $0x441C4000, v2;
	v0 =	vsel vm5, $0x440A8000, v0  }
0xda: {  	v20 =	vsel vm1, $0x440F4000, v1;
	v1 =	vsel vm15, $0x44180000, v24;
	v0 =	vsel vm4, $0x440AC000, v0  }
0xdb: {  	v2 =	vsel vm13, $0x441C8000, v2;
	v24 =	vimm.f32 $9.430000000e+02;
	v0 =	vsel vm3, $0x440B0000, v0  }
0xdc: {  	v1 =	vsel vm14, $0x44184000, v1;
	v2 =	vsel vm12, $0x441CC000, v2;
	v0 =	vsel vm1, $0x440B4000, v0  }
0xdd: {  	v1 =	vsel vm13, $0x44188000, v1;
	v2 =	vsel vm11, $0x441D0000, v2;
	v0 =	vsel vm2, $0x440B8000, v0  }
0xde: {  	v1 =	vsel vm12, $0x4418C000, v1;
	v2 =	vsel vm10, $0x441D4000, v2;
	[tilespmem:$0x1FD60] =	vst v0;
	v0 =	vsel vm2, $0x440F8000, v20  }
0xdf: {  	v1 =	vsel vm11, $0x44190000, v1;
	v2 =	vsel vm9, $0x441D8000, v2;
	[tilespmem:$0x1FD70] =	vst v0;
	v0 =	vsel vm15, $0x44140000, v23  }
0xe0: {  	v1 =	vsel vm10, $0x44194000, v1;
	v2 =	vsel vm8, $0x441DC000, v2;
	v0 =	vsel vm14, $0x44144000, v0  }
0xe1: {  	v1 =	vsel vm9, $0x44198000, v1;
	v2 =	vsel vm7, $0x441E0000, v2;
	v0 =	vsel vm13, $0x44148000, v0  }
0xe2: {  	v1 =	vsel vm8, $0x4419C000, v1;
	v2 =	vsel vm6, $0x441E4000, v2;
	v0 =	vsel vm12, $0x4414C000, v0  }
0xe3: {  	v1 =	vsel vm7, $0x441A0000, v1;
	v2 =	vsel vm5, $0x441E8000, v2;
	v0 =	vsel vm11, $0x44150000, v0  }
0xe4: {  	v1 =	vsel vm6, $0x441A4000, v1;
	v2 =	vsel vm4, $0x441EC000, v2;
	v0 =	vsel vm10, $0x44154000, v0  }
0xe5: {  	v1 =	vsel vm5, $0x441A8000, v1;
	v2 =	vsel vm3, $0x441F0000, v2;
	v0 =	vsel vm9, $0x44158000, v0  }
0xe6: {  	v1 =	vsel vm4, $0x441AC000, v1;
	v27 =	vsel vm1, $0x441F4000, v2;
	v0 =	vsel vm8, $0x4415C000, v0  }
0xe7: {  	v2 =	vsel vm15, $0x44280000, v30;
	v1 =	vsel vm3, $0x441B0000, v1;
	v0 =	vsel vm7, $0x44160000, v0  }
0xe8: {  	v42 =	vsel vm2, $0x441F8000, v27;
	v2 =	vsel vm14, $0x44284000, v2;
	v0 =	vsel vm6, $0x44164000, v0  }
0xe9: {  	v26 =	vsel vm1, $0x441B4000, v1;
	v1 =	vsel vm15, $0x44240000, v29;
	v0 =	vsel vm5, $0x44168000, v0  }
0xea: {  	v2 =	vsel vm13, $0x44288000, v2;
	v29 =	vimm.f32 $9.910000000e+02;
	v0 =	vsel vm4, $0x4416C000, v0  }
0xeb: {  	v1 =	vsel vm14, $0x44244000, v1;
	v2 =	vsel vm12, $0x4428C000, v2;
	v0 =	vsel vm3, $0x44170000, v0  }
0xec: {  	v1 =	vsel vm13, $0x44248000, v1;
	v2 =	vsel vm11, $0x44290000, v2;
	v0 =	vsel vm1, $0x44174000, v0  }
0xed: {  	v1 =	vsel vm12, $0x4424C000, v1;
	v2 =	vsel vm10, $0x44294000, v2;
	v0 =	vsel vm2, $0x44178000, v0  }
0xee: {  	v14 =	vimm.f32 $8.790000000e+02;
	v1 =	vsel vm11, $0x44250000, v1;
	[tilespmem:$0x1FD90] =	vst v0;
	v0 =	vsel vm2, $0x441B8000, v26  }
0xef: {  	v2 =	vsel vm9, $0x44298000, v2;
	v1 =	vsel vm10, $0x44254000, v1;
	[tilespmem:$0x1FDA0] =	vst v0;
	v0 =	vsel vm15, $0x44200000, v28  }
0xf0: {  	v2 =	vsel vm8, $0x4429C000, v2;
	v1 =	vsel vm9, $0x44258000, v1;
	v0 =	vsel vm14, $0x44204000, v0  }
0xf1: {  	v2 =	vsel vm7, $0x442A0000, v2;
	v1 =	vsel vm8, $0x4425C000, v1;
	v0 =	vsel vm13, $0x44208000, v0  }
0xf2: {  	v2 =	vsel vm6, $0x442A4000, v2;
	v1 =	vsel vm7, $0x44260000, v1;
	v0 =	vsel vm12, $0x4420C000, v0  }
0xf3: {  	v2 =	vsel vm5, $0x442A8000, v2;
	v1 =	vsel vm6, $0x44264000, v1;
	v0 =	vsel vm11, $0x44210000, v0  }
0xf4: {  	v2 =	vsel vm4, $0x442AC000, v2;
	v1 =	vsel vm5, $0x44268000, v1;
	v0 =	vsel vm10, $0x44214000, v0  }
0xf5: {  	v2 =	vsel vm3, $0x442B0000, v2;
	v1 =	vsel vm4, $0x4426C000, v1;
	v0 =	vsel vm9, $0x44218000, v0  }
0xf6: {  	v32 =	vsel vm1, $0x442B4000, v2;
	v2 =	vsel vm15, $0x44340000, v36;
	v0 =	vsel vm8, $0x4421C000, v0  }
0xf7: {  	v1 =	vsel vm3, $0x44270000, v1;
	v33 =	vsel vm2, $0x442B8000, v32;
	v0 =	vsel vm7, $0x44220000, v0  }
0xf8: {  	v2 =	vsel vm14, $0x44344000, v2;
	v32 =	vimm.f32 $1.023000000e+03;
	v0 =	vsel vm6, $0x44224000, v0  }
0xf9: {  	v31 =	vsel vm1, $0x44274000, v1;
	v1 =	vsel vm15, $0x44300000, v35;
	v0 =	vsel vm5, $0x44228000, v0  }
0xfa: {  	v2 =	vsel vm13, $0x44348000, v2;
	v1 =	vsel vm14, $0x44304000, v1;
	v0 =	vsel vm4, $0x4422C000, v0  }
0xfb: {  	v2 =	vsel vm12, $0x4434C000, v2;
	v1 =	vsel vm13, $0x44308000, v1;
	v0 =	vsel vm3, $0x44230000, v0  }
0xfc: {  	v2 =	vsel vm11, $0x44350000, v2;
	v1 =	vsel vm12, $0x4430C000, v1;
	v0 =	vsel vm1, $0x44234000, v0  }
0xfd: {  	v2 =	vsel vm10, $0x44354000, v2;
	v1 =	vsel vm11, $0x44310000, v1;
	v0 =	vsel vm2, $0x44238000, v0  }
0xfe: {  	v2 =	vsel vm9, $0x44358000, v2;
	v1 =	vsel vm10, $0x44314000, v1;
	[tilespmem:$0x1FDB0] =	vst v0;
	v0 =	vsel vm2, $0x44278000, v31  }
0xff: {  	v2 =	vsel vm8, $0x4435C000, v2;
	v1 =	vsel vm9, $0x44318000, v1;
	[tilespmem:$0x1FDC0] =	vst v0;
	v0 =	vsel vm15, $0x442C0000, v34  }
0x100: {  	v2 =	vsel vm7, $0x44360000, v2;
	v20 =	vimm.f32 $9.270000000e+02;
	v0 =	vsel vm14, $0x442C4000, v0  }
0x101: {  	v1 =	vsel vm8, $0x4431C000, v1;
	v2 =	vsel vm6, $0x44364000, v2;
	v0 =	vsel vm13, $0x442C8000, v0  }
0x102: {  	v1 =	vsel vm7, $0x44320000, v1;
	v2 =	vsel vm5, $0x44368000, v2;
	v0 =	vsel vm12, $0x442CC000, v0  }
0x103: {  	v1 =	vsel vm6, $0x44324000, v1;
	v2 =	vsel vm4, $0x4436C000, v2;
	v0 =	vsel vm11, $0x442D0000, v0  }
0x104: {  	v1 =	vsel vm5, $0x44328000, v1;
	v2 =	vsel vm3, $0x44370000, v2;
	v0 =	vsel vm10, $0x442D4000, v0  }
0x105: {  	v1 =	vsel vm4, $0x4432C000, v1;
	v38 =	vsel vm1, $0x44374000, v2;
	v0 =	vsel vm9, $0x442D8000, v0  }
0x106: {  	v2 =	vsel vm15, $0x44400000, v4;
	v1 =	vsel vm3, $0x44330000, v1;
	v0 =	vsel vm8, $0x442DC000, v0  }
0x107: {  	v39 =	vsel vm2, $0x44378000, v38;
	v2 =	vsel vm14, $0x44404000, v2;
	v0 =	vsel vm7, $0x442E0000, v0  }
0x108: {  	v37 =	vsel vm1, $0x44334000, v1;
	v1 =	vsel vm15, $0x443C0000, v53;
	v0 =	vsel vm6, $0x442E4000, v0  }
0x109: {  	[tilespmem:$0x1FCE0] =	vst v41;
	v2 =	vsel vm13, $0x44408000, v2;
	v41 =	vsel vm2, $0x44338000, v37;
	v0 =	vsel vm5, $0x442E8000, v0  }
0x10a: {  	v1 =	vsel vm14, $0x443C4000, v1;
	v2 =	vsel vm12, $0x4440C000, v2;
	v0 =	vsel vm4, $0x442EC000, v0  }
0x10b: {  	v1 =	vsel vm13, $0x443C8000, v1;
	v2 =	vsel vm11, $0x44410000, v2;
	v0 =	vsel vm3, $0x442F0000, v0  }
0x10c: {  	v1 =	vsel vm12, $0x443CC000, v1;
	v2 =	vsel vm10, $0x44414000, v2;
	v0 =	vsel vm1, $0x442F4000, v0  }
0x10d: {  	v1 =	vsel vm11, $0x443D0000, v1;
	v2 =	vsel vm9, $0x44418000, v2;
	v0 =	vsel vm2, $0x442F8000, v0  }
0x10e: {  	v1 =	vsel vm10, $0x443D4000, v1;
	v2 =	vsel vm8, $0x4441C000, v2;
	[tilespmem:$0x1FDE0] =	vst v0;
	v0 =	vsel vm15, $0x44380000, v40  }
0x10f: {  	v1 =	vsel vm9, $0x443D8000, v1;
	v2 =	vsel vm7, $0x44420000, v2;
	v0 =	vsel vm14, $0x44384000, v0  }
0x110: {  	v1 =	vsel vm8, $0x443DC000, v1;
	v2 =	vsel vm6, $0x44424000, v2;
	v0 =	vsel vm13, $0x44388000, v0  }
0x111: {  	v1 =	vsel vm7, $0x443E0000, v1;
	v2 =	vsel vm5, $0x44428000, v2;
	v0 =	vsel vm12, $0x4438C000, v0  }
0x112: {  	v1 =	vsel vm6, $0x443E4000, v1;
	v2 =	vsel vm4, $0x4442C000, v2;
	v0 =	vsel vm11, $0x44390000, v0  }
0x113: {  	v26 =	vimm.f32 $9.750000000e+02;
	v1 =	vsel vm5, $0x443E8000, v1;
	v0 =	vsel vm10, $0x44394000, v0  }
0x114: {  	v2 =	vsel vm3, $0x44430000, v2;
	v1 =	vsel vm4, $0x443EC000, v1;
	v0 =	vsel vm9, $0x44398000, v0  }
0x115: {  	v6 =	vsel vm1, $0x44434000, v2;
	v2 =	vsel vm15, $0x444C0000, v9;
	v0 =	vsel vm8, $0x4439C000, v0  }
0x116: {  	v1 =	vsel vm3, $0x443F0000, v1;
	v38 =	vsel vm2, $0x44438000, v6;
	v0 =	vsel vm7, $0x443A0000, v0  }
0x117: {  	v2 =	vsel vm14, $0x444C4000, v2;
	v5 =	vsel vm1, $0x443F4000, v1;
	v0 =	vsel vm6, $0x443A4000, v0  }
0x118: {  	v1 =	vsel vm15, $0x44480000, v8;
	v2 =	vsel vm13, $0x444C8000, v2;
	v0 =	vsel vm5, $0x443A8000, v0  }
0x119: {  	[tilespmem:$0x1FDF0] =	vst v39;
	v39 =	vsel vm2, $0x443F8000, v5;
	v1 =	vsel vm14, $0x44484000, v1;
	v0 =	vsel vm4, $0x443AC000, v0  }
0x11a: {  	v2 =	vsel vm12, $0x444CC000, v2;
	v1 =	vsel vm13, $0x44488000, v1;
	v0 =	vsel vm3, $0x443B0000, v0  }
0x11b: {  	v2 =	vsel vm11, $0x444D0000, v2;
	v1 =	vsel vm12, $0x4448C000, v1;
	v0 =	vsel vm1, $0x443B4000, v0  }
0x11c: {  	v2 =	vsel vm10, $0x444D4000, v2;
	v1 =	vsel vm11, $0x44490000, v1;
	v0 =	vsel vm2, $0x443B8000, v0  }
0x11d: {  	v2 =	vsel vm9, $0x444D8000, v2;
	v1 =	vsel vm10, $0x44494000, v1;
	[tilespmem:$0x1FE00] =	vst v0;
	v0 =	vsel vm15, $0x44440000, v7  }
0x11e: {  	v2 =	vsel vm8, $0x444DC000, v2;
	v1 =	vsel vm9, $0x44498000, v1;
	v0 =	vsel vm14, $0x44444000, v0  }
0x11f: {  	v2 =	vsel vm7, $0x444E0000, v2;
	v1 =	vsel vm8, $0x4449C000, v1;
	v0 =	vsel vm13, $0x44448000, v0  }
0x120: {  	v2 =	vsel vm6, $0x444E4000, v2;
	v1 =	vsel vm7, $0x444A0000, v1;
	v0 =	vsel vm12, $0x4444C000, v0  }
0x121: {  	v2 =	vsel vm5, $0x444E8000, v2;
	v1 =	vsel vm6, $0x444A4000, v1;
	v0 =	vsel vm11, $0x44450000, v0  }
0x122: {  	v2 =	vsel vm4, $0x444EC000, v2;
	v1 =	vsel vm5, $0x444A8000, v1;
	v0 =	vsel vm10, $0x44454000, v0  }
0x123: {  	v2 =	vsel vm3, $0x444F0000, v2;
	v1 =	vsel vm4, $0x444AC000, v1;
	v0 =	vsel vm9, $0x44458000, v0  }
0x124: {  	v11 =	vsel vm1, $0x444F4000, v2;
	v2 =	vsel vm15, $0x44580000, v14;
	v0 =	vsel vm8, $0x4445C000, v0  }
0x125: {  	v1 =	vsel vm3, $0x444B0000, v1;
	v37 =	vsel vm2, $0x444F8000, v11;
	v0 =	vsel vm7, $0x44460000, v0  }
0x126: {  	v2 =	vsel vm14, $0x44584000, v2;
	v31 =	vimm.f32 $1.007000000e+03;
	v0 =	vsel vm6, $0x44464000, v0  }
0x127: {  	[tilespmem:$0x1FD20] =	vst v10;
	v10 =	vsel vm1, $0x444B4000, v1;
	v1 =	vsel vm15, $0x44540000, v13;
	v0 =	vsel vm5, $0x44468000, v0  }
0x128: {  	[tilespmem:$0x1FDD0] =	vst v33;
	v2 =	vsel vm13, $0x44588000, v2;
	v33 =	vsel vm2, $0x444B8000, v10;
	v0 =	vsel vm4, $0x4446C000, v0  }
0x129: {  	v1 =	vsel vm14, $0x44544000, v1;
	v2 =	vsel vm12, $0x4458C000, v2;
	v0 =	vsel vm3, $0x44470000, v0  }
0x12a: {  	v1 =	vsel vm13, $0x44548000, v1;
	v2 =	vsel vm11, $0x44590000, v2;
	v0 =	vsel vm1, $0x44474000, v0  }
0x12b: {  	v1 =	vsel vm12, $0x4454C000, v1;
	v36 =	vsel vm2, $0x44478000, v0;
	v0 =	vsel vm15, $0x44500000, v12  }
0x12c: {  	v2 =	vsel vm10, $0x44594000, v2;
	v1 =	vsel vm11, $0x44550000, v1;
	v0 =	vsel vm14, $0x44504000, v0  }
0x12d: {  	v2 =	vsel vm9, $0x44598000, v2;
	v1 =	vsel vm10, $0x44554000, v1;
	v0 =	vsel vm13, $0x44508000, v0  }
0x12e: {  	v2 =	vsel vm8, $0x4459C000, v2;
	v1 =	vsel vm9, $0x44558000, v1;
	v0 =	vsel vm12, $0x4450C000, v0  }
0x12f: {  	v2 =	vsel vm7, $0x445A0000, v2;
	v1 =	vsel vm8, $0x4455C000, v1;
	v0 =	vsel vm11, $0x44510000, v0  }
0x130: {  	v2 =	vsel vm6, $0x445A4000, v2;
	v1 =	vsel vm7, $0x44560000, v1;
	v0 =	vsel vm10, $0x44514000, v0  }
0x131: {  	v2 =	vsel vm5, $0x445A8000, v2;
	v1 =	vsel vm6, $0x44564000, v1;
	v0 =	vsel vm9, $0x44518000, v0  }
0x132: {  	v2 =	vsel vm4, $0x445AC000, v2;
	v1 =	vsel vm5, $0x44568000, v1;
	v0 =	vsel vm8, $0x4451C000, v0  }
0x133: {  	v2 =	vsel vm3, $0x445B0000, v2;
	v1 =	vsel vm4, $0x4456C000, v1;
	v0 =	vsel vm7, $0x44520000, v0  }
0x134: {  	[tilespmem:$0x1FD50] =	vst v16;
	v16 =	vsel vm1, $0x445B4000, v2;
	v2 =	vsel vm15, $0x44640000, v20;
	v0 =	vsel vm6, $0x44524000, v0  }
0x135: {  	v1 =	vsel vm3, $0x44570000, v1;
	v17 =	vsel vm2, $0x445B8000, v16;
	v0 =	vsel vm5, $0x44528000, v0  }
0x136: {  	v2 =	vsel vm14, $0x44644000, v2;
	v15 =	vsel vm1, $0x44574000, v1;
	v0 =	vsel vm4, $0x4452C000, v0  }
0x137: {  	v1 =	vsel vm15, $0x44600000, v19;
	v2 =	vsel vm13, $0x44648000, v2;
	v0 =	vsel vm3, $0x44530000, v0  }
0x138: {  	v1 =	vsel vm14, $0x44604000, v1;
	v2 =	vsel vm12, $0x4464C000, v2;
	v0 =	vsel vm1, $0x44534000, v0  }
0x139: {  	v40 =	vsel vm2, $0x44578000, v15;
	v35 =	vsel vm2, $0x44538000, v0;
	v0 =	vsel vm15, $0x445C0000, v18  }
0x13a: {  	v1 =	vsel vm13, $0x44608000, v1;
	v2 =	vsel vm11, $0x44650000, v2;
	v0 =	vsel vm14, $0x445C4000, v0  }
0x13b: {  	v1 =	vsel vm12, $0x4460C000, v1;
	v2 =	vsel vm10, $0x44654000, v2;
	v0 =	vsel vm13, $0x445C8000, v0  }
0x13c: {  	v1 =	vsel vm11, $0x44610000, v1;
	v2 =	vsel vm9, $0x44658000, v2;
	v0 =	vsel vm12, $0x445CC000, v0  }
0x13d: {  	v1 =	vsel vm10, $0x44614000, v1;
	v2 =	vsel vm8, $0x4465C000, v2;
	v0 =	vsel vm11, $0x445D0000, v0  }
0x13e: {  	v1 =	vsel vm9, $0x44618000, v1;
	v2 =	vsel vm7, $0x44660000, v2;
	v0 =	vsel vm10, $0x445D4000, v0  }
0x13f: {  	v1 =	vsel vm8, $0x4461C000, v1;
	v2 =	vsel vm6, $0x44664000, v2;
	v0 =	vsel vm9, $0x445D8000, v0  }
0x140: {  	v1 =	vsel vm7, $0x44620000, v1;
	v2 =	vsel vm5, $0x44668000, v2;
	v0 =	vsel vm8, $0x445DC000, v0  }
0x141: {  	v1 =	vsel vm6, $0x44624000, v1;
	v2 =	vsel vm4, $0x4466C000, v2;
	v0 =	vsel vm7, $0x445E0000, v0  }
0x142: {  	v1 =	vsel vm5, $0x44628000, v1;
	v2 =	vsel vm3, $0x44670000, v2;
	v0 =	vsel vm6, $0x445E4000, v0  }
0x143: {  	[tilespmem:$0x1FD80] =	vst v22;
	v1 =	vsel vm4, $0x4462C000, v1;
	v22 =	vsel vm1, $0x44674000, v2;
	v0 =	vsel vm5, $0x445E8000, v0  }
0x144: {  	v2 =	vsel vm15, $0x44700000, v26;
	v1 =	vsel vm3, $0x44630000, v1;
	v0 =	vsel vm4, $0x445EC000, v0  }
0x145: {  	v23 =	vsel vm2, $0x44678000, v22;
	v2 =	vsel vm14, $0x44704000, v2;
	v0 =	vsel vm3, $0x445F0000, v0  }
0x146: {  	v21 =	vsel vm1, $0x44634000, v1;
	v1 =	vsel vm15, $0x446C0000, v25;
	v0 =	vsel vm1, $0x445F4000, v0  }
0x147: {  	v2 =	vsel vm13, $0x44708000, v2;
	v1 =	vsel vm14, $0x446C4000, v1;
	v0 =	vsel vm2, $0x445F8000, v0  }
0x148: {  	v2 =	vsel vm12, $0x4470C000, v2;
	v1 =	vsel vm13, $0x446C8000, v1;
	[tilespmem:$0x1FE20] =	vst v0;
	v0 =	vsel vm2, $0x44638000, v21  }
0x149: {  	v2 =	vsel vm11, $0x44710000, v2;
	v1 =	vsel vm12, $0x446CC000, v1;
	[tilespmem:$0x1FE30] =	vst v0;
	v0 =	vsel vm15, $0x44680000, v24  }
0x14a: {  	v2 =	vsel vm10, $0x44714000, v2;
	v1 =	vsel vm11, $0x446D0000, v1;
	v0 =	vsel vm14, $0x44684000, v0  }
0x14b: {  	[tilespmem:$0x1FE60] =	vst v45;
	v2 =	vsel vm9, $0x44718000, v2;
	v1 =	vsel vm10, $0x446D4000, v1;
	v0 =	vsel vm13, $0x44688000, v0  }
0x14c: {  	[tilespmem:$0x1FE90] =	vst v48;
	v2 =	vsel vm8, $0x4471C000, v2;
	v1 =	vsel vm9, $0x446D8000, v1;
	v0 =	vsel vm12, $0x4468C000, v0  }
0x14d: {  	[tilespmem:$0x1FE80] =	vst v47;
	v2 =	vsel vm7, $0x44720000, v2;
	v1 =	vsel vm8, $0x446DC000, v1;
	v0 =	vsel vm11, $0x44690000, v0  }
0x14e: {  	[tilespmem:$0x1FE70] =	vst v46;
	v2 =	vsel vm6, $0x44724000, v2;
	v1 =	vsel vm7, $0x446E0000, v1;
	v0 =	vsel vm10, $0x44694000, v0  }
0x14f: {  	[tilespmem:$0x1FEC0] =	vst v51;
	v2 =	vsel vm5, $0x44728000, v2;
	v1 =	vsel vm6, $0x446E4000, v1;
	v0 =	vsel vm9, $0x44698000, v0  }
0x150: {  	[tilespmem:$0x1FEB0] =	vst v50;
	v2 =	vsel vm4, $0x4472C000, v2;
	v1 =	vsel vm5, $0x446E8000, v1;
	v0 =	vsel vm8, $0x4469C000, v0  }
0x151: {  	[tilespmem:$0x1FEA0] =	vst v49;
	v2 =	vsel vm3, $0x44730000, v2;
	v1 =	vsel vm4, $0x446EC000, v1;
	v0 =	vsel vm7, $0x446A0000, v0  }
0x152: {  	[tilespmem:$0x1FED0] =	vst v52;
	v28 =	vsel vm1, $0x44734000, v2;
	v2 =	vsel vm15, $0x447C0000, v32;
	v0 =	vsel vm6, $0x446A4000, v0  }
0x153: {  	[tilespmem:$0x1FEE0] =	vst v54;
	v1 =	vsel vm3, $0x446F0000, v1;
	v4 =	vsel vm2, $0x44738000, v28;
	v0 =	vsel vm5, $0x446A8000, v0  }
0x154: {  	[tilespmem:$0x1FFF0] =	vst v55;
	v2 =	vsel vm14, $0x447C4000, v2;
	v27 =	vsel vm1, $0x446F4000, v1;
	v0 =	vsel vm4, $0x446AC000, v0  }
0x155: {  	[tilespmem:$0x1FEF0] =	vst v43;
	v1 =	vsel vm15, $0x44780000, v31;
	v2 =	vsel vm13, $0x447C8000, v2;
	v0 =	vsel vm3, $0x446B0000, v0  }
0x156: {  	[tilespmem:$0x1FF00] =	vst v44;
	v1 =	vsel vm14, $0x44784000, v1;
	v2 =	vsel vm12, $0x447CC000, v2;
	v0 =	vsel vm1, $0x446B4000, v0  }
0x157: {  	[tilespmem:$0x1FF10] =	vst v42;
	v1 =	vsel vm13, $0x44788000, v1;
	v30 =	vsel vm2, $0x446B8000, v0;
	v0 =	vsel vm2, $0x446F8000, v27  }
0x158: {  	v2 =	vsel vm11, $0x447D0000, v2;
	v1 =	vsel vm12, $0x4478C000, v1;
	[tilespmem:$0x1FE50] =	vst v0;
	v0 =	vsel vm15, $0x44740000, v29  }
0x159: {  	[tilespmem:$0x1FF20] =	vst v41;
	v2 =	vsel vm10, $0x447D4000, v2;
	v1 =	vsel vm11, $0x44790000, v1;
	v0 =	vsel vm14, $0x44744000, v0  }
0x15a: {  	[tilespmem:$0x1FF40] =	vst v38;
	v2 =	vsel vm9, $0x447D8000, v2;
	v1 =	vsel vm10, $0x44794000, v1;
	v0 =	vsel vm13, $0x44748000, v0  }
0x15b: {  	[tilespmem:$0x1FF30] =	vst v39;
	v2 =	vsel vm8, $0x447DC000, v2;
	v1 =	vsel vm9, $0x44798000, v1;
	v0 =	vsel vm12, $0x4474C000, v0  }
0x15c: {  	[tilespmem:$0x1FF70] =	vst v37;
	v2 =	vsel vm7, $0x447E0000, v2;
	v1 =	vsel vm8, $0x4479C000, v1;
	v0 =	vsel vm11, $0x44750000, v0  }
0x15d: {  	[tilespmem:$0x1FF60] =	vst v33;
	v2 =	vsel vm6, $0x447E4000, v2;
	v1 =	vsel vm7, $0x447A0000, v1;
	v0 =	vsel vm10, $0x44754000, v0  }
0x15e: {  	[tilespmem:$0x1FE10] =	vst v17;
	v2 =	vsel vm5, $0x447E8000, v2;
	v1 =	vsel vm6, $0x447A4000, v1;
	v0 =	vsel vm9, $0x44758000, v0  }
0x15f: {  	s10 =	simm.s32 $0x800;
	[tilespmem:$0x1FF90] =	vst v40;
	v2 =	vsel vm4, $0x447EC000, v2;
	v1 =	vsel vm5, $0x447A8000, v1;
	v0 =	vsel vm8, $0x4475C000, v0  }
0x160: {  	s11 =	simm.s32 $0x200;
	s12 =	simm.s32 $0x600;
	[tilespmem:$0x1FE40] =	vst v23;
	v2 =	vsel vm3, $0x447F0000, v2;
	v1 =	vsel vm4, $0x447AC000, v1;
	v0 =	vsel vm7, $0x44760000, v0  }
0x161: {  	s13 =	simm.s32 $0x2;
	s14 =	simm.s32 $0x1000;
	[dreg:$0x5] =	wrdreg s10;
	[tilespmem:$0x1FFB0] =	vst v4;
	v53 =	vsel vm1, $0x447F4000, v2;
	v1 =	vsel vm3, $0x447B0000, v1;
	v0 =	vsel vm6, $0x44764000, v0  }
0x162: {  	s15 =	simm.s32 $0x0;
	s10 =	simm.s32 $0x80;
	[dreg:$0x6] =	wrdreg s11;
	[tilespmem:$0x1FF50] =	vst v36;
	v7 =	vsel vm2, $0x447F8000, v53;
	v34 =	vsel vm1, $0x447B4000, v1;
	v0 =	vsel vm5, $0x44768000, v0  }
0x163: {  	s11 =	simm.s32 $0x400;
	[dreg:$0x7] =	wrdreg s12;
	s7 =	ssub.s32 $0x2, s7;
	[tilespmem:$0x1FFE0] =	vst v7;
	v6 =	vsel vm2, $0x447B8000, v34;
	v0 =	vsel vm4, $0x4476C000, v0  }
0x164: {  	s8 =	sshll.u32 s6, $0x5;
	s6 =	smul.u32 $0x300000, s6;
	s9 =	sshrl.u32 s7, $0x1;
	[tilespmem:$0x1FFD0] =	vst v6;
	v0 =	vsel vm3, $0x44770000, v0  }
0x165: {  	s12 =	simm.s32 $0xA00;
	s5 =	sadd.s32 s8, s5;
	s7 =	ssub.s32 s7, s9;
	[tilespmem:$0x1FF80] =	vst v35;
	v0 =	vsel vm1, $0x44774000, v0  }
0x166: {  	s8 =	simm.s32 $0x3;
	s9 =	simm.s32 $0x1;
	[dreg:$0x4] =	wrdreg s6;
	[tilespmem:$0x1FFA0] =	vst v30;
	v5 =	vsel vm2, $0x44778000, v0  }
0x167: {  	s5 =	sadd.s32 $0x400, s5;
	s6 =	smax.u32 s7, $0x1;
	s7 =	simm.s32 $0x1100;
	[tilespmem:$0x1FFC0] =	vst v5  }
.LBB2_2:
0x168: {  	s16 =	simm.s32 $0x0  }
0x169: {  	[tilespmem:s7], [sflag:$0x3] =	stream.linear.gather [hbm4b:s3+s16], $0x10, $0x38;
	[tilespmem:$0x1110] =	vst v63  }
0x16a: {  	_ =	swait.ge [sflag:s8], $0x10  }
0x16b: {  	[sflag:s8] =	ssyncset.done $0x0  }
0x16c: {  	v0 =	vimm.f32 $1.000000030e+16;
	[sflag:s8] =	ssyncadd.s32 $0xFFFFFFF0  }
0x16d: {  	[tilespmem:$0xC00] =	vst v0  }
0x16e: {  	[tilespmem:$0xC10] =	vst v0  }
0x16f: {  	[tilespmem:$0xC20] =	vst v0  }
0x170: {  	[tilespmem:$0xC30] =	vst v0  }
0x171: {  	[tilespmem:$0xC40] =	vst v0  }
0x172: {  	[tilespmem:$0xC50] =	vst v0  }
0x173: {  	[tilespmem:$0xC60] =	vst v0  }
0x174: {  	[tilespmem:$0xC70] =	vst v0  }
0x175: {  	[tilespmem:$0xC80] =	vst v0  }
0x176: {  	[tilespmem:$0xC90] =	vst v0  }
0x177: {  	[tilespmem:$0xCA0] =	vst v0  }
0x178: {  	[tilespmem:$0xCB0] =	vst v0  }
0x179: {  	[tilespmem:$0xCC0] =	vst v0  }
0x17a: {  	[tilespmem:$0xCD0] =	vst v0  }
0x17b: {  	[tilespmem:$0xCE0] =	vst v0  }
0x17c: {  	[tilespmem:$0xCF0] =	vst v0  }
0x17d: {  	[tilespmem:$0xD00] =	vst v0  }
0x17e: {  	[tilespmem:$0xD10] =	vst v0  }
0x17f: {  	[tilespmem:$0xD20] =	vst v0  }
0x180: {  	[tilespmem:$0xD30] =	vst v0  }
0x181: {  	[tilespmem:$0xD40] =	vst v0  }
0x182: {  	[tilespmem:$0xD50] =	vst v0  }
0x183: {  	[tilespmem:$0xD60] =	vst v0  }
0x184: {  	[tilespmem:$0xD70] =	vst v0  }
0x185: {  	[tilespmem:$0xD80] =	vst v0  }
0x186: {  	[tilespmem:$0xD90] =	vst v0  }
0x187: {  	[tilespmem:$0xDA0] =	vst v0  }
0x188: {  	[tilespmem:$0xDB0] =	vst v0  }
0x189: {  	[tilespmem:$0xDC0] =	vst v0  }
0x18a: {  	[tilespmem:$0xDD0] =	vst v0  }
0x18b: {  	[tilespmem:$0xDE0] =	vst v0  }
0x18c: {  	[tilespmem:$0xDF0] =	vst v0  }
0x18d: {  	v1 =	vld [tilespmem:$0x1100];
	[tilespmem:$0xE00] =	vst v0  }
0x18e: {  	v2 =	vld [tilespmem:$0x1FC70];
	[tilespmem:$0xE10] =	vst v0  }
0x18f: {  	[tilespmem:$0xE20] =	vst v0  }
0x190: {  	[tilespmem:$0xE30] =	vst v0  }
0x191: {  	[tilespmem:$0xE40] =	vst v0  }
0x192: {  	[tilespmem:$0xE50] =	vst v0;
	v1 =	vcvt.s32.f32 v1  }
0x193: {  	[tilespmem:$0xE60] =	vst v0;
	vm0 =	vnez.u8 v2  }
0x194: {  	[tilespmem:$0xE70] =	vst v0;
	v1 =	vnsel vm0, $0x0, v1  }
0x195: {  	[tilespmem:$0xE80] =	vst v0;
	(xrf0) =	vmax.scan.msk.f32 $0xffff, v1  }
0x196: {  	[tilespmem:$0xE90] =	vst v0  }
0x197: {  	[tilespmem:$0xEA0] =	vst v0  }
0x198: {  	[tilespmem:$0xEB0] =	vst v0  }
0x199: {  	[tilespmem:$0xEC0] =	vst v0  }
0x19a: {  	[tilespmem:$0xED0] =	vst v0  }
0x19b: {  	[tilespmem:$0xEE0] =	vst v0;
	v1, _, _ =	vpop (xrf0)  }
0x19c: {  	[tilespmem:$0xEF0] =	vst v0;
	(v2sf) =	vpush v1, $0xF  }
0x19d: {  	[tilespmem:$0xF00] =	vst v0  }
0x19e: {  	[tilespmem:$0xF10] =	vst v0  }
0x19f: {  	[tilespmem:$0xF20] =	vst v0  }
0x1a0: {  	[tilespmem:$0xF30] =	vst v0  }
0x1a1: {  	[tilespmem:$0xF40] =	vst v0  }
0x1a2: {  	[tilespmem:$0xF50] =	vst v0  }
0x1a3: {  	[tilespmem:$0xF60] =	vst v0  }
0x1a4: {  	[tilespmem:$0xF70] =	vst v0  }
0x1a5: {  	[tilespmem:$0xF80] =	vst v0  }
0x1a6: {  	[tilespmem:$0xF90] =	vst v0  }
0x1a7: {  	[tilespmem:$0xFA0] =	vst v0  }
0x1a8: {  	[tilespmem:$0xFB0] =	vst v0  }
0x1a9: {  	[tilespmem:$0xFC0] =	vst v0  }
0x1aa: {  	[tilespmem:$0xFD0] =	vst v0  }
0x1ab: {  	[tilespmem:$0xFE0] =	vst v0;
	s17 =	spop (v2sf)  }
0x1ac: {  	[tilespmem:$0xFF0] =	vst v0;
	s17 =	scvt.f32.s32 s17  }
.LBB2_3:
0x1ad: {  	v0 =	vimm.s32 $0x0;
	s18 =	simm.s32 $0x0  }
.LBB2_4:
0x1ae: {  	_ = 	snop  }
0x1af: {  	s19 =	sand.u32 $0x7, s17  }
0x1b0: {  	s20 =	sshra.s32 s17, $0x1F;
	p0 =	slt.s32 s17, $0x1;
	p1 =	sne.s32 s19, $0x0  }
0x1b1: {  	s24 =	sshrl.u32 s20, $0x1D;
	p0 =	por !p0, !p1  }
0x1b2: {  	s20 =	simm.s32 $0x1;
	s19 =	sadd.s32 s24, s17;
	p0 =	por !p0, !p0  }
0x1b3: {  	s19 =	sshra.s32 s19, $0x3;
	s20 =	simm.s32 @!p0 $0x0  }
0x1b4: {  	s21 =	rddreg [dreg:$0x4];
	s19 =	ssub.s32 s19, s20  }
0x1b5: {  	s22 =	sshll.u32 s17, $0x7;
	s20 =	sshll.u32 s19, $0xD;
	s19 =	sshll.u32 s19, $0xA  }
0x1b6: {  	s20 =	sadd.s32 s21, s20;
	s19 =	ssub.s32 s22, s19  }
0x1b7: {  	s19 =	sadd.s32 s19, s20  }
0x1b8: {  	s20 =	sshrl.u32 s19, $0x3  }
0x1b9: {  	s20 =	sadd.s32 s1, s20  }
0x1ba: {  	[tilespmem:s4], [sflag:$0x1] =	stream.strided.gather [hbm4b:s20+s10], $0x200, s11, s10, $0x38;
	[tilespmem:$0x1110] =	vst v63  }
0x1bb: {  	s19 =	sadd.s32 $0x1000, s19;
	s25 =	sadd.s32 $0x20000, s20  }
0x1bc: {  	[tilespmem:s11], [sflag:$0x1] =	stream.strided.gather [hbm4b:s25+s10], $0x200, s11, s10, $0x38;
	[tilespmem:$0x1110] =	vst v63  }
0x1bd: {  	s26 =	rddreg [dreg:$0x5];
	s19 =	sshrl.u32 s19, $0x3;
	s20 =	sadd.s32 $0x40000, s20  }
0x1be: {  	[tilespmem:s26], [sflag:$0x1] =	stream.strided.gather [hbm4b:s20+s10], $0x200, s11, s10, $0x38;
	[tilespmem:$0x1110] =	vst v63  }
0x1bf: {  	s28 =	rddreg [dreg:$0x6];
	s19 =	sadd.s32 s1, s19  }
0x1c0: {  	[tilespmem:s28], [sflag:$0x2] =	stream.strided.gather [hbm4b:s19+s10], $0x200, s11, s10, $0x38;
	[tilespmem:$0x1110] =	vst v63  }
0x1c1: {  	s29 =	rddreg [dreg:$0x7];
	s30 =	sadd.s32 $0x20000, s19  }
0x1c2: {  	[tilespmem:s29], [sflag:$0x2] =	stream.strided.gather [hbm4b:s30+s10], $0x200, s11, s10, $0x38;
	[tilespmem:$0x1110] =	vst v63  }
0x1c3: {  	[tilespmem:$0x1FC60] =	vst v0;
	s19 =	sadd.s32 $0x40000, s19  }
0x1c4: {  	[tilespmem:s12], [sflag:$0x2] =	stream.strided.gather [hbm4b:s19+s10], $0x200, s11, s10, $0x38;
	[tilespmem:$0x1110] =	vst v63  }
0x1c5: {  	_ =	swait.ge [sflag:s9], $0x600  }
0x1c6: {  	[sflag:s9] =	ssyncset.done $0x0  }
0x1c7: {  	[sflag:s9] =	ssyncadd.s32 $0xFFFFFA00  }
0x1c8: {  	v2 =	vld [tilespmem:$0x0]  }
0x1c9: {  	v3 =	vld [tilespmem:$0x400]  }
0x1ca: {  	v4 =	vld [tilespmem:$0x800]  }
0x1cb: {  	v5 =	vld [tilespmem:$0xC00]  }
0x1cc: {  	v6 =	vld [tilespmem:$0x10]  }
0x1cd: {  	v10 =	vld [tilespmem:$0x410]  }
0x1ce: {  	v11 =	vld [tilespmem:$0x810]  }
0x1cf: {  	v12 =	vld [tilespmem:$0xC10]  }
0x1d0: {  	v13 =	vld [tilespmem:$0x20]  }
0x1d1: {  	v14 =	vld [tilespmem:$0x420]  }
0x1d2: {  	v15 =	vld [tilespmem:$0x820]  }
0x1d3: {  	v16 =	vld [tilespmem:$0xC20]  }
0x1d4: {  	v17 =	vld [tilespmem:$0x30]  }
0x1d5: {  	v19 =	vld [tilespmem:$0x430]  }
0x1d6: {  	v20 =	vld [tilespmem:$0x830]  }
0x1d7: {  	v21 =	vld [tilespmem:$0xC30]  }
0x1d8: {  	v22 =	vld [tilespmem:$0x40]  }
0x1d9: {  	v23 =	vld [tilespmem:$0x440]  }
0x1da: {  	v1 =	vld [tilespmem:$0xCC0]  }
0x1db: {  	v24 =	vld [tilespmem:$0x840]  }
0x1dc: {  	v25 =	vld [tilespmem:$0xC40]  }
0x1dd: {  	v26 =	vld [tilespmem:$0x50]  }
0x1de: {  	v27 =	vld [tilespmem:$0x450]  }
0x1df: {  	[tilespmem:$0x1FB60] =	vst v1;
	v1 =	vld [tilespmem:$0x8D0]  }
0x1e0: {  	v28 =	vld [tilespmem:$0x850]  }
0x1e1: {  	v29 =	vld [tilespmem:$0xC50]  }
0x1e2: {  	v30 =	vld [tilespmem:$0x60]  }
0x1e3: {  	v31 =	vld [tilespmem:$0x460]  }
0x1e4: {  	[tilespmem:$0x1FB40] =	vst v1;
	v1 =	vld [tilespmem:$0xCD0]  }
0x1e5: {  	v32 =	vld [tilespmem:$0x860]  }
0x1e6: {  	v33 =	vld [tilespmem:$0xC60]  }
0x1e7: {  	v34 =	vld [tilespmem:$0x70]  }
0x1e8: {  	v35 =	vld [tilespmem:$0x470]  }
0x1e9: {  	[tilespmem:$0x1FB90] =	vst v1;
	v1 =	vld [tilespmem:$0x8E0]  }
0x1ea: {  	v36 =	vld [tilespmem:$0x870]  }
0x1eb: {  	v37 =	vld [tilespmem:$0xC70]  }
0x1ec: {  	v38 =	vld [tilespmem:$0x80]  }
0x1ed: {  	v39 =	vld [tilespmem:$0x480]  }
0x1ee: {  	[tilespmem:$0x1FB50] =	vst v1;
	v1 =	vld [tilespmem:$0xCE0]  }
0x1ef: {  	v40 =	vld [tilespmem:$0x880]  }
0x1f0: {  	v41 =	vld [tilespmem:$0xC80]  }
0x1f1: {  	v42 =	vld [tilespmem:$0x90]  }
0x1f2: {  	v43 =	vld [tilespmem:$0x490]  }
0x1f3: {  	[tilespmem:$0x1FBA0] =	vst v1;
	v1 =	vld [tilespmem:$0xF0]  }
0x1f4: {  	v44 =	vld [tilespmem:$0x890]  }
0x1f5: {  	v45 =	vld [tilespmem:$0xC90]  }
0x1f6: {  	v46 =	vld [tilespmem:$0xA0]  }
0x1f7: {  	v47 =	vld [tilespmem:$0x4A0]  }
0x1f8: {  	[tilespmem:$0x1FB70] =	vst v1;
	v1 =	vld [tilespmem:$0x4F0]  }
0x1f9: {  	v48 =	vld [tilespmem:$0x8A0]  }
0x1fa: {  	v49 =	vld [tilespmem:$0xCA0];
	v2 =	vmul.f32 v2, v2;
	v3 =	vmul.f32 v3, v3  }
0x1fb: {  	v50 =	vld [tilespmem:$0xB0]  }
0x1fc: {  	v51 =	vld [tilespmem:$0x4B0];
	v2 =	vadd.f32 v3, v2;
	v3 =	vmul.f32 v4, v4  }
0x1fd: {  	v52 =	vld [tilespmem:$0x8B0];
	v6 =	vmul.f32 v6, v6;
	[tilespmem:$0x1FB80] =	vst v1;
	v1 =	vmul.f32 v10, v10  }
0x1fe: {  	v55 =	vld [tilespmem:$0xCB0];
	v17 =	vmul.f32 v17, v17;
	v19 =	vmul.f32 v19, v19;
	v2 =	vadd.f32 v3, v2  }
0x1ff: {  	v4 =	vld [tilespmem:$0xCF0];
	v3 =	vmul.f32 v13, v13;
	v1 =	vadd.f32 v1, v6;
	v6 =	vmul.f32 v14, v14  }
0x200: {  	v0 =	vld [tilespmem:$0xC0];
	v26 =	vmul.f32 v26, v26;
	v27 =	vmul.f32 v27, v27  }
0x201: {  	v13 =	vmin.f32 v2, v5;
	v2 =	vadd.f32 v6, v3;
	v3 =	vmul.f32 v15, v15;
	v15 =	vld [tilespmem:$0xD00]  }
0x202: {  	v7 =	vld [tilespmem:$0x4C0];
	v30 =	vmul.f32 v30, v30;
	v31 =	vmul.f32 v31, v31  }
0x203: {  	v8 =	vld [tilespmem:$0x8C0];
	v32 =	vmul.f32 v32, v32;
	v40 =	vmul.f32 v40, v40  }
0x204: {  	v9 =	vld [tilespmem:$0xD0];
	v48 =	vmul.f32 v48, v48;
	v5 =	vadd.f32 v27, v26;
	[tilespmem:$0x1FBB0] =	vst v4;
	v4 =	vmul.f32 v11, v11  }
0x205: {  	v54 =	vmovc v60;
	v18 =	vld [tilespmem:$0x4D0];
	v6 =	vmul.f32 v23, v23;
	v2 =	vadd.f32 v3, v2;
	v3 =	vmul.f32 v22, v22  }
0x206: {  	v60 =	vld [tilespmem:$0xE0];
	v4 =	vadd.f32 v4, v1;
	[tilespmem:$0x1FBC0] =	vst v15;
	v15 =	vadd.f32 v19, v17;
	v17 =	vmul.f32 v20, v20  }
0x207: {  	v53 =	vld [tilespmem:$0x4E0];
	v3 =	vadd.f32 v6, v3;
	v6 =	vmul.f32 v24, v24;
	v19 =	vmul.f32 v28, v28  }
0x208: {  	v26 =	vld [tilespmem:$0x120];
	v12 =	vmin.f32 v4, v12;
	v27 =	vmin.f32 v2, v16;
	v4 =	vadd.f32 v17, v15  }
0x209: {  	v11 =	vld [tilespmem:$0x100];
	v2 =	vadd.f32 v6, v3;
	v3 =	vadd.f32 v19, v5;
	v19 =	vmul.f32 v36, v36  }
0x20a: {  	v10 =	vld [tilespmem:$0x8F0];
	v36 =	vmul.f32 v38, v38;
	v16 =	vmin.f32 v4, v21;
	v4 =	vadd.f32 v31, v30  }
0x20b: {  	vm14 =	vgt.f32 v13, $-1.000000000e+00;
	v14 =	vld [tilespmem:$0x500];
	v38 =	vmul.f32 v39, v39;
	v39 =	vmul.f32 v43, v43  }
0x20c: {  	v1 =	vld [tilespmem:$0x900];
	v43 =	vmul.f32 v46, v46;
	v17 =	vmin.f32 v3, v29;
	v3 =	vadd.f32 v32, v4  }
0x20d: {  	v23 =	vld [tilespmem:$0x910];
	v5 =	vnsel vm14, $0xBF800000, v13;
	v46 =	vimm.s32 $0x0;
	v4 =	vadd.f32 v38, v36  }
0x20e: {  	v22 =	vld [tilespmem:$0x510];
	vm0 =	vgt.f32 v12, v5;
	v31 =	vmin.f32 v3, v33;
	v3 =	vmul.f32 v42, v42  }
0x20f: {  	v24 =	vld [tilespmem:$0x920];
	v42 =	vmul.f32 v44, v44;
	v44 =	vmul.f32 v47, v47;
	v4 =	vadd.f32 v40, v4  }
0x210: {  	v20 =	vld [tilespmem:$0x110];
	v25 =	vmin.f32 v2, v25;
	v2 =	vmul.f32 v34, v34;
	v6 =	vsel vm0, $0xFFFFFFFF, v46  }
0x211: {  	v28 =	vld [tilespmem:$0xD20];
	v47 =	vadd.f32 v44, v43;
	v4 =	vmin.f32 v4, v41;
	v41 =	vsel vm0, v12, v5  }
0x212: {  	v15 =	vld [tilespmem:$0xD10];
	v44 =	vmul.f32 v51, v51;
	v51 =	vmul.f32 v0, v0;
	vm0 =	vgt.f32 v27, v41  }
0x213: {  	v34 =	vld [tilespmem:$0x550];
	v46 =	vadd.f32 v48, v47;
	v47 =	vimm.s32 $0x0;
	v41 =	vsel vm0, v27, v41  }
0x214: {  	v21 =	vld [tilespmem:$0x520];
	[tilespmem:$0x1FBD0] =	vst v6;
	v0 =	vimm.s32 $0x0;
	v6 =	vsel vm0, $0xFFFFFFFF, v47;
	vm0 =	vgt.f32 v16, v41  }
0x215: {  	v50 =	vmul.f32 v50, v50;
	v29 =	vld [tilespmem:$0x130];
	v0 =	vsel vm0, $0xFFFFFFFF, v0  }
0x216: {  	v35 =	vmul.f32 v35, v35;
	v3 =	vadd.f32 v39, v3;
	[tilespmem:$0x1FBF0] =	vst v0;
	v0 =	vld [tilespmem:$0x1FB40]  }
0x217: {  	v30 =	vld [tilespmem:$0x530];
	v48 =	vadd.f32 v44, v50;
	v50 =	vmul.f32 v52, v52;
	v52 =	vmul.f32 v7, v7  }
0x218: {  	v9 =	vmul.f32 v9, v9;
	v18 =	vmul.f32 v18, v18;
	v2 =	vadd.f32 v35, v2;
	v35 =	vld [tilespmem:$0xD40]  }
0x219: {  	v32 =	vld [tilespmem:$0x140];
	v38 =	vmul.f32 v8, v8;
	v3 =	vadd.f32 v42, v3;
	v42 =	vadd.f32 v52, v51  }
0x21a: {  	v36 =	vld [tilespmem:$0x540]  }
0x21b: {  	v38 =	vadd.f32 v38, v42;
	v42 =	vadd.f32 v18, v9;
	v9 =	vmul.f32 v0, v0;
	v0 =	vld [tilespmem:$0x1FB50]  }
0x21c: {  	v8 =	vmul.f32 v53, v53;
	v53 =	vld [tilespmem:$0x1FB90]  }
0x21d: {  	v2 =	vadd.f32 v19, v2;
	v19 =	vld [tilespmem:$0xD30]  }
0x21e: {  	v33 =	vld [tilespmem:$0x930]  }
0x21f: {  	v11 =	vmul.f32 v11, v11;
	v40 =	vld [tilespmem:$0x150]  }
0x220: {  	v14 =	vmul.f32 v14, v14;
	v18 =	vmul.f32 v0, v0;
	v0 =	vld [tilespmem:$0x1FB60]  }
0x221: {  	v2 =	vmin.f32 v2, v37;
	v37 =	vld [tilespmem:$0x940]  }
0x222: {  	v11 =	vadd.f32 v14, v11;
	v14 =	vmul.f32 v29, v29;
	v29 =	vld [tilespmem:$0xDA0]  }
0x223: {  	v39 =	vld [tilespmem:$0x950];
	v7 =	vmul.f32 v60, v60  }
0x224: {  	v43 =	vld [tilespmem:$0xD60]  }
0x225: {  	[tilespmem:$0x1FBE0] =	vst v6;
	v6 =	vadd.f32 v50, v48;
	v48 =	vadd.f32 v8, v7;
	v7 =	vmin.f32 v38, v0;
	v0 =	vld [tilespmem:$0x1FB70]  }
0x226: {  	v44 =	vld [tilespmem:$0xD50]  }
0x227: {  	[tilespmem:$0xC20] =	vst v27;
	v27 =	vld [tilespmem:$0x5A0]  }
0x228: {  	v47 =	vld [tilespmem:$0x560]  }
0x229: {  	v3 =	vmin.f32 v3, v45;
	v45 =	vld [tilespmem:$0x160]  }
0x22a: {  	v60 =	vmul.f32 v0, v0;
	v0 =	vld [tilespmem:$0x1FB80]  }
0x22b: {  	v50 =	vld [tilespmem:$0x960]  }
0x22c: {  	v51 =	vld [tilespmem:$0x170];
	v41 =	vsel vm0, v16, v41  }
0x22d: {  	v5 =	vmin.f32 v46, v49;
	v52 =	vld [tilespmem:$0x570];
	vm0 =	vgt.f32 v25, v41;
	v6 =	vmin.f32 v6, v55  }
0x22e: {  	v55 =	vld [tilespmem:$0x1FC80];
	v42 =	vadd.f32 v9, v42;
	v46 =	vadd.f32 v18, v48;
	v18 =	vimm.s32 $0x0  }
0x22f: {  	v48 =	vld [tilespmem:$0x970];
	v8 =	vsel vm0, $0xFFFFFFFF, v18;
	v0 =	vmul.f32 v0, v0  }
0x230: {  	[tilespmem:$0x1FC00] =	vst v8;
	v8 =	vmin.f32 v42, v53;
	v53 =	vld [tilespmem:$0x1FBB0]  }
0x231: {  	v49 =	vmul.f32 v10, v10;
	v42 =	vld [tilespmem:$0x180];
	v0 =	vadd.f32 v0, v60  }
0x232: {  	v1 =	vmul.f32 v1, v1;
	v41 =	vsel vm0, v25, v41;
	v60 =	vld [tilespmem:$0x1FBA0]  }
0x233: {  	vm0 =	vgt.f32 v17, v41;
	v38 =	vld [tilespmem:$0xD70];
	v0 =	vadd.f32 v49, v0;
	v49 =	vimm.s32 $0x0  }
0x234: {  	v1 =	vadd.f32 v1, v11;
	v10 =	vsel vm0, $0xFFFFFFFF, v49;
	v49 =	vld [tilespmem:$0x980]  }
0x235: {  	v11 =	vmul.f32 v26, v26;
	[tilespmem:$0x1FC10] =	vst v10;
	v10 =	vmin.f32 v0, v53;
	v0 =	vmul.f32 v20, v20;
	v20 =	vld [tilespmem:$0xD80]  }
0x236: {  	v26 =	vimm.s32 $0x0;
	v24 =	vmul.f32 v24, v24;
	v53 =	vmul.f32 v21, v21;
	v21 =	vld [tilespmem:$0x190]  }
0x237: {  	v9 =	vmin.f32 v46, v60;
	v46 =	vld [tilespmem:$0x580];
	v60 =	vmul.f32 v22, v22;
	v22 =	vsel vm0, v17, v41  }
0x238: {  	v32 =	vmul.f32 v32, v32;
	vm0 =	vgt.f32 v31, v22;
	v41 =	vadd.f32 v53, v11;
	v53 =	vld [tilespmem:$0x1FBC0]  }
0x239: {  	[tilespmem:$0xC00] =	vst v13;
	v0 =	vadd.f32 v60, v0;
	v60 =	vmul.f32 v23, v23;
	v23 =	vld [tilespmem:$0x590];
	v13 =	vsel vm0, $0xFFFFFFFF, v26  }
0x23a: {  	v39 =	vmul.f32 v39, v39;
	v26 =	vld [tilespmem:$0x990];
	v18 =	vsel vm0, v31, v22;
	[tilespmem:$0x1FC20] =	vst v13;
	v13 =	vadd.f32 v24, v41  }
0x23b: {  	[tilespmem:$0xC60] =	vst v31;
	v31 =	vld [tilespmem:$0x1B0];
	v41 =	vmul.f32 v36, v36;
	v36 =	vmul.f32 v47, v47;
	v0 =	vadd.f32 v60, v0  }
0x23c: {  	[tilespmem:$0xC10] =	vst v12;
	v22 =	vld [tilespmem:$0x5B0];
	v60 =	vmul.f32 v30, v30;
	v21 =	vmul.f32 v21, v21  }
0x23d: {  	[tilespmem:$0xC40] =	vst v25;
	v24 =	vld [tilespmem:$0x1A0];
	v11 =	vmin.f32 v1, v53;
	v12 =	vmin.f32 v0, v15;
	v0 =	vmul.f32 v33, v33  }
0x23e: {  	[tilespmem:$0xC30] =	vst v16;
	v30 =	vld [tilespmem:$0x1D0];
	v53 =	vmul.f32 v37, v37;
	v14 =	vadd.f32 v60, v14;
	v60 =	vmul.f32 v40, v40  }
0x23f: {  	[tilespmem:$0xC50] =	vst v17;
	v13 =	vmin.f32 v13, v28;
	v28 =	vld [tilespmem:$0x9A0];
	v33 =	vmul.f32 v34, v34;
	v34 =	vmul.f32 v45, v45  }
0x240: {  	[tilespmem:$0xC70] =	vst v2;
	v1 =	vld [tilespmem:$0xD90];
	v15 =	vadd.f32 v41, v32;
	v40 =	vmul.f32 v50, v50;
	v41 =	vmul.f32 v51, v51  }
0x241: {  	[tilespmem:$0xC80] =	vst v4;
	v32 =	vld [tilespmem:$0x9B0];
	v23 =	vmul.f32 v23, v23;
	v31 =	vmul.f32 v31, v31  }
0x242: {  	[tilespmem:$0xC90] =	vst v3;
	v22 =	vmul.f32 v22, v22;
	v0 =	vadd.f32 v0, v14;
	v25 =	vadd.f32 v36, v34;
	v36 =	vld [tilespmem:$0xDB0]  }
0x243: {  	[tilespmem:$0xCA0] =	vst v5;
	v26 =	vmul.f32 v26, v26;
	v37 =	vadd.f32 v33, v60;
	v15 =	vadd.f32 v53, v15;
	v34 =	vld [tilespmem:$0x1E0]  }
0x244: {  	[tilespmem:$0xCB0] =	vst v6;
	v60 =	vmul.f32 v52, v52;
	v21 =	vadd.f32 v23, v21;
	v22 =	vadd.f32 v22, v31;
	v31 =	vld [tilespmem:$0x1F0]  }
0x245: {  	[tilespmem:$0xCD0] =	vst v8;
	v14 =	vadd.f32 v39, v37;
	v17 =	vmin.f32 v0, v19;
	v16 =	vmin.f32 v15, v35;
	v19 =	vld [tilespmem:$0x1C0]  }
0x246: {  	[tilespmem:$0xCC0] =	vst v7;
	v0 =	vadd.f32 v40, v25;
	v37 =	vadd.f32 v60, v41;
	v39 =	vmul.f32 v48, v48;
	v40 =	vld [tilespmem:$0x5C0]  }
0x247: {  	[tilespmem:$0xCF0] =	vst v10;
	v41 =	vmul.f32 v46, v46;
	v35 =	vld [tilespmem:$0x9C0];
	v53 =	vmul.f32 v28, v28;
	v21 =	vadd.f32 v26, v21  }
0x248: {  	[tilespmem:$0xCE0] =	vst v9;
	v26 =	vld [tilespmem:$0x5E0];
	v60 =	vmul.f32 v32, v32;
	v15 =	vmin.f32 v14, v44;
	v14 =	vmin.f32 v0, v43  }
0x249: {  	[tilespmem:$0xD20] =	vst v13;
	v0 =	vmul.f32 v42, v42;
	v25 =	vadd.f32 v39, v37;
	v42 =	vmul.f32 v49, v49;
	v37 =	vld [tilespmem:$0x5D0]  }
0x24a: {  	[tilespmem:$0xD00] =	vst v11;
	v43 =	vmul.f32 v24, v24;
	v44 =	vmul.f32 v27, v27;
	v27 =	vld [tilespmem:$0x9D0];
	v1 =	vmin.f32 v21, v1  }
0x24b: {  	[tilespmem:$0xD10] =	vst v12;
	v39 =	vld [tilespmem:$0x5F0];
	v22 =	vadd.f32 v60, v22;
	v34 =	vmul.f32 v34, v34;
	v0 =	vadd.f32 v41, v0  }
0x24c: {  	v47 =	vld [tilespmem:$0x1FE80];
	[tilespmem:$0xD30] =	vst v17;
	v23 =	vadd.f32 v44, v43;
	v43 =	vmul.f32 v30, v30;
	v31 =	vmul.f32 v31, v31  }
0x24d: {  	[tilespmem:$0xD40] =	vst v16;
	v25 =	vmin.f32 v25, v38;
	v41 =	vld [tilespmem:$0x9E0];
	v19 =	vmul.f32 v19, v19;
	v40 =	vmul.f32 v40, v40  }
0x24e: {  	[tilespmem:$0xD50] =	vst v15;
	v44 =	vld [tilespmem:$0x9F0];
	v22 =	vmin.f32 v22, v36;
	v0 =	vadd.f32 v42, v0;
	v42 =	vmul.f32 v35, v35  }
0x24f: {  	[tilespmem:$0xD60] =	vst v14;
	v38 =	vadd.f32 v53, v23;
	v53 =	vld [tilespmem:$0xDC0];
	v26 =	vmul.f32 v26, v26;
	v60 =	vmul.f32 v37, v37  }
0x250: {  	[tilespmem:$0xD90] =	vst v1;
	v36 =	vld [tilespmem:$0xDD0];
	v27 =	vmul.f32 v27, v27;
	v19 =	vadd.f32 v40, v19;
	v21 =	vmul.f32 v39, v39  }
0x251: {  	[tilespmem:$0xD70] =	vst v25;
	v37 =	vld [tilespmem:$0xDE0];
	v0 =	vmin.f32 v0, v20;
	v20 =	vmin.f32 v38, v29;
	v29 =	vadd.f32 v60, v43  }
0x252: {  	[tilespmem:$0xDB0] =	vst v22;
	v26 =	vadd.f32 v26, v34;
	v38 =	vld [tilespmem:$0xDF0];
	v19 =	vadd.f32 v42, v19;
	v24 =	vmul.f32 v41, v41  }
0x253: {  	v45 =	vld [tilespmem:$0x1FE60];
	[tilespmem:$0xD80] =	vst v0;
	v21 =	vadd.f32 v21, v31;
	v39 =	vmul.f32 v44, v44;
	v27 =	vadd.f32 v27, v29  }
0x254: {  	vm13 =	vgt.f32 v2, v18;
	v50 =	vld [tilespmem:$0x1FEB0];
	[tilespmem:$0xDA0] =	vst v20;
	v19 =	vmin.f32 v19, v53;
	v24 =	vadd.f32 v24, v26  }
0x255: {  	v2 =	vsel vm13, v2, v18;
	v51 =	vld [tilespmem:$0x1FEC0];
	v21 =	vadd.f32 v39, v21;
	[tilespmem:$0xDC0] =	vst v19;
	v18 =	vmin.f32 v27, v36  }
0x256: {  	vm10 =	vgt.f32 v4, v2;
	v52 =	vld [tilespmem:$0x1FED0];
	v23 =	vmin.f32 v24, v37;
	[tilespmem:$0xDD0] =	vst v18  }
0x257: {  	v2 =	vsel vm10, v4, v2;
	v48 =	vld [tilespmem:$0x1FE90];
	v4 =	vmin.f32 v21, v38;
	[tilespmem:$0xDE0] =	vst v23  }
0x258: {  	v46 =	vld [tilespmem:$0x1FE70];
	[tilespmem:$0xDF0] =	vst v4  }
0x259: {  	vm12 =	vgt.f32 v3, v2;
	v49 =	vld [tilespmem:$0x1FEA0];
	_ =	swait.ge [sflag:s13], $0x600  }
0x25a: {  	v2 =	vsel vm12, v3, v2;
	v42 =	vld [tilespmem:$0x1FBD0]  }
0x25b: {  	vm7 =	vgt.f32 v5, v2;
	[sflag:s13] =	ssyncset.done $0x0;
	v43 =	vld [tilespmem:$0x1FBE0]  }
0x25c: {  	v2 =	vsel vm7, v5, v2;
	v40 =	vnsel vm14, $0x0, v45;
	v45 =	vld [tilespmem:$0x1FBF0];
	[sflag:s13] =	ssyncadd.s32 $0xFFFFFA00  }
0x25d: {  	vm11 =	vgt.f32 v6, v2;
	v3 =	vld [tilespmem:$0x200]  }
0x25e: {  	v2 =	vsel vm11, v6, v2;
	v5 =	vld [tilespmem:$0x600]  }
0x25f: {  	vm6 =	vgt.f32 v7, v2;
	v6 =	vld [tilespmem:$0xA00]  }
0x260: {  	v2 =	vsel vm6, v7, v2;
	v7 =	vld [tilespmem:$0xE00]  }
0x261: {  	vm5 =	vgt.f32 v8, v2;
	v21 =	vld [tilespmem:$0x210]  }
0x262: {  	v2 =	vsel vm5, v8, v2;
	v8 =	vld [tilespmem:$0x610]  }
0x263: {  	vm4 =	vgt.f32 v9, v2;
	v24 =	vld [tilespmem:$0xA10]  }
0x264: {  	v2 =	vsel vm4, v9, v2;
	v9 =	vld [tilespmem:$0xE10]  }
0x265: {  	vm3 =	vgt.f32 v10, v2;
	v26 =	vld [tilespmem:$0x220]  }
0x266: {  	v2 =	vsel vm3, v10, v2;
	v10 =	vld [tilespmem:$0x620]  }
0x267: {  	vm1 =	vgt.f32 v11, v2;
	v27 =	vld [tilespmem:$0xA20]  }
0x268: {  	v2 =	vsel vm1, v11, v2;
	v11 =	vld [tilespmem:$0xE20]  }
0x269: {  	vm2 =	vgt.f32 v12, v2;
	v28 =	vld [tilespmem:$0x230]  }
0x26a: {  	v2 =	vsel vm2, v12, v2;
	v12 =	vld [tilespmem:$0x630]  }
0x26b: {  	vm8 =	vgt.f32 v13, v2;
	v29 =	vld [tilespmem:$0xA30]  }
0x26c: {  	v2 =	vsel vm8, v13, v2;
	v13 =	vld [tilespmem:$0xE30]  }
0x26d: {  	vm9 =	vgt.f32 v17, v2;
	v30 =	vld [tilespmem:$0x240]  }
0x26e: {  	v2 =	vsel vm9, v17, v2;
	v17 =	vld [tilespmem:$0x640]  }
0x26f: {  	v31 =	vld [tilespmem:$0xA40]  }
0x270: {  	v33 =	vld [tilespmem:$0x250]  }
0x271: {  	v37 =	vld [tilespmem:$0xE60]  }
0x272: {  	v38 =	vld [tilespmem:$0xA70]  }
0x273: {  	v39 =	vld [tilespmem:$0x280];
	vm15 =	vgt.f32 v16, v2  }
0x274: {  	v2 =	vsel vm15, v16, v2;
	v16 =	vld [tilespmem:$0xE40]  }
0x275: {  	vm0 =	vgt.f32 v15, v2;
	vm14 =	vnez.u8 v42;
	v42 =	vld [tilespmem:$0xA90]  }
0x276: {  	v2 =	vsel vm0, v15, v2;
	v15 =	vld [tilespmem:$0x650]  }
0x277: {  	v32 =	vsel vm14, v46, v40;
	v46 =	vld [tilespmem:$0x1FC00]  }
0x278: {  	v41 =	vimm.s32 $0x0;
	v40 =	vld [tilespmem:$0xA80]  }
0x279: {  	v34 =	vsel vm0, $0xFFFFFFFF, v41;
	v41 =	vld [tilespmem:$0x290]  }
0x27a: {  	vm0 =	vnez.u8 v43;
	v43 =	vld [tilespmem:$0x2A0]  }
0x27b: {  	vm14 =	vnez.u8 v45;
	[tilespmem:$0x1FC30] =	vst v34;
	v34 =	vld [tilespmem:$0xA50]  }
0x27c: {  	v32 =	vsel vm0, v47, v32;
	vm0 =	vgt.f32 v14, v2;
	v45 =	vmul.f32 v17, v17;
	v17 =	vld [tilespmem:$0x2C0]  }
0x27d: {  	v2 =	vsel vm0, v14, v2;
	v14 =	vld [tilespmem:$0xE50]  }
0x27e: {  	v44 =	vimm.s32 $0x0;
	v32 =	vsel vm14, v48, v32;
	v48 =	vld [tilespmem:$0x1FC10]  }
0x27f: {  	v21 =	vmul.f32 v21, v21;
	v8 =	vmul.f32 v8, v8;
	v35 =	vsel vm0, $0xFFFFFFFF, v44;
	v44 =	vld [tilespmem:$0xEA0]  }
0x280: {  	[tilespmem:$0x1FC40] =	vst v35;
	v35 =	vld [tilespmem:$0x260]  }
0x281: {  	v53 =	vadd.f32 v8, v21;
	v21 =	vld [tilespmem:$0x6A0]  }
0x282: {  	vm0 =	vnez.u8 v46;
	v46 =	vld [tilespmem:$0x1FCB0]  }
0x283: {  	v32 =	vsel vm0, v49, v32;
	vm0 =	vgt.f32 v25, v2;
	v49 =	vld [tilespmem:$0x1FC20]  }
0x284: {  	v47 =	vimm.s32 $0x0;
	v2 =	vsel vm0, v25, v2;
	v25 =	vld [tilespmem:$0x660]  }
0x285: {  	v36 =	vsel vm0, $0xFFFFFFFF, v47;
	v47 =	vld [tilespmem:$0x1FC90]  }
0x286: {  	vm14 =	vnez.u8 v48;
	[tilespmem:$0x1FC50] =	vst v36;
	v36 =	vld [tilespmem:$0xA60]  }
0x287: {  	v32 =	vsel vm14, v50, v32;
	vm14 =	vgt.f32 v0, v2;
	v50 =	vld [tilespmem:$0x1FEE0]  }
0x288: {  	v0 =	vsel vm14, v0, v2;
	vm0 =	vnez.u8 v49;
	v49 =	vmul.f32 v27, v27;
	v27 =	vld [tilespmem:$0x2B0]  }
0x289: {  	v3 =	vmul.f32 v3, v3;
	v32 =	vsel vm0, v51, v32;
	vm0 =	vgt.f32 v1, v0;
	v51 =	vld [tilespmem:$0x1FFF0]  }
0x28a: {  	v5 =	vmul.f32 v5, v5;
	v32 =	vsel vm13, v52, v32;
	v0 =	vsel vm0, v1, v0;
	v1 =	vld [tilespmem:$0x670]  }
0x28b: {  	v10 =	vmul.f32 v10, v10;
	v2 =	vsel vm10, v55, v32;
	v32 =	vld [tilespmem:$0x270];
	vm10 =	vgt.f32 v20, v0  }
0x28c: {  	v3 =	vadd.f32 v5, v3;
	v52 =	vmul.f32 v6, v6;
	v0 =	vsel vm10, v20, v0;
	v20 =	vld [tilespmem:$0xE70]  }
0x28d: {  	v60 =	vmovc v54;
	v55 =	vmul.f32 v26, v26;
	v2 =	vsel vm12, v54, v2;
	v54 =	vmul.f32 v24, v24;
	v24 =	vld [tilespmem:$0xAA0]  }
0x28e: {  	v3 =	vadd.f32 v52, v3;
	v52 =	vld [tilespmem:$0x1FCA0]  }
0x28f: {  	v5 =	vadd.f32 v10, v55;
	v55 =	vmul.f32 v30, v30;
	v30 =	vld [tilespmem:$0xAC0];
	v2 =	vsel vm7, v51, v2  }
0x290: {  	v48 =	vadd.f32 v54, v53;
	v51 =	vmul.f32 v12, v12;
	v12 =	vld [tilespmem:$0x6B0];
	v54 =	vmul.f32 v29, v29  }
0x291: {  	v29 =	vld [tilespmem:$0x6C0];
	v2 =	vsel vm11, v56, v2;
	vm11 =	vgt.f32 v22, v0;
	v5 =	vadd.f32 v49, v5  }
0x292: {  	v49 =	vmul.f32 v31, v31;
	v31 =	vld [tilespmem:$0x2D0];
	v2 =	vsel vm6, v57, v2;
	v0 =	vsel vm11, v22, v0  }
0x293: {  	v22 =	vld [tilespmem:$0x680];
	v2 =	vsel vm5, v58, v2;
	vm12 =	vgt.f32 v19, v0  }
0x294: {  	v2 =	vsel vm4, v59, v2;
	v0 =	vsel vm12, v19, v0;
	v19 =	vld [tilespmem:$0xE80]  }
0x295: {  	v2 =	vsel vm3, v50, v2;
	vm3 =	vgt.f32 v18, v0;
	v50 =	vmul.f32 v28, v28;
	v28 =	vld [tilespmem:$0xEB0]  }
0x296: {  	v0 =	vsel vm3, v18, v0;
	v18 =	vld [tilespmem:$0x690]  }
0x297: {  	v2 =	vsel vm1, v61, v2;
	v53 =	vadd.f32 v51, v50;
	v51 =	vmul.f32 v15, v15;
	v15 =	vld [tilespmem:$0xEC0]  }
0x298: {  	v2 =	vsel vm2, v62, v2;
	vm1 =	vgt.f32 v23, v0;
	v50 =	vmul.f32 v33, v33;
	v33 =	vld [tilespmem:$0x6D0]  }
0x299: {  	v0 =	vsel vm1, v23, v0;
	v23 =	vld [tilespmem:$0xE90];
	v2 =	vsel vm8, v63, v2  }
0x29a: {  	v26 =	vsel vm9, v47, v2;
	v47 =	vld [tilespmem:$0x1FC30]  }
0x29b: {  	v2 =	vmin.f32 v3, v7;
	v6 =	vadd.f32 v54, v53;
	v53 =	vld [tilespmem:$0x1FC40]  }
0x29c: {  	v3 =	vmin.f32 v48, v9;
	v48 =	vadd.f32 v45, v55;
	v45 =	vmul.f32 v25, v25;
	v25 =	vld [tilespmem:$0xED0]  }
0x29d: {  	v55 =	vmul.f32 v34, v34;
	v34 =	vld [tilespmem:$0x2E0]  }
0x29e: {  	v54 =	vadd.f32 v51, v50;
	v50 =	vmul.f32 v32, v32;
	v32 =	vld [tilespmem:$0x6E0]  }
0x29f: {  	v51 =	vld [tilespmem:$0x1FCE0]  }
0x2a0: {  	v35 =	vmul.f32 v35, v35;
	v8 =	vsel vm15, v52, v26;
	v26 =	vld [tilespmem:$0xAB0]  }
0x2a1: {  	v52 =	vld [tilespmem:$0x1FCC0]  }
0x2a2: {  	v7 =	vadd.f32 v49, v48;
	v48 =	vadd.f32 v45, v35;
	v35 =	vld [tilespmem:$0xAE0]  }
0x2a3: {  	v49 =	vmul.f32 v36, v36;
	v36 =	vld [tilespmem:$0xEE0]  }
0x2a4: {  	v9 =	vadd.f32 v55, v54;
	v55 =	vmul.f32 v22, v22;
	v22 =	vld [tilespmem:$0x2F0]  }
0x2a5: {  	v1 =	vmul.f32 v1, v1;
	v54 =	vmul.f32 v39, v39;
	v39 =	vld [tilespmem:$0x1FCF0]  }
0x2a6: {  	vm2 =	vgt.f32 v4, v0;
	v45 =	vld [tilespmem:$0x1FD00]  }
0x2a7: {  	v0 =	vsel vm2, v4, v0;
	v1 =	vadd.f32 v1, v50;
	v50 =	vmul.f32 v24, v24;
	v24 =	vld [tilespmem:$0x310]  }
0x2a8: {  	v4 =	vmin.f32 v5, v11;
	v5 =	vmin.f32 v6, v13;
	v6 =	vmin.f32 v7, v16;
	v16 =	vld [tilespmem:$0xAD0]  }
0x2a9: {  	v10 =	vadd.f32 v55, v54;
	v54 =	vmul.f32 v29, v29;
	v29 =	vld [tilespmem:$0x320]  }
0x2aa: {  	vm8 =	vnez.u8 v47;
	v47 =	vld [tilespmem:$0x1FC50]  }
0x2ab: {  	v40 =	vmul.f32 v40, v40;
	vm9 =	vnez.u8 v53;
	v53 =	vmul.f32 v38, v38;
	v38 =	vld [tilespmem:$0xAF0]  }
0x2ac: {  	v8 =	vsel vm8, v46, v8;
	v46 =	vld [tilespmem:$0x1FCD0]  }
0x2ad: {  	v10 =	vadd.f32 v40, v10;
	v40 =	vld [tilespmem:$0xF00]  }
0x2ae: {  	v8 =	vsel vm9, v52, v8;
	v52 =	vadd.f32 v49, v48;
	v48 =	vld [tilespmem:$0x1FEF0]  }
0x2af: {  	v1 =	vadd.f32 v53, v1;
	v49 =	vmul.f32 v21, v21;
	v21 =	vld [tilespmem:$0xB00]  }
0x2b0: {  	v7 =	vmin.f32 v9, v14;
	v10 =	vmin.f32 v10, v19;
	v19 =	vld [tilespmem:$0xB10]  }
0x2b1: {  	v9 =	vmin.f32 v1, v20;
	v1 =	vmul.f32 v41, v41;
	v41 =	vmul.f32 v18, v18;
	v18 =	vld [tilespmem:$0xEF0]  }
0x2b2: {  	v20 =	vld [tilespmem:$0x300]  }
0x2b3: {  	vm13 =	vnez.u8 v47;
	v1 =	vadd.f32 v41, v1;
	v41 =	vld [tilespmem:$0x330]  }
0x2b4: {  	v8 =	vsel vm13, v46, v8;
	v46 =	vmul.f32 v42, v42;
	v42 =	vld [tilespmem:$0x1FD50]  }
0x2b5: {  	v13 =	vsel vm14, v51, v8;
	v8 =	vmin.f32 v52, v37;
	v37 =	vld [tilespmem:$0x6F0]  }
0x2b6: {  	v47 =	vmul.f32 v43, v43;
	v51 =	vld [tilespmem:$0x1FD10]  }
0x2b7: {  	v52 =	vld [tilespmem:$0x1FF00]  }
0x2b8: {  	v14 =	vadd.f32 v49, v47;
	v49 =	vld [tilespmem:$0x1FD30]  }
0x2b9: {  	v47 =	vmul.f32 v34, v34;
	v34 =	vld [tilespmem:$0xF30]  }
0x2ba: {  	v13 =	vsel vm0, v39, v13;
	v39 =	vld [tilespmem:$0x700];
	v1 =	vadd.f32 v46, v1  }
0x2bb: {  	v46 =	vld [tilespmem:$0x1FD20]  }
0x2bc: {  	v12 =	vmul.f32 v12, v12;
	v11 =	vmin.f32 v1, v23;
	v23 =	vld [tilespmem:$0x710]  }
0x2bd: {  	v13 =	vsel vm10, v45, v13;
	v14 =	vadd.f32 v50, v14;
	v1 =	vmul.f32 v27, v27;
	v27 =	vld [tilespmem:$0xF10]  }
0x2be: {  	v53 =	vmul.f32 v17, v17;
	v13 =	vsel vm11, v48, v13;
	v48 =	vmul.f32 v32, v32;
	v32 =	vld [tilespmem:$0xB30]  }
0x2bf: {  	v1 =	vadd.f32 v12, v1;
	v12 =	vmin.f32 v14, v44;
	v44 =	vmul.f32 v30, v30;
	v30 =	vld [tilespmem:$0xB20]  }
0x2c0: {  	v13 =	vsel vm12, v51, v13;
	v51 =	vmul.f32 v35, v35;
	v35 =	vld [tilespmem:$0x340]  }
0x2c1: {  	v14 =	vadd.f32 v54, v53;
	v53 =	vld [tilespmem:$0x1FD40]  }
0x2c2: {  	v54 =	vmul.f32 v38, v38;
	v38 =	vld [tilespmem:$0x350]  }
0x2c3: {  	v26 =	vmul.f32 v26, v26;
	v50 =	vadd.f32 v48, v47;
	v47 =	vld [tilespmem:$0x1FD70]  }
0x2c4: {  	vm4 =	vgt.f32 v2, v0;
	v55 =	vsel vm3, v52, v13;
	v52 =	vmul.f32 v37, v37;
	v37 =	vld [tilespmem:$0xB40]  }
0x2c5: {  	v0 =	vsel vm4, v2, v0;
	v1 =	vadd.f32 v26, v1;
	v26 =	vld [tilespmem:$0x720]  }
0x2c6: {  	v45 =	vmul.f32 v33, v33;
	v33 =	vsel vm1, v46, v55;
	v55 =	vmul.f32 v39, v39;
	v39 =	vld [tilespmem:$0x750]  }
0x2c7: {  	vm5 =	vgt.f32 v3, v0;
	v14 =	vadd.f32 v44, v14;
	v44 =	vld [tilespmem:$0x1FD60]  }
0x2c8: {  	v0 =	vsel vm5, v3, v0;
	v43 =	vmul.f32 v23, v23;
	v23 =	vld [tilespmem:$0xF50]  }
0x2c9: {  	vm6 =	vgt.f32 v4, v0;
	v13 =	vmin.f32 v1, v28;
	v1 =	vmul.f32 v31, v31;
	v31 =	vld [tilespmem:$0xF20]  }
0x2ca: {  	v0 =	vsel vm6, v4, v0;
	v28 =	vld [tilespmem:$0x730]  }
0x2cb: {  	vm7 =	vgt.f32 v5, v0;
	v33 =	vsel vm2, v49, v33;
	v48 =	vmul.f32 v30, v30;
	v30 =	vld [tilespmem:$0x370]  }
0x2cc: {  	v0 =	vsel vm7, v5, v0;
	v16 =	vmul.f32 v16, v16;
	v33 =	vsel vm4, v53, v33;
	v53 =	vld [tilespmem:$0x1FD90]  }
0x2cd: {  	vm8 =	vgt.f32 v6, v0;
	v20 =	vmul.f32 v20, v20;
	v33 =	vsel vm5, v42, v33;
	v42 =	vld [tilespmem:$0x760]  }
0x2ce: {  	v0 =	vsel vm8, v6, v0;
	v1 =	vadd.f32 v45, v1;
	v45 =	vmul.f32 v29, v29;
	v29 =	vld [tilespmem:$0xF60]  }
0x2cf: {  	vm9 =	vgt.f32 v7, v0;
	v20 =	vadd.f32 v55, v20;
	v55 =	vmul.f32 v37, v37;
	v37 =	vld [tilespmem:$0xB80]  }
0x2d0: {  	v0 =	vsel vm9, v7, v0;
	v46 =	vmul.f32 v26, v26;
	v26 =	vld [tilespmem:$0xB60]  }
0x2d1: {  	vm10 =	vgt.f32 v8, v0;
	v1 =	vadd.f32 v16, v1;
	v16 =	vadd.f32 v51, v50;
	v50 =	vld [tilespmem:$0x1FD80]  }
0x2d2: {  	v0 =	vsel vm10, v8, v0;
	v14 =	vmin.f32 v14, v15;
	v51 =	vmul.f32 v32, v32;
	v32 =	vld [tilespmem:$0x380]  }
0x2d3: {  	v49 =	vmul.f32 v28, v28;
	v28 =	vld [tilespmem:$0x770];
	v15 =	vmin.f32 v1, v25;
	v1 =	vmul.f32 v22, v22  }
0x2d4: {  	vm11 =	vgt.f32 v9, v0;
	v25 =	vld [tilespmem:$0x740]  }
0x2d5: {  	v0 =	vsel vm11, v9, v0;
	v22 =	vld [tilespmem:$0xF40];
	v1 =	vadd.f32 v52, v1  }
0x2d6: {  	v21 =	vmul.f32 v21, v21;
	vm12 =	vgt.f32 v10, v0;
	v16 =	vmin.f32 v16, v36;
	v36 =	vld [tilespmem:$0xB50]  }
0x2d7: {  	v0 =	vsel vm12, v10, v0;
	v52 =	vmul.f32 v35, v35;
	v35 =	vld [tilespmem:$0x3B0];
	v1 =	vadd.f32 v54, v1  }
0x2d8: {  	vm13 =	vgt.f32 v11, v0;
	v20 =	vadd.f32 v21, v20;
	v54 =	vld [tilespmem:$0x780]  }
0x2d9: {  	v17 =	vmin.f32 v1, v18;
	v1 =	vmul.f32 v24, v24;
	v24 =	vsel vm6, v44, v33;
	v33 =	vld [tilespmem:$0x360]  }
0x2da: {  	v0 =	vsel vm13, v11, v0;
	v18 =	vmin.f32 v20, v40;
	v40 =	vld [tilespmem:$0xB70]  }
0x2db: {  	vm14 =	vgt.f32 v12, v0;
	v25 =	vmul.f32 v25, v25;
	v20 =	vadd.f32 v46, v45;
	v44 =	vld [tilespmem:$0x1FDA0]  }
0x2dc: {  	v0 =	vsel vm14, v12, v0;
	v45 =	vmul.f32 v36, v36;
	v36 =	vld [tilespmem:$0x790]  }
0x2dd: {  	v24 =	vsel vm7, v47, v24;
	v25 =	vadd.f32 v25, v52;
	v20 =	vadd.f32 v48, v20;
	v48 =	vld [tilespmem:$0x1FF10]  }
0x2de: {  	v19 =	vmul.f32 v19, v19;
	vm15 =	vgt.f32 v13, v0;
	v24 =	vsel vm8, v50, v24;
	v50 =	vld [tilespmem:$0x1FDB0]  }
0x2df: {  	v0 =	vsel vm15, v13, v0;
	v1 =	vadd.f32 v43, v1;
	v25 =	vadd.f32 v55, v25;
	v55 =	vld [tilespmem:$0x1FDC0]  }
0x2e0: {  	vm4 =	vgt.f32 v14, v0;
	v20 =	vmin.f32 v20, v31;
	v31 =	vld [tilespmem:$0x390]  }
0x2e1: {  	v24 =	vsel vm9, v53, v24;
	v1 =	vadd.f32 v19, v1;
	v46 =	vmul.f32 v33, v33;
	v33 =	vld [tilespmem:$0x3A0]  }
0x2e2: {  	v0 =	vsel vm4, v14, v0;
	v47 =	vmul.f32 v42, v42;
	v24 =	vsel vm10, v44, v24;
	v44 =	vld [tilespmem:$0x7B0]  }
0x2e3: {  	vm1 =	vgt.f32 v15, v0;
	v19 =	vmin.f32 v1, v27;
	v27 =	vld [tilespmem:$0xF70]  }
0x2e4: {  	v22 =	vmin.f32 v25, v22;
	v1 =	vmul.f32 v41, v41;
	v25 =	vadd.f32 v47, v46;
	v47 =	vld [tilespmem:$0x1FDD0]  }
0x2e5: {  	v0 =	vsel vm1, v15, v0;
	v24 =	vsel vm11, v48, v24;
	v48 =	vld [tilespmem:$0x3C0]  }
0x2e6: {  	vm2 =	vgt.f32 v16, v0;
	v1 =	vadd.f32 v49, v1;
	v49 =	vld [tilespmem:$0xB90]  }
0x2e7: {  	v26 =	vmul.f32 v26, v26;
	v0 =	vsel vm2, v16, v0;
	v41 =	vsel vm12, v50, v24;
	v50 =	vld [tilespmem:$0x7C0]  }
0x2e8: {  	v52 =	vmul.f32 v40, v40;
	v40 =	vsel vm13, v55, v41;
	v55 =	vmul.f32 v35, v35;
	v35 =	vld [tilespmem:$0x7E0]  }
0x2e9: {  	vm3 =	vgt.f32 v17, v0;
	v41 =	vld [tilespmem:$0xFF0];
	v1 =	vadd.f32 v51, v1  }
0x2ea: {  	v0 =	vsel vm3, v17, v0;
	v43 =	vmul.f32 v39, v39;
	v51 =	vadd.f32 v26, v25;
	v26 =	vld [tilespmem:$0xBA0]  }
0x2eb: {  	vm5 =	vgt.f32 v18, v0;
	v21 =	vmin.f32 v1, v34;
	v1 =	vmul.f32 v38, v38;
	v38 =	vld [tilespmem:$0xF80]  }
0x2ec: {  	v53 =	vmul.f32 v32, v32;
	v54 =	vmul.f32 v54, v54;
	v0 =	vsel vm5, v18, v0;
	v34 =	vld [tilespmem:$0xF90]  }
0x2ed: {  	vm6 =	vgt.f32 v19, v0;
	v24 =	vmin.f32 v51, v29;
	v51 =	vld [tilespmem:$0xBC0]  }
0x2ee: {  	v0 =	vsel vm6, v19, v0;
	v29 =	vadd.f32 v54, v53;
	v53 =	vld [tilespmem:$0x3D0];
	v1 =	vadd.f32 v43, v1  }
0x2ef: {  	v28 =	vmul.f32 v28, v28;
	v46 =	vmul.f32 v36, v36;
	vm7 =	vgt.f32 v20, v0;
	v54 =	vld [tilespmem:$0x7D0]  }
0x2f0: {  	v33 =	vmul.f32 v33, v33;
	v36 =	vsel vm14, v47, v40;
	v40 =	vld [tilespmem:$0xFC0];
	v1 =	vadd.f32 v45, v1  }
0x2f1: {  	v0 =	vsel vm7, v20, v0;
	v44 =	vmul.f32 v44, v44;
	v45 =	vmul.f32 v37, v37;
	v37 =	vld [tilespmem:$0xBB0]  }
0x2f2: {  	vm8 =	vgt.f32 v21, v0;
	v23 =	vmin.f32 v1, v23;
	v1 =	vmul.f32 v30, v30;
	v30 =	vld [tilespmem:$0x7A0]  }
0x2f3: {  	v48 =	vmul.f32 v48, v48;
	v0 =	vsel vm8, v21, v0;
	v43 =	vmul.f32 v51, v51;
	v51 =	vld [tilespmem:$0x1FF30]  }
0x2f4: {  	vm9 =	vgt.f32 v22, v0;
	v29 =	vadd.f32 v45, v29;
	v45 =	vld [tilespmem:$0x1FF20];
	v1 =	vadd.f32 v28, v1  }
0x2f5: {  	v49 =	vmul.f32 v49, v49;
	v35 =	vmul.f32 v35, v35;
	v0 =	vsel vm9, v22, v0;
	v28 =	vld [tilespmem:$0xFA0]  }
0x2f6: {  	v26 =	vmul.f32 v26, v26;
	vm10 =	vgt.f32 v23, v0;
	v1 =	vadd.f32 v52, v1;
	v52 =	vld [tilespmem:$0x1FDE0]  }
0x2f7: {  	v0 =	vsel vm10, v23, v0;
	v47 =	vmul.f32 v37, v37;
	v37 =	vld [tilespmem:$0xFD0];
	v30 =	vmul.f32 v30, v30  }
0x2f8: {  	vm0 =	vgt.f32 v24, v0;
	v25 =	vmin.f32 v1, v27;
	v1 =	vmul.f32 v31, v31;
	v31 =	vld [tilespmem:$0xFB0]  }
0x2f9: {  	v0 =	vsel vm0, v24, v0;
	v30 =	vadd.f32 v30, v33;
	v33 =	vmul.f32 v54, v54;
	v54 =	vld [tilespmem:$0x1FF40]  }
0x2fa: {  	v29 =	vmin.f32 v29, v38;
	vm11 =	vgt.f32 v25, v0;
	v1 =	vadd.f32 v46, v1;
	v46 =	vld [tilespmem:$0xBD0]  }
0x2fb: {  	v0 =	vsel vm11, v25, v0;
	v36 =	vsel vm15, v52, v36;
	v26 =	vadd.f32 v26, v30;
	v52 =	vld [tilespmem:$0xBF0]  }
0x2fc: {  	v1 =	vadd.f32 v49, v1;
	v36 =	vsel vm4, v45, v36;
	v49 =	vmul.f32 v50, v50;
	v45 =	vld [tilespmem:$0x1FDF0]  }
0x2fd: {  	v27 =	vmul.f32 v53, v53;
	vm4 =	vgt.f32 v29, v0;
	v50 =	vld [tilespmem:$0x3E0];
	v26 =	vmin.f32 v26, v28  }
0x2fe: {  	v1 =	vmin.f32 v1, v34;
	v34 =	vadd.f32 v44, v55;
	v28 =	vadd.f32 v49, v48;
	v48 =	vld [tilespmem:$0x1FE00]  }
0x2ff: {  	v27 =	vadd.f32 v33, v27;
	v0 =	vsel vm4, v29, v0;
	v44 =	vld [tilespmem:$0xBE0];
	v30 =	vmul.f32 v46, v46  }
0x300: {  	v46 =	vld [tilespmem:$0x3F0];
	v34 =	vadd.f32 v47, v34;
	v28 =	vadd.f32 v43, v28;
	v42 =	vmul.f32 v52, v52  }
0x301: {  	v47 =	vld [tilespmem:$0x7F0];
	v36 =	vsel vm1, v45, v36;
	vm1 =	vgt.f32 v1, v0;
	v27 =	vadd.f32 v30, v27  }
0x302: {  	v55 =	vld [tilespmem:$0xFE0];
	v50 =	vmul.f32 v50, v50;
	v31 =	vmin.f32 v34, v31;
	v0 =	vsel vm1, v1, v0  }
0x303: {  	v43 =	vld [tilespmem:$0x1FF50];
	v28 =	vmin.f32 v28, v40;
	v30 =	vsel vm2, v48, v36;
	vm2 =	vgt.f32 v26, v0  }
0x304: {  	v45 =	vld [tilespmem:$0x1FF60];
	v27 =	vmin.f32 v27, v37;
	v34 =	vadd.f32 v35, v50;
	v0 =	vsel vm2, v26, v0  }
0x305: {  	v53 =	vmul.f32 v44, v44;
	v44 =	vld [tilespmem:$0x1FF70];
	v30 =	vsel vm3, v51, v30;
	vm3 =	vgt.f32 v31, v0  }
0x306: {  	v33 =	vmul.f32 v46, v46;
	v46 =	vld [tilespmem:$0x1FF80];
	v32 =	vmul.f32 v47, v47;
	v0 =	vsel vm3, v31, v0  }
0x307: {  	v49 =	vld [tilespmem:$0x1FF90];
	v30 =	vsel vm5, v54, v30;
	v34 =	vadd.f32 v53, v34;
	vm14 =	vgt.f32 v28, v0  }
0x308: {  	v30 =	vsel vm6, v43, v30;
	v32 =	vadd.f32 v32, v33;
	v0 =	vsel vm14, v28, v0  }
0x309: {  	v34 =	vmin.f32 v34, v55;
	v30 =	vsel vm7, v45, v30;
	vm15 =	vgt.f32 v27, v0  }
0x30a: {  	v47 =	vld [tilespmem:$0x1FE10];
	v30 =	vsel vm8, v44, v30;
	v32 =	vadd.f32 v42, v32;
	v0 =	vsel vm15, v27, v0  }
0x30b: {  	v48 =	vld [tilespmem:$0x1FE20];
	v30 =	vsel vm9, v46, v30;
	vm12 =	vgt.f32 v34, v0  }
0x30c: {  	v30 =	vsel vm10, v49, v30;
	v49 =	vld [tilespmem:$0x1FE30];
	v32 =	vmin.f32 v32, v41;
	v0 =	vsel vm12, v34, v0  }
0x30d: {  	v50 =	vld [tilespmem:$0x1FE40];
	vm13 =	vgt.f32 v32, v0  }
0x30e: {  	[tilespmem:$0xE00] =	vst v2;
	v2 =	vld [tilespmem:$0x1FFA0];
	v0 =	vsel vm13, v32, v0  }
0x30f: {  	[tilespmem:$0xE10] =	vst v3;
	v3 =	vld [tilespmem:$0x1FE50];
	v30 =	vsel vm0, v47, v30;
	(xrf0) =	vmax.scan.msk.f32 $0xffff, v0  }
0x310: {  	v52 =	vld [tilespmem:$0x1FFB0];
	v30 =	vsel vm11, v48, v30  }
0x311: {  	v53 =	vld [tilespmem:$0x1FFC0];
	v30 =	vsel vm4, v49, v30  }
0x312: {  	v54 =	vld [tilespmem:$0x1FFD0];
	v30 =	vsel vm1, v50, v30  }
0x313: {  	v55 =	vld [tilespmem:$0x1FFE0];
	v2 =	vsel vm2, v2, v30  }
0x314: {  	[tilespmem:$0xE20] =	vst v4;
	v2 =	vsel vm3, v3, v2  }
0x315: {  	[tilespmem:$0xE30] =	vst v5;
	v2 =	vsel vm14, v52, v2;
	v3, _, _ =	vpop (xrf0)  }
0x316: {  	[tilespmem:$0xE40] =	vst v6;
	v2 =	vsel vm15, v53, v2;
	v3 =	vbroadcast v3, $0xF  }
0x317: {  	[tilespmem:$0xE50] =	vst v7;
	v2 =	vsel vm12, v54, v2  }
0x318: {  	[tilespmem:$0xE80] =	vst v10;
	v2 =	vsel vm13, v55, v2;
	vm14 =	veq.f32 v0, v3  }
0x319: {  	[tilespmem:$0xE70] =	vst v9;
	v0 =	vnsel vm14, $0x4E6E6B28, v2  }
0x31a: {  	[tilespmem:$0xE60] =	vst v8;
	(xrf0) =	vmin.scan.msk.f32 $0xffff, v0  }
0x31b: {  	[tilespmem:$0xE90] =	vst v11  }
0x31c: {  	[tilespmem:$0xEA0] =	vst v12  }
0x31d: {  	[tilespmem:$0xEB0] =	vst v13  }
0x31e: {  	[tilespmem:$0xEC0] =	vst v14  }
0x31f: {  	[tilespmem:$0xED0] =	vst v15  }
0x320: {  	[tilespmem:$0xEE0] =	vst v16;
	v0, _, _ =	vpop (xrf0)  }
0x321: {  	[tilespmem:$0xEF0] =	vst v17;
	(v2sf) =	vpush v0, $0xF  }
0x322: {  	[tilespmem:$0xF00] =	vst v18  }
0x323: {  	[tilespmem:$0xF20] =	vst v20  }
0x324: {  	[tilespmem:$0xF40] =	vst v22  }
0x325: {  	[tilespmem:$0xF10] =	vst v19  }
0x326: {  	[tilespmem:$0xF30] =	vst v21  }
0x327: {  	[tilespmem:$0xF60] =	vst v24  }
0x328: {  	[tilespmem:$0xF50] =	vst v23  }
0x329: {  	[tilespmem:$0xF80] =	vst v29  }
0x32a: {  	[tilespmem:$0xF70] =	vst v25  }
0x32b: {  	[tilespmem:$0xFA0] =	vst v26;
	v3 =	vlaneseq.u32;
	v0 =	vmov s18  }
0x32c: {  	p0 =	sne.s32 s18, $0xF;
	[tilespmem:$0xF90] =	vst v1;
	vm15 =	veq.s32 v0, v3;
	v0 =	vld [tilespmem:$0x1FC60]  }
.Ltmp1:
0x32d: {  	[tilespmem:$0xFB0] =	vst v31;
	(pc) =	sbr.rel @p0 .LBB2_4-.Ltmp1, $4  }
0x32e: {  	[tilespmem:$0xFC0] =	vst v28  }
0x32f: {  	[tilespmem:$0xFD0] =	vst v27  }
0x330: {  	[tilespmem:$0xFE0] =	vst v34;
	s31 =	spop (v2sf)  }
0x331: {  	[tilespmem:$0xFF0] =	vst v32;
	s18 =	sadd.s32 $0x1, s18;
	v0 =	vsel vm15, s17, v0;
	s17 =	scvt.f32.s32 s31  }
0x332: {  	s18 =	sshll.u32 s16, $0x4;
	s16 =	sadd.s32 $0x1, s16  }
0x333: {  	p0 =	sne.s32 s16, $0x10  }
.Ltmp2:
0x334: {  	_ = 	snop;
	(pc) =	sbr.rel @p0 .LBB2_3-.Ltmp2, $3  }
0x335: {  	_ =	sdelay $0x1  }
0x336: {  	s18 =	sand.u32 $0x3FFFFFF0, s18  }
0x337: {  	[tilespmem:s18+$0x1000] =	vst v0  }
0x338: {  	s15 =	sadd.s32 $0x1, s15  }
0x339: {  	p0 =	sne.s32 s15, s6  }
.Ltmp3:
0x33a: {  	_ = 	snop;
	(pc) =	sbr.rel @p0 .LBB2_2-.Ltmp3, $4  }
0x33b: {  	[hbm4b:s5+s4] =	stream.linear.scatter [tilespmem:s14], [sflag:$0x3], $0x100, $0x38;
	[tilespmem:$0x1110] =	vst v63  }
0x33c: {  	_ =	swait.ge [sflag:s8], $0x100  }
0x33d: {  	[sflag:s8] =	ssyncset.done $0x0  }
0x33e: {  	[sflag:s8] =	ssyncadd.s32 $0xFFFFFF00  }
.LBB2_7:
0x33f: {  	_ =	sfence.sel $0x180000  }
0x340: {  	[bflag:$0x0] =	sbarrier.arrive $0xFFFF  }
0x341: {  	p0 =	sne.s32 s2, $0x0;
	_ =	strace $0x90000047  }
0x342: {  	s0 =	sadd.s32 @!p0 $0x100000, s0;
	[bflag:$0x2] =	sbarrier.arrive $0xFFFF  }
0x343: {  	[sflag:s0] =	ssyncadd.tile.s32 @!p0 $0x1;
	_ =	shalt  }
.Lfunc_end2:
_tile_overlayer_lowered:
.L_overlay_start_2:
0x344: {  	(tag) =	ssettag $0x2  }
0x345: {  	s0 =	rddreg [dreg:$0x0];
	s2 =	stileid.u32  }
0x346: {  	s1 =	rddreg [dreg:$0x1];
	p0 =	sne.s32 s2, $0x0  }
0x347: {  	s3 =	rddreg [dreg:$0x2];
	[bflag:$0x3] =	sbarrier.arrive $0xFFFF;
	s2 =	simm.s32 @!p0 $0x1C03  }
0x348: {  	[timem:s3], [sflag:s2] =	dma.local @!p0 [hbm:s0], s1  }
0x349: {  	s0 =	simm.s32 @!p0 $0x3  }
0x34a: {  	_ =	swait.ge @!p0 [sflag:s0], s1  }
0x34b: {  	s1 =	ssub.s32 @!p0 $0x0, s1;
	[sflag:s0] =	ssyncset.done @!p0 $0x0  }
0x34c: {  	[sflag:s0] =	ssyncadd.s32 @!p0 s1  }
0x34d: {  	[bflag:$0x3] =	sbarrier.arrive $0xFFFF  }
0x34e: {  	_ =	shalt  }

</sc_bundles>
